<compile_context>
chip_gen: v7x
topology: tpu7x:2x2x1
jax: 0.10.2.dev20260603
libtpu: 0.0.44.dev20260713+nightly
codegen_flags: <defaults>
</compile_context>

<pallas_src>
import functools

import jax
import jax.numpy as jnp
from jax import lax
from jax.experimental import pallas as pl
from jax.experimental.pallas import tpu as pltpu
from jax.experimental.pallas import tpu_sc as plsc

B = 16384
D = 64
NC = 2
NS = 16
L = 16
NW = NC * NS
BPW = B // NW
NGROUP = BPW // L


def _rsqrt(x):
    i = plsc.bitcast(x, jnp.int32)
    i = jnp.int32(0x5F3759DF) - (i >> 1)
    y = plsc.bitcast(i, jnp.float32)
    for _ in range(3):
        y = y * (jnp.float32(1.5) - jnp.float32(0.5) * x * y * y)
    return y


_mesh = plsc.VectorSubcoreMesh(core_axis_name="c", subcore_axis_name="s")


@functools.partial(
    pl.kernel,
    mesh=_mesh,
    out_type=jax.ShapeDtypeStruct((B,), jnp.float32),
    scratch_types=[
        pltpu.VMEM((BPW,), jnp.int32),
        pltpu.VMEM((BPW,), jnp.int32),
        pltpu.VMEM((BPW,), jnp.int32),
        pltpu.VMEM((BPW,), jnp.int32),
        pltpu.VMEM((L, 8, D), jnp.float32),
        pltpu.VMEM((L, 8, D), jnp.float32),
        pltpu.VMEM((L, 8, D), jnp.float32),
        pltpu.VMEM((L, 8, D), jnp.float32),
        pltpu.VMEM((BPW,), jnp.float32),
        pltpu.SemaphoreType.DMA,
        pltpu.SemaphoreType.DMA,
        pltpu.SemaphoreType.DMA,
        pltpu.SemaphoreType.DMA,
    ],
    compiler_params=pltpu.CompilerParams(needs_layout_passes=False),
)
def _sc_kernel(
    users, items, utab, itab, out,
    uidx, iidx, ublk, iblk, ub0, ub1, vb0, vb1, outv, us0, us1, vs0, vs1,
):
    wid = lax.axis_index("s") * NC + lax.axis_index("c")
    base = wid * BPW

    pltpu.sync_copy(users.at[pl.ds(base, BPW)], uidx)
    pltpu.sync_copy(items.at[pl.ds(base, BPW)], iidx)

    def split_body(jv, carry):
        sl = pl.ds(jv * L, L)
        ublk[sl] = uidx[sl] >> 3
        iblk[sl] = iidx[sl] >> 3
        return carry

    lax.fori_loop(0, BPW // L, split_body, 0)

    lane = lax.iota(jnp.int32, L)

    def fire(gi, ub, vb, us, vs):
        uvec = ublk[pl.ds(gi * L, L)]
        ivec = iblk[pl.ds(gi * L, L)]
        for b in range(L):
            pltpu.async_copy(utab.at[pl.ds(uvec[b], 1)], ub.at[pl.ds(b, 1)], us)
            pltpu.async_copy(itab.at[pl.ds(ivec[b], 1)], vb.at[pl.ds(b, 1)], vs)

    def drain(ub, vb, us, vs):
        pltpu.make_async_copy(utab.at[pl.ds(0, L)], ub, us).wait()
        pltpu.make_async_copy(itab.at[pl.ds(0, L)], vb, vs).wait()

    def compute(gi, ub, vb):
        urow = uidx[pl.ds(gi * L, L)] & 7
        vrow = iidx[pl.ds(gi * L, L)] & 7
        dot = jnp.zeros((L,), jnp.float32)
        uu = jnp.zeros((L,), jnp.float32)
        vv = jnp.zeros((L,), jnp.float32)
        for c in range(D):
            cols = (lane + c) & (D - 1)
            u = plsc.load_gather(ub, [lane, urow, cols])
            v = plsc.load_gather(vb, [lane, vrow, cols])
            dot = dot + u * v
            uu = uu + u * u
            vv = vv + v * v
        denom2 = jnp.maximum(uu, jnp.float32(1e-16)) * jnp.maximum(
            vv, jnp.float32(1e-16)
        )
        cos = dot * _rsqrt(denom2)
        outv[pl.ds(gi * L, L)] = cos * jnp.float32(2.25) + jnp.float32(2.75)

    fire(0, ub0, vb0, us0, vs0)

    def pair_body(go, carry):
        g0 = go * 2
        g1 = g0 + 1
        fire(g1, ub1, vb1, us1, vs1)
        drain(ub0, vb0, us0, vs0)
        compute(g0, ub0, vb0)

        @pl.when(g0 + 2 < NGROUP)
        def _():
            fire(g0 + 2, ub0, vb0, us0, vs0)

        drain(ub1, vb1, us1, vs1)
        compute(g1, ub1, vb1)
        return carry

    lax.fori_loop(0, NGROUP // 2, pair_body, 0)

    pltpu.sync_copy(outv, out.at[pl.ds(base, BPW)])


def kernel(users, items, user_table, item_table):
    nut = user_table.shape[0] // 8
    nit = item_table.shape[0] // 8
    return _sc_kernel(
        users.astype(jnp.int32),
        items.astype(jnp.int32),
        user_table.reshape(nut, 8, D),
        item_table.reshape(nit, 8, D),
    )

# --- scband reference (transcript-rebuilt; emitter-appended) ---
"""Pipeline reference for scband-matrix-factorization-11201274708682 (READ-ONLY COPY).

The authoritative reference and input builder live on the scoring server;
editing this copy changes nothing except your own understanding.
"""

import jax, jax.numpy as jnp
import numpy as np

NUM_USERS = 1000000
NUM_ITEMS = 100000
NUM_FACTORS = 64
BATCH = 16384


def setup_inputs(seed: int = 0) -> dict:
    key = jax.random.key(seed)
    k1, k2, k3, k4 = jax.random.split(key, 4)
    users = jax.random.randint(k1, (BATCH,), 0, NUM_USERS, dtype=jnp.int64 if jax.config.jax_enable_x64 else jnp.int32)
    items = jax.random.randint(k2, (BATCH,), 0, NUM_ITEMS, dtype=jnp.int64 if jax.config.jax_enable_x64 else jnp.int32)
    user_table = jax.random.uniform(k3, (NUM_USERS, NUM_FACTORS), minval=-0.25, maxval=0.25, dtype=jnp.float32)
    item_table = jax.random.uniform(k4, (NUM_ITEMS, NUM_FACTORS), minval=-0.25, maxval=0.25, dtype=jnp.float32)
    return {"users": users, "items": items, "user_table": user_table, "item_table": item_table}


def _renorm(rows, max_norm=1.0):
    # PyTorch Embedding(max_norm=1): rows with L2 norm > max_norm are rescaled to max_norm at lookup time.
    n = jnp.linalg.norm(rows, axis=-1, keepdims=True)
    scale = jnp.where(n > max_norm, max_norm / (n + 1e-7), jnp.ones_like(n))
    return rows * scale


def reference(users, items, user_table, item_table):
    u = _renorm(jnp.take(user_table, users, axis=0))
    v = _renorm(jnp.take(item_table, items, axis=0))
    eps = 1e-8
    un = jnp.maximum(jnp.linalg.norm(u, axis=1), eps)
    vn = jnp.maximum(jnp.linalg.norm(v, axis=1), eps)
    cos = jnp.sum(u * v, axis=1) / (un * vn)
    return cos * 2.25 + 2.75

if __name__ == "__main__":
    import jax
    _d = setup_inputs()
    print(jax.jit(kernel)(*tuple(_d.values())))

</pallas_src>

<mosaic_0001>
#map = affine_map<(d0, d1) -> (0)>
#map1 = affine_map<(d0, d1) -> (0, 0, 0)>
module attributes {stable_mosaic.version = 14 : i64} {
  func.func @_sc_kernel(%arg0: i32, %arg1: i32, %arg2: memref<16384xi32, #tpu.memory_space<hbm>>, %arg3: memref<16384xi32, #tpu.memory_space<hbm>>, %arg4: memref<125000x8x64xf32, #tpu.memory_space<hbm>>, %arg5: memref<12500x8x64xf32, #tpu.memory_space<hbm>>, %arg6: memref<16384xf32, #tpu.memory_space<hbm>>, %arg7: memref<512xi32, #tpu.memory_space<vmem>>, %arg8: memref<512xi32, #tpu.memory_space<vmem>>, %arg9: memref<512xi32, #tpu.memory_space<vmem>>, %arg10: memref<512xi32, #tpu.memory_space<vmem>>, %arg11: memref<16x8x64xf32, #tpu.memory_space<vmem>>, %arg12: memref<16x8x64xf32, #tpu.memory_space<vmem>>, %arg13: memref<16x8x64xf32, #tpu.memory_space<vmem>>, %arg14: memref<16x8x64xf32, #tpu.memory_space<vmem>>, %arg15: memref<512xf32, #tpu.memory_space<vmem>>, %arg16: memref<!tpu.dma_semaphore, #tpu.memory_space<semaphore_mem>>, %arg17: memref<!tpu.dma_semaphore, #tpu.memory_space<semaphore_mem>>, %arg18: memref<!tpu.dma_semaphore, #tpu.memory_space<semaphore_mem>>, %arg19: memref<!tpu.dma_semaphore, #tpu.memory_space<semaphore_mem>>) attributes {dimension_semantics = [#tpu.dimension_semantics<core_parallel>, #tpu.dimension_semantics<subcore_parallel>], iteration_bounds = array<i64: 2, 16>, scalar_prefetch = 0 : i64, scratch_operands = 13 : i64, tpu.core_type = #tpu.core_type<sc_vector_subcore>, window_params = [{transform_indices = #map}, {transform_indices = #map}, {transform_indices = #map1}, {transform_indices = #map1}, {transform_indices = #map}]} {
    %mul3A = arith.constant 2 : i32
    %mul3A_0 = arith.muli %arg1, %mul3A : i32
    %add3A = arith.addi %mul3A_0, %arg0 : i32
    %mul3A_1 = arith.constant 512 : i32
    %mul3A_2 = arith.muli %add3A, %mul3A_1 : i32
    "tpu.region"() ({
      %run_scoped3A = tpu.sem_alloc : memref<!tpu.dma_semaphore, #tpu.memory_space<semaphore_mem>>
      %dma_start3A_526 = tpu.memref_slice %arg2[%mul3A_2] : memref<16384xi32, #tpu.memory_space<hbm>> -> memref<512xi32, #tpu.memory_space<hbm>>
      %dma_start3A_527 = tpu.memref_slice %arg2[%mul3A_2] : memref<16384xi32, #tpu.memory_space<hbm>> -> memref<512xi32, #tpu.memory_space<hbm>>
      tpu.enqueue_dma source(%dma_start3A_527 : memref<512xi32, #tpu.memory_space<hbm>>) target(%arg7 : memref<512xi32, #tpu.memory_space<vmem>>) target_semaphore(%run_scoped3A : memref<!tpu.dma_semaphore, #tpu.memory_space<semaphore_mem>>)
      %dma_wait3A = tpu.memref_slice %arg2[%mul3A_2] : memref<16384xi32, #tpu.memory_space<hbm>> -> memref<512xi32, #tpu.memory_space<hbm>>
      %dma_wait3A_528 = tpu.memref_slice %arg2[%mul3A_2] : memref<16384xi32, #tpu.memory_space<hbm>> -> memref<512xi32, #tpu.memory_space<hbm>>
      tpu.wait_dma2 semaphore(%run_scoped3A : memref<!tpu.dma_semaphore, #tpu.memory_space<semaphore_mem>>) src(%dma_wait3A_528 : memref<512xi32, #tpu.memory_space<hbm>>) dst(%arg7 : memref<512xi32, #tpu.memory_space<vmem>>)
      tpu.yield
    }) : () -> ()
    "tpu.region"() ({
      %run_scoped3A = tpu.sem_alloc : memref<!tpu.dma_semaphore, #tpu.memory_space<semaphore_mem>>
      %dma_start3A_526 = tpu.memref_slice %arg3[%mul3A_2] : memref<16384xi32, #tpu.memory_space<hbm>> -> memref<512xi32, #tpu.memory_space<hbm>>
      %dma_start3A_527 = tpu.memref_slice %arg3[%mul3A_2] : memref<16384xi32, #tpu.memory_space<hbm>> -> memref<512xi32, #tpu.memory_space<hbm>>
      tpu.enqueue_dma source(%dma_start3A_527 : memref<512xi32, #tpu.memory_space<hbm>>) target(%arg8 : memref<512xi32, #tpu.memory_space<vmem>>) target_semaphore(%run_scoped3A : memref<!tpu.dma_semaphore, #tpu.memory_space<semaphore_mem>>)
      %dma_wait3A = tpu.memref_slice %arg3[%mul3A_2] : memref<16384xi32, #tpu.memory_space<hbm>> -> memref<512xi32, #tpu.memory_space<hbm>>
      %dma_wait3A_528 = tpu.memref_slice %arg3[%mul3A_2] : memref<16384xi32, #tpu.memory_space<hbm>> -> memref<512xi32, #tpu.memory_space<hbm>>
      tpu.wait_dma2 semaphore(%run_scoped3A : memref<!tpu.dma_semaphore, #tpu.memory_space<semaphore_mem>>) src(%dma_wait3A_528 : memref<512xi32, #tpu.memory_space<hbm>>) dst(%arg8 : memref<512xi32, #tpu.memory_space<vmem>>)
      tpu.yield
    }) : () -> ()
    %scan3A = arith.constant 0 : i32
    %scan3A_3 = arith.constant 0 : i32
    %scan3A_4 = arith.constant 32 : i32
    %scan3A_5 = arith.addi %scan3A_3, %scan3A_4 : i32
    %scan3A_6 = arith.constant 1 : i32
    scf.for %scan3A_526 = %scan3A_3 to %scan3A_5 step %scan3A_6  : i32 {
      %mul3A_527 = arith.constant 16 : i32
      %mul3A_528 = arith.muli %scan3A_526, %mul3A_527 : i32
      %get3A_529 = arith.index_cast %mul3A_528 : i32 to index
      %get3A_530 = tpu.vector_load %arg7[%get3A_529] {strides = array<i32>} : memref<512xi32, #tpu.memory_space<vmem>>, vector<16xi32>,
      %shift_right_arithmetic3A = arith.constant 3 : i32
      %shift_right_arithmetic3A_531 = vector.broadcast %shift_right_arithmetic3A : i32 to vector<16xi32>
      %shift_right_arithmetic3A_532 = arith.shrsi %get3A_530, %shift_right_arithmetic3A_531 : vector<16xi32>
      %swap3A = arith.index_cast %mul3A_528 : i32 to index
      %swap3A_533 = tpu.vector_load %arg9[%swap3A] {strides = array<i32>} : memref<512xi32, #tpu.memory_space<vmem>>, vector<16xi32>,
      tpu.vector_store %arg9[%swap3A], %shift_right_arithmetic3A_532 {strides = array<i32>} : memref<512xi32, #tpu.memory_space<vmem>>, vector<16xi32>,
      %get3A_534 = arith.index_cast %mul3A_528 : i32 to index
      %get3A_535 = tpu.vector_load %arg8[%get3A_534] {strides = array<i32>} : memref<512xi32, #tpu.memory_space<vmem>>, vector<16xi32>,
      %shift_right_arithmetic3A_536 = arith.constant 3 : i32
      %shift_right_arithmetic3A_537 = vector.broadcast %shift_right_arithmetic3A_536 : i32 to vector<16xi32>
      %shift_right_arithmetic3A_538 = arith.shrsi %get3A_535, %shift_right_arithmetic3A_537 : vector<16xi32>
      %swap3A_539 = arith.index_cast %mul3A_528 : i32 to index
      %swap3A_540 = tpu.vector_load %arg10[%swap3A_539] {strides = array<i32>} : memref<512xi32, #tpu.memory_space<vmem>>, vector<16xi32>,
      tpu.vector_store %arg10[%swap3A_539], %shift_right_arithmetic3A_538 {strides = array<i32>} : memref<512xi32, #tpu.memory_space<vmem>>, vector<16xi32>,
    }
    %scan3A_7 = arith.constant 32 : i32
    %iota3A = tpu.iota {dimensions = array<i32: 0>} : vector<16xi32>
    %get3A = arith.constant 0 : index
    %get3A_8 = tpu.vector_load %arg9[%get3A] {strides = array<i32>} : memref<512xi32, #tpu.memory_space<vmem>>, vector<16xi32>,
    %get3A_9 = arith.constant 0 : index
    %get3A_10 = tpu.vector_load %arg10[%get3A_9] {strides = array<i32>} : memref<512xi32, #tpu.memory_space<vmem>>, vector<16xi32>,
    %slice3A = vector.extract_strided_slice %get3A_8 {offsets = [0], sizes = [1], strides = [1]} : vector<16xi32> to vector<1xi32>
    %squeeze3A = vector.extract %slice3A[0] : i32 from vector<1xi32>
    %dma_start3A = arith.constant 0 : i32
    %dma_start3A_11 = arith.constant 0 : i32
    %dma_start3A_12 = arith.constant 0 : i32
    %dma_start3A_13 = tpu.memref_slice %arg11[%dma_start3A, %dma_start3A_11, %dma_start3A_12] : memref<16x8x64xf32, #tpu.memory_space<vmem>> -> memref<1x8x64xf32, #tpu.memory_space<vmem>>
    %dma_start3A_14 = arith.constant 0 : i32
    %dma_start3A_15 = arith.constant 0 : i32
    %dma_start3A_16 = tpu.memref_slice %arg4[%squeeze3A, %dma_start3A_14, %dma_start3A_15] : memref<125000x8x64xf32, #tpu.memory_space<hbm>> -> memref<1x8x64xf32, #tpu.memory_space<hbm>>
    %dma_start3A_17 = arith.constant 0 : i32
    %dma_start3A_18 = arith.constant 0 : i32
    %dma_start3A_19 = arith.constant 0 : i32
    %dma_start3A_20 = tpu.memref_slice %arg11[%dma_start3A_17, %dma_start3A_18, %dma_start3A_19] : memref<16x8x64xf32, #tpu.memory_space<vmem>> -> memref<1x8x64xf32, #tpu.memory_space<vmem>>
    %dma_start3A_21 = arith.constant 0 : i32
    %dma_start3A_22 = arith.constant 0 : i32
    %dma_start3A_23 = tpu.memref_slice %arg4[%squeeze3A, %dma_start3A_21, %dma_start3A_22] : memref<125000x8x64xf32, #tpu.memory_space<hbm>> -> memref<1x8x64xf32, #tpu.memory_space<hbm>>
    tpu.enqueue_dma source(%dma_start3A_23 : memref<1x8x64xf32, #tpu.memory_space<hbm>>) target(%dma_start3A_20 : memref<1x8x64xf32, #tpu.memory_space<vmem>>) target_semaphore(%arg16 : memref<!tpu.dma_semaphore, #tpu.memory_space<semaphore_mem>>)
    %slice3A_24 = vector.extract_strided_slice %get3A_10 {offsets = [0], sizes = [1], strides = [1]} : vector<16xi32> to vector<1xi32>
    %squeeze3A_25 = vector.extract %slice3A_24[0] : i32 from vector<1xi32>
    %dma_start3A_26 = arith.constant 0 : i32
    %dma_start3A_27 = arith.constant 0 : i32
    %dma_start3A_28 = arith.constant 0 : i32
    %dma_start3A_29 = tpu.memref_slice %arg13[%dma_start3A_26, %dma_start3A_27, %dma_start3A_28] : memref<16x8x64xf32, #tpu.memory_space<vmem>> -> memref<1x8x64xf32, #tpu.memory_space<vmem>>
    %dma_start3A_30 = arith.constant 0 : i32
    %dma_start3A_31 = arith.constant 0 : i32
    %dma_start3A_32 = tpu.memref_slice %arg5[%squeeze3A_25, %dma_start3A_30, %dma_start3A_31] : memref<12500x8x64xf32, #tpu.memory_space<hbm>> -> memref<1x8x64xf32, #tpu.memory_space<hbm>>
    %dma_start3A_33 = arith.constant 0 : i32
    %dma_start3A_34 = arith.constant 0 : i32
    %dma_start3A_35 = arith.constant 0 : i32
    %dma_start3A_36 = tpu.memref_slice %arg13[%dma_start3A_33, %dma_start3A_34, %dma_start3A_35] : memref<16x8x64xf32, #tpu.memory_space<vmem>> -> memref<1x8x64xf32, #tpu.memory_space<vmem>>
    %dma_start3A_37 = arith.constant 0 : i32
    %dma_start3A_38 = arith.constant 0 : i32
    %dma_start3A_39 = tpu.memref_slice %arg5[%squeeze3A_25, %dma_start3A_37, %dma_start3A_38] : memref<12500x8x64xf32, #tpu.memory_space<hbm>> -> memref<1x8x64xf32, #tpu.memory_space<hbm>>
    tpu.enqueue_dma source(%dma_start3A_39 : memref<1x8x64xf32, #tpu.memory_space<hbm>>) target(%dma_start3A_36 : memref<1x8x64xf32, #tpu.memory_space<vmem>>) target_semaphore(%arg18 : memref<!tpu.dma_semaphore, #tpu.memory_space<semaphore_mem>>)
    %slice3A_40 = vector.extract_strided_slice %get3A_8 {offsets = [1], sizes = [1], strides = [1]} : vector<16xi32> to vector<1xi32>
    %squeeze3A_41 = vector.extract %slice3A_40[0] : i32 from vector<1xi32>
    %dma_start3A_42 = arith.constant 1 : i32
    %dma_start3A_43 = arith.constant 0 : i32
    %dma_start3A_44 = arith.constant 0 : i32
    %dma_start3A_45 = tpu.memref_slice %arg11[%dma_start3A_42, %dma_start3A_43, %dma_start3A_44] : memref<16x8x64xf32, #tpu.memory_space<vmem>> -> memref<1x8x64xf32, #tpu.memory_space<vmem>>
    %dma_start3A_46 = arith.constant 0 : i32
    %dma_start3A_47 = arith.constant 0 : i32
    %dma_start3A_48 = tpu.memref_slice %arg4[%squeeze3A_41, %dma_start3A_46, %dma_start3A_47] : memref<125000x8x64xf32, #tpu.memory_space<hbm>> -> memref<1x8x64xf32, #tpu.memory_space<hbm>>
    %dma_start3A_49 = arith.constant 1 : i32
    %dma_start3A_50 = arith.constant 0 : i32
    %dma_start3A_51 = arith.constant 0 : i32
    %dma_start3A_52 = tpu.memref_slice %arg11[%dma_start3A_49, %dma_start3A_50, %dma_start3A_51] : memref<16x8x64xf32, #tpu.memory_space<vmem>> -> memref<1x8x64xf32, #tpu.memory_space<vmem>>
    %dma_start3A_53 = arith.constant 0 : i32
    %dma_start3A_54 = arith.constant 0 : i32
    %dma_start3A_55 = tpu.memref_slice %arg4[%squeeze3A_41, %dma_start3A_53, %dma_start3A_54] : memref<125000x8x64xf32, #tpu.memory_space<hbm>> -> memref<1x8x64xf32, #tpu.memory_space<hbm>>
    tpu.enqueue_dma source(%dma_start3A_55 : memref<1x8x64xf32, #tpu.memory_space<hbm>>) target(%dma_start3A_52 : memref<1x8x64xf32, #tpu.memory_space<vmem>>) target_semaphore(%arg16 : memref<!tpu.dma_semaphore, #tpu.memory_space<semaphore_mem>>)
    %slice3A_56 = vector.extract_strided_slice %get3A_10 {offsets = [1], sizes = [1], strides = [1]} : vector<16xi32> to vector<1xi32>
    %squeeze3A_57 = vector.extract %slice3A_56[0] : i32 from vector<1xi32>
    %dma_start3A_58 = arith.constant 1 : i32
    %dma_start3A_59 = arith.constant 0 : i32
    %dma_start3A_60 = arith.constant 0 : i32
    %dma_start3A_61 = tpu.memref_slice %arg13[%dma_start3A_58, %dma_start3A_59, %dma_start3A_60] : memref<16x8x64xf32, #tpu.memory_space<vmem>> -> memref<1x8x64xf32, #tpu.memory_space<vmem>>
    %dma_start3A_62 = arith.constant 0 : i32
    %dma_start3A_63 = arith.constant 0 : i32
    %dma_start3A_64 = tpu.memref_slice %arg5[%squeeze3A_57, %dma_start3A_62, %dma_start3A_63] : memref<12500x8x64xf32, #tpu.memory_space<hbm>> -> memref<1x8x64xf32, #tpu.memory_space<hbm>>
    %dma_start3A_65 = arith.constant 1 : i32
    %dma_start3A_66 = arith.constant 0 : i32
    %dma_start3A_67 = arith.constant 0 : i32
    %dma_start3A_68 = tpu.memref_slice %arg13[%dma_start3A_65, %dma_start3A_66, %dma_start3A_67] : memref<16x8x64xf32, #tpu.memory_space<vmem>> -> memref<1x8x64xf32, #tpu.memory_space<vmem>>
    %dma_start3A_69 = arith.constant 0 : i32
    %dma_start3A_70 = arith.constant 0 : i32
    %dma_start3A_71 = tpu.memref_slice %arg5[%squeeze3A_57, %dma_start3A_69, %dma_start3A_70] : memref<12500x8x64xf32, #tpu.memory_space<hbm>> -> memref<1x8x64xf32, #tpu.memory_space<hbm>>
    tpu.enqueue_dma source(%dma_start3A_71 : memref<1x8x64xf32, #tpu.memory_space<hbm>>) target(%dma_start3A_68 : memref<1x8x64xf32, #tpu.memory_space<vmem>>) target_semaphore(%arg18 : memref<!tpu.dma_semaphore, #tpu.memory_space<semaphore_mem>>)
    %slice3A_72 = vector.extract_strided_slice %get3A_8 {offsets = [2], sizes = [1], strides = [1]} : vector<16xi32> to vector<1xi32>
    %squeeze3A_73 = vector.extract %slice3A_72[0] : i32 from vector<1xi32>
    %dma_start3A_74 = arith.constant 2 : i32
    %dma_start3A_75 = arith.constant 0 : i32
    %dma_start3A_76 = arith.constant 0 : i32
    %dma_start3A_77 = tpu.memref_slice %arg11[%dma_start3A_74, %dma_start3A_75, %dma_start3A_76] : memref<16x8x64xf32, #tpu.memory_space<vmem>> -> memref<1x8x64xf32, #tpu.memory_space<vmem>>
    %dma_start3A_78 = arith.constant 0 : i32
    %dma_start3A_79 = arith.constant 0 : i32
    %dma_start3A_80 = tpu.memref_slice %arg4[%squeeze3A_73, %dma_start3A_78, %dma_start3A_79] : memref<125000x8x64xf32, #tpu.memory_space<hbm>> -> memref<1x8x64xf32, #tpu.memory_space<hbm>>
    %dma_start3A_81 = arith.constant 2 : i32
    %dma_start3A_82 = arith.constant 0 : i32
    %dma_start3A_83 = arith.constant 0 : i32
    %dma_start3A_84 = tpu.memref_slice %arg11[%dma_start3A_81, %dma_start3A_82, %dma_start3A_83] : memref<16x8x64xf32, #tpu.memory_space<vmem>> -> memref<1x8x64xf32, #tpu.memory_space<vmem>>
    %dma_start3A_85 = arith.constant 0 : i32
    %dma_start3A_86 = arith.constant 0 : i32
    %dma_start3A_87 = tpu.memref_slice %arg4[%squeeze3A_73, %dma_start3A_85, %dma_start3A_86] : memref<125000x8x64xf32, #tpu.memory_space<hbm>> -> memref<1x8x64xf32, #tpu.memory_space<hbm>>
    tpu.enqueue_dma source(%dma_start3A_87 : memref<1x8x64xf32, #tpu.memory_space<hbm>>) target(%dma_start3A_84 : memref<1x8x64xf32, #tpu.memory_space<vmem>>) target_semaphore(%arg16 : memref<!tpu.dma_semaphore, #tpu.memory_space<semaphore_mem>>)
    %slice3A_88 = vector.extract_strided_slice %get3A_10 {offsets = [2], sizes = [1], strides = [1]} : vector<16xi32> to vector<1xi32>
    %squeeze3A_89 = vector.extract %slice3A_88[0] : i32 from vector<1xi32>
    %dma_start3A_90 = arith.constant 2 : i32
    %dma_start3A_91 = arith.constant 0 : i32
    %dma_start3A_92 = arith.constant 0 : i32
    %dma_start3A_93 = tpu.memref_slice %arg13[%dma_start3A_90, %dma_start3A_91, %dma_start3A_92] : memref<16x8x64xf32, #tpu.memory_space<vmem>> -> memref<1x8x64xf32, #tpu.memory_space<vmem>>
    %dma_start3A_94 = arith.constant 0 : i32
    %dma_start3A_95 = arith.constant 0 : i32
    %dma_start3A_96 = tpu.memref_slice %arg5[%squeeze3A_89, %dma_start3A_94, %dma_start3A_95] : memref<12500x8x64xf32, #tpu.memory_space<hbm>> -> memref<1x8x64xf32, #tpu.memory_space<hbm>>
    %dma_start3A_97 = arith.constant 2 : i32
    %dma_start3A_98 = arith.constant 0 : i32
    %dma_start3A_99 = arith.constant 0 : i32
    %dma_start3A_100 = tpu.memref_slice %arg13[%dma_start3A_97, %dma_start3A_98, %dma_start3A_99] : memref<16x8x64xf32, #tpu.memory_space<vmem>> -> memref<1x8x64xf32, #tpu.memory_space<vmem>>
    %dma_start3A_101 = arith.constant 0 : i32
    %dma_start3A_102 = arith.constant 0 : i32
    %dma_start3A_103 = tpu.memref_slice %arg5[%squeeze3A_89, %dma_start3A_101, %dma_start3A_102] : memref<12500x8x64xf32, #tpu.memory_space<hbm>> -> memref<1x8x64xf32, #tpu.memory_space<hbm>>
    tpu.enqueue_dma source(%dma_start3A_103 : memref<1x8x64xf32, #tpu.memory_space<hbm>>) target(%dma_start3A_100 : memref<1x8x64xf32, #tpu.memory_space<vmem>>) target_semaphore(%arg18 : memref<!tpu.dma_semaphore, #tpu.memory_space<semaphore_mem>>)
    %slice3A_104 = vector.extract_strided_slice %get3A_8 {offsets = [3], sizes = [1], strides = [1]} : vector<16xi32> to vector<1xi32>
    %squeeze3A_105 = vector.extract %slice3A_104[0] : i32 from vector<1xi32>
    %dma_start3A_106 = arith.constant 3 : i32
    %dma_start3A_107 = arith.constant 0 : i32
    %dma_start3A_108 = arith.constant 0 : i32
    %dma_start3A_109 = tpu.memref_slice %arg11[%dma_start3A_106, %dma_start3A_107, %dma_start3A_108] : memref<16x8x64xf32, #tpu.memory_space<vmem>> -> memref<1x8x64xf32, #tpu.memory_space<vmem>>
    %dma_start3A_110 = arith.constant 0 : i32
    %dma_start3A_111 = arith.constant 0 : i32
    %dma_start3A_112 = tpu.memref_slice %arg4[%squeeze3A_105, %dma_start3A_110, %dma_start3A_111] : memref<125000x8x64xf32, #tpu.memory_space<hbm>> -> memref<1x8x64xf32, #tpu.memory_space<hbm>>
    %dma_start3A_113 = arith.constant 3 : i32
    %dma_start3A_114 = arith.constant 0 : i32
    %dma_start3A_115 = arith.constant 0 : i32
    %dma_start3A_116 = tpu.memref_slice %arg11[%dma_start3A_113, %dma_start3A_114, %dma_start3A_115] : memref<16x8x64xf32, #tpu.memory_space<vmem>> -> memref<1x8x64xf32, #tpu.memory_space<vmem>>
    %dma_start3A_117 = arith.constant 0 : i32
    %dma_start3A_118 = arith.constant 0 : i32
    %dma_start3A_119 = tpu.memref_slice %arg4[%squeeze3A_105, %dma_start3A_117, %dma_start3A_118] : memref<125000x8x64xf32, #tpu.memory_space<hbm>> -> memref<1x8x64xf32, #tpu.memory_space<hbm>>
    tpu.enqueue_dma source(%dma_start3A_119 : memref<1x8x64xf32, #tpu.memory_space<hbm>>) target(%dma_start3A_116 : memref<1x8x64xf32, #tpu.memory_space<vmem>>) target_semaphore(%arg16 : memref<!tpu.dma_semaphore, #tpu.memory_space<semaphore_mem>>)
    %slice3A_120 = vector.extract_strided_slice %get3A_10 {offsets = [3], sizes = [1], strides = [1]} : vector<16xi32> to vector<1xi32>
    %squeeze3A_121 = vector.extract %slice3A_120[0] : i32 from vector<1xi32>
    %dma_start3A_122 = arith.constant 3 : i32
    %dma_start3A_123 = arith.constant 0 : i32
    %dma_start3A_124 = arith.constant 0 : i32
    %dma_start3A_125 = tpu.memref_slice %arg13[%dma_start3A_122, %dma_start3A_123, %dma_start3A_124] : memref<16x8x64xf32, #tpu.memory_space<vmem>> -> memref<1x8x64xf32, #tpu.memory_space<vmem>>
    %dma_start3A_126 = arith.constant 0 : i32
    %dma_start3A_127 = arith.constant 0 : i32
    %dma_start3A_128 = tpu.memref_slice %arg5[%squeeze3A_121, %dma_start3A_126, %dma_start3A_127] : memref<12500x8x64xf32, #tpu.memory_space<hbm>> -> memref<1x8x64xf32, #tpu.memory_space<hbm>>
    %dma_start3A_129 = arith.constant 3 : i32
    %dma_start3A_130 = arith.constant 0 : i32
    %dma_start3A_131 = arith.constant 0 : i32
    %dma_start3A_132 = tpu.memref_slice %arg13[%dma_start3A_129, %dma_start3A_130, %dma_start3A_131] : memref<16x8x64xf32, #tpu.memory_space<vmem>> -> memref<1x8x64xf32, #tpu.memory_space<vmem>>
    %dma_start3A_133 = arith.constant 0 : i32
    %dma_start3A_134 = arith.constant 0 : i32
    %dma_start3A_135 = tpu.memref_slice %arg5[%squeeze3A_121, %dma_start3A_133, %dma_start3A_134] : memref<12500x8x64xf32, #tpu.memory_space<hbm>> -> memref<1x8x64xf32, #tpu.memory_space<hbm>>
    tpu.enqueue_dma source(%dma_start3A_135 : memref<1x8x64xf32, #tpu.memory_space<hbm>>) target(%dma_start3A_132 : memref<1x8x64xf32, #tpu.memory_space<vmem>>) target_semaphore(%arg18 : memref<!tpu.dma_semaphore, #tpu.memory_space<semaphore_mem>>)
    %slice3A_136 = vector.extract_strided_slice %get3A_8 {offsets = [4], sizes = [1], strides = [1]} : vector<16xi32> to vector<1xi32>
    %squeeze3A_137 = vector.extract %slice3A_136[0] : i32 from vector<1xi32>
    %dma_start3A_138 = arith.constant 4 : i32
    %dma_start3A_139 = arith.constant 0 : i32
    %dma_start3A_140 = arith.constant 0 : i32
    %dma_start3A_141 = tpu.memref_slice %arg11[%dma_start3A_138, %dma_start3A_139, %dma_start3A_140] : memref<16x8x64xf32, #tpu.memory_space<vmem>> -> memref<1x8x64xf32, #tpu.memory_space<vmem>>
    %dma_start3A_142 = arith.constant 0 : i32
    %dma_start3A_143 = arith.constant 0 : i32
    %dma_start3A_144 = tpu.memref_slice %arg4[%squeeze3A_137, %dma_start3A_142, %dma_start3A_143] : memref<125000x8x64xf32, #tpu.memory_space<hbm>> -> memref<1x8x64xf32, #tpu.memory_space<hbm>>
    %dma_start3A_145 = arith.constant 4 : i32
    %dma_start3A_146 = arith.constant 0 : i32
    %dma_start3A_147 = arith.constant 0 : i32
    %dma_start3A_148 = tpu.memref_slice %arg11[%dma_start3A_145, %dma_start3A_146, %dma_start3A_147] : memref<16x8x64xf32, #tpu.memory_space<vmem>> -> memref<1x8x64xf32, #tpu.memory_space<vmem>>
    %dma_start3A_149 = arith.constant 0 : i32
    %dma_start3A_150 = arith.constant 0 : i32
    %dma_start3A_151 = tpu.memref_slice %arg4[%squeeze3A_137, %dma_start3A_149, %dma_start3A_150] : memref<125000x8x64xf32, #tpu.memory_space<hbm>> -> memref<1x8x64xf32, #tpu.memory_space<hbm>>
    tpu.enqueue_dma source(%dma_start3A_151 : memref<1x8x64xf32, #tpu.memory_space<hbm>>) target(%dma_start3A_148 : memref<1x8x64xf32, #tpu.memory_space<vmem>>) target_semaphore(%arg16 : memref<!tpu.dma_semaphore, #tpu.memory_space<semaphore_mem>>)
    %slice3A_152 = vector.extract_strided_slice %get3A_10 {offsets = [4], sizes = [1], strides = [1]} : vector<16xi32> to vector<1xi32>
    %squeeze3A_153 = vector.extract %slice3A_152[0] : i32 from vector<1xi32>
    %dma_start3A_154 = arith.constant 4 : i32
    %dma_start3A_155 = arith.constant 0 : i32
    %dma_start3A_156 = arith.constant 0 : i32
    %dma_start3A_157 = tpu.memref_slice %arg13[%dma_start3A_154, %dma_start3A_155, %dma_start3A_156] : memref<16x8x64xf32, #tpu.memory_space<vmem>> -> memref<1x8x64xf32, #tpu.memory_space<vmem>>
    %dma_start3A_158 = arith.constant 0 : i32
    %dma_start3A_159 = arith.constant 0 : i32
    %dma_start3A_160 = tpu.memref_slice %arg5[%squeeze3A_153, %dma_start3A_158, %dma_start3A_159] : memref<12500x8x64xf32, #tpu.memory_space<hbm>> -> memref<1x8x64xf32, #tpu.memory_space<hbm>>
    %dma_start3A_161 = arith.constant 4 : i32
    %dma_start3A_162 = arith.constant 0 : i32
    %dma_start3A_163 = arith.constant 0 : i32
    %dma_start3A_164 = tpu.memref_slice %arg13[%dma_start3A_161, %dma_start3A_162, %dma_start3A_163] : memref<16x8x64xf32, #tpu.memory_space<vmem>> -> memref<1x8x64xf32, #tpu.memory_space<vmem>>
    %dma_start3A_165 = arith.constant 0 : i32
    %dma_start3A_166 = arith.constant 0 : i32
    %dma_start3A_167 = tpu.memref_slice %arg5[%squeeze3A_153, %dma_start3A_165, %dma_start3A_166] : memref<12500x8x64xf32, #tpu.memory_space<hbm>> -> memref<1x8x64xf32, #tpu.memory_space<hbm>>
    tpu.enqueue_dma source(%dma_start3A_167 : memref<1x8x64xf32, #tpu.memory_space<hbm>>) target(%dma_start3A_164 : memref<1x8x64xf32, #tpu.memory_space<vmem>>) target_semaphore(%arg18 : memref<!tpu.dma_semaphore, #tpu.memory_space<semaphore_mem>>)
    %slice3A_168 = vector.extract_strided_slice %get3A_8 {offsets = [5], sizes = [1], strides = [1]} : vector<16xi32> to vector<1xi32>
    %squeeze3A_169 = vector.extract %slice3A_168[0] : i32 from vector<1xi32>
    %dma_start3A_170 = arith.constant 5 : i32
    %dma_start3A_171 = arith.constant 0 : i32
    %dma_start3A_172 = arith.constant 0 : i32
    %dma_start3A_173 = tpu.memref_slice %arg11[%dma_start3A_170, %dma_start3A_171, %dma_start3A_172] : memref<16x8x64xf32, #tpu.memory_space<vmem>> -> memref<1x8x64xf32, #tpu.memory_space<vmem>>
    %dma_start3A_174 = arith.constant 0 : i32
    %dma_start3A_175 = arith.constant 0 : i32
    %dma_start3A_176 = tpu.memref_slice %arg4[%squeeze3A_169, %dma_start3A_174, %dma_start3A_175] : memref<125000x8x64xf32, #tpu.memory_space<hbm>> -> memref<1x8x64xf32, #tpu.memory_space<hbm>>
    %dma_start3A_177 = arith.constant 5 : i32
    %dma_start3A_178 = arith.constant 0 : i32
    %dma_start3A_179 = arith.constant 0 : i32
    %dma_start3A_180 = tpu.memref_slice %arg11[%dma_start3A_177, %dma_start3A_178, %dma_start3A_179] : memref<16x8x64xf32, #tpu.memory_space<vmem>> -> memref<1x8x64xf32, #tpu.memory_space<vmem>>
    %dma_start3A_181 = arith.constant 0 : i32
    %dma_start3A_182 = arith.constant 0 : i32
    %dma_start3A_183 = tpu.memref_slice %arg4[%squeeze3A_169, %dma_start3A_181, %dma_start3A_182] : memref<125000x8x64xf32, #tpu.memory_space<hbm>> -> memref<1x8x64xf32, #tpu.memory_space<hbm>>
    tpu.enqueue_dma source(%dma_start3A_183 : memref<1x8x64xf32, #tpu.memory_space<hbm>>) target(%dma_start3A_180 : memref<1x8x64xf32, #tpu.memory_space<vmem>>) target_semaphore(%arg16 : memref<!tpu.dma_semaphore, #tpu.memory_space<semaphore_mem>>)
    %slice3A_184 = vector.extract_strided_slice %get3A_10 {offsets = [5], sizes = [1], strides = [1]} : vector<16xi32> to vector<1xi32>
    %squeeze3A_185 = vector.extract %slice3A_184[0] : i32 from vector<1xi32>
    %dma_start3A_186 = arith.constant 5 : i32
    %dma_start3A_187 = arith.constant 0 : i32
    %dma_start3A_188 = arith.constant 0 : i32
    %dma_start3A_189 = tpu.memref_slice %arg13[%dma_start3A_186, %dma_start3A_187, %dma_start3A_188] : memref<16x8x64xf32, #tpu.memory_space<vmem>> -> memref<1x8x64xf32, #tpu.memory_space<vmem>>
    %dma_start3A_190 = arith.constant 0 : i32
    %dma_start3A_191 = arith.constant 0 : i32
    %dma_start3A_192 = tpu.memref_slice %arg5[%squeeze3A_185, %dma_start3A_190, %dma_start3A_191] : memref<12500x8x64xf32, #tpu.memory_space<hbm>> -> memref<1x8x64xf32, #tpu.memory_space<hbm>>
    %dma_start3A_193 = arith.constant 5 : i32
    %dma_start3A_194 = arith.constant 0 : i32
    %dma_start3A_195 = arith.constant 0 : i32
    %dma_start3A_196 = tpu.memref_slice %arg13[%dma_start3A_193, %dma_start3A_194, %dma_start3A_195] : memref<16x8x64xf32, #tpu.memory_space<vmem>> -> memref<1x8x64xf32, #tpu.memory_space<vmem>>
    %dma_start3A_197 = arith.constant 0 : i32
    %dma_start3A_198 = arith.constant 0 : i32
    %dma_start3A_199 = tpu.memref_slice %arg5[%squeeze3A_185, %dma_start3A_197, %dma_start3A_198] : memref<12500x8x64xf32, #tpu.memory_space<hbm>> -> memref<1x8x64xf32, #tpu.memory_space<hbm>>
    tpu.enqueue_dma source(%dma_start3A_199 : memref<1x8x64xf32, #tpu.memory_space<hbm>>) target(%dma_start3A_196 : memref<1x8x64xf32, #tpu.memory_space<vmem>>) target_semaphore(%arg18 : memref<!tpu.dma_semaphore, #tpu.memory_space<semaphore_mem>>)
    %slice3A_200 = vector.extract_strided_slice %get3A_8 {offsets = [6], sizes = [1], strides = [1]} : vector<16xi32> to vector<1xi32>
    %squeeze3A_201 = vector.extract %slice3A_200[0] : i32 from vector<1xi32>
    %dma_start3A_202 = arith.constant 6 : i32
    %dma_start3A_203 = arith.constant 0 : i32
    %dma_start3A_204 = arith.constant 0 : i32
    %dma_start3A_205 = tpu.memref_slice %arg11[%dma_start3A_202, %dma_start3A_203, %dma_start3A_204] : memref<16x8x64xf32, #tpu.memory_space<vmem>> -> memref<1x8x64xf32, #tpu.memory_space<vmem>>
    %dma_start3A_206 = arith.constant 0 : i32
    %dma_start3A_207 = arith.constant 0 : i32
    %dma_start3A_208 = tpu.memref_slice %arg4[%squeeze3A_201, %dma_start3A_206, %dma_start3A_207] : memref<125000x8x64xf32, #tpu.memory_space<hbm>> -> memref<1x8x64xf32, #tpu.memory_space<hbm>>
    %dma_start3A_209 = arith.constant 6 : i32
    %dma_start3A_210 = arith.constant 0 : i32
    %dma_start3A_211 = arith.constant 0 : i32
    %dma_start3A_212 = tpu.memref_slice %arg11[%dma_start3A_209, %dma_start3A_210, %dma_start3A_211] : memref<16x8x64xf32, #tpu.memory_space<vmem>> -> memref<1x8x64xf32, #tpu.memory_space<vmem>>
    %dma_start3A_213 = arith.constant 0 : i32
    %dma_start3A_214 = arith.constant 0 : i32
    %dma_start3A_215 = tpu.memref_slice %arg4[%squeeze3A_201, %dma_start3A_213, %dma_start3A_214] : memref<125000x8x64xf32, #tpu.memory_space<hbm>> -> memref<1x8x64xf32, #tpu.memory_space<hbm>>
    tpu.enqueue_dma source(%dma_start3A_215 : memref<1x8x64xf32, #tpu.memory_space<hbm>>) target(%dma_start3A_212 : memref<1x8x64xf32, #tpu.memory_space<vmem>>) target_semaphore(%arg16 : memref<!tpu.dma_semaphore, #tpu.memory_space<semaphore_mem>>)
    %slice3A_216 = vector.extract_strided_slice %get3A_10 {offsets = [6], sizes = [1], strides = [1]} : vector<16xi32> to vector<1xi32>
    %squeeze3A_217 = vector.extract %slice3A_216[0] : i32 from vector<1xi32>
    %dma_start3A_218 = arith.constant 6 : i32
    %dma_start3A_219 = arith.constant 0 : i32
    %dma_start3A_220 = arith.constant 0 : i32
    %dma_start3A_221 = tpu.memref_slice %arg13[%dma_start3A_218, %dma_start3A_219, %dma_start3A_220] : memref<16x8x64xf32, #tpu.memory_space<vmem>> -> memref<1x8x64xf32, #tpu.memory_space<vmem>>
    %dma_start3A_222 = arith.constant 0 : i32
    %dma_start3A_223 = arith.constant 0 : i32
    %dma_start3A_224 = tpu.memref_slice %arg5[%squeeze3A_217, %dma_start3A_222, %dma_start3A_223] : memref<12500x8x64xf32, #tpu.memory_space<hbm>> -> memref<1x8x64xf32, #tpu.memory_space<hbm>>
    %dma_start3A_225 = arith.constant 6 : i32
    %dma_start3A_226 = arith.constant 0 : i32
    %dma_start3A_227 = arith.constant 0 : i32
    %dma_start3A_228 = tpu.memref_slice %arg13[%dma_start3A_225, %dma_start3A_226, %dma_start3A_227] : memref<16x8x64xf32, #tpu.memory_space<vmem>> -> memref<1x8x64xf32, #tpu.memory_space<vmem>>
    %dma_start3A_229 = arith.constant 0 : i32
    %dma_start3A_230 = arith.constant 0 : i32
    %dma_start3A_231 = tpu.memref_slice %arg5[%squeeze3A_217, %dma_start3A_229, %dma_start3A_230] : memref<12500x8x64xf32, #tpu.memory_space<hbm>> -> memref<1x8x64xf32, #tpu.memory_space<hbm>>
    tpu.enqueue_dma source(%dma_start3A_231 : memref<1x8x64xf32, #tpu.memory_space<hbm>>) target(%dma_start3A_228 : memref<1x8x64xf32, #tpu.memory_space<vmem>>) target_semaphore(%arg18 : memref<!tpu.dma_semaphore, #tpu.memory_space<semaphore_mem>>)
    %slice3A_232 = vector.extract_strided_slice %get3A_8 {offsets = [7], sizes = [1], strides = [1]} : vector<16xi32> to vector<1xi32>
    %squeeze3A_233 = vector.extract %slice3A_232[0] : i32 from vector<1xi32>
    %dma_start3A_234 = arith.constant 7 : i32
    %dma_start3A_235 = arith.constant 0 : i32
    %dma_start3A_236 = arith.constant 0 : i32
    %dma_start3A_237 = tpu.memref_slice %arg11[%dma_start3A_234, %dma_start3A_235, %dma_start3A_236] : memref<16x8x64xf32, #tpu.memory_space<vmem>> -> memref<1x8x64xf32, #tpu.memory_space<vmem>>
    %dma_start3A_238 = arith.constant 0 : i32
    %dma_start3A_239 = arith.constant 0 : i32
    %dma_start3A_240 = tpu.memref_slice %arg4[%squeeze3A_233, %dma_start3A_238, %dma_start3A_239] : memref<125000x8x64xf32, #tpu.memory_space<hbm>> -> memref<1x8x64xf32, #tpu.memory_space<hbm>>
    %dma_start3A_241 = arith.constant 7 : i32
    %dma_start3A_242 = arith.constant 0 : i32
    %dma_start3A_243 = arith.constant 0 : i32
    %dma_start3A_244 = tpu.memref_slice %arg11[%dma_start3A_241, %dma_start3A_242, %dma_start3A_243] : memref<16x8x64xf32, #tpu.memory_space<vmem>> -> memref<1x8x64xf32, #tpu.memory_space<vmem>>
    %dma_start3A_245 = arith.constant 0 : i32
    %dma_start3A_246 = arith.constant 0 : i32
    %dma_start3A_247 = tpu.memref_slice %arg4[%squeeze3A_233, %dma_start3A_245, %dma_start3A_246] : memref<125000x8x64xf32, #tpu.memory_space<hbm>> -> memref<1x8x64xf32, #tpu.memory_space<hbm>>
    tpu.enqueue_dma source(%dma_start3A_247 : memref<1x8x64xf32, #tpu.memory_space<hbm>>) target(%dma_start3A_244 : memref<1x8x64xf32, #tpu.memory_space<vmem>>) target_semaphore(%arg16 : memref<!tpu.dma_semaphore, #tpu.memory_space<semaphore_mem>>)
    %slice3A_248 = vector.extract_strided_slice %get3A_10 {offsets = [7], sizes = [1], strides = [1]} : vector<16xi32> to vector<1xi32>
    %squeeze3A_249 = vector.extract %slice3A_248[0] : i32 from vector<1xi32>
    %dma_start3A_250 = arith.constant 7 : i32
    %dma_start3A_251 = arith.constant 0 : i32
    %dma_start3A_252 = arith.constant 0 : i32
    %dma_start3A_253 = tpu.memref_slice %arg13[%dma_start3A_250, %dma_start3A_251, %dma_start3A_252] : memref<16x8x64xf32, #tpu.memory_space<vmem>> -> memref<1x8x64xf32, #tpu.memory_space<vmem>>
    %dma_start3A_254 = arith.constant 0 : i32
    %dma_start3A_255 = arith.constant 0 : i32
    %dma_start3A_256 = tpu.memref_slice %arg5[%squeeze3A_249, %dma_start3A_254, %dma_start3A_255] : memref<12500x8x64xf32, #tpu.memory_space<hbm>> -> memref<1x8x64xf32, #tpu.memory_space<hbm>>
    %dma_start3A_257 = arith.constant 7 : i32
    %dma_start3A_258 = arith.constant 0 : i32
    %dma_start3A_259 = arith.constant 0 : i32
    %dma_start3A_260 = tpu.memref_slice %arg13[%dma_start3A_257, %dma_start3A_258, %dma_start3A_259] : memref<16x8x64xf32, #tpu.memory_space<vmem>> -> memref<1x8x64xf32, #tpu.memory_space<vmem>>
    %dma_start3A_261 = arith.constant 0 : i32
    %dma_start3A_262 = arith.constant 0 : i32
    %dma_start3A_263 = tpu.memref_slice %arg5[%squeeze3A_249, %dma_start3A_261, %dma_start3A_262] : memref<12500x8x64xf32, #tpu.memory_space<hbm>> -> memref<1x8x64xf32, #tpu.memory_space<hbm>>
    tpu.enqueue_dma source(%dma_start3A_263 : memref<1x8x64xf32, #tpu.memory_space<hbm>>) target(%dma_start3A_260 : memref<1x8x64xf32, #tpu.memory_space<vmem>>) target_semaphore(%arg18 : memref<!tpu.dma_semaphore, #tpu.memory_space<semaphore_mem>>)
    %slice3A_264 = vector.extract_strided_slice %get3A_8 {offsets = [8], sizes = [1], strides = [1]} : vector<16xi32> to vector<1xi32>
    %squeeze3A_265 = vector.extract %slice3A_264[0] : i32 from vector<1xi32>
    %dma_start3A_266 = arith.constant 8 : i32
    %dma_start3A_267 = arith.constant 0 : i32
    %dma_start3A_268 = arith.constant 0 : i32
    %dma_start3A_269 = tpu.memref_slice %arg11[%dma_start3A_266, %dma_start3A_267, %dma_start3A_268] : memref<16x8x64xf32, #tpu.memory_space<vmem>> -> memref<1x8x64xf32, #tpu.memory_space<vmem>>
    %dma_start3A_270 = arith.constant 0 : i32
    %dma_start3A_271 = arith.constant 0 : i32
    %dma_start3A_272 = tpu.memref_slice %arg4[%squeeze3A_265, %dma_start3A_270, %dma_start3A_271] : memref<125000x8x64xf32, #tpu.memory_space<hbm>> -> memref<1x8x64xf32, #tpu.memory_space<hbm>>
    %dma_start3A_273 = arith.constant 8 : i32
    %dma_start3A_274 = arith.constant 0 : i32
    %dma_start3A_275 = arith.constant 0 : i32
    %dma_start3A_276 = tpu.memref_slice %arg11[%dma_start3A_273, %dma_start3A_274, %dma_start3A_275] : memref<16x8x64xf32, #tpu.memory_space<vmem>> -> memref<1x8x64xf32, #tpu.memory_space<vmem>>
    %dma_start3A_277 = arith.constant 0 : i32
    %dma_start3A_278 = arith.constant 0 : i32
    %dma_start3A_279 = tpu.memref_slice %arg4[%squeeze3A_265, %dma_start3A_277, %dma_start3A_278] : memref<125000x8x64xf32, #tpu.memory_space<hbm>> -> memref<1x8x64xf32, #tpu.memory_space<hbm>>
    tpu.enqueue_dma source(%dma_start3A_279 : memref<1x8x64xf32, #tpu.memory_space<hbm>>) target(%dma_start3A_276 : memref<1x8x64xf32, #tpu.memory_space<vmem>>) target_semaphore(%arg16 : memref<!tpu.dma_semaphore, #tpu.memory_space<semaphore_mem>>)
    %slice3A_280 = vector.extract_strided_slice %get3A_10 {offsets = [8], sizes = [1], strides = [1]} : vector<16xi32> to vector<1xi32>
    %squeeze3A_281 = vector.extract %slice3A_280[0] : i32 from vector<1xi32>
    %dma_start3A_282 = arith.constant 8 : i32
    %dma_start3A_283 = arith.constant 0 : i32
    %dma_start3A_284 = arith.constant 0 : i32
    %dma_start3A_285 = tpu.memref_slice %arg13[%dma_start3A_282, %dma_start3A_283, %dma_start3A_284] : memref<16x8x64xf32, #tpu.memory_space<vmem>> -> memref<1x8x64xf32, #tpu.memory_space<vmem>>
    %dma_start3A_286 = arith.constant 0 : i32
    %dma_start3A_287 = arith.constant 0 : i32
    %dma_start3A_288 = tpu.memref_slice %arg5[%squeeze3A_281, %dma_start3A_286, %dma_start3A_287] : memref<12500x8x64xf32, #tpu.memory_space<hbm>> -> memref<1x8x64xf32, #tpu.memory_space<hbm>>
    %dma_start3A_289 = arith.constant 8 : i32
    %dma_start3A_290 = arith.constant 0 : i32
    %dma_start3A_291 = arith.constant 0 : i32
    %dma_start3A_292 = tpu.memref_slice %arg13[%dma_start3A_289, %dma_start3A_290, %dma_start3A_291] : memref<16x8x64xf32, #tpu.memory_space<vmem>> -> memref<1x8x64xf32, #tpu.memory_space<vmem>>
    %dma_start3A_293 = arith.constant 0 : i32
    %dma_start3A_294 = arith.constant 0 : i32
    %dma_start3A_295 = tpu.memref_slice %arg5[%squeeze3A_281, %dma_start3A_293, %dma_start3A_294] : memref<12500x8x64xf32, #tpu.memory_space<hbm>> -> memref<1x8x64xf32, #tpu.memory_space<hbm>>
    tpu.enqueue_dma source(%dma_start3A_295 : memref<1x8x64xf32, #tpu.memory_space<hbm>>) target(%dma_start3A_292 : memref<1x8x64xf32, #tpu.memory_space<vmem>>) target_semaphore(%arg18 : memref<!tpu.dma_semaphore, #tpu.memory_space<semaphore_mem>>)
    %slice3A_296 = vector.extract_strided_slice %get3A_8 {offsets = [9], sizes = [1], strides = [1]} : vector<16xi32> to vector<1xi32>
    %squeeze3A_297 = vector.extract %slice3A_296[0] : i32 from vector<1xi32>
    %dma_start3A_298 = arith.constant 9 : i32
    %dma_start3A_299 = arith.constant 0 : i32
    %dma_start3A_300 = arith.constant 0 : i32
    %dma_start3A_301 = tpu.memref_slice %arg11[%dma_start3A_298, %dma_start3A_299, %dma_start3A_300] : memref<16x8x64xf32, #tpu.memory_space<vmem>> -> memref<1x8x64xf32, #tpu.memory_space<vmem>>
    %dma_start3A_302 = arith.constant 0 : i32
    %dma_start3A_303 = arith.constant 0 : i32
    %dma_start3A_304 = tpu.memref_slice %arg4[%squeeze3A_297, %dma_start3A_302, %dma_start3A_303] : memref<125000x8x64xf32, #tpu.memory_space<hbm>> -> memref<1x8x64xf32, #tpu.memory_space<hbm>>
    %dma_start3A_305 = arith.constant 9 : i32
    %dma_start3A_306 = arith.constant 0 : i32
    %dma_start3A_307 = arith.constant 0 : i32
    %dma_start3A_308 = tpu.memref_slice %arg11[%dma_start3A_305, %dma_start3A_306, %dma_start3A_307] : memref<16x8x64xf32, #tpu.memory_space<vmem>> -> memref<1x8x64xf32, #tpu.memory_space<vmem>>
    %dma_start3A_309 = arith.constant 0 : i32
    %dma_start3A_310 = arith.constant 0 : i32
    %dma_start3A_311 = tpu.memref_slice %arg4[%squeeze3A_297, %dma_start3A_309, %dma_start3A_310] : memref<125000x8x64xf32, #tpu.memory_space<hbm>> -> memref<1x8x64xf32, #tpu.memory_space<hbm>>
    tpu.enqueue_dma source(%dma_start3A_311 : memref<1x8x64xf32, #tpu.memory_space<hbm>>) target(%dma_start3A_308 : memref<1x8x64xf32, #tpu.memory_space<vmem>>) target_semaphore(%arg16 : memref<!tpu.dma_semaphore, #tpu.memory_space<semaphore_mem>>)
    %slice3A_312 = vector.extract_strided_slice %get3A_10 {offsets = [9], sizes = [1], strides = [1]} : vector<16xi32> to vector<1xi32>
    %squeeze3A_313 = vector.extract %slice3A_312[0] : i32 from vector<1xi32>
    %dma_start3A_314 = arith.constant 9 : i32
    %dma_start3A_315 = arith.constant 0 : i32
    %dma_start3A_316 = arith.constant 0 : i32
    %dma_start3A_317 = tpu.memref_slice %arg13[%dma_start3A_314, %dma_start3A_315, %dma_start3A_316] : memref<16x8x64xf32, #tpu.memory_space<vmem>> -> memref<1x8x64xf32, #tpu.memory_space<vmem>>
    %dma_start3A_318 = arith.constant 0 : i32
    %dma_start3A_319 = arith.constant 0 : i32
    %dma_start3A_320 = tpu.memref_slice %arg5[%squeeze3A_313, %dma_start3A_318, %dma_start3A_319] : memref<12500x8x64xf32, #tpu.memory_space<hbm>> -> memref<1x8x64xf32, #tpu.memory_space<hbm>>
    %dma_start3A_321 = arith.constant 9 : i32
    %dma_start3A_322 = arith.constant 0 : i32
    %dma_start3A_323 = arith.constant 0 : i32
    %dma_start3A_324 = tpu.memref_slice %arg13[%dma_start3A_321, %dma_start3A_322, %dma_start3A_323] : memref<16x8x64xf32, #tpu.memory_space<vmem>> -> memref<1x8x64xf32, #tpu.memory_space<vmem>>
    %dma_start3A_325 = arith.constant 0 : i32
    %dma_start3A_326 = arith.constant 0 : i32
    %dma_start3A_327 = tpu.memref_slice %arg5[%squeeze3A_313, %dma_start3A_325, %dma_start3A_326] : memref<12500x8x64xf32, #tpu.memory_space<hbm>> -> memref<1x8x64xf32, #tpu.memory_space<hbm>>
    tpu.enqueue_dma source(%dma_start3A_327 : memref<1x8x64xf32, #tpu.memory_space<hbm>>) target(%dma_start3A_324 : memref<1x8x64xf32, #tpu.memory_space<vmem>>) target_semaphore(%arg18 : memref<!tpu.dma_semaphore, #tpu.memory_space<semaphore_mem>>)
    %slice3A_328 = vector.extract_strided_slice %get3A_8 {offsets = [10], sizes = [1], strides = [1]} : vector<16xi32> to vector<1xi32>
    %squeeze3A_329 = vector.extract %slice3A_328[0] : i32 from vector<1xi32>
    %dma_start3A_330 = arith.constant 10 : i32
    %dma_start3A_331 = arith.constant 0 : i32
    %dma_start3A_332 = arith.constant 0 : i32
    %dma_start3A_333 = tpu.memref_slice %arg11[%dma_start3A_330, %dma_start3A_331, %dma_start3A_332] : memref<16x8x64xf32, #tpu.memory_space<vmem>> -> memref<1x8x64xf32, #tpu.memory_space<vmem>>
    %dma_start3A_334 = arith.constant 0 : i32
    %dma_start3A_335 = arith.constant 0 : i32
    %dma_start3A_336 = tpu.memref_slice %arg4[%squeeze3A_329, %dma_start3A_334, %dma_start3A_335] : memref<125000x8x64xf32, #tpu.memory_space<hbm>> -> memref<1x8x64xf32, #tpu.memory_space<hbm>>
    %dma_start3A_337 = arith.constant 10 : i32
    %dma_start3A_338 = arith.constant 0 : i32
    %dma_start3A_339 = arith.constant 0 : i32
    %dma_start3A_340 = tpu.memref_slice %arg11[%dma_start3A_337, %dma_start3A_338, %dma_start3A_339] : memref<16x8x64xf32, #tpu.memory_space<vmem>> -> memref<1x8x64xf32, #tpu.memory_space<vmem>>
    %dma_start3A_341 = arith.constant 0 : i32
    %dma_start3A_342 = arith.constant 0 : i32
    %dma_start3A_343 = tpu.memref_slice %arg4[%squeeze3A_329, %dma_start3A_341, %dma_start3A_342] : memref<125000x8x64xf32, #tpu.memory_space<hbm>> -> memref<1x8x64xf32, #tpu.memory_space<hbm>>
    tpu.enqueue_dma source(%dma_start3A_343 : memref<1x8x64xf32, #tpu.memory_space<hbm>>) target(%dma_start3A_340 : memref<1x8x64xf32, #tpu.memory_space<vmem>>) target_semaphore(%arg16 : memref<!tpu.dma_semaphore, #tpu.memory_space<semaphore_mem>>)
    %slice3A_344 = vector.extract_strided_slice %get3A_10 {offsets = [10], sizes = [1], strides = [1]} : vector<16xi32> to vector<1xi32>
    %squeeze3A_345 = vector.extract %slice3A_344[0] : i32 from vector<1xi32>
    %dma_start3A_346 = arith.constant 10 : i32
    %dma_start3A_347 = arith.constant 0 : i32
    %dma_start3A_348 = arith.constant 0 : i32
    %dma_start3A_349 = tpu.memref_slice %arg13[%dma_start3A_346, %dma_start3A_347, %dma_start3A_348] : memref<16x8x64xf32, #tpu.memory_space<vmem>> -> memref<1x8x64xf32, #tpu.memory_space<vmem>>
    %dma_start3A_350 = arith.constant 0 : i32
    %dma_start3A_351 = arith.constant 0 : i32
    %dma_start3A_352 = tpu.memref_slice %arg5[%squeeze3A_345, %dma_start3A_350, %dma_start3A_351] : memref<12500x8x64xf32, #tpu.memory_space<hbm>> -> memref<1x8x64xf32, #tpu.memory_space<hbm>>
    %dma_start3A_353 = arith.constant 10 : i32
    %dma_start3A_354 = arith.constant 0 : i32
    %dma_start3A_355 = arith.constant 0 : i32
    %dma_start3A_356 = tpu.memref_slice %arg13[%dma_start3A_353, %dma_start3A_354, %dma_start3A_355] : memref<16x8x64xf32, #tpu.memory_space<vmem>> -> memref<1x8x64xf32, #tpu.memory_space<vmem>>
    %dma_start3A_357 = arith.constant 0 : i32
    %dma_start3A_358 = arith.constant 0 : i32
    %dma_start3A_359 = tpu.memref_slice %arg5[%squeeze3A_345, %dma_start3A_357, %dma_start3A_358] : memref<12500x8x64xf32, #tpu.memory_space<hbm>> -> memref<1x8x64xf32, #tpu.memory_space<hbm>>
    tpu.enqueue_dma source(%dma_start3A_359 : memref<1x8x64xf32, #tpu.memory_space<hbm>>) target(%dma_start3A_356 : memref<1x8x64xf32, #tpu.memory_space<vmem>>) target_semaphore(%arg18 : memref<!tpu.dma_semaphore, #tpu.memory_space<semaphore_mem>>)
    %slice3A_360 = vector.extract_strided_slice %get3A_8 {offsets = [11], sizes = [1], strides = [1]} : vector<16xi32> to vector<1xi32>
    %squeeze3A_361 = vector.extract %slice3A_360[0] : i32 from vector<1xi32>
    %dma_start3A_362 = arith.constant 11 : i32
    %dma_start3A_363 = arith.constant 0 : i32
    %dma_start3A_364 = arith.constant 0 : i32
    %dma_start3A_365 = tpu.memref_slice %arg11[%dma_start3A_362, %dma_start3A_363, %dma_start3A_364] : memref<16x8x64xf32, #tpu.memory_space<vmem>> -> memref<1x8x64xf32, #tpu.memory_space<vmem>>
    %dma_start3A_366 = arith.constant 0 : i32
    %dma_start3A_367 = arith.constant 0 : i32
    %dma_start3A_368 = tpu.memref_slice %arg4[%squeeze3A_361, %dma_start3A_366, %dma_start3A_367] : memref<125000x8x64xf32, #tpu.memory_space<hbm>> -> memref<1x8x64xf32, #tpu.memory_space<hbm>>
    %dma_start3A_369 = arith.constant 11 : i32
    %dma_start3A_370 = arith.constant 0 : i32
    %dma_start3A_371 = arith.constant 0 : i32
    %dma_start3A_372 = tpu.memref_slice %arg11[%dma_start3A_369, %dma_start3A_370, %dma_start3A_371] : memref<16x8x64xf32, #tpu.memory_space<vmem>> -> memref<1x8x64xf32, #tpu.memory_space<vmem>>
    %dma_start3A_373 = arith.constant 0 : i32
    %dma_start3A_374 = arith.constant 0 : i32
    %dma_start3A_375 = tpu.memref_slice %arg4[%squeeze3A_361, %dma_start3A_373, %dma_start3A_374] : memref<125000x8x64xf32, #tpu.memory_space<hbm>> -> memref<1x8x64xf32, #tpu.memory_space<hbm>>
    tpu.enqueue_dma source(%dma_start3A_375 : memref<1x8x64xf32, #tpu.memory_space<hbm>>) target(%dma_start3A_372 : memref<1x8x64xf32, #tpu.memory_space<vmem>>) target_semaphore(%arg16 : memref<!tpu.dma_semaphore, #tpu.memory_space<semaphore_mem>>)
    %slice3A_376 = vector.extract_strided_slice %get3A_10 {offsets = [11], sizes = [1], strides = [1]} : vector<16xi32> to vector<1xi32>
    %squeeze3A_377 = vector.extract %slice3A_376[0] : i32 from vector<1xi32>
    %dma_start3A_378 = arith.constant 11 : i32
    %dma_start3A_379 = arith.constant 0 : i32
    %dma_start3A_380 = arith.constant 0 : i32
    %dma_start3A_381 = tpu.memref_slice %arg13[%dma_start3A_378, %dma_start3A_379, %dma_start3A_380] : memref<16x8x64xf32, #tpu.memory_space<vmem>> -> memref<1x8x64xf32, #tpu.memory_space<vmem>>
    %dma_start3A_382 = arith.constant 0 : i32
    %dma_start3A_383 = arith.constant 0 : i32
    %dma_start3A_384 = tpu.memref_slice %arg5[%squeeze3A_377, %dma_start3A_382, %dma_start3A_383] : memref<12500x8x64xf32, #tpu.memory_space<hbm>> -> memref<1x8x64xf32, #tpu.memory_space<hbm>>
    %dma_start3A_385 = arith.constant 11 : i32
    %dma_start3A_386 = arith.constant 0 : i32
    %dma_start3A_387 = arith.constant 0 : i32
    %dma_start3A_388 = tpu.memref_slice %arg13[%dma_start3A_385, %dma_start3A_386, %dma_start3A_387] : memref<16x8x64xf32, #tpu.memory_space<vmem>> -> memref<1x8x64xf32, #tpu.memory_space<vmem>>
    %dma_start3A_389 = arith.constant 0 : i32
    %dma_start3A_390 = arith.constant 0 : i32
    %dma_start3A_391 = tpu.memref_slice %arg5[%squeeze3A_377, %dma_start3A_389, %dma_start3A_390] : memref<12500x8x64xf32, #tpu.memory_space<hbm>> -> memref<1x8x64xf32, #tpu.memory_space<hbm>>
    tpu.enqueue_dma source(%dma_start3A_391 : memref<1x8x64xf32, #tpu.memory_space<hbm>>) target(%dma_start3A_388 : memref<1x8x64xf32, #tpu.memory_space<vmem>>) target_semaphore(%arg18 : memref<!tpu.dma_semaphore, #tpu.memory_space<semaphore_mem>>)
    %slice3A_392 = vector.extract_strided_slice %get3A_8 {offsets = [12], sizes = [1], strides = [1]} : vector<16xi32> to vector<1xi32>
    %squeeze3A_393 = vector.extract %slice3A_392[0] : i32 from vector<1xi32>
    %dma_start3A_394 = arith.constant 12 : i32
    %dma_start3A_395 = arith.constant 0 : i32
    %dma_start3A_396 = arith.constant 0 : i32
    %dma_start3A_397 = tpu.memref_slice %arg11[%dma_start3A_394, %dma_start3A_395, %dma_start3A_396] : memref<16x8x64xf32, #tpu.memory_space<vmem>> -> memref<1x8x64xf32, #tpu.memory_space<vmem>>
    %dma_start3A_398 = arith.constant 0 : i32
    %dma_start3A_399 = arith.constant 0 : i32
    %dma_start3A_400 = tpu.memref_slice %arg4[%squeeze3A_393, %dma_start3A_398, %dma_start3A_399] : memref<125000x8x64xf32, #tpu.memory_space<hbm>> -> memref<1x8x64xf32, #tpu.memory_space<hbm>>
    %dma_start3A_401 = arith.constant 12 : i32
    %dma_start3A_402 = arith.constant 0 : i32
    %dma_start3A_403 = arith.constant 0 : i32
    %dma_start3A_404 = tpu.memref_slice %arg11[%dma_start3A_401, %dma_start3A_402, %dma_start3A_403] : memref<16x8x64xf32, #tpu.memory_space<vmem>> -> memref<1x8x64xf32, #tpu.memory_space<vmem>>
    %dma_start3A_405 = arith.constant 0 : i32
    %dma_start3A_406 = arith.constant 0 : i32
    %dma_start3A_407 = tpu.memref_slice %arg4[%squeeze3A_393, %dma_start3A_405, %dma_start3A_406] : memref<125000x8x64xf32, #tpu.memory_space<hbm>> -> memref<1x8x64xf32, #tpu.memory_space<hbm>>
    tpu.enqueue_dma source(%dma_start3A_407 : memref<1x8x64xf32, #tpu.memory_space<hbm>>) target(%dma_start3A_404 : memref<1x8x64xf32, #tpu.memory_space<vmem>>) target_semaphore(%arg16 : memref<!tpu.dma_semaphore, #tpu.memory_space<semaphore_mem>>)
    %slice3A_408 = vector.extract_strided_slice %get3A_10 {offsets = [12], sizes = [1], strides = [1]} : vector<16xi32> to vector<1xi32>
    %squeeze3A_409 = vector.extract %slice3A_408[0] : i32 from vector<1xi32>
    %dma_start3A_410 = arith.constant 12 : i32
    %dma_start3A_411 = arith.constant 0 : i32
    %dma_start3A_412 = arith.constant 0 : i32
    %dma_start3A_413 = tpu.memref_slice %arg13[%dma_start3A_410, %dma_start3A_411, %dma_start3A_412] : memref<16x8x64xf32, #tpu.memory_space<vmem>> -> memref<1x8x64xf32, #tpu.memory_space<vmem>>
    %dma_start3A_414 = arith.constant 0 : i32
    %dma_start3A_415 = arith.constant 0 : i32
    %dma_start3A_416 = tpu.memref_slice %arg5[%squeeze3A_409, %dma_start3A_414, %dma_start3A_415] : memref<12500x8x64xf32, #tpu.memory_space<hbm>> -> memref<1x8x64xf32, #tpu.memory_space<hbm>>
    %dma_start3A_417 = arith.constant 12 : i32
    %dma_start3A_418 = arith.constant 0 : i32
    %dma_start3A_419 = arith.constant 0 : i32
    %dma_start3A_420 = tpu.memref_slice %arg13[%dma_start3A_417, %dma_start3A_418, %dma_start3A_419] : memref<16x8x64xf32, #tpu.memory_space<vmem>> -> memref<1x8x64xf32, #tpu.memory_space<vmem>>
    %dma_start3A_421 = arith.constant 0 : i32
    %dma_start3A_422 = arith.constant 0 : i32
    %dma_start3A_423 = tpu.memref_slice %arg5[%squeeze3A_409, %dma_start3A_421, %dma_start3A_422] : memref<12500x8x64xf32, #tpu.memory_space<hbm>> -> memref<1x8x64xf32, #tpu.memory_space<hbm>>
    tpu.enqueue_dma source(%dma_start3A_423 : memref<1x8x64xf32, #tpu.memory_space<hbm>>) target(%dma_start3A_420 : memref<1x8x64xf32, #tpu.memory_space<vmem>>) target_semaphore(%arg18 : memref<!tpu.dma_semaphore, #tpu.memory_space<semaphore_mem>>)
    %slice3A_424 = vector.extract_strided_slice %get3A_8 {offsets = [13], sizes = [1], strides = [1]} : vector<16xi32> to vector<1xi32>
    %squeeze3A_425 = vector.extract %slice3A_424[0] : i32 from vector<1xi32>
    %dma_start3A_426 = arith.constant 13 : i32
    %dma_start3A_427 = arith.constant 0 : i32
    %dma_start3A_428 = arith.constant 0 : i32
    %dma_start3A_429 = tpu.memref_slice %arg11[%dma_start3A_426, %dma_start3A_427, %dma_start3A_428] : memref<16x8x64xf32, #tpu.memory_space<vmem>> -> memref<1x8x64xf32, #tpu.memory_space<vmem>>
    %dma_start3A_430 = arith.constant 0 : i32
    %dma_start3A_431 = arith.constant 0 : i32
    %dma_start3A_432 = tpu.memref_slice %arg4[%squeeze3A_425, %dma_start3A_430, %dma_start3A_431] : memref<125000x8x64xf32, #tpu.memory_space<hbm>> -> memref<1x8x64xf32, #tpu.memory_space<hbm>>
    %dma_start3A_433 = arith.constant 13 : i32
    %dma_start3A_434 = arith.constant 0 : i32
    %dma_start3A_435 = arith.constant 0 : i32
    %dma_start3A_436 = tpu.memref_slice %arg11[%dma_start3A_433, %dma_start3A_434, %dma_start3A_435] : memref<16x8x64xf32, #tpu.memory_space<vmem>> -> memref<1x8x64xf32, #tpu.memory_space<vmem>>
    %dma_start3A_437 = arith.constant 0 : i32
    %dma_start3A_438 = arith.constant 0 : i32
    %dma_start3A_439 = tpu.memref_slice %arg4[%squeeze3A_425, %dma_start3A_437, %dma_start3A_438] : memref<125000x8x64xf32, #tpu.memory_space<hbm>> -> memref<1x8x64xf32, #tpu.memory_space<hbm>>
    tpu.enqueue_dma source(%dma_start3A_439 : memref<1x8x64xf32, #tpu.memory_space<hbm>>) target(%dma_start3A_436 : memref<1x8x64xf32, #tpu.memory_space<vmem>>) target_semaphore(%arg16 : memref<!tpu.dma_semaphore, #tpu.memory_space<semaphore_mem>>)
    %slice3A_440 = vector.extract_strided_slice %get3A_10 {offsets = [13], sizes = [1], strides = [1]} : vector<16xi32> to vector<1xi32>
    %squeeze3A_441 = vector.extract %slice3A_440[0] : i32 from vector<1xi32>
    %dma_start3A_442 = arith.constant 13 : i32
    %dma_start3A_443 = arith.constant 0 : i32
    %dma_start3A_444 = arith.constant 0 : i32
    %dma_start3A_445 = tpu.memref_slice %arg13[%dma_start3A_442, %dma_start3A_443, %dma_start3A_444] : memref<16x8x64xf32, #tpu.memory_space<vmem>> -> memref<1x8x64xf32, #tpu.memory_space<vmem>>
    %dma_start3A_446 = arith.constant 0 : i32
    %dma_start3A_447 = arith.constant 0 : i32
    %dma_start3A_448 = tpu.memref_slice %arg5[%squeeze3A_441, %dma_start3A_446, %dma_start3A_447] : memref<12500x8x64xf32, #tpu.memory_space<hbm>> -> memref<1x8x64xf32, #tpu.memory_space<hbm>>
    %dma_start3A_449 = arith.constant 13 : i32
    %dma_start3A_450 = arith.constant 0 : i32
    %dma_start3A_451 = arith.constant 0 : i32
    %dma_start3A_452 = tpu.memref_slice %arg13[%dma_start3A_449, %dma_start3A_450, %dma_start3A_451] : memref<16x8x64xf32, #tpu.memory_space<vmem>> -> memref<1x8x64xf32, #tpu.memory_space<vmem>>
    %dma_start3A_453 = arith.constant 0 : i32
    %dma_start3A_454 = arith.constant 0 : i32
    %dma_start3A_455 = tpu.memref_slice %arg5[%squeeze3A_441, %dma_start3A_453, %dma_start3A_454] : memref<12500x8x64xf32, #tpu.memory_space<hbm>> -> memref<1x8x64xf32, #tpu.memory_space<hbm>>
    tpu.enqueue_dma source(%dma_start3A_455 : memref<1x8x64xf32, #tpu.memory_space<hbm>>) target(%dma_start3A_452 : memref<1x8x64xf32, #tpu.memory_space<vmem>>) target_semaphore(%arg18 : memref<!tpu.dma_semaphore, #tpu.memory_space<semaphore_mem>>)
    %slice3A_456 = vector.extract_strided_slice %get3A_8 {offsets = [14], sizes = [1], strides = [1]} : vector<16xi32> to vector<1xi32>
    %squeeze3A_457 = vector.extract %slice3A_456[0] : i32 from vector<1xi32>
    %dma_start3A_458 = arith.constant 14 : i32
    %dma_start3A_459 = arith.constant 0 : i32
    %dma_start3A_460 = arith.constant 0 : i32
    %dma_start3A_461 = tpu.memref_slice %arg11[%dma_start3A_458, %dma_start3A_459, %dma_start3A_460] : memref<16x8x64xf32, #tpu.memory_space<vmem>> -> memref<1x8x64xf32, #tpu.memory_space<vmem>>
    %dma_start3A_462 = arith.constant 0 : i32
    %dma_start3A_463 = arith.constant 0 : i32
    %dma_start3A_464 = tpu.memref_slice %arg4[%squeeze3A_457, %dma_start3A_462, %dma_start3A_463] : memref<125000x8x64xf32, #tpu.memory_space<hbm>> -> memref<1x8x64xf32, #tpu.memory_space<hbm>>
    %dma_start3A_465 = arith.constant 14 : i32
    %dma_start3A_466 = arith.constant 0 : i32
    %dma_start3A_467 = arith.constant 0 : i32
    %dma_start3A_468 = tpu.memref_slice %arg11[%dma_start3A_465, %dma_start3A_466, %dma_start3A_467] : memref<16x8x64xf32, #tpu.memory_space<vmem>> -> memref<1x8x64xf32, #tpu.memory_space<vmem>>
    %dma_start3A_469 = arith.constant 0 : i32
    %dma_start3A_470 = arith.constant 0 : i32
    %dma_start3A_471 = tpu.memref_slice %arg4[%squeeze3A_457, %dma_start3A_469, %dma_start3A_470] : memref<125000x8x64xf32, #tpu.memory_space<hbm>> -> memref<1x8x64xf32, #tpu.memory_space<hbm>>
    tpu.enqueue_dma source(%dma_start3A_471 : memref<1x8x64xf32, #tpu.memory_space<hbm>>) target(%dma_start3A_468 : memref<1x8x64xf32, #tpu.memory_space<vmem>>) target_semaphore(%arg16 : memref<!tpu.dma_semaphore, #tpu.memory_space<semaphore_mem>>)
    %slice3A_472 = vector.extract_strided_slice %get3A_10 {offsets = [14], sizes = [1], strides = [1]} : vector<16xi32> to vector<1xi32>
    %squeeze3A_473 = vector.extract %slice3A_472[0] : i32 from vector<1xi32>
    %dma_start3A_474 = arith.constant 14 : i32
    %dma_start3A_475 = arith.constant 0 : i32
    %dma_start3A_476 = arith.constant 0 : i32
    %dma_start3A_477 = tpu.memref_slice %arg13[%dma_start3A_474, %dma_start3A_475, %dma_start3A_476] : memref<16x8x64xf32, #tpu.memory_space<vmem>> -> memref<1x8x64xf32, #tpu.memory_space<vmem>>
    %dma_start3A_478 = arith.constant 0 : i32
    %dma_start3A_479 = arith.constant 0 : i32
    %dma_start3A_480 = tpu.memref_slice %arg5[%squeeze3A_473, %dma_start3A_478, %dma_start3A_479] : memref<12500x8x64xf32, #tpu.memory_space<hbm>> -> memref<1x8x64xf32, #tpu.memory_space<hbm>>
    %dma_start3A_481 = arith.constant 14 : i32
    %dma_start3A_482 = arith.constant 0 : i32
    %dma_start3A_483 = arith.constant 0 : i32
    %dma_start3A_484 = tpu.memref_slice %arg13[%dma_start3A_481, %dma_start3A_482, %dma_start3A_483] : memref<16x8x64xf32, #tpu.memory_space<vmem>> -> memref<1x8x64xf32, #tpu.memory_space<vmem>>
    %dma_start3A_485 = arith.constant 0 : i32
    %dma_start3A_486 = arith.constant 0 : i32
    %dma_start3A_487 = tpu.memref_slice %arg5[%squeeze3A_473, %dma_start3A_485, %dma_start3A_486] : memref<12500x8x64xf32, #tpu.memory_space<hbm>> -> memref<1x8x64xf32, #tpu.memory_space<hbm>>
    tpu.enqueue_dma source(%dma_start3A_487 : memref<1x8x64xf32, #tpu.memory_space<hbm>>) target(%dma_start3A_484 : memref<1x8x64xf32, #tpu.memory_space<vmem>>) target_semaphore(%arg18 : memref<!tpu.dma_semaphore, #tpu.memory_space<semaphore_mem>>)
    %slice3A_488 = vector.extract_strided_slice %get3A_8 {offsets = [15], sizes = [1], strides = [1]} : vector<16xi32> to vector<1xi32>
    %squeeze3A_489 = vector.extract %slice3A_488[0] : i32 from vector<1xi32>
    %dma_start3A_490 = arith.constant 15 : i32
    %dma_start3A_491 = arith.constant 0 : i32
    %dma_start3A_492 = arith.constant 0 : i32
    %dma_start3A_493 = tpu.memref_slice %arg11[%dma_start3A_490, %dma_start3A_491, %dma_start3A_492] : memref<16x8x64xf32, #tpu.memory_space<vmem>> -> memref<1x8x64xf32, #tpu.memory_space<vmem>>
    %dma_start3A_494 = arith.constant 0 : i32
    %dma_start3A_495 = arith.constant 0 : i32
    %dma_start3A_496 = tpu.memref_slice %arg4[%squeeze3A_489, %dma_start3A_494, %dma_start3A_495] : memref<125000x8x64xf32, #tpu.memory_space<hbm>> -> memref<1x8x64xf32, #tpu.memory_space<hbm>>
    %dma_start3A_497 = arith.constant 15 : i32
    %dma_start3A_498 = arith.constant 0 : i32
    %dma_start3A_499 = arith.constant 0 : i32
    %dma_start3A_500 = tpu.memref_slice %arg11[%dma_start3A_497, %dma_start3A_498, %dma_start3A_499] : memref<16x8x64xf32, #tpu.memory_space<vmem>> -> memref<1x8x64xf32, #tpu.memory_space<vmem>>
    %dma_start3A_501 = arith.constant 0 : i32
    %dma_start3A_502 = arith.constant 0 : i32
    %dma_start3A_503 = tpu.memref_slice %arg4[%squeeze3A_489, %dma_start3A_501, %dma_start3A_502] : memref<125000x8x64xf32, #tpu.memory_space<hbm>> -> memref<1x8x64xf32, #tpu.memory_space<hbm>>
    tpu.enqueue_dma source(%dma_start3A_503 : memref<1x8x64xf32, #tpu.memory_space<hbm>>) target(%dma_start3A_500 : memref<1x8x64xf32, #tpu.memory_space<vmem>>) target_semaphore(%arg16 : memref<!tpu.dma_semaphore, #tpu.memory_space<semaphore_mem>>)
    %slice3A_504 = vector.extract_strided_slice %get3A_10 {offsets = [15], sizes = [1], strides = [1]} : vector<16xi32> to vector<1xi32>
    %squeeze3A_505 = vector.extract %slice3A_504[0] : i32 from vector<1xi32>
    %dma_start3A_506 = arith.constant 15 : i32
    %dma_start3A_507 = arith.constant 0 : i32
    %dma_start3A_508 = arith.constant 0 : i32
    %dma_start3A_509 = tpu.memref_slice %arg13[%dma_start3A_506, %dma_start3A_507, %dma_start3A_508] : memref<16x8x64xf32, #tpu.memory_space<vmem>> -> memref<1x8x64xf32, #tpu.memory_space<vmem>>
    %dma_start3A_510 = arith.constant 0 : i32
    %dma_start3A_511 = arith.constant 0 : i32
    %dma_start3A_512 = tpu.memref_slice %arg5[%squeeze3A_505, %dma_start3A_510, %dma_start3A_511] : memref<12500x8x64xf32, #tpu.memory_space<hbm>> -> memref<1x8x64xf32, #tpu.memory_space<hbm>>
    %dma_start3A_513 = arith.constant 15 : i32
    %dma_start3A_514 = arith.constant 0 : i32
    %dma_start3A_515 = arith.constant 0 : i32
    %dma_start3A_516 = tpu.memref_slice %arg13[%dma_start3A_513, %dma_start3A_514, %dma_start3A_515] : memref<16x8x64xf32, #tpu.memory_space<vmem>> -> memref<1x8x64xf32, #tpu.memory_space<vmem>>
    %dma_start3A_517 = arith.constant 0 : i32
    %dma_start3A_518 = arith.constant 0 : i32
    %dma_start3A_519 = tpu.memref_slice %arg5[%squeeze3A_505, %dma_start3A_517, %dma_start3A_518] : memref<12500x8x64xf32, #tpu.memory_space<hbm>> -> memref<1x8x64xf32, #tpu.memory_space<hbm>>
    tpu.enqueue_dma source(%dma_start3A_519 : memref<1x8x64xf32, #tpu.memory_space<hbm>>) target(%dma_start3A_516 : memref<1x8x64xf32, #tpu.memory_space<vmem>>) target_semaphore(%arg18 : memref<!tpu.dma_semaphore, #tpu.memory_space<semaphore_mem>>)
    %scan3A_520 = arith.constant 0 : i32
    %scan3A_521 = arith.constant 0 : i32
    %scan3A_522 = arith.constant 16 : i32
    %scan3A_523 = arith.addi %scan3A_521, %scan3A_522 : i32
    %scan3A_524 = arith.constant 1 : i32
    scf.for %scan3A_526 = %scan3A_521 to %scan3A_523 step %scan3A_524  : i32 {
      %mul3A_527 = arith.constant 2 : i32
      %mul3A_528 = arith.muli %scan3A_526, %mul3A_527 : i32
      %add3A_529 = arith.constant 1 : i32
      %add3A_530 = arith.addi %mul3A_528, %add3A_529 : i32
      %mul3A_531 = arith.constant 16 : i32
      %mul3A_532 = arith.muli %add3A_530, %mul3A_531 : i32
      %get3A_533 = arith.index_cast %mul3A_532 : i32 to index
      %get3A_534 = tpu.vector_load %arg9[%get3A_533] {strides = array<i32>} : memref<512xi32, #tpu.memory_space<vmem>>, vector<16xi32>,
      %mul3A_535 = arith.constant 16 : i32
      %mul3A_536 = arith.muli %add3A_530, %mul3A_535 : i32
      %get3A_537 = arith.index_cast %mul3A_536 : i32 to index
      %get3A_538 = tpu.vector_load %arg10[%get3A_537] {strides = array<i32>} : memref<512xi32, #tpu.memory_space<vmem>>, vector<16xi32>,
      %slice3A_539 = vector.extract_strided_slice %get3A_534 {offsets = [0], sizes = [1], strides = [1]} : vector<16xi32> to vector<1xi32>
      %squeeze3A_540 = vector.extract %slice3A_539[0] : i32 from vector<1xi32>
      %dma_start3A_541 = arith.constant 0 : i32
      %dma_start3A_542 = arith.constant 0 : i32
      %dma_start3A_543 = arith.constant 0 : i32
      %dma_start3A_544 = tpu.memref_slice %arg12[%dma_start3A_541, %dma_start3A_542, %dma_start3A_543] : memref<16x8x64xf32, #tpu.memory_space<vmem>> -> memref<1x8x64xf32, #tpu.memory_space<vmem>>
      %dma_start3A_545 = arith.constant 0 : i32
      %dma_start3A_546 = arith.constant 0 : i32
      %dma_start3A_547 = tpu.memref_slice %arg4[%squeeze3A_540, %dma_start3A_545, %dma_start3A_546] : memref<125000x8x64xf32, #tpu.memory_space<hbm>> -> memref<1x8x64xf32, #tpu.memory_space<hbm>>
      %dma_start3A_548 = arith.constant 0 : i32
      %dma_start3A_549 = arith.constant 0 : i32
      %dma_start3A_550 = arith.constant 0 : i32
      %dma_start3A_551 = tpu.memref_slice %arg12[%dma_start3A_548, %dma_start3A_549, %dma_start3A_550] : memref<16x8x64xf32, #tpu.memory_space<vmem>> -> memref<1x8x64xf32, #tpu.memory_space<vmem>>
      %dma_start3A_552 = arith.constant 0 : i32
      %dma_start3A_553 = arith.constant 0 : i32
      %dma_start3A_554 = tpu.memref_slice %arg4[%squeeze3A_540, %dma_start3A_552, %dma_start3A_553] : memref<125000x8x64xf32, #tpu.memory_space<hbm>> -> memref<1x8x64xf32, #tpu.memory_space<hbm>>
      tpu.enqueue_dma source(%dma_start3A_554 : memref<1x8x64xf32, #tpu.memory_space<hbm>>) target(%dma_start3A_551 : memref<1x8x64xf32, #tpu.memory_space<vmem>>) target_semaphore(%arg17 : memref<!tpu.dma_semaphore, #tpu.memory_space<semaphore_mem>>)
      %slice3A_555 = vector.extract_strided_slice %get3A_538 {offsets = [0], sizes = [1], strides = [1]} : vector<16xi32> to vector<1xi32>
      %squeeze3A_556 = vector.extract %slice3A_555[0] : i32 from vector<1xi32>
      %dma_start3A_557 = arith.constant 0 : i32
      %dma_start3A_558 = arith.constant 0 : i32
      %dma_start3A_559 = arith.constant 0 : i32
      %dma_start3A_560 = tpu.memref_slice %arg14[%dma_start3A_557, %dma_start3A_558, %dma_start3A_559] : memref<16x8x64xf32, #tpu.memory_space<vmem>> -> memref<1x8x64xf32, #tpu.memory_space<vmem>>
      %dma_start3A_561 = arith.constant 0 : i32
      %dma_start3A_562 = arith.constant 0 : i32
      %dma_start3A_563 = tpu.memref_slice %arg5[%squeeze3A_556, %dma_start3A_561, %dma_start3A_562] : memref<12500x8x64xf32, #tpu.memory_space<hbm>> -> memref<1x8x64xf32, #tpu.memory_space<hbm>>
      %dma_start3A_564 = arith.constant 0 : i32
      %dma_start3A_565 = arith.constant 0 : i32
      %dma_start3A_566 = arith.constant 0 : i32
      %dma_start3A_567 = tpu.memref_slice %arg14[%dma_start3A_564, %dma_start3A_565, %dma_start3A_566] : memref<16x8x64xf32, #tpu.memory_space<vmem>> -> memref<1x8x64xf32, #tpu.memory_space<vmem>>
      %dma_start3A_568 = arith.constant 0 : i32
      %dma_start3A_569 = arith.constant 0 : i32
      %dma_start3A_570 = tpu.memref_slice %arg5[%squeeze3A_556, %dma_start3A_568, %dma_start3A_569] : memref<12500x8x64xf32, #tpu.memory_space<hbm>> -> memref<1x8x64xf32, #tpu.memory_space<hbm>>
      tpu.enqueue_dma source(%dma_start3A_570 : memref<1x8x64xf32, #tpu.memory_space<hbm>>) target(%dma_start3A_567 : memref<1x8x64xf32, #tpu.memory_space<vmem>>) target_semaphore(%arg19 : memref<!tpu.dma_semaphore, #tpu.memory_space<semaphore_mem>>)
      %slice3A_571 = vector.extract_strided_slice %get3A_534 {offsets = [1], sizes = [1], strides = [1]} : vector<16xi32> to vector<1xi32>
      %squeeze3A_572 = vector.extract %slice3A_571[0] : i32 from vector<1xi32>
      %dma_start3A_573 = arith.constant 1 : i32
      %dma_start3A_574 = arith.constant 0 : i32
      %dma_start3A_575 = arith.constant 0 : i32
      %dma_start3A_576 = tpu.memref_slice %arg12[%dma_start3A_573, %dma_start3A_574, %dma_start3A_575] : memref<16x8x64xf32, #tpu.memory_space<vmem>> -> memref<1x8x64xf32, #tpu.memory_space<vmem>>
      %dma_start3A_577 = arith.constant 0 : i32
      %dma_start3A_578 = arith.constant 0 : i32
      %dma_start3A_579 = tpu.memref_slice %arg4[%squeeze3A_572, %dma_start3A_577, %dma_start3A_578] : memref<125000x8x64xf32, #tpu.memory_space<hbm>> -> memref<1x8x64xf32, #tpu.memory_space<hbm>>
      %dma_start3A_580 = arith.constant 1 : i32
      %dma_start3A_581 = arith.constant 0 : i32
      %dma_start3A_582 = arith.constant 0 : i32
      %dma_start3A_583 = tpu.memref_slice %arg12[%dma_start3A_580, %dma_start3A_581, %dma_start3A_582] : memref<16x8x64xf32, #tpu.memory_space<vmem>> -> memref<1x8x64xf32, #tpu.memory_space<vmem>>
      %dma_start3A_584 = arith.constant 0 : i32
      %dma_start3A_585 = arith.constant 0 : i32
      %dma_start3A_586 = tpu.memref_slice %arg4[%squeeze3A_572, %dma_start3A_584, %dma_start3A_585] : memref<125000x8x64xf32, #tpu.memory_space<hbm>> -> memref<1x8x64xf32, #tpu.memory_space<hbm>>
      tpu.enqueue_dma source(%dma_start3A_586 : memref<1x8x64xf32, #tpu.memory_space<hbm>>) target(%dma_start3A_583 : memref<1x8x64xf32, #tpu.memory_space<vmem>>) target_semaphore(%arg17 : memref<!tpu.dma_semaphore, #tpu.memory_space<semaphore_mem>>)
      %slice3A_587 = vector.extract_strided_slice %get3A_538 {offsets = [1], sizes = [1], strides = [1]} : vector<16xi32> to vector<1xi32>
      %squeeze3A_588 = vector.extract %slice3A_587[0] : i32 from vector<1xi32>
      %dma_start3A_589 = arith.constant 1 : i32
      %dma_start3A_590 = arith.constant 0 : i32
      %dma_start3A_591 = arith.constant 0 : i32
      %dma_start3A_592 = tpu.memref_slice %arg14[%dma_start3A_589, %dma_start3A_590, %dma_start3A_591] : memref<16x8x64xf32, #tpu.memory_space<vmem>> -> memref<1x8x64xf32, #tpu.memory_space<vmem>>
      %dma_start3A_593 = arith.constant 0 : i32
      %dma_start3A_594 = arith.constant 0 : i32
      %dma_start3A_595 = tpu.memref_slice %arg5[%squeeze3A_588, %dma_start3A_593, %dma_start3A_594] : memref<12500x8x64xf32, #tpu.memory_space<hbm>> -> memref<1x8x64xf32, #tpu.memory_space<hbm>>
      %dma_start3A_596 = arith.constant 1 : i32
      %dma_start3A_597 = arith.constant 0 : i32
      %dma_start3A_598 = arith.constant 0 : i32
      %dma_start3A_599 = tpu.memref_slice %arg14[%dma_start3A_596, %dma_start3A_597, %dma_start3A_598] : memref<16x8x64xf32, #tpu.memory_space<vmem>> -> memref<1x8x64xf32, #tpu.memory_space<vmem>>
      %dma_start3A_600 = arith.constant 0 : i32
      %dma_start3A_601 = arith.constant 0 : i32
      %dma_start3A_602 = tpu.memref_slice %arg5[%squeeze3A_588, %dma_start3A_600, %dma_start3A_601] : memref<12500x8x64xf32, #tpu.memory_space<hbm>> -> memref<1x8x64xf32, #tpu.memory_space<hbm>>
      tpu.enqueue_dma source(%dma_start3A_602 : memref<1x8x64xf32, #tpu.memory_space<hbm>>) target(%dma_start3A_599 : memref<1x8x64xf32, #tpu.memory_space<vmem>>) target_semaphore(%arg19 : memref<!tpu.dma_semaphore, #tpu.memory_space<semaphore_mem>>)
      %slice3A_603 = vector.extract_strided_slice %get3A_534 {offsets = [2], sizes = [1], strides = [1]} : vector<16xi32> to vector<1xi32>
      %squeeze3A_604 = vector.extract %slice3A_603[0] : i32 from vector<1xi32>
      %dma_start3A_605 = arith.constant 2 : i32
      %dma_start3A_606 = arith.constant 0 : i32
      %dma_start3A_607 = arith.constant 0 : i32
      %dma_start3A_608 = tpu.memref_slice %arg12[%dma_start3A_605, %dma_start3A_606, %dma_start3A_607] : memref<16x8x64xf32, #tpu.memory_space<vmem>> -> memref<1x8x64xf32, #tpu.memory_space<vmem>>
      %dma_start3A_609 = arith.constant 0 : i32
      %dma_start3A_610 = arith.constant 0 : i32
      %dma_start3A_611 = tpu.memref_slice %arg4[%squeeze3A_604, %dma_start3A_609, %dma_start3A_610] : memref<125000x8x64xf32, #tpu.memory_space<hbm>> -> memref<1x8x64xf32, #tpu.memory_space<hbm>>
      %dma_start3A_612 = arith.constant 2 : i32
      %dma_start3A_613 = arith.constant 0 : i32
      %dma_start3A_614 = arith.constant 0 : i32
      %dma_start3A_615 = tpu.memref_slice %arg12[%dma_start3A_612, %dma_start3A_613, %dma_start3A_614] : memref<16x8x64xf32, #tpu.memory_space<vmem>> -> memref<1x8x64xf32, #tpu.memory_space<vmem>>
      %dma_start3A_616 = arith.constant 0 : i32
      %dma_start3A_617 = arith.constant 0 : i32
      %dma_start3A_618 = tpu.memref_slice %arg4[%squeeze3A_604, %dma_start3A_616, %dma_start3A_617] : memref<125000x8x64xf32, #tpu.memory_space<hbm>> -> memref<1x8x64xf32, #tpu.memory_space<hbm>>
      tpu.enqueue_dma source(%dma_start3A_618 : memref<1x8x64xf32, #tpu.memory_space<hbm>>) target(%dma_start3A_615 : memref<1x8x64xf32, #tpu.memory_space<vmem>>) target_semaphore(%arg17 : memref<!tpu.dma_semaphore, #tpu.memory_space<semaphore_mem>>)
      %slice3A_619 = vector.extract_strided_slice %get3A_538 {offsets = [2], sizes = [1], strides = [1]} : vector<16xi32> to vector<1xi32>
      %squeeze3A_620 = vector.extract %slice3A_619[0] : i32 from vector<1xi32>
      %dma_start3A_621 = arith.constant 2 : i32
      %dma_start3A_622 = arith.constant 0 : i32
      %dma_start3A_623 = arith.constant 0 : i32
      %dma_start3A_624 = tpu.memref_slice %arg14[%dma_start3A_621, %dma_start3A_622, %dma_start3A_623] : memref<16x8x64xf32, #tpu.memory_space<vmem>> -> memref<1x8x64xf32, #tpu.memory_space<vmem>>
      %dma_start3A_625 = arith.constant 0 : i32
      %dma_start3A_626 = arith.constant 0 : i32
      %dma_start3A_627 = tpu.memref_slice %arg5[%squeeze3A_620, %dma_start3A_625, %dma_start3A_626] : memref<12500x8x64xf32, #tpu.memory_space<hbm>> -> memref<1x8x64xf32, #tpu.memory_space<hbm>>
      %dma_start3A_628 = arith.constant 2 : i32
      %dma_start3A_629 = arith.constant 0 : i32
      %dma_start3A_630 = arith.constant 0 : i32
      %dma_start3A_631 = tpu.memref_slice %arg14[%dma_start3A_628, %dma_start3A_629, %dma_start3A_630] : memref<16x8x64xf32, #tpu.memory_space<vmem>> -> memref<1x8x64xf32, #tpu.memory_space<vmem>>
      %dma_start3A_632 = arith.constant 0 : i32
      %dma_start3A_633 = arith.constant 0 : i32
      %dma_start3A_634 = tpu.memref_slice %arg5[%squeeze3A_620, %dma_start3A_632, %dma_start3A_633] : memref<12500x8x64xf32, #tpu.memory_space<hbm>> -> memref<1x8x64xf32, #tpu.memory_space<hbm>>
      tpu.enqueue_dma source(%dma_start3A_634 : memref<1x8x64xf32, #tpu.memory_space<hbm>>) target(%dma_start3A_631 : memref<1x8x64xf32, #tpu.memory_space<vmem>>) target_semaphore(%arg19 : memref<!tpu.dma_semaphore, #tpu.memory_space<semaphore_mem>>)
      %slice3A_635 = vector.extract_strided_slice %get3A_534 {offsets = [3], sizes = [1], strides = [1]} : vector<16xi32> to vector<1xi32>
      %squeeze3A_636 = vector.extract %slice3A_635[0] : i32 from vector<1xi32>
      %dma_start3A_637 = arith.constant 3 : i32
      %dma_start3A_638 = arith.constant 0 : i32
      %dma_start3A_639 = arith.constant 0 : i32
      %dma_start3A_640 = tpu.memref_slice %arg12[%dma_start3A_637, %dma_start3A_638, %dma_start3A_639] : memref<16x8x64xf32, #tpu.memory_space<vmem>> -> memref<1x8x64xf32, #tpu.memory_space<vmem>>
      %dma_start3A_641 = arith.constant 0 : i32
      %dma_start3A_642 = arith.constant 0 : i32
      %dma_start3A_643 = tpu.memref_slice %arg4[%squeeze3A_636, %dma_start3A_641, %dma_start3A_642] : memref<125000x8x64xf32, #tpu.memory_space<hbm>> -> memref<1x8x64xf32, #tpu.memory_space<hbm>>
      %dma_start3A_644 = arith.constant 3 : i32
      %dma_start3A_645 = arith.constant 0 : i32
      %dma_start3A_646 = arith.constant 0 : i32
      %dma_start3A_647 = tpu.memref_slice %arg12[%dma_start3A_644, %dma_start3A_645, %dma_start3A_646] : memref<16x8x64xf32, #tpu.memory_space<vmem>> -> memref<1x8x64xf32, #tpu.memory_space<vmem>>
      %dma_start3A_648 = arith.constant 0 : i32
      %dma_start3A_649 = arith.constant 0 : i32
      %dma_start3A_650 = tpu.memref_slice %arg4[%squeeze3A_636, %dma_start3A_648, %dma_start3A_649] : memref<125000x8x64xf32, #tpu.memory_space<hbm>> -> memref<1x8x64xf32, #tpu.memory_space<hbm>>
      tpu.enqueue_dma source(%dma_start3A_650 : memref<1x8x64xf32, #tpu.memory_space<hbm>>) target(%dma_start3A_647 : memref<1x8x64xf32, #tpu.memory_space<vmem>>) target_semaphore(%arg17 : memref<!tpu.dma_semaphore, #tpu.memory_space<semaphore_mem>>)
      %slice3A_651 = vector.extract_strided_slice %get3A_538 {offsets = [3], sizes = [1], strides = [1]} : vector<16xi32> to vector<1xi32>
      %squeeze3A_652 = vector.extract %slice3A_651[0] : i32 from vector<1xi32>
      %dma_start3A_653 = arith.constant 3 : i32
      %dma_start3A_654 = arith.constant 0 : i32
      %dma_start3A_655 = arith.constant 0 : i32
      %dma_start3A_656 = tpu.memref_slice %arg14[%dma_start3A_653, %dma_start3A_654, %dma_start3A_655] : memref<16x8x64xf32, #tpu.memory_space<vmem>> -> memref<1x8x64xf32, #tpu.memory_space<vmem>>
      %dma_start3A_657 = arith.constant 0 : i32
      %dma_start3A_658 = arith.constant 0 : i32
      %dma_start3A_659 = tpu.memref_slice %arg5[%squeeze3A_652, %dma_start3A_657, %dma_start3A_658] : memref<12500x8x64xf32, #tpu.memory_space<hbm>> -> memref<1x8x64xf32, #tpu.memory_space<hbm>>
      %dma_start3A_660 = arith.constant 3 : i32
      %dma_start3A_661 = arith.constant 0 : i32
      %dma_start3A_662 = arith.constant 0 : i32
      %dma_start3A_663 = tpu.memref_slice %arg14[%dma_start3A_660, %dma_start3A_661, %dma_start3A_662] : memref<16x8x64xf32, #tpu.memory_space<vmem>> -> memref<1x8x64xf32, #tpu.memory_space<vmem>>
      %dma_start3A_664 = arith.constant 0 : i32
      %dma_start3A_665 = arith.constant 0 : i32
      %dma_start3A_666 = tpu.memref_slice %arg5[%squeeze3A_652, %dma_start3A_664, %dma_start3A_665] : memref<12500x8x64xf32, #tpu.memory_space<hbm>> -> memref<1x8x64xf32, #tpu.memory_space<hbm>>
      tpu.enqueue_dma source(%dma_start3A_666 : memref<1x8x64xf32, #tpu.memory_space<hbm>>) target(%dma_start3A_663 : memref<1x8x64xf32, #tpu.memory_space<vmem>>) target_semaphore(%arg19 : memref<!tpu.dma_semaphore, #tpu.memory_space<semaphore_mem>>)
      %slice3A_667 = vector.extract_strided_slice %get3A_534 {offsets = [4], sizes = [1], strides = [1]} : vector<16xi32> to vector<1xi32>
      %squeeze3A_668 = vector.extract %slice3A_667[0] : i32 from vector<1xi32>
      %dma_start3A_669 = arith.constant 4 : i32
      %dma_start3A_670 = arith.constant 0 : i32
      %dma_start3A_671 = arith.constant 0 : i32
      %dma_start3A_672 = tpu.memref_slice %arg12[%dma_start3A_669, %dma_start3A_670, %dma_start3A_671] : memref<16x8x64xf32, #tpu.memory_space<vmem>> -> memref<1x8x64xf32, #tpu.memory_space<vmem>>
      %dma_start3A_673 = arith.constant 0 : i32
      %dma_start3A_674 = arith.constant 0 : i32
      %dma_start3A_675 = tpu.memref_slice %arg4[%squeeze3A_668, %dma_start3A_673, %dma_start3A_674] : memref<125000x8x64xf32, #tpu.memory_space<hbm>> -> memref<1x8x64xf32, #tpu.memory_space<hbm>>
      %dma_start3A_676 = arith.constant 4 : i32
      %dma_start3A_677 = arith.constant 0 : i32
      %dma_start3A_678 = arith.constant 0 : i32
      %dma_start3A_679 = tpu.memref_slice %arg12[%dma_start3A_676, %dma_start3A_677, %dma_start3A_678] : memref<16x8x64xf32, #tpu.memory_space<vmem>> -> memref<1x8x64xf32, #tpu.memory_space<vmem>>
      %dma_start3A_680 = arith.constant 0 : i32
      %dma_start3A_681 = arith.constant 0 : i32
      %dma_start3A_682 = tpu.memref_slice %arg4[%squeeze3A_668, %dma_start3A_680, %dma_start3A_681] : memref<125000x8x64xf32, #tpu.memory_space<hbm>> -> memref<1x8x64xf32, #tpu.memory_space<hbm>>
      tpu.enqueue_dma source(%dma_start3A_682 : memref<1x8x64xf32, #tpu.memory_space<hbm>>) target(%dma_start3A_679 : memref<1x8x64xf32, #tpu.memory_space<vmem>>) target_semaphore(%arg17 : memref<!tpu.dma_semaphore, #tpu.memory_space<semaphore_mem>>)
      %slice3A_683 = vector.extract_strided_slice %get3A_538 {offsets = [4], sizes = [1], strides = [1]} : vector<16xi32> to vector<1xi32>
      %squeeze3A_684 = vector.extract %slice3A_683[0] : i32 from vector<1xi32>
      %dma_start3A_685 = arith.constant 4 : i32
      %dma_start3A_686 = arith.constant 0 : i32
      %dma_start3A_687 = arith.constant 0 : i32
      %dma_start3A_688 = tpu.memref_slice %arg14[%dma_start3A_685, %dma_start3A_686, %dma_start3A_687] : memref<16x8x64xf32, #tpu.memory_space<vmem>> -> memref<1x8x64xf32, #tpu.memory_space<vmem>>
      %dma_start3A_689 = arith.constant 0 : i32
      %dma_start3A_690 = arith.constant 0 : i32
      %dma_start3A_691 = tpu.memref_slice %arg5[%squeeze3A_684, %dma_start3A_689, %dma_start3A_690] : memref<12500x8x64xf32, #tpu.memory_space<hbm>> -> memref<1x8x64xf32, #tpu.memory_space<hbm>>
      %dma_start3A_692 = arith.constant 4 : i32
      %dma_start3A_693 = arith.constant 0 : i32
      %dma_start3A_694 = arith.constant 0 : i32
      %dma_start3A_695 = tpu.memref_slice %arg14[%dma_start3A_692, %dma_start3A_693, %dma_start3A_694] : memref<16x8x64xf32, #tpu.memory_space<vmem>> -> memref<1x8x64xf32, #tpu.memory_space<vmem>>
      %dma_start3A_696 = arith.constant 0 : i32
      %dma_start3A_697 = arith.constant 0 : i32
      %dma_start3A_698 = tpu.memref_slice %arg5[%squeeze3A_684, %dma_start3A_696, %dma_start3A_697] : memref<12500x8x64xf32, #tpu.memory_space<hbm>> -> memref<1x8x64xf32, #tpu.memory_space<hbm>>
      tpu.enqueue_dma source(%dma_start3A_698 : memref<1x8x64xf32, #tpu.memory_space<hbm>>) target(%dma_start3A_695 : memref<1x8x64xf32, #tpu.memory_space<vmem>>) target_semaphore(%arg19 : memref<!tpu.dma_semaphore, #tpu.memory_space<semaphore_mem>>)
      %slice3A_699 = vector.extract_strided_slice %get3A_534 {offsets = [5], sizes = [1], strides = [1]} : vector<16xi32> to vector<1xi32>
      %squeeze3A_700 = vector.extract %slice3A_699[0] : i32 from vector<1xi32>
      %dma_start3A_701 = arith.constant 5 : i32
      %dma_start3A_702 = arith.constant 0 : i32
      %dma_start3A_703 = arith.constant 0 : i32
      %dma_start3A_704 = tpu.memref_slice %arg12[%dma_start3A_701, %dma_start3A_702, %dma_start3A_703] : memref<16x8x64xf32, #tpu.memory_space<vmem>> -> memref<1x8x64xf32, #tpu.memory_space<vmem>>
      %dma_start3A_705 = arith.constant 0 : i32
      %dma_start3A_706 = arith.constant 0 : i32
      %dma_start3A_707 = tpu.memref_slice %arg4[%squeeze3A_700, %dma_start3A_705, %dma_start3A_706] : memref<125000x8x64xf32, #tpu.memory_space<hbm>> -> memref<1x8x64xf32, #tpu.memory_space<hbm>>
      %dma_start3A_708 = arith.constant 5 : i32
      %dma_start3A_709 = arith.constant 0 : i32
      %dma_start3A_710 = arith.constant 0 : i32
      %dma_start3A_711 = tpu.memref_slice %arg12[%dma_start3A_708, %dma_start3A_709, %dma_start3A_710] : memref<16x8x64xf32, #tpu.memory_space<vmem>> -> memref<1x8x64xf32, #tpu.memory_space<vmem>>
      %dma_start3A_712 = arith.constant 0 : i32
      %dma_start3A_713 = arith.constant 0 : i32
      %dma_start3A_714 = tpu.memref_slice %arg4[%squeeze3A_700, %dma_start3A_712, %dma_start3A_713] : memref<125000x8x64xf32, #tpu.memory_space<hbm>> -> memref<1x8x64xf32, #tpu.memory_space<hbm>>
      tpu.enqueue_dma source(%dma_start3A_714 : memref<1x8x64xf32, #tpu.memory_space<hbm>>) target(%dma_start3A_711 : memref<1x8x64xf32, #tpu.memory_space<vmem>>) target_semaphore(%arg17 : memref<!tpu.dma_semaphore, #tpu.memory_space<semaphore_mem>>)
      %slice3A_715 = vector.extract_strided_slice %get3A_538 {offsets = [5], sizes = [1], strides = [1]} : vector<16xi32> to vector<1xi32>
      %squeeze3A_716 = vector.extract %slice3A_715[0] : i32 from vector<1xi32>
      %dma_start3A_717 = arith.constant 5 : i32
      %dma_start3A_718 = arith.constant 0 : i32
      %dma_start3A_719 = arith.constant 0 : i32
      %dma_start3A_720 = tpu.memref_slice %arg14[%dma_start3A_717, %dma_start3A_718, %dma_start3A_719] : memref<16x8x64xf32, #tpu.memory_space<vmem>> -> memref<1x8x64xf32, #tpu.memory_space<vmem>>
      %dma_start3A_721 = arith.constant 0 : i32
      %dma_start3A_722 = arith.constant 0 : i32
      %dma_start3A_723 = tpu.memref_slice %arg5[%squeeze3A_716, %dma_start3A_721, %dma_start3A_722] : memref<12500x8x64xf32, #tpu.memory_space<hbm>> -> memref<1x8x64xf32, #tpu.memory_space<hbm>>
      %dma_start3A_724 = arith.constant 5 : i32
      %dma_start3A_725 = arith.constant 0 : i32
      %dma_start3A_726 = arith.constant 0 : i32
      %dma_start3A_727 = tpu.memref_slice %arg14[%dma_start3A_724, %dma_start3A_725, %dma_start3A_726] : memref<16x8x64xf32, #tpu.memory_space<vmem>> -> memref<1x8x64xf32, #tpu.memory_space<vmem>>
      %dma_start3A_728 = arith.constant 0 : i32
      %dma_start3A_729 = arith.constant 0 : i32
      %dma_start3A_730 = tpu.memref_slice %arg5[%squeeze3A_716, %dma_start3A_728, %dma_start3A_729] : memref<12500x8x64xf32, #tpu.memory_space<hbm>> -> memref<1x8x64xf32, #tpu.memory_space<hbm>>
      tpu.enqueue_dma source(%dma_start3A_730 : memref<1x8x64xf32, #tpu.memory_space<hbm>>) target(%dma_start3A_727 : memref<1x8x64xf32, #tpu.memory_space<vmem>>) target_semaphore(%arg19 : memref<!tpu.dma_semaphore, #tpu.memory_space<semaphore_mem>>)
      %slice3A_731 = vector.extract_strided_slice %get3A_534 {offsets = [6], sizes = [1], strides = [1]} : vector<16xi32> to vector<1xi32>
      %squeeze3A_732 = vector.extract %slice3A_731[0] : i32 from vector<1xi32>
      %dma_start3A_733 = arith.constant 6 : i32
      %dma_start3A_734 = arith.constant 0 : i32
      %dma_start3A_735 = arith.constant 0 : i32
      %dma_start3A_736 = tpu.memref_slice %arg12[%dma_start3A_733, %dma_start3A_734, %dma_start3A_735] : memref<16x8x64xf32, #tpu.memory_space<vmem>> -> memref<1x8x64xf32, #tpu.memory_space<vmem>>
      %dma_start3A_737 = arith.constant 0 : i32
      %dma_start3A_738 = arith.constant 0 : i32
      %dma_start3A_739 = tpu.memref_slice %arg4[%squeeze3A_732, %dma_start3A_737, %dma_start3A_738] : memref<125000x8x64xf32, #tpu.memory_space<hbm>> -> memref<1x8x64xf32, #tpu.memory_space<hbm>>
      %dma_start3A_740 = arith.constant 6 : i32
      %dma_start3A_741 = arith.constant 0 : i32
      %dma_start3A_742 = arith.constant 0 : i32
      %dma_start3A_743 = tpu.memref_slice %arg12[%dma_start3A_740, %dma_start3A_741, %dma_start3A_742] : memref<16x8x64xf32, #tpu.memory_space<vmem>> -> memref<1x8x64xf32, #tpu.memory_space<vmem>>
      %dma_start3A_744 = arith.constant 0 : i32
      %dma_start3A_745 = arith.constant 0 : i32
      %dma_start3A_746 = tpu.memref_slice %arg4[%squeeze3A_732, %dma_start3A_744, %dma_start3A_745] : memref<125000x8x64xf32, #tpu.memory_space<hbm>> -> memref<1x8x64xf32, #tpu.memory_space<hbm>>
      tpu.enqueue_dma source(%dma_start3A_746 : memref<1x8x64xf32, #tpu.memory_space<hbm>>) target(%dma_start3A_743 : memref<1x8x64xf32, #tpu.memory_space<vmem>>) target_semaphore(%arg17 : memref<!tpu.dma_semaphore, #tpu.memory_space<semaphore_mem>>)
      %slice3A_747 = vector.extract_strided_slice %get3A_538 {offsets = [6], sizes = [1], strides = [1]} : vector<16xi32> to vector<1xi32>
      %squeeze3A_748 = vector.extract %slice3A_747[0] : i32 from vector<1xi32>
      %dma_start3A_749 = arith.constant 6 : i32
      %dma_start3A_750 = arith.constant 0 : i32
      %dma_start3A_751 = arith.constant 0 : i32
      %dma_start3A_752 = tpu.memref_slice %arg14[%dma_start3A_749, %dma_start3A_750, %dma_start3A_751] : memref<16x8x64xf32, #tpu.memory_space<vmem>> -> memref<1x8x64xf32, #tpu.memory_space<vmem>>
      %dma_start3A_753 = arith.constant 0 : i32
      %dma_start3A_754 = arith.constant 0 : i32
      %dma_start3A_755 = tpu.memref_slice %arg5[%squeeze3A_748, %dma_start3A_753, %dma_start3A_754] : memref<12500x8x64xf32, #tpu.memory_space<hbm>> -> memref<1x8x64xf32, #tpu.memory_space<hbm>>
      %dma_start3A_756 = arith.constant 6 : i32
      %dma_start3A_757 = arith.constant 0 : i32
      %dma_start3A_758 = arith.constant 0 : i32
      %dma_start3A_759 = tpu.memref_slice %arg14[%dma_start3A_756, %dma_start3A_757, %dma_start3A_758] : memref<16x8x64xf32, #tpu.memory_space<vmem>> -> memref<1x8x64xf32, #tpu.memory_space<vmem>>
      %dma_start3A_760 = arith.constant 0 : i32
      %dma_start3A_761 = arith.constant 0 : i32
      %dma_start3A_762 = tpu.memref_slice %arg5[%squeeze3A_748, %dma_start3A_760, %dma_start3A_761] : memref<12500x8x64xf32, #tpu.memory_space<hbm>> -> memref<1x8x64xf32, #tpu.memory_space<hbm>>
      tpu.enqueue_dma source(%dma_start3A_762 : memref<1x8x64xf32, #tpu.memory_space<hbm>>) target(%dma_start3A_759 : memref<1x8x64xf32, #tpu.memory_space<vmem>>) target_semaphore(%arg19 : memref<!tpu.dma_semaphore, #tpu.memory_space<semaphore_mem>>)
      %slice3A_763 = vector.extract_strided_slice %get3A_534 {offsets = [7], sizes = [1], strides = [1]} : vector<16xi32> to vector<1xi32>
      %squeeze3A_764 = vector.extract %slice3A_763[0] : i32 from vector<1xi32>
      %dma_start3A_765 = arith.constant 7 : i32
      %dma_start3A_766 = arith.constant 0 : i32
      %dma_start3A_767 = arith.constant 0 : i32
      %dma_start3A_768 = tpu.memref_slice %arg12[%dma_start3A_765, %dma_start3A_766, %dma_start3A_767] : memref<16x8x64xf32, #tpu.memory_space<vmem>> -> memref<1x8x64xf32, #tpu.memory_space<vmem>>
      %dma_start3A_769 = arith.constant 0 : i32
      %dma_start3A_770 = arith.constant 0 : i32
      %dma_start3A_771 = tpu.memref_slice %arg4[%squeeze3A_764, %dma_start3A_769, %dma_start3A_770] : memref<125000x8x64xf32, #tpu.memory_space<hbm>> -> memref<1x8x64xf32, #tpu.memory_space<hbm>>
      %dma_start3A_772 = arith.constant 7 : i32
      %dma_start3A_773 = arith.constant 0 : i32
      %dma_start3A_774 = arith.constant 0 : i32
      %dma_start3A_775 = tpu.memref_slice %arg12[%dma_start3A_772, %dma_start3A_773, %dma_start3A_774] : memref<16x8x64xf32, #tpu.memory_space<vmem>> -> memref<1x8x64xf32, #tpu.memory_space<vmem>>
      %dma_start3A_776 = arith.constant 0 : i32
      %dma_start3A_777 = arith.constant 0 : i32
      %dma_start3A_778 = tpu.memref_slice %arg4[%squeeze3A_764, %dma_start3A_776, %dma_start3A_777] : memref<125000x8x64xf32, #tpu.memory_space<hbm>> -> memref<1x8x64xf32, #tpu.memory_space<hbm>>
      tpu.enqueue_dma source(%dma_start3A_778 : memref<1x8x64xf32, #tpu.memory_space<hbm>>) target(%dma_start3A_775 : memref<1x8x64xf32, #tpu.memory_space<vmem>>) target_semaphore(%arg17 : memref<!tpu.dma_semaphore, #tpu.memory_space<semaphore_mem>>)
      %slice3A_779 = vector.extract_strided_slice %get3A_538 {offsets = [7], sizes = [1], strides = [1]} : vector<16xi32> to vector<1xi32>
      %squeeze3A_780 = vector.extract %slice3A_779[0] : i32 from vector<1xi32>
      %dma_start3A_781 = arith.constant 7 : i32
      %dma_start3A_782 = arith.constant 0 : i32
      %dma_start3A_783 = arith.constant 0 : i32
      %dma_start3A_784 = tpu.memref_slice %arg14[%dma_start3A_781, %dma_start3A_782, %dma_start3A_783] : memref<16x8x64xf32, #tpu.memory_space<vmem>> -> memref<1x8x64xf32, #tpu.memory_space<vmem>>
      %dma_start3A_785 = arith.constant 0 : i32
      %dma_start3A_786 = arith.constant 0 : i32
      %dma_start3A_787 = tpu.memref_slice %arg5[%squeeze3A_780, %dma_start3A_785, %dma_start3A_786] : memref<12500x8x64xf32, #tpu.memory_space<hbm>> -> memref<1x8x64xf32, #tpu.memory_space<hbm>>
      %dma_start3A_788 = arith.constant 7 : i32
      %dma_start3A_789 = arith.constant 0 : i32
      %dma_start3A_790 = arith.constant 0 : i32
      %dma_start3A_791 = tpu.memref_slice %arg14[%dma_start3A_788, %dma_start3A_789, %dma_start3A_790] : memref<16x8x64xf32, #tpu.memory_space<vmem>> -> memref<1x8x64xf32, #tpu.memory_space<vmem>>
      %dma_start3A_792 = arith.constant 0 : i32
      %dma_start3A_793 = arith.constant 0 : i32
      %dma_start3A_794 = tpu.memref_slice %arg5[%squeeze3A_780, %dma_start3A_792, %dma_start3A_793] : memref<12500x8x64xf32, #tpu.memory_space<hbm>> -> memref<1x8x64xf32, #tpu.memory_space<hbm>>
      tpu.enqueue_dma source(%dma_start3A_794 : memref<1x8x64xf32, #tpu.memory_space<hbm>>) target(%dma_start3A_791 : memref<1x8x64xf32, #tpu.memory_space<vmem>>) target_semaphore(%arg19 : memref<!tpu.dma_semaphore, #tpu.memory_space<semaphore_mem>>)
      %slice3A_795 = vector.extract_strided_slice %get3A_534 {offsets = [8], sizes = [1], strides = [1]} : vector<16xi32> to vector<1xi32>
      %squeeze3A_796 = vector.extract %slice3A_795[0] : i32 from vector<1xi32>
      %dma_start3A_797 = arith.constant 8 : i32
      %dma_start3A_798 = arith.constant 0 : i32
      %dma_start3A_799 = arith.constant 0 : i32
      %dma_start3A_800 = tpu.memref_slice %arg12[%dma_start3A_797, %dma_start3A_798, %dma_start3A_799] : memref<16x8x64xf32, #tpu.memory_space<vmem>> -> memref<1x8x64xf32, #tpu.memory_space<vmem>>
      %dma_start3A_801 = arith.constant 0 : i32
      %dma_start3A_802 = arith.constant 0 : i32
      %dma_start3A_803 = tpu.memref_slice %arg4[%squeeze3A_796, %dma_start3A_801, %dma_start3A_802] : memref<125000x8x64xf32, #tpu.memory_space<hbm>> -> memref<1x8x64xf32, #tpu.memory_space<hbm>>
      %dma_start3A_804 = arith.constant 8 : i32
      %dma_start3A_805 = arith.constant 0 : i32
      %dma_start3A_806 = arith.constant 0 : i32
      %dma_start3A_807 = tpu.memref_slice %arg12[%dma_start3A_804, %dma_start3A_805, %dma_start3A_806] : memref<16x8x64xf32, #tpu.memory_space<vmem>> -> memref<1x8x64xf32, #tpu.memory_space<vmem>>
      %dma_start3A_808 = arith.constant 0 : i32
      %dma_start3A_809 = arith.constant 0 : i32
      %dma_start3A_810 = tpu.memref_slice %arg4[%squeeze3A_796, %dma_start3A_808, %dma_start3A_809] : memref<125000x8x64xf32, #tpu.memory_space<hbm>> -> memref<1x8x64xf32, #tpu.memory_space<hbm>>
      tpu.enqueue_dma source(%dma_start3A_810 : memref<1x8x64xf32, #tpu.memory_space<hbm>>) target(%dma_start3A_807 : memref<1x8x64xf32, #tpu.memory_space<vmem>>) target_semaphore(%arg17 : memref<!tpu.dma_semaphore, #tpu.memory_space<semaphore_mem>>)
      %slice3A_811 = vector.extract_strided_slice %get3A_538 {offsets = [8], sizes = [1], strides = [1]} : vector<16xi32> to vector<1xi32>
      %squeeze3A_812 = vector.extract %slice3A_811[0] : i32 from vector<1xi32>
      %dma_start3A_813 = arith.constant 8 : i32
      %dma_start3A_814 = arith.constant 0 : i32
      %dma_start3A_815 = arith.constant 0 : i32
      %dma_start3A_816 = tpu.memref_slice %arg14[%dma_start3A_813, %dma_start3A_814, %dma_start3A_815] : memref<16x8x64xf32, #tpu.memory_space<vmem>> -> memref<1x8x64xf32, #tpu.memory_space<vmem>>
      %dma_start3A_817 = arith.constant 0 : i32
      %dma_start3A_818 = arith.constant 0 : i32
      %dma_start3A_819 = tpu.memref_slice %arg5[%squeeze3A_812, %dma_start3A_817, %dma_start3A_818] : memref<12500x8x64xf32, #tpu.memory_space<hbm>> -> memref<1x8x64xf32, #tpu.memory_space<hbm>>
      %dma_start3A_820 = arith.constant 8 : i32
      %dma_start3A_821 = arith.constant 0 : i32
      %dma_start3A_822 = arith.constant 0 : i32
      %dma_start3A_823 = tpu.memref_slice %arg14[%dma_start3A_820, %dma_start3A_821, %dma_start3A_822] : memref<16x8x64xf32, #tpu.memory_space<vmem>> -> memref<1x8x64xf32, #tpu.memory_space<vmem>>
      %dma_start3A_824 = arith.constant 0 : i32
      %dma_start3A_825 = arith.constant 0 : i32
      %dma_start3A_826 = tpu.memref_slice %arg5[%squeeze3A_812, %dma_start3A_824, %dma_start3A_825] : memref<12500x8x64xf32, #tpu.memory_space<hbm>> -> memref<1x8x64xf32, #tpu.memory_space<hbm>>
      tpu.enqueue_dma source(%dma_start3A_826 : memref<1x8x64xf32, #tpu.memory_space<hbm>>) target(%dma_start3A_823 : memref<1x8x64xf32, #tpu.memory_space<vmem>>) target_semaphore(%arg19 : memref<!tpu.dma_semaphore, #tpu.memory_space<semaphore_mem>>)
      %slice3A_827 = vector.extract_strided_slice %get3A_534 {offsets = [9], sizes = [1], strides = [1]} : vector<16xi32> to vector<1xi32>
      %squeeze3A_828 = vector.extract %slice3A_827[0] : i32 from vector<1xi32>
      %dma_start3A_829 = arith.constant 9 : i32
      %dma_start3A_830 = arith.constant 0 : i32
      %dma_start3A_831 = arith.constant 0 : i32
      %dma_start3A_832 = tpu.memref_slice %arg12[%dma_start3A_829, %dma_start3A_830, %dma_start3A_831] : memref<16x8x64xf32, #tpu.memory_space<vmem>> -> memref<1x8x64xf32, #tpu.memory_space<vmem>>
      %dma_start3A_833 = arith.constant 0 : i32
      %dma_start3A_834 = arith.constant 0 : i32
      %dma_start3A_835 = tpu.memref_slice %arg4[%squeeze3A_828, %dma_start3A_833, %dma_start3A_834] : memref<125000x8x64xf32, #tpu.memory_space<hbm>> -> memref<1x8x64xf32, #tpu.memory_space<hbm>>
      %dma_start3A_836 = arith.constant 9 : i32
      %dma_start3A_837 = arith.constant 0 : i32
      %dma_start3A_838 = arith.constant 0 : i32
      %dma_start3A_839 = tpu.memref_slice %arg12[%dma_start3A_836, %dma_start3A_837, %dma_start3A_838] : memref<16x8x64xf32, #tpu.memory_space<vmem>> -> memref<1x8x64xf32, #tpu.memory_space<vmem>>
      %dma_start3A_840 = arith.constant 0 : i32
      %dma_start3A_841 = arith.constant 0 : i32
      %dma_start3A_842 = tpu.memref_slice %arg4[%squeeze3A_828, %dma_start3A_840, %dma_start3A_841] : memref<125000x8x64xf32, #tpu.memory_space<hbm>> -> memref<1x8x64xf32, #tpu.memory_space<hbm>>
      tpu.enqueue_dma source(%dma_start3A_842 : memref<1x8x64xf32, #tpu.memory_space<hbm>>) target(%dma_start3A_839 : memref<1x8x64xf32, #tpu.memory_space<vmem>>) target_semaphore(%arg17 : memref<!tpu.dma_semaphore, #tpu.memory_space<semaphore_mem>>)
      %slice3A_843 = vector.extract_strided_slice %get3A_538 {offsets = [9], sizes = [1], strides = [1]} : vector<16xi32> to vector<1xi32>
      %squeeze3A_844 = vector.extract %slice3A_843[0] : i32 from vector<1xi32>
      %dma_start3A_845 = arith.constant 9 : i32
      %dma_start3A_846 = arith.constant 0 : i32
      %dma_start3A_847 = arith.constant 0 : i32
      %dma_start3A_848 = tpu.memref_slice %arg14[%dma_start3A_845, %dma_start3A_846, %dma_start3A_847] : memref<16x8x64xf32, #tpu.memory_space<vmem>> -> memref<1x8x64xf32, #tpu.memory_space<vmem>>
      %dma_start3A_849 = arith.constant 0 : i32
      %dma_start3A_850 = arith.constant 0 : i32
      %dma_start3A_851 = tpu.memref_slice %arg5[%squeeze3A_844, %dma_start3A_849, %dma_start3A_850] : memref<12500x8x64xf32, #tpu.memory_space<hbm>> -> memref<1x8x64xf32, #tpu.memory_space<hbm>>
      %dma_start3A_852 = arith.constant 9 : i32
      %dma_start3A_853 = arith.constant 0 : i32
      %dma_start3A_854 = arith.constant 0 : i32
      %dma_start3A_855 = tpu.memref_slice %arg14[%dma_start3A_852, %dma_start3A_853, %dma_start3A_854] : memref<16x8x64xf32, #tpu.memory_space<vmem>> -> memref<1x8x64xf32, #tpu.memory_space<vmem>>
      %dma_start3A_856 = arith.constant 0 : i32
      %dma_start3A_857 = arith.constant 0 : i32
      %dma_start3A_858 = tpu.memref_slice %arg5[%squeeze3A_844, %dma_start3A_856, %dma_start3A_857] : memref<12500x8x64xf32, #tpu.memory_space<hbm>> -> memref<1x8x64xf32, #tpu.memory_space<hbm>>
      tpu.enqueue_dma source(%dma_start3A_858 : memref<1x8x64xf32, #tpu.memory_space<hbm>>) target(%dma_start3A_855 : memref<1x8x64xf32, #tpu.memory_space<vmem>>) target_semaphore(%arg19 : memref<!tpu.dma_semaphore, #tpu.memory_space<semaphore_mem>>)
      %slice3A_859 = vector.extract_strided_slice %get3A_534 {offsets = [10], sizes = [1], strides = [1]} : vector<16xi32> to vector<1xi32>
      %squeeze3A_860 = vector.extract %slice3A_859[0] : i32 from vector<1xi32>
      %dma_start3A_861 = arith.constant 10 : i32
      %dma_start3A_862 = arith.constant 0 : i32
      %dma_start3A_863 = arith.constant 0 : i32
      %dma_start3A_864 = tpu.memref_slice %arg12[%dma_start3A_861, %dma_start3A_862, %dma_start3A_863] : memref<16x8x64xf32, #tpu.memory_space<vmem>> -> memref<1x8x64xf32, #tpu.memory_space<vmem>>
      %dma_start3A_865 = arith.constant 0 : i32
      %dma_start3A_866 = arith.constant 0 : i32
      %dma_start3A_867 = tpu.memref_slice %arg4[%squeeze3A_860, %dma_start3A_865, %dma_start3A_866] : memref<125000x8x64xf32, #tpu.memory_space<hbm>> -> memref<1x8x64xf32, #tpu.memory_space<hbm>>
      %dma_start3A_868 = arith.constant 10 : i32
      %dma_start3A_869 = arith.constant 0 : i32
      %dma_start3A_870 = arith.constant 0 : i32
      %dma_start3A_871 = tpu.memref_slice %arg12[%dma_start3A_868, %dma_start3A_869, %dma_start3A_870] : memref<16x8x64xf32, #tpu.memory_space<vmem>> -> memref<1x8x64xf32, #tpu.memory_space<vmem>>
      %dma_start3A_872 = arith.constant 0 : i32
      %dma_start3A_873 = arith.constant 0 : i32
      %dma_start3A_874 = tpu.memref_slice %arg4[%squeeze3A_860, %dma_start3A_872, %dma_start3A_873] : memref<125000x8x64xf32, #tpu.memory_space<hbm>> -> memref<1x8x64xf32, #tpu.memory_space<hbm>>
      tpu.enqueue_dma source(%dma_start3A_874 : memref<1x8x64xf32, #tpu.memory_space<hbm>>) target(%dma_start3A_871 : memref<1x8x64xf32, #tpu.memory_space<vmem>>) target_semaphore(%arg17 : memref<!tpu.dma_semaphore, #tpu.memory_space<semaphore_mem>>)
      %slice3A_875 = vector.extract_strided_slice %get3A_538 {offsets = [10], sizes = [1], strides = [1]} : vector<16xi32> to vector<1xi32>
      %squeeze3A_876 = vector.extract %slice3A_875[0] : i32 from vector<1xi32>
      %dma_start3A_877 = arith.constant 10 : i32
      %dma_start3A_878 = arith.constant 0 : i32
      %dma_start3A_879 = arith.constant 0 : i32
      %dma_start3A_880 = tpu.memref_slice %arg14[%dma_start3A_877, %dma_start3A_878, %dma_start3A_879] : memref<16x8x64xf32, #tpu.memory_space<vmem>> -> memref<1x8x64xf32, #tpu.memory_space<vmem>>
      %dma_start3A_881 = arith.constant 0 : i32
      %dma_start3A_882 = arith.constant 0 : i32
      %dma_start3A_883 = tpu.memref_slice %arg5[%squeeze3A_876, %dma_start3A_881, %dma_start3A_882] : memref<12500x8x64xf32, #tpu.memory_space<hbm>> -> memref<1x8x64xf32, #tpu.memory_space<hbm>>
      %dma_start3A_884 = arith.constant 10 : i32
      %dma_start3A_885 = arith.constant 0 : i32
      %dma_start3A_886 = arith.constant 0 : i32
      %dma_start3A_887 = tpu.memref_slice %arg14[%dma_start3A_884, %dma_start3A_885, %dma_start3A_886] : memref<16x8x64xf32, #tpu.memory_space<vmem>> -> memref<1x8x64xf32, #tpu.memory_space<vmem>>
      %dma_start3A_888 = arith.constant 0 : i32
      %dma_start3A_889 = arith.constant 0 : i32
      %dma_start3A_890 = tpu.memref_slice %arg5[%squeeze3A_876, %dma_start3A_888, %dma_start3A_889] : memref<12500x8x64xf32, #tpu.memory_space<hbm>> -> memref<1x8x64xf32, #tpu.memory_space<hbm>>
      tpu.enqueue_dma source(%dma_start3A_890 : memref<1x8x64xf32, #tpu.memory_space<hbm>>) target(%dma_start3A_887 : memref<1x8x64xf32, #tpu.memory_space<vmem>>) target_semaphore(%arg19 : memref<!tpu.dma_semaphore, #tpu.memory_space<semaphore_mem>>)
      %slice3A_891 = vector.extract_strided_slice %get3A_534 {offsets = [11], sizes = [1], strides = [1]} : vector<16xi32> to vector<1xi32>
      %squeeze3A_892 = vector.extract %slice3A_891[0] : i32 from vector<1xi32>
      %dma_start3A_893 = arith.constant 11 : i32
      %dma_start3A_894 = arith.constant 0 : i32
      %dma_start3A_895 = arith.constant 0 : i32
      %dma_start3A_896 = tpu.memref_slice %arg12[%dma_start3A_893, %dma_start3A_894, %dma_start3A_895] : memref<16x8x64xf32, #tpu.memory_space<vmem>> -> memref<1x8x64xf32, #tpu.memory_space<vmem>>
      %dma_start3A_897 = arith.constant 0 : i32
      %dma_start3A_898 = arith.constant 0 : i32
      %dma_start3A_899 = tpu.memref_slice %arg4[%squeeze3A_892, %dma_start3A_897, %dma_start3A_898] : memref<125000x8x64xf32, #tpu.memory_space<hbm>> -> memref<1x8x64xf32, #tpu.memory_space<hbm>>
      %dma_start3A_900 = arith.constant 11 : i32
      %dma_start3A_901 = arith.constant 0 : i32
      %dma_start3A_902 = arith.constant 0 : i32
      %dma_start3A_903 = tpu.memref_slice %arg12[%dma_start3A_900, %dma_start3A_901, %dma_start3A_902] : memref<16x8x64xf32, #tpu.memory_space<vmem>> -> memref<1x8x64xf32, #tpu.memory_space<vmem>>
      %dma_start3A_904 = arith.constant 0 : i32
      %dma_start3A_905 = arith.constant 0 : i32
      %dma_start3A_906 = tpu.memref_slice %arg4[%squeeze3A_892, %dma_start3A_904, %dma_start3A_905] : memref<125000x8x64xf32, #tpu.memory_space<hbm>> -> memref<1x8x64xf32, #tpu.memory_space<hbm>>
      tpu.enqueue_dma source(%dma_start3A_906 : memref<1x8x64xf32, #tpu.memory_space<hbm>>) target(%dma_start3A_903 : memref<1x8x64xf32, #tpu.memory_space<vmem>>) target_semaphore(%arg17 : memref<!tpu.dma_semaphore, #tpu.memory_space<semaphore_mem>>)
      %slice3A_907 = vector.extract_strided_slice %get3A_538 {offsets = [11], sizes = [1], strides = [1]} : vector<16xi32> to vector<1xi32>
      %squeeze3A_908 = vector.extract %slice3A_907[0] : i32 from vector<1xi32>
      %dma_start3A_909 = arith.constant 11 : i32
      %dma_start3A_910 = arith.constant 0 : i32
      %dma_start3A_911 = arith.constant 0 : i32
      %dma_start3A_912 = tpu.memref_slice %arg14[%dma_start3A_909, %dma_start3A_910, %dma_start3A_911] : memref<16x8x64xf32, #tpu.memory_space<vmem>> -> memref<1x8x64xf32, #tpu.memory_space<vmem>>
      %dma_start3A_913 = arith.constant 0 : i32
      %dma_start3A_914 = arith.constant 0 : i32
      %dma_start3A_915 = tpu.memref_slice %arg5[%squeeze3A_908, %dma_start3A_913, %dma_start3A_914] : memref<12500x8x64xf32, #tpu.memory_space<hbm>> -> memref<1x8x64xf32, #tpu.memory_space<hbm>>
      %dma_start3A_916 = arith.constant 11 : i32
      %dma_start3A_917 = arith.constant 0 : i32
      %dma_start3A_918 = arith.constant 0 : i32
      %dma_start3A_919 = tpu.memref_slice %arg14[%dma_start3A_916, %dma_start3A_917, %dma_start3A_918] : memref<16x8x64xf32, #tpu.memory_space<vmem>> -> memref<1x8x64xf32, #tpu.memory_space<vmem>>
      %dma_start3A_920 = arith.constant 0 : i32
      %dma_start3A_921 = arith.constant 0 : i32
      %dma_start3A_922 = tpu.memref_slice %arg5[%squeeze3A_908, %dma_start3A_920, %dma_start3A_921] : memref<12500x8x64xf32, #tpu.memory_space<hbm>> -> memref<1x8x64xf32, #tpu.memory_space<hbm>>
      tpu.enqueue_dma source(%dma_start3A_922 : memref<1x8x64xf32, #tpu.memory_space<hbm>>) target(%dma_start3A_919 : memref<1x8x64xf32, #tpu.memory_space<vmem>>) target_semaphore(%arg19 : memref<!tpu.dma_semaphore, #tpu.memory_space<semaphore_mem>>)
      %slice3A_923 = vector.extract_strided_slice %get3A_534 {offsets = [12], sizes = [1], strides = [1]} : vector<16xi32> to vector<1xi32>
      %squeeze3A_924 = vector.extract %slice3A_923[0] : i32 from vector<1xi32>
      %dma_start3A_925 = arith.constant 12 : i32
      %dma_start3A_926 = arith.constant 0 : i32
      %dma_start3A_927 = arith.constant 0 : i32
      %dma_start3A_928 = tpu.memref_slice %arg12[%dma_start3A_925, %dma_start3A_926, %dma_start3A_927] : memref<16x8x64xf32, #tpu.memory_space<vmem>> -> memref<1x8x64xf32, #tpu.memory_space<vmem>>
      %dma_start3A_929 = arith.constant 0 : i32
      %dma_start3A_930 = arith.constant 0 : i32
      %dma_start3A_931 = tpu.memref_slice %arg4[%squeeze3A_924, %dma_start3A_929, %dma_start3A_930] : memref<125000x8x64xf32, #tpu.memory_space<hbm>> -> memref<1x8x64xf32, #tpu.memory_space<hbm>>
      %dma_start3A_932 = arith.constant 12 : i32
      %dma_start3A_933 = arith.constant 0 : i32
      %dma_start3A_934 = arith.constant 0 : i32
      %dma_start3A_935 = tpu.memref_slice %arg12[%dma_start3A_932, %dma_start3A_933, %dma_start3A_934] : memref<16x8x64xf32, #tpu.memory_space<vmem>> -> memref<1x8x64xf32, #tpu.memory_space<vmem>>
      %dma_start3A_936 = arith.constant 0 : i32
      %dma_start3A_937 = arith.constant 0 : i32
      %dma_start3A_938 = tpu.memref_slice %arg4[%squeeze3A_924, %dma_start3A_936, %dma_start3A_937] : memref<125000x8x64xf32, #tpu.memory_space<hbm>> -> memref<1x8x64xf32, #tpu.memory_space<hbm>>
      tpu.enqueue_dma source(%dma_start3A_938 : memref<1x8x64xf32, #tpu.memory_space<hbm>>) target(%dma_start3A_935 : memref<1x8x64xf32, #tpu.memory_space<vmem>>) target_semaphore(%arg17 : memref<!tpu.dma_semaphore, #tpu.memory_space<semaphore_mem>>)
      %slice3A_939 = vector.extract_strided_slice %get3A_538 {offsets = [12], sizes = [1], strides = [1]} : vector<16xi32> to vector<1xi32>
      %squeeze3A_940 = vector.extract %slice3A_939[0] : i32 from vector<1xi32>
      %dma_start3A_941 = arith.constant 12 : i32
      %dma_start3A_942 = arith.constant 0 : i32
      %dma_start3A_943 = arith.constant 0 : i32
      %dma_start3A_944 = tpu.memref_slice %arg14[%dma_start3A_941, %dma_start3A_942, %dma_start3A_943] : memref<16x8x64xf32, #tpu.memory_space<vmem>> -> memref<1x8x64xf32, #tpu.memory_space<vmem>>
      %dma_start3A_945 = arith.constant 0 : i32
      %dma_start3A_946 = arith.constant 0 : i32
      %dma_start3A_947 = tpu.memref_slice %arg5[%squeeze3A_940, %dma_start3A_945, %dma_start3A_946] : memref<12500x8x64xf32, #tpu.memory_space<hbm>> -> memref<1x8x64xf32, #tpu.memory_space<hbm>>
      %dma_start3A_948 = arith.constant 12 : i32
      %dma_start3A_949 = arith.constant 0 : i32
      %dma_start3A_950 = arith.constant 0 : i32
      %dma_start3A_951 = tpu.memref_slice %arg14[%dma_start3A_948, %dma_start3A_949, %dma_start3A_950] : memref<16x8x64xf32, #tpu.memory_space<vmem>> -> memref<1x8x64xf32, #tpu.memory_space<vmem>>
      %dma_start3A_952 = arith.constant 0 : i32
      %dma_start3A_953 = arith.constant 0 : i32
      %dma_start3A_954 = tpu.memref_slice %arg5[%squeeze3A_940, %dma_start3A_952, %dma_start3A_953] : memref<12500x8x64xf32, #tpu.memory_space<hbm>> -> memref<1x8x64xf32, #tpu.memory_space<hbm>>
      tpu.enqueue_dma source(%dma_start3A_954 : memref<1x8x64xf32, #tpu.memory_space<hbm>>) target(%dma_start3A_951 : memref<1x8x64xf32, #tpu.memory_space<vmem>>) target_semaphore(%arg19 : memref<!tpu.dma_semaphore, #tpu.memory_space<semaphore_mem>>)
      %slice3A_955 = vector.extract_strided_slice %get3A_534 {offsets = [13], sizes = [1], strides = [1]} : vector<16xi32> to vector<1xi32>
      %squeeze3A_956 = vector.extract %slice3A_955[0] : i32 from vector<1xi32>
      %dma_start3A_957 = arith.constant 13 : i32
      %dma_start3A_958 = arith.constant 0 : i32
      %dma_start3A_959 = arith.constant 0 : i32
      %dma_start3A_960 = tpu.memref_slice %arg12[%dma_start3A_957, %dma_start3A_958, %dma_start3A_959] : memref<16x8x64xf32, #tpu.memory_space<vmem>> -> memref<1x8x64xf32, #tpu.memory_space<vmem>>
      %dma_start3A_961 = arith.constant 0 : i32
      %dma_start3A_962 = arith.constant 0 : i32
      %dma_start3A_963 = tpu.memref_slice %arg4[%squeeze3A_956, %dma_start3A_961, %dma_start3A_962] : memref<125000x8x64xf32, #tpu.memory_space<hbm>> -> memref<1x8x64xf32, #tpu.memory_space<hbm>>
      %dma_start3A_964 = arith.constant 13 : i32
      %dma_start3A_965 = arith.constant 0 : i32
      %dma_start3A_966 = arith.constant 0 : i32
      %dma_start3A_967 = tpu.memref_slice %arg12[%dma_start3A_964, %dma_start3A_965, %dma_start3A_966] : memref<16x8x64xf32, #tpu.memory_space<vmem>> -> memref<1x8x64xf32, #tpu.memory_space<vmem>>
      %dma_start3A_968 = arith.constant 0 : i32
      %dma_start3A_969 = arith.constant 0 : i32
      %dma_start3A_970 = tpu.memref_slice %arg4[%squeeze3A_956, %dma_start3A_968, %dma_start3A_969] : memref<125000x8x64xf32, #tpu.memory_space<hbm>> -> memref<1x8x64xf32, #tpu.memory_space<hbm>>
      tpu.enqueue_dma source(%dma_start3A_970 : memref<1x8x64xf32, #tpu.memory_space<hbm>>) target(%dma_start3A_967 : memref<1x8x64xf32, #tpu.memory_space<vmem>>) target_semaphore(%arg17 : memref<!tpu.dma_semaphore, #tpu.memory_space<semaphore_mem>>)
      %slice3A_971 = vector.extract_strided_slice %get3A_538 {offsets = [13], sizes = [1], strides = [1]} : vector<16xi32> to vector<1xi32>
      %squeeze3A_972 = vector.extract %slice3A_971[0] : i32 from vector<1xi32>
      %dma_start3A_973 = arith.constant 13 : i32
      %dma_start3A_974 = arith.constant 0 : i32
      %dma_start3A_975 = arith.constant 0 : i32
      %dma_start3A_976 = tpu.memref_slice %arg14[%dma_start3A_973, %dma_start3A_974, %dma_start3A_975] : memref<16x8x64xf32, #tpu.memory_space<vmem>> -> memref<1x8x64xf32, #tpu.memory_space<vmem>>
      %dma_start3A_977 = arith.constant 0 : i32
      %dma_start3A_978 = arith.constant 0 : i32
      %dma_start3A_979 = tpu.memref_slice %arg5[%squeeze3A_972, %dma_start3A_977, %dma_start3A_978] : memref<12500x8x64xf32, #tpu.memory_space<hbm>> -> memref<1x8x64xf32, #tpu.memory_space<hbm>>
      %dma_start3A_980 = arith.constant 13 : i32
      %dma_start3A_981 = arith.constant 0 : i32
      %dma_start3A_982 = arith.constant 0 : i32
      %dma_start3A_983 = tpu.memref_slice %arg14[%dma_start3A_980, %dma_start3A_981, %dma_start3A_982] : memref<16x8x64xf32, #tpu.memory_space<vmem>> -> memref<1x8x64xf32, #tpu.memory_space<vmem>>
      %dma_start3A_984 = arith.constant 0 : i32
      %dma_start3A_985 = arith.constant 0 : i32
      %dma_start3A_986 = tpu.memref_slice %arg5[%squeeze3A_972, %dma_start3A_984, %dma_start3A_985] : memref<12500x8x64xf32, #tpu.memory_space<hbm>> -> memref<1x8x64xf32, #tpu.memory_space<hbm>>
      tpu.enqueue_dma source(%dma_start3A_986 : memref<1x8x64xf32, #tpu.memory_space<hbm>>) target(%dma_start3A_983 : memref<1x8x64xf32, #tpu.memory_space<vmem>>) target_semaphore(%arg19 : memref<!tpu.dma_semaphore, #tpu.memory_space<semaphore_mem>>)
      %slice3A_987 = vector.extract_strided_slice %get3A_534 {offsets = [14], sizes = [1], strides = [1]} : vector<16xi32> to vector<1xi32>
      %squeeze3A_988 = vector.extract %slice3A_987[0] : i32 from vector<1xi32>
      %dma_start3A_989 = arith.constant 14 : i32
      %dma_start3A_990 = arith.constant 0 : i32
      %dma_start3A_991 = arith.constant 0 : i32
      %dma_start3A_992 = tpu.memref_slice %arg12[%dma_start3A_989, %dma_start3A_990, %dma_start3A_991] : memref<16x8x64xf32, #tpu.memory_space<vmem>> -> memref<1x8x64xf32, #tpu.memory_space<vmem>>
      %dma_start3A_993 = arith.constant 0 : i32
      %dma_start3A_994 = arith.constant 0 : i32
      %dma_start3A_995 = tpu.memref_slice %arg4[%squeeze3A_988, %dma_start3A_993, %dma_start3A_994] : memref<125000x8x64xf32, #tpu.memory_space<hbm>> -> memref<1x8x64xf32, #tpu.memory_space<hbm>>
      %dma_start3A_996 = arith.constant 14 : i32
      %dma_start3A_997 = arith.constant 0 : i32
      %dma_start3A_998 = arith.constant 0 : i32
      %dma_start3A_999 = tpu.memref_slice %arg12[%dma_start3A_996, %dma_start3A_997, %dma_start3A_998] : memref<16x8x64xf32, #tpu.memory_space<vmem>> -> memref<1x8x64xf32, #tpu.memory_space<vmem>>
      %dma_start3A_1000 = arith.constant 0 : i32
      %dma_start3A_1001 = arith.constant 0 : i32
      %dma_start3A_1002 = tpu.memref_slice %arg4[%squeeze3A_988, %dma_start3A_1000, %dma_start3A_1001] : memref<125000x8x64xf32, #tpu.memory_space<hbm>> -> memref<1x8x64xf32, #tpu.memory_space<hbm>>
      tpu.enqueue_dma source(%dma_start3A_1002 : memref<1x8x64xf32, #tpu.memory_space<hbm>>) target(%dma_start3A_999 : memref<1x8x64xf32, #tpu.memory_space<vmem>>) target_semaphore(%arg17 : memref<!tpu.dma_semaphore, #tpu.memory_space<semaphore_mem>>)
      %slice3A_1003 = vector.extract_strided_slice %get3A_538 {offsets = [14], sizes = [1], strides = [1]} : vector<16xi32> to vector<1xi32>
      %squeeze3A_1004 = vector.extract %slice3A_1003[0] : i32 from vector<1xi32>
      %dma_start3A_1005 = arith.constant 14 : i32
      %dma_start3A_1006 = arith.constant 0 : i32
      %dma_start3A_1007 = arith.constant 0 : i32
      %dma_start3A_1008 = tpu.memref_slice %arg14[%dma_start3A_1005, %dma_start3A_1006, %dma_start3A_1007] : memref<16x8x64xf32, #tpu.memory_space<vmem>> -> memref<1x8x64xf32, #tpu.memory_space<vmem>>
      %dma_start3A_1009 = arith.constant 0 : i32
      %dma_start3A_1010 = arith.constant 0 : i32
      %dma_start3A_1011 = tpu.memref_slice %arg5[%squeeze3A_1004, %dma_start3A_1009, %dma_start3A_1010] : memref<12500x8x64xf32, #tpu.memory_space<hbm>> -> memref<1x8x64xf32, #tpu.memory_space<hbm>>
      %dma_start3A_1012 = arith.constant 14 : i32
      %dma_start3A_1013 = arith.constant 0 : i32
      %dma_start3A_1014 = arith.constant 0 : i32
      %dma_start3A_1015 = tpu.memref_slice %arg14[%dma_start3A_1012, %dma_start3A_1013, %dma_start3A_1014] : memref<16x8x64xf32, #tpu.memory_space<vmem>> -> memref<1x8x64xf32, #tpu.memory_space<vmem>>
      %dma_start3A_1016 = arith.constant 0 : i32
      %dma_start3A_1017 = arith.constant 0 : i32
      %dma_start3A_1018 = tpu.memref_slice %arg5[%squeeze3A_1004, %dma_start3A_1016, %dma_start3A_1017] : memref<12500x8x64xf32, #tpu.memory_space<hbm>> -> memref<1x8x64xf32, #tpu.memory_space<hbm>>
      tpu.enqueue_dma source(%dma_start3A_1018 : memref<1x8x64xf32, #tpu.memory_space<hbm>>) target(%dma_start3A_1015 : memref<1x8x64xf32, #tpu.memory_space<vmem>>) target_semaphore(%arg19 : memref<!tpu.dma_semaphore, #tpu.memory_space<semaphore_mem>>)
      %slice3A_1019 = vector.extract_strided_slice %get3A_534 {offsets = [15], sizes = [1], strides = [1]} : vector<16xi32> to vector<1xi32>
      %squeeze3A_1020 = vector.extract %slice3A_1019[0] : i32 from vector<1xi32>
      %dma_start3A_1021 = arith.constant 15 : i32
      %dma_start3A_1022 = arith.constant 0 : i32
      %dma_start3A_1023 = arith.constant 0 : i32
      %dma_start3A_1024 = tpu.memref_slice %arg12[%dma_start3A_1021, %dma_start3A_1022, %dma_start3A_1023] : memref<16x8x64xf32, #tpu.memory_space<vmem>> -> memref<1x8x64xf32, #tpu.memory_space<vmem>>
      %dma_start3A_1025 = arith.constant 0 : i32
      %dma_start3A_1026 = arith.constant 0 : i32
      %dma_start3A_1027 = tpu.memref_slice %arg4[%squeeze3A_1020, %dma_start3A_1025, %dma_start3A_1026] : memref<125000x8x64xf32, #tpu.memory_space<hbm>> -> memref<1x8x64xf32, #tpu.memory_space<hbm>>
      %dma_start3A_1028 = arith.constant 15 : i32
      %dma_start3A_1029 = arith.constant 0 : i32
      %dma_start3A_1030 = arith.constant 0 : i32
      %dma_start3A_1031 = tpu.memref_slice %arg12[%dma_start3A_1028, %dma_start3A_1029, %dma_start3A_1030] : memref<16x8x64xf32, #tpu.memory_space<vmem>> -> memref<1x8x64xf32, #tpu.memory_space<vmem>>
      %dma_start3A_1032 = arith.constant 0 : i32
      %dma_start3A_1033 = arith.constant 0 : i32
      %dma_start3A_1034 = tpu.memref_slice %arg4[%squeeze3A_1020, %dma_start3A_1032, %dma_start3A_1033] : memref<125000x8x64xf32, #tpu.memory_space<hbm>> -> memref<1x8x64xf32, #tpu.memory_space<hbm>>
      tpu.enqueue_dma source(%dma_start3A_1034 : memref<1x8x64xf32, #tpu.memory_space<hbm>>) target(%dma_start3A_1031 : memref<1x8x64xf32, #tpu.memory_space<vmem>>) target_semaphore(%arg17 : memref<!tpu.dma_semaphore, #tpu.memory_space<semaphore_mem>>)
      %slice3A_1035 = vector.extract_strided_slice %get3A_538 {offsets = [15], sizes = [1], strides = [1]} : vector<16xi32> to vector<1xi32>
      %squeeze3A_1036 = vector.extract %slice3A_1035[0] : i32 from vector<1xi32>
      %dma_start3A_1037 = arith.constant 15 : i32
      %dma_start3A_1038 = arith.constant 0 : i32
      %dma_start3A_1039 = arith.constant 0 : i32
      %dma_start3A_1040 = tpu.memref_slice %arg14[%dma_start3A_1037, %dma_start3A_1038, %dma_start3A_1039] : memref<16x8x64xf32, #tpu.memory_space<vmem>> -> memref<1x8x64xf32, #tpu.memory_space<vmem>>
      %dma_start3A_1041 = arith.constant 0 : i32
      %dma_start3A_1042 = arith.constant 0 : i32
      %dma_start3A_1043 = tpu.memref_slice %arg5[%squeeze3A_1036, %dma_start3A_1041, %dma_start3A_1042] : memref<12500x8x64xf32, #tpu.memory_space<hbm>> -> memref<1x8x64xf32, #tpu.memory_space<hbm>>
      %dma_start3A_1044 = arith.constant 15 : i32
      %dma_start3A_1045 = arith.constant 0 : i32
      %dma_start3A_1046 = arith.constant 0 : i32
      %dma_start3A_1047 = tpu.memref_slice %arg14[%dma_start3A_1044, %dma_start3A_1045, %dma_start3A_1046] : memref<16x8x64xf32, #tpu.memory_space<vmem>> -> memref<1x8x64xf32, #tpu.memory_space<vmem>>
      %dma_start3A_1048 = arith.constant 0 : i32
      %dma_start3A_1049 = arith.constant 0 : i32
      %dma_start3A_1050 = tpu.memref_slice %arg5[%squeeze3A_1036, %dma_start3A_1048, %dma_start3A_1049] : memref<12500x8x64xf32, #tpu.memory_space<hbm>> -> memref<1x8x64xf32, #tpu.memory_space<hbm>>
      tpu.enqueue_dma source(%dma_start3A_1050 : memref<1x8x64xf32, #tpu.memory_space<hbm>>) target(%dma_start3A_1047 : memref<1x8x64xf32, #tpu.memory_space<vmem>>) target_semaphore(%arg19 : memref<!tpu.dma_semaphore, #tpu.memory_space<semaphore_mem>>)
      %dma_wait3A = arith.constant 0 : i32
      %dma_wait3A_1051 = arith.constant 0 : i32
      %dma_wait3A_1052 = arith.constant 0 : i32
      %dma_wait3A_1053 = tpu.memref_slice %arg4[%dma_wait3A, %dma_wait3A_1051, %dma_wait3A_1052] : memref<125000x8x64xf32, #tpu.memory_space<hbm>> -> memref<16x8x64xf32, #tpu.memory_space<hbm>>
      %dma_wait3A_1054 = arith.constant 0 : i32
      %dma_wait3A_1055 = arith.constant 0 : i32
      %dma_wait3A_1056 = arith.constant 0 : i32
      %dma_wait3A_1057 = tpu.memref_slice %arg4[%dma_wait3A_1054, %dma_wait3A_1055, %dma_wait3A_1056] : memref<125000x8x64xf32, #tpu.memory_space<hbm>> -> memref<16x8x64xf32, #tpu.memory_space<hbm>>
      tpu.wait_dma2 semaphore(%arg16 : memref<!tpu.dma_semaphore, #tpu.memory_space<semaphore_mem>>) src(%dma_wait3A_1057 : memref<16x8x64xf32, #tpu.memory_space<hbm>>) dst(%arg11 : memref<16x8x64xf32, #tpu.memory_space<vmem>>)
      %dma_wait3A_1058 = arith.constant 0 : i32
      %dma_wait3A_1059 = arith.constant 0 : i32
      %dma_wait3A_1060 = arith.constant 0 : i32
      %dma_wait3A_1061 = tpu.memref_slice %arg5[%dma_wait3A_1058, %dma_wait3A_1059, %dma_wait3A_1060] : memref<12500x8x64xf32, #tpu.memory_space<hbm>> -> memref<16x8x64xf32, #tpu.memory_space<hbm>>
      %dma_wait3A_1062 = arith.constant 0 : i32
      %dma_wait3A_1063 = arith.constant 0 : i32
      %dma_wait3A_1064 = arith.constant 0 : i32
      %dma_wait3A_1065 = tpu.memref_slice %arg5[%dma_wait3A_1062, %dma_wait3A_1063, %dma_wait3A_1064] : memref<12500x8x64xf32, #tpu.memory_space<hbm>> -> memref<16x8x64xf32, #tpu.memory_space<hbm>>
      tpu.wait_dma2 semaphore(%arg18 : memref<!tpu.dma_semaphore, #tpu.memory_space<semaphore_mem>>) src(%dma_wait3A_1065 : memref<16x8x64xf32, #tpu.memory_space<hbm>>) dst(%arg13 : memref<16x8x64xf32, #tpu.memory_space<vmem>>)
      %mul3A_1066 = arith.constant 16 : i32
      %mul3A_1067 = arith.muli %mul3A_528, %mul3A_1066 : i32
      %get3A_1068 = arith.index_cast %mul3A_1067 : i32 to index
      %get3A_1069 = tpu.vector_load %arg7[%get3A_1068] {strides = array<i32>} : memref<512xi32, #tpu.memory_space<vmem>>, vector<16xi32>,
      %and3A = arith.constant 7 : i32
      %and3A_1070 = vector.broadcast %and3A : i32 to vector<16xi32>
      %and3A_1071 = arith.andi %get3A_1069, %and3A_1070 : vector<16xi32>
      %mul3A_1072 = arith.constant 16 : i32
      %mul3A_1073 = arith.muli %mul3A_528, %mul3A_1072 : i32
      %get3A_1074 = arith.index_cast %mul3A_1073 : i32 to index
      %get3A_1075 = tpu.vector_load %arg8[%get3A_1074] {strides = array<i32>} : memref<512xi32, #tpu.memory_space<vmem>>, vector<16xi32>,
      %and3A_1076 = arith.constant 7 : i32
      %and3A_1077 = vector.broadcast %and3A_1076 : i32 to vector<16xi32>
      %and3A_1078 = arith.andi %get3A_1075, %and3A_1077 : vector<16xi32>
      %broadcast_in_dim3A = arith.constant 0.000000e+00 : f32
      %broadcast_in_dim3A_1079 = vector.broadcast %broadcast_in_dim3A : f32 to vector<16xf32>
      %broadcast_in_dim3A_1080 = arith.constant 0.000000e+00 : f32
      %broadcast_in_dim3A_1081 = vector.broadcast %broadcast_in_dim3A_1080 : f32 to vector<16xf32>
      %broadcast_in_dim3A_1082 = arith.constant 0.000000e+00 : f32
      %broadcast_in_dim3A_1083 = vector.broadcast %broadcast_in_dim3A_1082 : f32 to vector<16xf32>
      %add3A_1084 = arith.constant 0 : i32
      %add3A_1085 = vector.broadcast %add3A_1084 : i32 to vector<16xi32>
      %add3A_1086 = arith.addi %iota3A, %add3A_1085 : vector<16xi32>
      %and3A_1087 = arith.constant 63 : i32
      %and3A_1088 = vector.broadcast %and3A_1087 : i32 to vector<16xi32>
      %and3A_1089 = arith.andi %add3A_1086, %and3A_1088 : vector<16xi32>
      %gather3A = tpu.vector_load_idx %arg11[%iota3A, %and3A_1071, %and3A_1089] : memref<16x8x64xf32, #tpu.memory_space<vmem>>[vector<16xi32>, vector<16xi32>, vector<16xi32>], vector<16xf32>,
      %gather3A_1090 = tpu.vector_load_idx %arg13[%iota3A, %and3A_1078, %and3A_1089] : memref<16x8x64xf32, #tpu.memory_space<vmem>>[vector<16xi32>, vector<16xi32>, vector<16xi32>], vector<16xf32>,
      %mul3A_1091 = arith.mulf %gather3A, %gather3A_1090 : vector<16xf32>
      %add3A_1092 = arith.addf %broadcast_in_dim3A_1079, %mul3A_1091 : vector<16xf32>
      %mul3A_1093 = arith.mulf %gather3A, %gather3A : vector<16xf32>
      %add3A_1094 = arith.addf %broadcast_in_dim3A_1081, %mul3A_1093 : vector<16xf32>
      %mul3A_1095 = arith.mulf %gather3A_1090, %gather3A_1090 : vector<16xf32>
      %add3A_1096 = arith.addf %broadcast_in_dim3A_1083, %mul3A_1095 : vector<16xf32>
      %add3A_1097 = arith.constant 1 : i32
      %add3A_1098 = vector.broadcast %add3A_1097 : i32 to vector<16xi32>
      %add3A_1099 = arith.addi %iota3A, %add3A_1098 : vector<16xi32>
      %and3A_1100 = arith.constant 63 : i32
      %and3A_1101 = vector.broadcast %and3A_1100 : i32 to vector<16xi32>
      %and3A_1102 = arith.andi %add3A_1099, %and3A_1101 : vector<16xi32>
      %gather3A_1103 = tpu.vector_load_idx %arg11[%iota3A, %and3A_1071, %and3A_1102] : memref<16x8x64xf32, #tpu.memory_space<vmem>>[vector<16xi32>, vector<16xi32>, vector<16xi32>], vector<16xf32>,
      %gather3A_1104 = tpu.vector_load_idx %arg13[%iota3A, %and3A_1078, %and3A_1102] : memref<16x8x64xf32, #tpu.memory_space<vmem>>[vector<16xi32>, vector<16xi32>, vector<16xi32>], vector<16xf32>,
      %mul3A_1105 = arith.mulf %gather3A_1103, %gather3A_1104 : vector<16xf32>
      %add3A_1106 = arith.addf %add3A_1092, %mul3A_1105 : vector<16xf32>
      %mul3A_1107 = arith.mulf %gather3A_1103, %gather3A_1103 : vector<16xf32>
      %add3A_1108 = arith.addf %add3A_1094, %mul3A_1107 : vector<16xf32>
      %mul3A_1109 = arith.mulf %gather3A_1104, %gather3A_1104 : vector<16xf32>
      %add3A_1110 = arith.addf %add3A_1096, %mul3A_1109 : vector<16xf32>
      %add3A_1111 = arith.constant 2 : i32
      %add3A_1112 = vector.broadcast %add3A_1111 : i32 to vector<16xi32>
      %add3A_1113 = arith.addi %iota3A, %add3A_1112 : vector<16xi32>
      %and3A_1114 = arith.constant 63 : i32
      %and3A_1115 = vector.broadcast %and3A_1114 : i32 to vector<16xi32>
      %and3A_1116 = arith.andi %add3A_1113, %and3A_1115 : vector<16xi32>
      %gather3A_1117 = tpu.vector_load_idx %arg11[%iota3A, %and3A_1071, %and3A_1116] : memref<16x8x64xf32, #tpu.memory_space<vmem>>[vector<16xi32>, vector<16xi32>, vector<16xi32>], vector<16xf32>,
      %gather3A_1118 = tpu.vector_load_idx %arg13[%iota3A, %and3A_1078, %and3A_1116] : memref<16x8x64xf32, #tpu.memory_space<vmem>>[vector<16xi32>, vector<16xi32>, vector<16xi32>], vector<16xf32>,
      %mul3A_1119 = arith.mulf %gather3A_1117, %gather3A_1118 : vector<16xf32>
      %add3A_1120 = arith.addf %add3A_1106, %mul3A_1119 : vector<16xf32>
      %mul3A_1121 = arith.mulf %gather3A_1117, %gather3A_1117 : vector<16xf32>
      %add3A_1122 = arith.addf %add3A_1108, %mul3A_1121 : vector<16xf32>
      %mul3A_1123 = arith.mulf %gather3A_1118, %gather3A_1118 : vector<16xf32>
      %add3A_1124 = arith.addf %add3A_1110, %mul3A_1123 : vector<16xf32>
      %add3A_1125 = arith.constant 3 : i32
      %add3A_1126 = vector.broadcast %add3A_1125 : i32 to vector<16xi32>
      %add3A_1127 = arith.addi %iota3A, %add3A_1126 : vector<16xi32>
      %and3A_1128 = arith.constant 63 : i32
      %and3A_1129 = vector.broadcast %and3A_1128 : i32 to vector<16xi32>
      %and3A_1130 = arith.andi %add3A_1127, %and3A_1129 : vector<16xi32>
      %gather3A_1131 = tpu.vector_load_idx %arg11[%iota3A, %and3A_1071, %and3A_1130] : memref<16x8x64xf32, #tpu.memory_space<vmem>>[vector<16xi32>, vector<16xi32>, vector<16xi32>], vector<16xf32>,
      %gather3A_1132 = tpu.vector_load_idx %arg13[%iota3A, %and3A_1078, %and3A_1130] : memref<16x8x64xf32, #tpu.memory_space<vmem>>[vector<16xi32>, vector<16xi32>, vector<16xi32>], vector<16xf32>,
      %mul3A_1133 = arith.mulf %gather3A_1131, %gather3A_1132 : vector<16xf32>
      %add3A_1134 = arith.addf %add3A_1120, %mul3A_1133 : vector<16xf32>
      %mul3A_1135 = arith.mulf %gather3A_1131, %gather3A_1131 : vector<16xf32>
      %add3A_1136 = arith.addf %add3A_1122, %mul3A_1135 : vector<16xf32>
      %mul3A_1137 = arith.mulf %gather3A_1132, %gather3A_1132 : vector<16xf32>
      %add3A_1138 = arith.addf %add3A_1124, %mul3A_1137 : vector<16xf32>
      %add3A_1139 = arith.constant 4 : i32
      %add3A_1140 = vector.broadcast %add3A_1139 : i32 to vector<16xi32>
      %add3A_1141 = arith.addi %iota3A, %add3A_1140 : vector<16xi32>
      %and3A_1142 = arith.constant 63 : i32
      %and3A_1143 = vector.broadcast %and3A_1142 : i32 to vector<16xi32>
      %and3A_1144 = arith.andi %add3A_1141, %and3A_1143 : vector<16xi32>
      %gather3A_1145 = tpu.vector_load_idx %arg11[%iota3A, %and3A_1071, %and3A_1144] : memref<16x8x64xf32, #tpu.memory_space<vmem>>[vector<16xi32>, vector<16xi32>, vector<16xi32>], vector<16xf32>,
      %gather3A_1146 = tpu.vector_load_idx %arg13[%iota3A, %and3A_1078, %and3A_1144] : memref<16x8x64xf32, #tpu.memory_space<vmem>>[vector<16xi32>, vector<16xi32>, vector<16xi32>], vector<16xf32>,
      %mul3A_1147 = arith.mulf %gather3A_1145, %gather3A_1146 : vector<16xf32>
      %add3A_1148 = arith.addf %add3A_1134, %mul3A_1147 : vector<16xf32>
      %mul3A_1149 = arith.mulf %gather3A_1145, %gather3A_1145 : vector<16xf32>
      %add3A_1150 = arith.addf %add3A_1136, %mul3A_1149 : vector<16xf32>
      %mul3A_1151 = arith.mulf %gather3A_1146, %gather3A_1146 : vector<16xf32>
      %add3A_1152 = arith.addf %add3A_1138, %mul3A_1151 : vector<16xf32>
      %add3A_1153 = arith.constant 5 : i32
      %add3A_1154 = vector.broadcast %add3A_1153 : i32 to vector<16xi32>
      %add3A_1155 = arith.addi %iota3A, %add3A_1154 : vector<16xi32>
      %and3A_1156 = arith.constant 63 : i32
      %and3A_1157 = vector.broadcast %and3A_1156 : i32 to vector<16xi32>
      %and3A_1158 = arith.andi %add3A_1155, %and3A_1157 : vector<16xi32>
      %gather3A_1159 = tpu.vector_load_idx %arg11[%iota3A, %and3A_1071, %and3A_1158] : memref<16x8x64xf32, #tpu.memory_space<vmem>>[vector<16xi32>, vector<16xi32>, vector<16xi32>], vector<16xf32>,
      %gather3A_1160 = tpu.vector_load_idx %arg13[%iota3A, %and3A_1078, %and3A_1158] : memref<16x8x64xf32, #tpu.memory_space<vmem>>[vector<16xi32>, vector<16xi32>, vector<16xi32>], vector<16xf32>,
      %mul3A_1161 = arith.mulf %gather3A_1159, %gather3A_1160 : vector<16xf32>
      %add3A_1162 = arith.addf %add3A_1148, %mul3A_1161 : vector<16xf32>
      %mul3A_1163 = arith.mulf %gather3A_1159, %gather3A_1159 : vector<16xf32>
      %add3A_1164 = arith.addf %add3A_1150, %mul3A_1163 : vector<16xf32>
      %mul3A_1165 = arith.mulf %gather3A_1160, %gather3A_1160 : vector<16xf32>
      %add3A_1166 = arith.addf %add3A_1152, %mul3A_1165 : vector<16xf32>
      %add3A_1167 = arith.constant 6 : i32
      %add3A_1168 = vector.broadcast %add3A_1167 : i32 to vector<16xi32>
      %add3A_1169 = arith.addi %iota3A, %add3A_1168 : vector<16xi32>
      %and3A_1170 = arith.constant 63 : i32
      %and3A_1171 = vector.broadcast %and3A_1170 : i32 to vector<16xi32>
      %and3A_1172 = arith.andi %add3A_1169, %and3A_1171 : vector<16xi32>
      %gather3A_1173 = tpu.vector_load_idx %arg11[%iota3A, %and3A_1071, %and3A_1172] : memref<16x8x64xf32, #tpu.memory_space<vmem>>[vector<16xi32>, vector<16xi32>, vector<16xi32>], vector<16xf32>,
      %gather3A_1174 = tpu.vector_load_idx %arg13[%iota3A, %and3A_1078, %and3A_1172] : memref<16x8x64xf32, #tpu.memory_space<vmem>>[vector<16xi32>, vector<16xi32>, vector<16xi32>], vector<16xf32>,
      %mul3A_1175 = arith.mulf %gather3A_1173, %gather3A_1174 : vector<16xf32>
      %add3A_1176 = arith.addf %add3A_1162, %mul3A_1175 : vector<16xf32>
      %mul3A_1177 = arith.mulf %gather3A_1173, %gather3A_1173 : vector<16xf32>
      %add3A_1178 = arith.addf %add3A_1164, %mul3A_1177 : vector<16xf32>
      %mul3A_1179 = arith.mulf %gather3A_1174, %gather3A_1174 : vector<16xf32>
      %add3A_1180 = arith.addf %add3A_1166, %mul3A_1179 : vector<16xf32>
      %add3A_1181 = arith.constant 7 : i32
      %add3A_1182 = vector.broadcast %add3A_1181 : i32 to vector<16xi32>
      %add3A_1183 = arith.addi %iota3A, %add3A_1182 : vector<16xi32>
      %and3A_1184 = arith.constant 63 : i32
      %and3A_1185 = vector.broadcast %and3A_1184 : i32 to vector<16xi32>
      %and3A_1186 = arith.andi %add3A_1183, %and3A_1185 : vector<16xi32>
      %gather3A_1187 = tpu.vector_load_idx %arg11[%iota3A, %and3A_1071, %and3A_1186] : memref<16x8x64xf32, #tpu.memory_space<vmem>>[vector<16xi32>, vector<16xi32>, vector<16xi32>], vector<16xf32>,
      %gather3A_1188 = tpu.vector_load_idx %arg13[%iota3A, %and3A_1078, %and3A_1186] : memref<16x8x64xf32, #tpu.memory_space<vmem>>[vector<16xi32>, vector<16xi32>, vector<16xi32>], vector<16xf32>,
      %mul3A_1189 = arith.mulf %gather3A_1187, %gather3A_1188 : vector<16xf32>
      %add3A_1190 = arith.addf %add3A_1176, %mul3A_1189 : vector<16xf32>
      %mul3A_1191 = arith.mulf %gather3A_1187, %gather3A_1187 : vector<16xf32>
      %add3A_1192 = arith.addf %add3A_1178, %mul3A_1191 : vector<16xf32>
      %mul3A_1193 = arith.mulf %gather3A_1188, %gather3A_1188 : vector<16xf32>
      %add3A_1194 = arith.addf %add3A_1180, %mul3A_1193 : vector<16xf32>
      %add3A_1195 = arith.constant 8 : i32
      %add3A_1196 = vector.broadcast %add3A_1195 : i32 to vector<16xi32>
      %add3A_1197 = arith.addi %iota3A, %add3A_1196 : vector<16xi32>
      %and3A_1198 = arith.constant 63 : i32
      %and3A_1199 = vector.broadcast %and3A_1198 : i32 to vector<16xi32>
      %and3A_1200 = arith.andi %add3A_1197, %and3A_1199 : vector<16xi32>
      %gather3A_1201 = tpu.vector_load_idx %arg11[%iota3A, %and3A_1071, %and3A_1200] : memref<16x8x64xf32, #tpu.memory_space<vmem>>[vector<16xi32>, vector<16xi32>, vector<16xi32>], vector<16xf32>,
      %gather3A_1202 = tpu.vector_load_idx %arg13[%iota3A, %and3A_1078, %and3A_1200] : memref<16x8x64xf32, #tpu.memory_space<vmem>>[vector<16xi32>, vector<16xi32>, vector<16xi32>], vector<16xf32>,
      %mul3A_1203 = arith.mulf %gather3A_1201, %gather3A_1202 : vector<16xf32>
      %add3A_1204 = arith.addf %add3A_1190, %mul3A_1203 : vector<16xf32>
      %mul3A_1205 = arith.mulf %gather3A_1201, %gather3A_1201 : vector<16xf32>
      %add3A_1206 = arith.addf %add3A_1192, %mul3A_1205 : vector<16xf32>
      %mul3A_1207 = arith.mulf %gather3A_1202, %gather3A_1202 : vector<16xf32>
      %add3A_1208 = arith.addf %add3A_1194, %mul3A_1207 : vector<16xf32>
      %add3A_1209 = arith.constant 9 : i32
      %add3A_1210 = vector.broadcast %add3A_1209 : i32 to vector<16xi32>
      %add3A_1211 = arith.addi %iota3A, %add3A_1210 : vector<16xi32>
      %and3A_1212 = arith.constant 63 : i32
      %and3A_1213 = vector.broadcast %and3A_1212 : i32 to vector<16xi32>
      %and3A_1214 = arith.andi %add3A_1211, %and3A_1213 : vector<16xi32>
      %gather3A_1215 = tpu.vector_load_idx %arg11[%iota3A, %and3A_1071, %and3A_1214] : memref<16x8x64xf32, #tpu.memory_space<vmem>>[vector<16xi32>, vector<16xi32>, vector<16xi32>], vector<16xf32>,
      %gather3A_1216 = tpu.vector_load_idx %arg13[%iota3A, %and3A_1078, %and3A_1214] : memref<16x8x64xf32, #tpu.memory_space<vmem>>[vector<16xi32>, vector<16xi32>, vector<16xi32>], vector<16xf32>,
      %mul3A_1217 = arith.mulf %gather3A_1215, %gather3A_1216 : vector<16xf32>
      %add3A_1218 = arith.addf %add3A_1204, %mul3A_1217 : vector<16xf32>
      %mul3A_1219 = arith.mulf %gather3A_1215, %gather3A_1215 : vector<16xf32>
      %add3A_1220 = arith.addf %add3A_1206, %mul3A_1219 : vector<16xf32>
      %mul3A_1221 = arith.mulf %gather3A_1216, %gather3A_1216 : vector<16xf32>
      %add3A_1222 = arith.addf %add3A_1208, %mul3A_1221 : vector<16xf32>
      %add3A_1223 = arith.constant 10 : i32
      %add3A_1224 = vector.broadcast %add3A_1223 : i32 to vector<16xi32>
      %add3A_1225 = arith.addi %iota3A, %add3A_1224 : vector<16xi32>
      %and3A_1226 = arith.constant 63 : i32
      %and3A_1227 = vector.broadcast %and3A_1226 : i32 to vector<16xi32>
      %and3A_1228 = arith.andi %add3A_1225, %and3A_1227 : vector<16xi32>
      %gather3A_1229 = tpu.vector_load_idx %arg11[%iota3A, %and3A_1071, %and3A_1228] : memref<16x8x64xf32, #tpu.memory_space<vmem>>[vector<16xi32>, vector<16xi32>, vector<16xi32>], vector<16xf32>,
      %gather3A_1230 = tpu.vector_load_idx %arg13[%iota3A, %and3A_1078, %and3A_1228] : memref<16x8x64xf32, #tpu.memory_space<vmem>>[vector<16xi32>, vector<16xi32>, vector<16xi32>], vector<16xf32>,
      %mul3A_1231 = arith.mulf %gather3A_1229, %gather3A_1230 : vector<16xf32>
      %add3A_1232 = arith.addf %add3A_1218, %mul3A_1231 : vector<16xf32>
      %mul3A_1233 = arith.mulf %gather3A_1229, %gather3A_1229 : vector<16xf32>
      %add3A_1234 = arith.addf %add3A_1220, %mul3A_1233 : vector<16xf32>
      %mul3A_1235 = arith.mulf %gather3A_1230, %gather3A_1230 : vector<16xf32>
      %add3A_1236 = arith.addf %add3A_1222, %mul3A_1235 : vector<16xf32>
      %add3A_1237 = arith.constant 11 : i32
      %add3A_1238 = vector.broadcast %add3A_1237 : i32 to vector<16xi32>
      %add3A_1239 = arith.addi %iota3A, %add3A_1238 : vector<16xi32>
      %and3A_1240 = arith.constant 63 : i32
      %and3A_1241 = vector.broadcast %and3A_1240 : i32 to vector<16xi32>
      %and3A_1242 = arith.andi %add3A_1239, %and3A_1241 : vector<16xi32>
      %gather3A_1243 = tpu.vector_load_idx %arg11[%iota3A, %and3A_1071, %and3A_1242] : memref<16x8x64xf32, #tpu.memory_space<vmem>>[vector<16xi32>, vector<16xi32>, vector<16xi32>], vector<16xf32>,
      %gather3A_1244 = tpu.vector_load_idx %arg13[%iota3A, %and3A_1078, %and3A_1242] : memref<16x8x64xf32, #tpu.memory_space<vmem>>[vector<16xi32>, vector<16xi32>, vector<16xi32>], vector<16xf32>,
      %mul3A_1245 = arith.mulf %gather3A_1243, %gather3A_1244 : vector<16xf32>
      %add3A_1246 = arith.addf %add3A_1232, %mul3A_1245 : vector<16xf32>
      %mul3A_1247 = arith.mulf %gather3A_1243, %gather3A_1243 : vector<16xf32>
      %add3A_1248 = arith.addf %add3A_1234, %mul3A_1247 : vector<16xf32>
      %mul3A_1249 = arith.mulf %gather3A_1244, %gather3A_1244 : vector<16xf32>
      %add3A_1250 = arith.addf %add3A_1236, %mul3A_1249 : vector<16xf32>
      %add3A_1251 = arith.constant 12 : i32
      %add3A_1252 = vector.broadcast %add3A_1251 : i32 to vector<16xi32>
      %add3A_1253 = arith.addi %iota3A, %add3A_1252 : vector<16xi32>
      %and3A_1254 = arith.constant 63 : i32
      %and3A_1255 = vector.broadcast %and3A_1254 : i32 to vector<16xi32>
      %and3A_1256 = arith.andi %add3A_1253, %and3A_1255 : vector<16xi32>
      %gather3A_1257 = tpu.vector_load_idx %arg11[%iota3A, %and3A_1071, %and3A_1256] : memref<16x8x64xf32, #tpu.memory_space<vmem>>[vector<16xi32>, vector<16xi32>, vector<16xi32>], vector<16xf32>,
      %gather3A_1258 = tpu.vector_load_idx %arg13[%iota3A, %and3A_1078, %and3A_1256] : memref<16x8x64xf32, #tpu.memory_space<vmem>>[vector<16xi32>, vector<16xi32>, vector<16xi32>], vector<16xf32>,
      %mul3A_1259 = arith.mulf %gather3A_1257, %gather3A_1258 : vector<16xf32>
      %add3A_1260 = arith.addf %add3A_1246, %mul3A_1259 : vector<16xf32>
      %mul3A_1261 = arith.mulf %gather3A_1257, %gather3A_1257 : vector<16xf32>
      %add3A_1262 = arith.addf %add3A_1248, %mul3A_1261 : vector<16xf32>
      %mul3A_1263 = arith.mulf %gather3A_1258, %gather3A_1258 : vector<16xf32>
      %add3A_1264 = arith.addf %add3A_1250, %mul3A_1263 : vector<16xf32>
      %add3A_1265 = arith.constant 13 : i32
      %add3A_1266 = vector.broadcast %add3A_1265 : i32 to vector<16xi32>
      %add3A_1267 = arith.addi %iota3A, %add3A_1266 : vector<16xi32>
      %and3A_1268 = arith.constant 63 : i32
      %and3A_1269 = vector.broadcast %and3A_1268 : i32 to vector<16xi32>
      %and3A_1270 = arith.andi %add3A_1267, %and3A_1269 : vector<16xi32>
      %gather3A_1271 = tpu.vector_load_idx %arg11[%iota3A, %and3A_1071, %and3A_1270] : memref<16x8x64xf32, #tpu.memory_space<vmem>>[vector<16xi32>, vector<16xi32>, vector<16xi32>], vector<16xf32>,
      %gather3A_1272 = tpu.vector_load_idx %arg13[%iota3A, %and3A_1078, %and3A_1270] : memref<16x8x64xf32, #tpu.memory_space<vmem>>[vector<16xi32>, vector<16xi32>, vector<16xi32>], vector<16xf32>,
      %mul3A_1273 = arith.mulf %gather3A_1271, %gather3A_1272 : vector<16xf32>
      %add3A_1274 = arith.addf %add3A_1260, %mul3A_1273 : vector<16xf32>
      %mul3A_1275 = arith.mulf %gather3A_1271, %gather3A_1271 : vector<16xf32>
      %add3A_1276 = arith.addf %add3A_1262, %mul3A_1275 : vector<16xf32>
      %mul3A_1277 = arith.mulf %gather3A_1272, %gather3A_1272 : vector<16xf32>
      %add3A_1278 = arith.addf %add3A_1264, %mul3A_1277 : vector<16xf32>
      %add3A_1279 = arith.constant 14 : i32
      %add3A_1280 = vector.broadcast %add3A_1279 : i32 to vector<16xi32>
      %add3A_1281 = arith.addi %iota3A, %add3A_1280 : vector<16xi32>
      %and3A_1282 = arith.constant 63 : i32
      %and3A_1283 = vector.broadcast %and3A_1282 : i32 to vector<16xi32>
      %and3A_1284 = arith.andi %add3A_1281, %and3A_1283 : vector<16xi32>
      %gather3A_1285 = tpu.vector_load_idx %arg11[%iota3A, %and3A_1071, %and3A_1284] : memref<16x8x64xf32, #tpu.memory_space<vmem>>[vector<16xi32>, vector<16xi32>, vector<16xi32>], vector<16xf32>,
      %gather3A_1286 = tpu.vector_load_idx %arg13[%iota3A, %and3A_1078, %and3A_1284] : memref<16x8x64xf32, #tpu.memory_space<vmem>>[vector<16xi32>, vector<16xi32>, vector<16xi32>], vector<16xf32>,
      %mul3A_1287 = arith.mulf %gather3A_1285, %gather3A_1286 : vector<16xf32>
      %add3A_1288 = arith.addf %add3A_1274, %mul3A_1287 : vector<16xf32>
      %mul3A_1289 = arith.mulf %gather3A_1285, %gather3A_1285 : vector<16xf32>
      %add3A_1290 = arith.addf %add3A_1276, %mul3A_1289 : vector<16xf32>
      %mul3A_1291 = arith.mulf %gather3A_1286, %gather3A_1286 : vector<16xf32>
      %add3A_1292 = arith.addf %add3A_1278, %mul3A_1291 : vector<16xf32>
      %add3A_1293 = arith.constant 15 : i32
      %add3A_1294 = vector.broadcast %add3A_1293 : i32 to vector<16xi32>
      %add3A_1295 = arith.addi %iota3A, %add3A_1294 : vector<16xi32>
      %and3A_1296 = arith.constant 63 : i32
      %and3A_1297 = vector.broadcast %and3A_1296 : i32 to vector<16xi32>
      %and3A_1298 = arith.andi %add3A_1295, %and3A_1297 : vector<16xi32>
      %gather3A_1299 = tpu.vector_load_idx %arg11[%iota3A, %and3A_1071, %and3A_1298] : memref<16x8x64xf32, #tpu.memory_space<vmem>>[vector<16xi32>, vector<16xi32>, vector<16xi32>], vector<16xf32>,
      %gather3A_1300 = tpu.vector_load_idx %arg13[%iota3A, %and3A_1078, %and3A_1298] : memref<16x8x64xf32, #tpu.memory_space<vmem>>[vector<16xi32>, vector<16xi32>, vector<16xi32>], vector<16xf32>,
      %mul3A_1301 = arith.mulf %gather3A_1299, %gather3A_1300 : vector<16xf32>
      %add3A_1302 = arith.addf %add3A_1288, %mul3A_1301 : vector<16xf32>
      %mul3A_1303 = arith.mulf %gather3A_1299, %gather3A_1299 : vector<16xf32>
      %add3A_1304 = arith.addf %add3A_1290, %mul3A_1303 : vector<16xf32>
      %mul3A_1305 = arith.mulf %gather3A_1300, %gather3A_1300 : vector<16xf32>
      %add3A_1306 = arith.addf %add3A_1292, %mul3A_1305 : vector<16xf32>
      %add3A_1307 = arith.constant 16 : i32
      %add3A_1308 = vector.broadcast %add3A_1307 : i32 to vector<16xi32>
      %add3A_1309 = arith.addi %iota3A, %add3A_1308 : vector<16xi32>
      %and3A_1310 = arith.constant 63 : i32
      %and3A_1311 = vector.broadcast %and3A_1310 : i32 to vector<16xi32>
      %and3A_1312 = arith.andi %add3A_1309, %and3A_1311 : vector<16xi32>
      %gather3A_1313 = tpu.vector_load_idx %arg11[%iota3A, %and3A_1071, %and3A_1312] : memref<16x8x64xf32, #tpu.memory_space<vmem>>[vector<16xi32>, vector<16xi32>, vector<16xi32>], vector<16xf32>,
      %gather3A_1314 = tpu.vector_load_idx %arg13[%iota3A, %and3A_1078, %and3A_1312] : memref<16x8x64xf32, #tpu.memory_space<vmem>>[vector<16xi32>, vector<16xi32>, vector<16xi32>], vector<16xf32>,
      %mul3A_1315 = arith.mulf %gather3A_1313, %gather3A_1314 : vector<16xf32>
      %add3A_1316 = arith.addf %add3A_1302, %mul3A_1315 : vector<16xf32>
      %mul3A_1317 = arith.mulf %gather3A_1313, %gather3A_1313 : vector<16xf32>
      %add3A_1318 = arith.addf %add3A_1304, %mul3A_1317 : vector<16xf32>
      %mul3A_1319 = arith.mulf %gather3A_1314, %gather3A_1314 : vector<16xf32>
      %add3A_1320 = arith.addf %add3A_1306, %mul3A_1319 : vector<16xf32>
      %add3A_1321 = arith.constant 17 : i32
      %add3A_1322 = vector.broadcast %add3A_1321 : i32 to vector<16xi32>
      %add3A_1323 = arith.addi %iota3A, %add3A_1322 : vector<16xi32>
      %and3A_1324 = arith.constant 63 : i32
      %and3A_1325 = vector.broadcast %and3A_1324 : i32 to vector<16xi32>
      %and3A_1326 = arith.andi %add3A_1323, %and3A_1325 : vector<16xi32>
      %gather3A_1327 = tpu.vector_load_idx %arg11[%iota3A, %and3A_1071, %and3A_1326] : memref<16x8x64xf32, #tpu.memory_space<vmem>>[vector<16xi32>, vector<16xi32>, vector<16xi32>], vector<16xf32>,
      %gather3A_1328 = tpu.vector_load_idx %arg13[%iota3A, %and3A_1078, %and3A_1326] : memref<16x8x64xf32, #tpu.memory_space<vmem>>[vector<16xi32>, vector<16xi32>, vector<16xi32>], vector<16xf32>,
      %mul3A_1329 = arith.mulf %gather3A_1327, %gather3A_1328 : vector<16xf32>
      %add3A_1330 = arith.addf %add3A_1316, %mul3A_1329 : vector<16xf32>
      %mul3A_1331 = arith.mulf %gather3A_1327, %gather3A_1327 : vector<16xf32>
      %add3A_1332 = arith.addf %add3A_1318, %mul3A_1331 : vector<16xf32>
      %mul3A_1333 = arith.mulf %gather3A_1328, %gather3A_1328 : vector<16xf32>
      %add3A_1334 = arith.addf %add3A_1320, %mul3A_1333 : vector<16xf32>
      %add3A_1335 = arith.constant 18 : i32
      %add3A_1336 = vector.broadcast %add3A_1335 : i32 to vector<16xi32>
      %add3A_1337 = arith.addi %iota3A, %add3A_1336 : vector<16xi32>
      %and3A_1338 = arith.constant 63 : i32
      %and3A_1339 = vector.broadcast %and3A_1338 : i32 to vector<16xi32>
      %and3A_1340 = arith.andi %add3A_1337, %and3A_1339 : vector<16xi32>
      %gather3A_1341 = tpu.vector_load_idx %arg11[%iota3A, %and3A_1071, %and3A_1340] : memref<16x8x64xf32, #tpu.memory_space<vmem>>[vector<16xi32>, vector<16xi32>, vector<16xi32>], vector<16xf32>,
      %gather3A_1342 = tpu.vector_load_idx %arg13[%iota3A, %and3A_1078, %and3A_1340] : memref<16x8x64xf32, #tpu.memory_space<vmem>>[vector<16xi32>, vector<16xi32>, vector<16xi32>], vector<16xf32>,
      %mul3A_1343 = arith.mulf %gather3A_1341, %gather3A_1342 : vector<16xf32>
      %add3A_1344 = arith.addf %add3A_1330, %mul3A_1343 : vector<16xf32>
      %mul3A_1345 = arith.mulf %gather3A_1341, %gather3A_1341 : vector<16xf32>
      %add3A_1346 = arith.addf %add3A_1332, %mul3A_1345 : vector<16xf32>
      %mul3A_1347 = arith.mulf %gather3A_1342, %gather3A_1342 : vector<16xf32>
      %add3A_1348 = arith.addf %add3A_1334, %mul3A_1347 : vector<16xf32>
      %add3A_1349 = arith.constant 19 : i32
      %add3A_1350 = vector.broadcast %add3A_1349 : i32 to vector<16xi32>
      %add3A_1351 = arith.addi %iota3A, %add3A_1350 : vector<16xi32>
      %and3A_1352 = arith.constant 63 : i32
      %and3A_1353 = vector.broadcast %and3A_1352 : i32 to vector<16xi32>
      %and3A_1354 = arith.andi %add3A_1351, %and3A_1353 : vector<16xi32>
      %gather3A_1355 = tpu.vector_load_idx %arg11[%iota3A, %and3A_1071, %and3A_1354] : memref<16x8x64xf32, #tpu.memory_space<vmem>>[vector<16xi32>, vector<16xi32>, vector<16xi32>], vector<16xf32>,
      %gather3A_1356 = tpu.vector_load_idx %arg13[%iota3A, %and3A_1078, %and3A_1354] : memref<16x8x64xf32, #tpu.memory_space<vmem>>[vector<16xi32>, vector<16xi32>, vector<16xi32>], vector<16xf32>,
      %mul3A_1357 = arith.mulf %gather3A_1355, %gather3A_1356 : vector<16xf32>
      %add3A_1358 = arith.addf %add3A_1344, %mul3A_1357 : vector<16xf32>
      %mul3A_1359 = arith.mulf %gather3A_1355, %gather3A_1355 : vector<16xf32>
      %add3A_1360 = arith.addf %add3A_1346, %mul3A_1359 : vector<16xf32>
      %mul3A_1361 = arith.mulf %gather3A_1356, %gather3A_1356 : vector<16xf32>
      %add3A_1362 = arith.addf %add3A_1348, %mul3A_1361 : vector<16xf32>
      %add3A_1363 = arith.constant 20 : i32
      %add3A_1364 = vector.broadcast %add3A_1363 : i32 to vector<16xi32>
      %add3A_1365 = arith.addi %iota3A, %add3A_1364 : vector<16xi32>
      %and3A_1366 = arith.constant 63 : i32
      %and3A_1367 = vector.broadcast %and3A_1366 : i32 to vector<16xi32>
      %and3A_1368 = arith.andi %add3A_1365, %and3A_1367 : vector<16xi32>
      %gather3A_1369 = tpu.vector_load_idx %arg11[%iota3A, %and3A_1071, %and3A_1368] : memref<16x8x64xf32, #tpu.memory_space<vmem>>[vector<16xi32>, vector<16xi32>, vector<16xi32>], vector<16xf32>,
      %gather3A_1370 = tpu.vector_load_idx %arg13[%iota3A, %and3A_1078, %and3A_1368] : memref<16x8x64xf32, #tpu.memory_space<vmem>>[vector<16xi32>, vector<16xi32>, vector<16xi32>], vector<16xf32>,
      %mul3A_1371 = arith.mulf %gather3A_1369, %gather3A_1370 : vector<16xf32>
      %add3A_1372 = arith.addf %add3A_1358, %mul3A_1371 : vector<16xf32>
      %mul3A_1373 = arith.mulf %gather3A_1369, %gather3A_1369 : vector<16xf32>
      %add3A_1374 = arith.addf %add3A_1360, %mul3A_1373 : vector<16xf32>
      %mul3A_1375 = arith.mulf %gather3A_1370, %gather3A_1370 : vector<16xf32>
      %add3A_1376 = arith.addf %add3A_1362, %mul3A_1375 : vector<16xf32>
      %add3A_1377 = arith.constant 21 : i32
      %add3A_1378 = vector.broadcast %add3A_1377 : i32 to vector<16xi32>
      %add3A_1379 = arith.addi %iota3A, %add3A_1378 : vector<16xi32>
      %and3A_1380 = arith.constant 63 : i32
      %and3A_1381 = vector.broadcast %and3A_1380 : i32 to vector<16xi32>
      %and3A_1382 = arith.andi %add3A_1379, %and3A_1381 : vector<16xi32>
      %gather3A_1383 = tpu.vector_load_idx %arg11[%iota3A, %and3A_1071, %and3A_1382] : memref<16x8x64xf32, #tpu.memory_space<vmem>>[vector<16xi32>, vector<16xi32>, vector<16xi32>], vector<16xf32>,
      %gather3A_1384 = tpu.vector_load_idx %arg13[%iota3A, %and3A_1078, %and3A_1382] : memref<16x8x64xf32, #tpu.memory_space<vmem>>[vector<16xi32>, vector<16xi32>, vector<16xi32>], vector<16xf32>,
      %mul3A_1385 = arith.mulf %gather3A_1383, %gather3A_1384 : vector<16xf32>
      %add3A_1386 = arith.addf %add3A_1372, %mul3A_1385 : vector<16xf32>
      %mul3A_1387 = arith.mulf %gather3A_1383, %gather3A_1383 : vector<16xf32>
      %add3A_1388 = arith.addf %add3A_1374, %mul3A_1387 : vector<16xf32>
      %mul3A_1389 = arith.mulf %gather3A_1384, %gather3A_1384 : vector<16xf32>
      %add3A_1390 = arith.addf %add3A_1376, %mul3A_1389 : vector<16xf32>
      %add3A_1391 = arith.constant 22 : i32
      %add3A_1392 = vector.broadcast %add3A_1391 : i32 to vector<16xi32>
      %add3A_1393 = arith.addi %iota3A, %add3A_1392 : vector<16xi32>
      %and3A_1394 = arith.constant 63 : i32
      %and3A_1395 = vector.broadcast %and3A_1394 : i32 to vector<16xi32>
      %and3A_1396 = arith.andi %add3A_1393, %and3A_1395 : vector<16xi32>
      %gather3A_1397 = tpu.vector_load_idx %arg11[%iota3A, %and3A_1071, %and3A_1396] : memref<16x8x64xf32, #tpu.memory_space<vmem>>[vector<16xi32>, vector<16xi32>, vector<16xi32>], vector<16xf32>,
      %gather3A_1398 = tpu.vector_load_idx %arg13[%iota3A, %and3A_1078, %and3A_1396] : memref<16x8x64xf32, #tpu.memory_space<vmem>>[vector<16xi32>, vector<16xi32>, vector<16xi32>], vector<16xf32>,
      %mul3A_1399 = arith.mulf %gather3A_1397, %gather3A_1398 : vector<16xf32>
      %add3A_1400 = arith.addf %add3A_1386, %mul3A_1399 : vector<16xf32>
      %mul3A_1401 = arith.mulf %gather3A_1397, %gather3A_1397 : vector<16xf32>
      %add3A_1402 = arith.addf %add3A_1388, %mul3A_1401 : vector<16xf32>
      %mul3A_1403 = arith.mulf %gather3A_1398, %gather3A_1398 : vector<16xf32>
      %add3A_1404 = arith.addf %add3A_1390, %mul3A_1403 : vector<16xf32>
      %add3A_1405 = arith.constant 23 : i32
      %add3A_1406 = vector.broadcast %add3A_1405 : i32 to vector<16xi32>
      %add3A_1407 = arith.addi %iota3A, %add3A_1406 : vector<16xi32>
      %and3A_1408 = arith.constant 63 : i32
      %and3A_1409 = vector.broadcast %and3A_1408 : i32 to vector<16xi32>
      %and3A_1410 = arith.andi %add3A_1407, %and3A_1409 : vector<16xi32>
      %gather3A_1411 = tpu.vector_load_idx %arg11[%iota3A, %and3A_1071, %and3A_1410] : memref<16x8x64xf32, #tpu.memory_space<vmem>>[vector<16xi32>, vector<16xi32>, vector<16xi32>], vector<16xf32>,
      %gather3A_1412 = tpu.vector_load_idx %arg13[%iota3A, %and3A_1078, %and3A_1410] : memref<16x8x64xf32, #tpu.memory_space<vmem>>[vector<16xi32>, vector<16xi32>, vector<16xi32>], vector<16xf32>,
      %mul3A_1413 = arith.mulf %gather3A_1411, %gather3A_1412 : vector<16xf32>
      %add3A_1414 = arith.addf %add3A_1400, %mul3A_1413 : vector<16xf32>
      %mul3A_1415 = arith.mulf %gather3A_1411, %gather3A_1411 : vector<16xf32>
      %add3A_1416 = arith.addf %add3A_1402, %mul3A_1415 : vector<16xf32>
      %mul3A_1417 = arith.mulf %gather3A_1412, %gather3A_1412 : vector<16xf32>
      %add3A_1418 = arith.addf %add3A_1404, %mul3A_1417 : vector<16xf32>
      %add3A_1419 = arith.constant 24 : i32
      %add3A_1420 = vector.broadcast %add3A_1419 : i32 to vector<16xi32>
      %add3A_1421 = arith.addi %iota3A, %add3A_1420 : vector<16xi32>
      %and3A_1422 = arith.constant 63 : i32
      %and3A_1423 = vector.broadcast %and3A_1422 : i32 to vector<16xi32>
      %and3A_1424 = arith.andi %add3A_1421, %and3A_1423 : vector<16xi32>
      %gather3A_1425 = tpu.vector_load_idx %arg11[%iota3A, %and3A_1071, %and3A_1424] : memref<16x8x64xf32, #tpu.memory_space<vmem>>[vector<16xi32>, vector<16xi32>, vector<16xi32>], vector<16xf32>,
      %gather3A_1426 = tpu.vector_load_idx %arg13[%iota3A, %and3A_1078, %and3A_1424] : memref<16x8x64xf32, #tpu.memory_space<vmem>>[vector<16xi32>, vector<16xi32>, vector<16xi32>], vector<16xf32>,
      %mul3A_1427 = arith.mulf %gather3A_1425, %gather3A_1426 : vector<16xf32>
      %add3A_1428 = arith.addf %add3A_1414, %mul3A_1427 : vector<16xf32>
      %mul3A_1429 = arith.mulf %gather3A_1425, %gather3A_1425 : vector<16xf32>
      %add3A_1430 = arith.addf %add3A_1416, %mul3A_1429 : vector<16xf32>
      %mul3A_1431 = arith.mulf %gather3A_1426, %gather3A_1426 : vector<16xf32>
      %add3A_1432 = arith.addf %add3A_1418, %mul3A_1431 : vector<16xf32>
      %add3A_1433 = arith.constant 25 : i32
      %add3A_1434 = vector.broadcast %add3A_1433 : i32 to vector<16xi32>
      %add3A_1435 = arith.addi %iota3A, %add3A_1434 : vector<16xi32>
      %and3A_1436 = arith.constant 63 : i32
      %and3A_1437 = vector.broadcast %and3A_1436 : i32 to vector<16xi32>
      %and3A_1438 = arith.andi %add3A_1435, %and3A_1437 : vector<16xi32>
      %gather3A_1439 = tpu.vector_load_idx %arg11[%iota3A, %and3A_1071, %and3A_1438] : memref<16x8x64xf32, #tpu.memory_space<vmem>>[vector<16xi32>, vector<16xi32>, vector<16xi32>], vector<16xf32>,
      %gather3A_1440 = tpu.vector_load_idx %arg13[%iota3A, %and3A_1078, %and3A_1438] : memref<16x8x64xf32, #tpu.memory_space<vmem>>[vector<16xi32>, vector<16xi32>, vector<16xi32>], vector<16xf32>,
      %mul3A_1441 = arith.mulf %gather3A_1439, %gather3A_1440 : vector<16xf32>
      %add3A_1442 = arith.addf %add3A_1428, %mul3A_1441 : vector<16xf32>
      %mul3A_1443 = arith.mulf %gather3A_1439, %gather3A_1439 : vector<16xf32>
      %add3A_1444 = arith.addf %add3A_1430, %mul3A_1443 : vector<16xf32>
      %mul3A_1445 = arith.mulf %gather3A_1440, %gather3A_1440 : vector<16xf32>
      %add3A_1446 = arith.addf %add3A_1432, %mul3A_1445 : vector<16xf32>
      %add3A_1447 = arith.constant 26 : i32
      %add3A_1448 = vector.broadcast %add3A_1447 : i32 to vector<16xi32>
      %add3A_1449 = arith.addi %iota3A, %add3A_1448 : vector<16xi32>
      %and3A_1450 = arith.constant 63 : i32
      %and3A_1451 = vector.broadcast %and3A_1450 : i32 to vector<16xi32>
      %and3A_1452 = arith.andi %add3A_1449, %and3A_1451 : vector<16xi32>
      %gather3A_1453 = tpu.vector_load_idx %arg11[%iota3A, %and3A_1071, %and3A_1452] : memref<16x8x64xf32, #tpu.memory_space<vmem>>[vector<16xi32>, vector<16xi32>, vector<16xi32>], vector<16xf32>,
      %gather3A_1454 = tpu.vector_load_idx %arg13[%iota3A, %and3A_1078, %and3A_1452] : memref<16x8x64xf32, #tpu.memory_space<vmem>>[vector<16xi32>, vector<16xi32>, vector<16xi32>], vector<16xf32>,
      %mul3A_1455 = arith.mulf %gather3A_1453, %gather3A_1454 : vector<16xf32>
      %add3A_1456 = arith.addf %add3A_1442, %mul3A_1455 : vector<16xf32>
      %mul3A_1457 = arith.mulf %gather3A_1453, %gather3A_1453 : vector<16xf32>
      %add3A_1458 = arith.addf %add3A_1444, %mul3A_1457 : vector<16xf32>
      %mul3A_1459 = arith.mulf %gather3A_1454, %gather3A_1454 : vector<16xf32>
      %add3A_1460 = arith.addf %add3A_1446, %mul3A_1459 : vector<16xf32>
      %add3A_1461 = arith.constant 27 : i32
      %add3A_1462 = vector.broadcast %add3A_1461 : i32 to vector<16xi32>
      %add3A_1463 = arith.addi %iota3A, %add3A_1462 : vector<16xi32>
      %and3A_1464 = arith.constant 63 : i32
      %and3A_1465 = vector.broadcast %and3A_1464 : i32 to vector<16xi32>
      %and3A_1466 = arith.andi %add3A_1463, %and3A_1465 : vector<16xi32>
      %gather3A_1467 = tpu.vector_load_idx %arg11[%iota3A, %and3A_1071, %and3A_1466] : memref<16x8x64xf32, #tpu.memory_space<vmem>>[vector<16xi32>, vector<16xi32>, vector<16xi32>], vector<16xf32>,
      %gather3A_1468 = tpu.vector_load_idx %arg13[%iota3A, %and3A_1078, %and3A_1466] : memref<16x8x64xf32, #tpu.memory_space<vmem>>[vector<16xi32>, vector<16xi32>, vector<16xi32>], vector<16xf32>,
      %mul3A_1469 = arith.mulf %gather3A_1467, %gather3A_1468 : vector<16xf32>
      %add3A_1470 = arith.addf %add3A_1456, %mul3A_1469 : vector<16xf32>
      %mul3A_1471 = arith.mulf %gather3A_1467, %gather3A_1467 : vector<16xf32>
      %add3A_1472 = arith.addf %add3A_1458, %mul3A_1471 : vector<16xf32>
      %mul3A_1473 = arith.mulf %gather3A_1468, %gather3A_1468 : vector<16xf32>
      %add3A_1474 = arith.addf %add3A_1460, %mul3A_1473 : vector<16xf32>
      %add3A_1475 = arith.constant 28 : i32
      %add3A_1476 = vector.broadcast %add3A_1475 : i32 to vector<16xi32>
      %add3A_1477 = arith.addi %iota3A, %add3A_1476 : vector<16xi32>
      %and3A_1478 = arith.constant 63 : i32
      %and3A_1479 = vector.broadcast %and3A_1478 : i32 to vector<16xi32>
      %and3A_1480 = arith.andi %add3A_1477, %and3A_1479 : vector<16xi32>
      %gather3A_1481 = tpu.vector_load_idx %arg11[%iota3A, %and3A_1071, %and3A_1480] : memref<16x8x64xf32, #tpu.memory_space<vmem>>[vector<16xi32>, vector<16xi32>, vector<16xi32>], vector<16xf32>,
      %gather3A_1482 = tpu.vector_load_idx %arg13[%iota3A, %and3A_1078, %and3A_1480] : memref<16x8x64xf32, #tpu.memory_space<vmem>>[vector<16xi32>, vector<16xi32>, vector<16xi32>], vector<16xf32>,
      %mul3A_1483 = arith.mulf %gather3A_1481, %gather3A_1482 : vector<16xf32>
      %add3A_1484 = arith.addf %add3A_1470, %mul3A_1483 : vector<16xf32>
      %mul3A_1485 = arith.mulf %gather3A_1481, %gather3A_1481 : vector<16xf32>
      %add3A_1486 = arith.addf %add3A_1472, %mul3A_1485 : vector<16xf32>
      %mul3A_1487 = arith.mulf %gather3A_1482, %gather3A_1482 : vector<16xf32>
      %add3A_1488 = arith.addf %add3A_1474, %mul3A_1487 : vector<16xf32>
      %add3A_1489 = arith.constant 29 : i32
      %add3A_1490 = vector.broadcast %add3A_1489 : i32 to vector<16xi32>
      %add3A_1491 = arith.addi %iota3A, %add3A_1490 : vector<16xi32>
      %and3A_1492 = arith.constant 63 : i32
      %and3A_1493 = vector.broadcast %and3A_1492 : i32 to vector<16xi32>
      %and3A_1494 = arith.andi %add3A_1491, %and3A_1493 : vector<16xi32>
      %gather3A_1495 = tpu.vector_load_idx %arg11[%iota3A, %and3A_1071, %and3A_1494] : memref<16x8x64xf32, #tpu.memory_space<vmem>>[vector<16xi32>, vector<16xi32>, vector<16xi32>], vector<16xf32>,
      %gather3A_1496 = tpu.vector_load_idx %arg13[%iota3A, %and3A_1078, %and3A_1494] : memref<16x8x64xf32, #tpu.memory_space<vmem>>[vector<16xi32>, vector<16xi32>, vector<16xi32>], vector<16xf32>,
      %mul3A_1497 = arith.mulf %gather3A_1495, %gather3A_1496 : vector<16xf32>
      %add3A_1498 = arith.addf %add3A_1484, %mul3A_1497 : vector<16xf32>
      %mul3A_1499 = arith.mulf %gather3A_1495, %gather3A_1495 : vector<16xf32>
      %add3A_1500 = arith.addf %add3A_1486, %mul3A_1499 : vector<16xf32>
      %mul3A_1501 = arith.mulf %gather3A_1496, %gather3A_1496 : vector<16xf32>
      %add3A_1502 = arith.addf %add3A_1488, %mul3A_1501 : vector<16xf32>
      %add3A_1503 = arith.constant 30 : i32
      %add3A_1504 = vector.broadcast %add3A_1503 : i32 to vector<16xi32>
      %add3A_1505 = arith.addi %iota3A, %add3A_1504 : vector<16xi32>
      %and3A_1506 = arith.constant 63 : i32
      %and3A_1507 = vector.broadcast %and3A_1506 : i32 to vector<16xi32>
      %and3A_1508 = arith.andi %add3A_1505, %and3A_1507 : vector<16xi32>
      %gather3A_1509 = tpu.vector_load_idx %arg11[%iota3A, %and3A_1071, %and3A_1508] : memref<16x8x64xf32, #tpu.memory_space<vmem>>[vector<16xi32>, vector<16xi32>, vector<16xi32>], vector<16xf32>,
      %gather3A_1510 = tpu.vector_load_idx %arg13[%iota3A, %and3A_1078, %and3A_1508] : memref<16x8x64xf32, #tpu.memory_space<vmem>>[vector<16xi32>, vector<16xi32>, vector<16xi32>], vector<16xf32>,
      %mul3A_1511 = arith.mulf %gather3A_1509, %gather3A_1510 : vector<16xf32>
      %add3A_1512 = arith.addf %add3A_1498, %mul3A_1511 : vector<16xf32>
      %mul3A_1513 = arith.mulf %gather3A_1509, %gather3A_1509 : vector<16xf32>
      %add3A_1514 = arith.addf %add3A_1500, %mul3A_1513 : vector<16xf32>
      %mul3A_1515 = arith.mulf %gather3A_1510, %gather3A_1510 : vector<16xf32>
      %add3A_1516 = arith.addf %add3A_1502, %mul3A_1515 : vector<16xf32>
      %add3A_1517 = arith.constant 31 : i32
      %add3A_1518 = vector.broadcast %add3A_1517 : i32 to vector<16xi32>
      %add3A_1519 = arith.addi %iota3A, %add3A_1518 : vector<16xi32>
      %and3A_1520 = arith.constant 63 : i32
      %and3A_1521 = vector.broadcast %and3A_1520 : i32 to vector<16xi32>
      %and3A_1522 = arith.andi %add3A_1519, %and3A_1521 : vector<16xi32>
      %gather3A_1523 = tpu.vector_load_idx %arg11[%iota3A, %and3A_1071, %and3A_1522] : memref<16x8x64xf32, #tpu.memory_space<vmem>>[vector<16xi32>, vector<16xi32>, vector<16xi32>], vector<16xf32>,
      %gather3A_1524 = tpu.vector_load_idx %arg13[%iota3A, %and3A_1078, %and3A_1522] : memref<16x8x64xf32, #tpu.memory_space<vmem>>[vector<16xi32>, vector<16xi32>, vector<16xi32>], vector<16xf32>,
      %mul3A_1525 = arith.mulf %gather3A_1523, %gather3A_1524 : vector<16xf32>
      %add3A_1526 = arith.addf %add3A_1512, %mul3A_1525 : vector<16xf32>
      %mul3A_1527 = arith.mulf %gather3A_1523, %gather3A_1523 : vector<16xf32>
      %add3A_1528 = arith.addf %add3A_1514, %mul3A_1527 : vector<16xf32>
      %mul3A_1529 = arith.mulf %gather3A_1524, %gather3A_1524 : vector<16xf32>
      %add3A_1530 = arith.addf %add3A_1516, %mul3A_1529 : vector<16xf32>
      %add3A_1531 = arith.constant 32 : i32
      %add3A_1532 = vector.broadcast %add3A_1531 : i32 to vector<16xi32>
      %add3A_1533 = arith.addi %iota3A, %add3A_1532 : vector<16xi32>
      %and3A_1534 = arith.constant 63 : i32
      %and3A_1535 = vector.broadcast %and3A_1534 : i32 to vector<16xi32>
      %and3A_1536 = arith.andi %add3A_1533, %and3A_1535 : vector<16xi32>
      %gather3A_1537 = tpu.vector_load_idx %arg11[%iota3A, %and3A_1071, %and3A_1536] : memref<16x8x64xf32, #tpu.memory_space<vmem>>[vector<16xi32>, vector<16xi32>, vector<16xi32>], vector<16xf32>,
      %gather3A_1538 = tpu.vector_load_idx %arg13[%iota3A, %and3A_1078, %and3A_1536] : memref<16x8x64xf32, #tpu.memory_space<vmem>>[vector<16xi32>, vector<16xi32>, vector<16xi32>], vector<16xf32>,
      %mul3A_1539 = arith.mulf %gather3A_1537, %gather3A_1538 : vector<16xf32>
      %add3A_1540 = arith.addf %add3A_1526, %mul3A_1539 : vector<16xf32>
      %mul3A_1541 = arith.mulf %gather3A_1537, %gather3A_1537 : vector<16xf32>
      %add3A_1542 = arith.addf %add3A_1528, %mul3A_1541 : vector<16xf32>
      %mul3A_1543 = arith.mulf %gather3A_1538, %gather3A_1538 : vector<16xf32>
      %add3A_1544 = arith.addf %add3A_1530, %mul3A_1543 : vector<16xf32>
      %add3A_1545 = arith.constant 33 : i32
      %add3A_1546 = vector.broadcast %add3A_1545 : i32 to vector<16xi32>
      %add3A_1547 = arith.addi %iota3A, %add3A_1546 : vector<16xi32>
      %and3A_1548 = arith.constant 63 : i32
      %and3A_1549 = vector.broadcast %and3A_1548 : i32 to vector<16xi32>
      %and3A_1550 = arith.andi %add3A_1547, %and3A_1549 : vector<16xi32>
      %gather3A_1551 = tpu.vector_load_idx %arg11[%iota3A, %and3A_1071, %and3A_1550] : memref<16x8x64xf32, #tpu.memory_space<vmem>>[vector<16xi32>, vector<16xi32>, vector<16xi32>], vector<16xf32>,
      %gather3A_1552 = tpu.vector_load_idx %arg13[%iota3A, %and3A_1078, %and3A_1550] : memref<16x8x64xf32, #tpu.memory_space<vmem>>[vector<16xi32>, vector<16xi32>, vector<16xi32>], vector<16xf32>,
      %mul3A_1553 = arith.mulf %gather3A_1551, %gather3A_1552 : vector<16xf32>
      %add3A_1554 = arith.addf %add3A_1540, %mul3A_1553 : vector<16xf32>
      %mul3A_1555 = arith.mulf %gather3A_1551, %gather3A_1551 : vector<16xf32>
      %add3A_1556 = arith.addf %add3A_1542, %mul3A_1555 : vector<16xf32>
      %mul3A_1557 = arith.mulf %gather3A_1552, %gather3A_1552 : vector<16xf32>
      %add3A_1558 = arith.addf %add3A_1544, %mul3A_1557 : vector<16xf32>
      %add3A_1559 = arith.constant 34 : i32
      %add3A_1560 = vector.broadcast %add3A_1559 : i32 to vector<16xi32>
      %add3A_1561 = arith.addi %iota3A, %add3A_1560 : vector<16xi32>
      %and3A_1562 = arith.constant 63 : i32
      %and3A_1563 = vector.broadcast %and3A_1562 : i32 to vector<16xi32>
      %and3A_1564 = arith.andi %add3A_1561, %and3A_1563 : vector<16xi32>
      %gather3A_1565 = tpu.vector_load_idx %arg11[%iota3A, %and3A_1071, %and3A_1564] : memref<16x8x64xf32, #tpu.memory_space<vmem>>[vector<16xi32>, vector<16xi32>, vector<16xi32>], vector<16xf32>,
      %gather3A_1566 = tpu.vector_load_idx %arg13[%iota3A, %and3A_1078, %and3A_1564] : memref<16x8x64xf32, #tpu.memory_space<vmem>>[vector<16xi32>, vector<16xi32>, vector<16xi32>], vector<16xf32>,
      %mul3A_1567 = arith.mulf %gather3A_1565, %gather3A_1566 : vector<16xf32>
      %add3A_1568 = arith.addf %add3A_1554, %mul3A_1567 : vector<16xf32>
      %mul3A_1569 = arith.mulf %gather3A_1565, %gather3A_1565 : vector<16xf32>
      %add3A_1570 = arith.addf %add3A_1556, %mul3A_1569 : vector<16xf32>
      %mul3A_1571 = arith.mulf %gather3A_1566, %gather3A_1566 : vector<16xf32>
      %add3A_1572 = arith.addf %add3A_1558, %mul3A_1571 : vector<16xf32>
      %add3A_1573 = arith.constant 35 : i32
      %add3A_1574 = vector.broadcast %add3A_1573 : i32 to vector<16xi32>
      %add3A_1575 = arith.addi %iota3A, %add3A_1574 : vector<16xi32>
      %and3A_1576 = arith.constant 63 : i32
      %and3A_1577 = vector.broadcast %and3A_1576 : i32 to vector<16xi32>
      %and3A_1578 = arith.andi %add3A_1575, %and3A_1577 : vector<16xi32>
      %gather3A_1579 = tpu.vector_load_idx %arg11[%iota3A, %and3A_1071, %and3A_1578] : memref<16x8x64xf32, #tpu.memory_space<vmem>>[vector<16xi32>, vector<16xi32>, vector<16xi32>], vector<16xf32>,
      %gather3A_1580 = tpu.vector_load_idx %arg13[%iota3A, %and3A_1078, %and3A_1578] : memref<16x8x64xf32, #tpu.memory_space<vmem>>[vector<16xi32>, vector<16xi32>, vector<16xi32>], vector<16xf32>,
      %mul3A_1581 = arith.mulf %gather3A_1579, %gather3A_1580 : vector<16xf32>
      %add3A_1582 = arith.addf %add3A_1568, %mul3A_1581 : vector<16xf32>
      %mul3A_1583 = arith.mulf %gather3A_1579, %gather3A_1579 : vector<16xf32>
      %add3A_1584 = arith.addf %add3A_1570, %mul3A_1583 : vector<16xf32>
      %mul3A_1585 = arith.mulf %gather3A_1580, %gather3A_1580 : vector<16xf32>
      %add3A_1586 = arith.addf %add3A_1572, %mul3A_1585 : vector<16xf32>
      %add3A_1587 = arith.constant 36 : i32
      %add3A_1588 = vector.broadcast %add3A_1587 : i32 to vector<16xi32>
      %add3A_1589 = arith.addi %iota3A, %add3A_1588 : vector<16xi32>
      %and3A_1590 = arith.constant 63 : i32
      %and3A_1591 = vector.broadcast %and3A_1590 : i32 to vector<16xi32>
      %and3A_1592 = arith.andi %add3A_1589, %and3A_1591 : vector<16xi32>
      %gather3A_1593 = tpu.vector_load_idx %arg11[%iota3A, %and3A_1071, %and3A_1592] : memref<16x8x64xf32, #tpu.memory_space<vmem>>[vector<16xi32>, vector<16xi32>, vector<16xi32>], vector<16xf32>,
      %gather3A_1594 = tpu.vector_load_idx %arg13[%iota3A, %and3A_1078, %and3A_1592] : memref<16x8x64xf32, #tpu.memory_space<vmem>>[vector<16xi32>, vector<16xi32>, vector<16xi32>], vector<16xf32>,
      %mul3A_1595 = arith.mulf %gather3A_1593, %gather3A_1594 : vector<16xf32>
      %add3A_1596 = arith.addf %add3A_1582, %mul3A_1595 : vector<16xf32>
      %mul3A_1597 = arith.mulf %gather3A_1593, %gather3A_1593 : vector<16xf32>
      %add3A_1598 = arith.addf %add3A_1584, %mul3A_1597 : vector<16xf32>
      %mul3A_1599 = arith.mulf %gather3A_1594, %gather3A_1594 : vector<16xf32>
      %add3A_1600 = arith.addf %add3A_1586, %mul3A_1599 : vector<16xf32>
      %add3A_1601 = arith.constant 37 : i32
      %add3A_1602 = vector.broadcast %add3A_1601 : i32 to vector<16xi32>
      %add3A_1603 = arith.addi %iota3A, %add3A_1602 : vector<16xi32>
      %and3A_1604 = arith.constant 63 : i32
      %and3A_1605 = vector.broadcast %and3A_1604 : i32 to vector<16xi32>
      %and3A_1606 = arith.andi %add3A_1603, %and3A_1605 : vector<16xi32>
      %gather3A_1607 = tpu.vector_load_idx %arg11[%iota3A, %and3A_1071, %and3A_1606] : memref<16x8x64xf32, #tpu.memory_space<vmem>>[vector<16xi32>, vector<16xi32>, vector<16xi32>], vector<16xf32>,
      %gather3A_1608 = tpu.vector_load_idx %arg13[%iota3A, %and3A_1078, %and3A_1606] : memref<16x8x64xf32, #tpu.memory_space<vmem>>[vector<16xi32>, vector<16xi32>, vector<16xi32>], vector<16xf32>,
      %mul3A_1609 = arith.mulf %gather3A_1607, %gather3A_1608 : vector<16xf32>
      %add3A_1610 = arith.addf %add3A_1596, %mul3A_1609 : vector<16xf32>
      %mul3A_1611 = arith.mulf %gather3A_1607, %gather3A_1607 : vector<16xf32>
      %add3A_1612 = arith.addf %add3A_1598, %mul3A_1611 : vector<16xf32>
      %mul3A_1613 = arith.mulf %gather3A_1608, %gather3A_1608 : vector<16xf32>
      %add3A_1614 = arith.addf %add3A_1600, %mul3A_1613 : vector<16xf32>
      %add3A_1615 = arith.constant 38 : i32
      %add3A_1616 = vector.broadcast %add3A_1615 : i32 to vector<16xi32>
      %add3A_1617 = arith.addi %iota3A, %add3A_1616 : vector<16xi32>
      %and3A_1618 = arith.constant 63 : i32
      %and3A_1619 = vector.broadcast %and3A_1618 : i32 to vector<16xi32>
      %and3A_1620 = arith.andi %add3A_1617, %and3A_1619 : vector<16xi32>
      %gather3A_1621 = tpu.vector_load_idx %arg11[%iota3A, %and3A_1071, %and3A_1620] : memref<16x8x64xf32, #tpu.memory_space<vmem>>[vector<16xi32>, vector<16xi32>, vector<16xi32>], vector<16xf32>,
      %gather3A_1622 = tpu.vector_load_idx %arg13[%iota3A, %and3A_1078, %and3A_1620] : memref<16x8x64xf32, #tpu.memory_space<vmem>>[vector<16xi32>, vector<16xi32>, vector<16xi32>], vector<16xf32>,
      %mul3A_1623 = arith.mulf %gather3A_1621, %gather3A_1622 : vector<16xf32>
      %add3A_1624 = arith.addf %add3A_1610, %mul3A_1623 : vector<16xf32>
      %mul3A_1625 = arith.mulf %gather3A_1621, %gather3A_1621 : vector<16xf32>
      %add3A_1626 = arith.addf %add3A_1612, %mul3A_1625 : vector<16xf32>
      %mul3A_1627 = arith.mulf %gather3A_1622, %gather3A_1622 : vector<16xf32>
      %add3A_1628 = arith.addf %add3A_1614, %mul3A_1627 : vector<16xf32>
      %add3A_1629 = arith.constant 39 : i32
      %add3A_1630 = vector.broadcast %add3A_1629 : i32 to vector<16xi32>
      %add3A_1631 = arith.addi %iota3A, %add3A_1630 : vector<16xi32>
      %and3A_1632 = arith.constant 63 : i32
      %and3A_1633 = vector.broadcast %and3A_1632 : i32 to vector<16xi32>
      %and3A_1634 = arith.andi %add3A_1631, %and3A_1633 : vector<16xi32>
      %gather3A_1635 = tpu.vector_load_idx %arg11[%iota3A, %and3A_1071, %and3A_1634] : memref<16x8x64xf32, #tpu.memory_space<vmem>>[vector<16xi32>, vector<16xi32>, vector<16xi32>], vector<16xf32>,
      %gather3A_1636 = tpu.vector_load_idx %arg13[%iota3A, %and3A_1078, %and3A_1634] : memref<16x8x64xf32, #tpu.memory_space<vmem>>[vector<16xi32>, vector<16xi32>, vector<16xi32>], vector<16xf32>,
      %mul3A_1637 = arith.mulf %gather3A_1635, %gather3A_1636 : vector<16xf32>
      %add3A_1638 = arith.addf %add3A_1624, %mul3A_1637 : vector<16xf32>
      %mul3A_1639 = arith.mulf %gather3A_1635, %gather3A_1635 : vector<16xf32>
      %add3A_1640 = arith.addf %add3A_1626, %mul3A_1639 : vector<16xf32>
      %mul3A_1641 = arith.mulf %gather3A_1636, %gather3A_1636 : vector<16xf32>
      %add3A_1642 = arith.addf %add3A_1628, %mul3A_1641 : vector<16xf32>
      %add3A_1643 = arith.constant 40 : i32
      %add3A_1644 = vector.broadcast %add3A_1643 : i32 to vector<16xi32>
      %add3A_1645 = arith.addi %iota3A, %add3A_1644 : vector<16xi32>
      %and3A_1646 = arith.constant 63 : i32
      %and3A_1647 = vector.broadcast %and3A_1646 : i32 to vector<16xi32>
      %and3A_1648 = arith.andi %add3A_1645, %and3A_1647 : vector<16xi32>
      %gather3A_1649 = tpu.vector_load_idx %arg11[%iota3A, %and3A_1071, %and3A_1648] : memref<16x8x64xf32, #tpu.memory_space<vmem>>[vector<16xi32>, vector<16xi32>, vector<16xi32>], vector<16xf32>,
      %gather3A_1650 = tpu.vector_load_idx %arg13[%iota3A, %and3A_1078, %and3A_1648] : memref<16x8x64xf32, #tpu.memory_space<vmem>>[vector<16xi32>, vector<16xi32>, vector<16xi32>], vector<16xf32>,
      %mul3A_1651 = arith.mulf %gather3A_1649, %gather3A_1650 : vector<16xf32>
      %add3A_1652 = arith.addf %add3A_1638, %mul3A_1651 : vector<16xf32>
      %mul3A_1653 = arith.mulf %gather3A_1649, %gather3A_1649 : vector<16xf32>
      %add3A_1654 = arith.addf %add3A_1640, %mul3A_1653 : vector<16xf32>
      %mul3A_1655 = arith.mulf %gather3A_1650, %gather3A_1650 : vector<16xf32>
      %add3A_1656 = arith.addf %add3A_1642, %mul3A_1655 : vector<16xf32>
      %add3A_1657 = arith.constant 41 : i32
      %add3A_1658 = vector.broadcast %add3A_1657 : i32 to vector<16xi32>
      %add3A_1659 = arith.addi %iota3A, %add3A_1658 : vector<16xi32>
      %and3A_1660 = arith.constant 63 : i32
      %and3A_1661 = vector.broadcast %and3A_1660 : i32 to vector<16xi32>
      %and3A_1662 = arith.andi %add3A_1659, %and3A_1661 : vector<16xi32>
      %gather3A_1663 = tpu.vector_load_idx %arg11[%iota3A, %and3A_1071, %and3A_1662] : memref<16x8x64xf32, #tpu.memory_space<vmem>>[vector<16xi32>, vector<16xi32>, vector<16xi32>], vector<16xf32>,
      %gather3A_1664 = tpu.vector_load_idx %arg13[%iota3A, %and3A_1078, %and3A_1662] : memref<16x8x64xf32, #tpu.memory_space<vmem>>[vector<16xi32>, vector<16xi32>, vector<16xi32>], vector<16xf32>,
      %mul3A_1665 = arith.mulf %gather3A_1663, %gather3A_1664 : vector<16xf32>
      %add3A_1666 = arith.addf %add3A_1652, %mul3A_1665 : vector<16xf32>
      %mul3A_1667 = arith.mulf %gather3A_1663, %gather3A_1663 : vector<16xf32>
      %add3A_1668 = arith.addf %add3A_1654, %mul3A_1667 : vector<16xf32>
      %mul3A_1669 = arith.mulf %gather3A_1664, %gather3A_1664 : vector<16xf32>
      %add3A_1670 = arith.addf %add3A_1656, %mul3A_1669 : vector<16xf32>
      %add3A_1671 = arith.constant 42 : i32
      %add3A_1672 = vector.broadcast %add3A_1671 : i32 to vector<16xi32>
      %add3A_1673 = arith.addi %iota3A, %add3A_1672 : vector<16xi32>
      %and3A_1674 = arith.constant 63 : i32
      %and3A_1675 = vector.broadcast %and3A_1674 : i32 to vector<16xi32>
      %and3A_1676 = arith.andi %add3A_1673, %and3A_1675 : vector<16xi32>
      %gather3A_1677 = tpu.vector_load_idx %arg11[%iota3A, %and3A_1071, %and3A_1676] : memref<16x8x64xf32, #tpu.memory_space<vmem>>[vector<16xi32>, vector<16xi32>, vector<16xi32>], vector<16xf32>,
      %gather3A_1678 = tpu.vector_load_idx %arg13[%iota3A, %and3A_1078, %and3A_1676] : memref<16x8x64xf32, #tpu.memory_space<vmem>>[vector<16xi32>, vector<16xi32>, vector<16xi32>], vector<16xf32>,
      %mul3A_1679 = arith.mulf %gather3A_1677, %gather3A_1678 : vector<16xf32>
      %add3A_1680 = arith.addf %add3A_1666, %mul3A_1679 : vector<16xf32>
      %mul3A_1681 = arith.mulf %gather3A_1677, %gather3A_1677 : vector<16xf32>
      %add3A_1682 = arith.addf %add3A_1668, %mul3A_1681 : vector<16xf32>
      %mul3A_1683 = arith.mulf %gather3A_1678, %gather3A_1678 : vector<16xf32>
      %add3A_1684 = arith.addf %add3A_1670, %mul3A_1683 : vector<16xf32>
      %add3A_1685 = arith.constant 43 : i32
      %add3A_1686 = vector.broadcast %add3A_1685 : i32 to vector<16xi32>
      %add3A_1687 = arith.addi %iota3A, %add3A_1686 : vector<16xi32>
      %and3A_1688 = arith.constant 63 : i32
      %and3A_1689 = vector.broadcast %and3A_1688 : i32 to vector<16xi32>
      %and3A_1690 = arith.andi %add3A_1687, %and3A_1689 : vector<16xi32>
      %gather3A_1691 = tpu.vector_load_idx %arg11[%iota3A, %and3A_1071, %and3A_1690] : memref<16x8x64xf32, #tpu.memory_space<vmem>>[vector<16xi32>, vector<16xi32>, vector<16xi32>], vector<16xf32>,
      %gather3A_1692 = tpu.vector_load_idx %arg13[%iota3A, %and3A_1078, %and3A_1690] : memref<16x8x64xf32, #tpu.memory_space<vmem>>[vector<16xi32>, vector<16xi32>, vector<16xi32>], vector<16xf32>,
      %mul3A_1693 = arith.mulf %gather3A_1691, %gather3A_1692 : vector<16xf32>
      %add3A_1694 = arith.addf %add3A_1680, %mul3A_1693 : vector<16xf32>
      %mul3A_1695 = arith.mulf %gather3A_1691, %gather3A_1691 : vector<16xf32>
      %add3A_1696 = arith.addf %add3A_1682, %mul3A_1695 : vector<16xf32>
      %mul3A_1697 = arith.mulf %gather3A_1692, %gather3A_1692 : vector<16xf32>
      %add3A_1698 = arith.addf %add3A_1684, %mul3A_1697 : vector<16xf32>
      %add3A_1699 = arith.constant 44 : i32
      %add3A_1700 = vector.broadcast %add3A_1699 : i32 to vector<16xi32>
      %add3A_1701 = arith.addi %iota3A, %add3A_1700 : vector<16xi32>
      %and3A_1702 = arith.constant 63 : i32
      %and3A_1703 = vector.broadcast %and3A_1702 : i32 to vector<16xi32>
      %and3A_1704 = arith.andi %add3A_1701, %and3A_1703 : vector<16xi32>
      %gather3A_1705 = tpu.vector_load_idx %arg11[%iota3A, %and3A_1071, %and3A_1704] : memref<16x8x64xf32, #tpu.memory_space<vmem>>[vector<16xi32>, vector<16xi32>, vector<16xi32>], vector<16xf32>,
      %gather3A_1706 = tpu.vector_load_idx %arg13[%iota3A, %and3A_1078, %and3A_1704] : memref<16x8x64xf32, #tpu.memory_space<vmem>>[vector<16xi32>, vector<16xi32>, vector<16xi32>], vector<16xf32>,
      %mul3A_1707 = arith.mulf %gather3A_1705, %gather3A_1706 : vector<16xf32>
      %add3A_1708 = arith.addf %add3A_1694, %mul3A_1707 : vector<16xf32>
      %mul3A_1709 = arith.mulf %gather3A_1705, %gather3A_1705 : vector<16xf32>
      %add3A_1710 = arith.addf %add3A_1696, %mul3A_1709 : vector<16xf32>
      %mul3A_1711 = arith.mulf %gather3A_1706, %gather3A_1706 : vector<16xf32>
      %add3A_1712 = arith.addf %add3A_1698, %mul3A_1711 : vector<16xf32>
      %add3A_1713 = arith.constant 45 : i32
      %add3A_1714 = vector.broadcast %add3A_1713 : i32 to vector<16xi32>
      %add3A_1715 = arith.addi %iota3A, %add3A_1714 : vector<16xi32>
      %and3A_1716 = arith.constant 63 : i32
      %and3A_1717 = vector.broadcast %and3A_1716 : i32 to vector<16xi32>
      %and3A_1718 = arith.andi %add3A_1715, %and3A_1717 : vector<16xi32>
      %gather3A_1719 = tpu.vector_load_idx %arg11[%iota3A, %and3A_1071, %and3A_1718] : memref<16x8x64xf32, #tpu.memory_space<vmem>>[vector<16xi32>, vector<16xi32>, vector<16xi32>], vector<16xf32>,
      %gather3A_1720 = tpu.vector_load_idx %arg13[%iota3A, %and3A_1078, %and3A_1718] : memref<16x8x64xf32, #tpu.memory_space<vmem>>[vector<16xi32>, vector<16xi32>, vector<16xi32>], vector<16xf32>,
      %mul3A_1721 = arith.mulf %gather3A_1719, %gather3A_1720 : vector<16xf32>
      %add3A_1722 = arith.addf %add3A_1708, %mul3A_1721 : vector<16xf32>
      %mul3A_1723 = arith.mulf %gather3A_1719, %gather3A_1719 : vector<16xf32>
      %add3A_1724 = arith.addf %add3A_1710, %mul3A_1723 : vector<16xf32>
      %mul3A_1725 = arith.mulf %gather3A_1720, %gather3A_1720 : vector<16xf32>
      %add3A_1726 = arith.addf %add3A_1712, %mul3A_1725 : vector<16xf32>
      %add3A_1727 = arith.constant 46 : i32
      %add3A_1728 = vector.broadcast %add3A_1727 : i32 to vector<16xi32>
      %add3A_1729 = arith.addi %iota3A, %add3A_1728 : vector<16xi32>
      %and3A_1730 = arith.constant 63 : i32
      %and3A_1731 = vector.broadcast %and3A_1730 : i32 to vector<16xi32>
      %and3A_1732 = arith.andi %add3A_1729, %and3A_1731 : vector<16xi32>
      %gather3A_1733 = tpu.vector_load_idx %arg11[%iota3A, %and3A_1071, %and3A_1732] : memref<16x8x64xf32, #tpu.memory_space<vmem>>[vector<16xi32>, vector<16xi32>, vector<16xi32>], vector<16xf32>,
      %gather3A_1734 = tpu.vector_load_idx %arg13[%iota3A, %and3A_1078, %and3A_1732] : memref<16x8x64xf32, #tpu.memory_space<vmem>>[vector<16xi32>, vector<16xi32>, vector<16xi32>], vector<16xf32>,
      %mul3A_1735 = arith.mulf %gather3A_1733, %gather3A_1734 : vector<16xf32>
      %add3A_1736 = arith.addf %add3A_1722, %mul3A_1735 : vector<16xf32>
      %mul3A_1737 = arith.mulf %gather3A_1733, %gather3A_1733 : vector<16xf32>
      %add3A_1738 = arith.addf %add3A_1724, %mul3A_1737 : vector<16xf32>
      %mul3A_1739 = arith.mulf %gather3A_1734, %gather3A_1734 : vector<16xf32>
      %add3A_1740 = arith.addf %add3A_1726, %mul3A_1739 : vector<16xf32>
      %add3A_1741 = arith.constant 47 : i32
      %add3A_1742 = vector.broadcast %add3A_1741 : i32 to vector<16xi32>
      %add3A_1743 = arith.addi %iota3A, %add3A_1742 : vector<16xi32>
      %and3A_1744 = arith.constant 63 : i32
      %and3A_1745 = vector.broadcast %and3A_1744 : i32 to vector<16xi32>
      %and3A_1746 = arith.andi %add3A_1743, %and3A_1745 : vector<16xi32>
      %gather3A_1747 = tpu.vector_load_idx %arg11[%iota3A, %and3A_1071, %and3A_1746] : memref<16x8x64xf32, #tpu.memory_space<vmem>>[vector<16xi32>, vector<16xi32>, vector<16xi32>], vector<16xf32>,
      %gather3A_1748 = tpu.vector_load_idx %arg13[%iota3A, %and3A_1078, %and3A_1746] : memref<16x8x64xf32, #tpu.memory_space<vmem>>[vector<16xi32>, vector<16xi32>, vector<16xi32>], vector<16xf32>,
      %mul3A_1749 = arith.mulf %gather3A_1747, %gather3A_1748 : vector<16xf32>
      %add3A_1750 = arith.addf %add3A_1736, %mul3A_1749 : vector<16xf32>
      %mul3A_1751 = arith.mulf %gather3A_1747, %gather3A_1747 : vector<16xf32>
      %add3A_1752 = arith.addf %add3A_1738, %mul3A_1751 : vector<16xf32>
      %mul3A_1753 = arith.mulf %gather3A_1748, %gather3A_1748 : vector<16xf32>
      %add3A_1754 = arith.addf %add3A_1740, %mul3A_1753 : vector<16xf32>
      %add3A_1755 = arith.constant 48 : i32
      %add3A_1756 = vector.broadcast %add3A_1755 : i32 to vector<16xi32>
      %add3A_1757 = arith.addi %iota3A, %add3A_1756 : vector<16xi32>
      %and3A_1758 = arith.constant 63 : i32
      %and3A_1759 = vector.broadcast %and3A_1758 : i32 to vector<16xi32>
      %and3A_1760 = arith.andi %add3A_1757, %and3A_1759 : vector<16xi32>
      %gather3A_1761 = tpu.vector_load_idx %arg11[%iota3A, %and3A_1071, %and3A_1760] : memref<16x8x64xf32, #tpu.memory_space<vmem>>[vector<16xi32>, vector<16xi32>, vector<16xi32>], vector<16xf32>,
      %gather3A_1762 = tpu.vector_load_idx %arg13[%iota3A, %and3A_1078, %and3A_1760] : memref<16x8x64xf32, #tpu.memory_space<vmem>>[vector<16xi32>, vector<16xi32>, vector<16xi32>], vector<16xf32>,
      %mul3A_1763 = arith.mulf %gather3A_1761, %gather3A_1762 : vector<16xf32>
      %add3A_1764 = arith.addf %add3A_1750, %mul3A_1763 : vector<16xf32>
      %mul3A_1765 = arith.mulf %gather3A_1761, %gather3A_1761 : vector<16xf32>
      %add3A_1766 = arith.addf %add3A_1752, %mul3A_1765 : vector<16xf32>
      %mul3A_1767 = arith.mulf %gather3A_1762, %gather3A_1762 : vector<16xf32>
      %add3A_1768 = arith.addf %add3A_1754, %mul3A_1767 : vector<16xf32>
      %add3A_1769 = arith.constant 49 : i32
      %add3A_1770 = vector.broadcast %add3A_1769 : i32 to vector<16xi32>
      %add3A_1771 = arith.addi %iota3A, %add3A_1770 : vector<16xi32>
      %and3A_1772 = arith.constant 63 : i32
      %and3A_1773 = vector.broadcast %and3A_1772 : i32 to vector<16xi32>
      %and3A_1774 = arith.andi %add3A_1771, %and3A_1773 : vector<16xi32>
      %gather3A_1775 = tpu.vector_load_idx %arg11[%iota3A, %and3A_1071, %and3A_1774] : memref<16x8x64xf32, #tpu.memory_space<vmem>>[vector<16xi32>, vector<16xi32>, vector<16xi32>], vector<16xf32>,
      %gather3A_1776 = tpu.vector_load_idx %arg13[%iota3A, %and3A_1078, %and3A_1774] : memref<16x8x64xf32, #tpu.memory_space<vmem>>[vector<16xi32>, vector<16xi32>, vector<16xi32>], vector<16xf32>,
      %mul3A_1777 = arith.mulf %gather3A_1775, %gather3A_1776 : vector<16xf32>
      %add3A_1778 = arith.addf %add3A_1764, %mul3A_1777 : vector<16xf32>
      %mul3A_1779 = arith.mulf %gather3A_1775, %gather3A_1775 : vector<16xf32>
      %add3A_1780 = arith.addf %add3A_1766, %mul3A_1779 : vector<16xf32>
      %mul3A_1781 = arith.mulf %gather3A_1776, %gather3A_1776 : vector<16xf32>
      %add3A_1782 = arith.addf %add3A_1768, %mul3A_1781 : vector<16xf32>
      %add3A_1783 = arith.constant 50 : i32
      %add3A_1784 = vector.broadcast %add3A_1783 : i32 to vector<16xi32>
      %add3A_1785 = arith.addi %iota3A, %add3A_1784 : vector<16xi32>
      %and3A_1786 = arith.constant 63 : i32
      %and3A_1787 = vector.broadcast %and3A_1786 : i32 to vector<16xi32>
      %and3A_1788 = arith.andi %add3A_1785, %and3A_1787 : vector<16xi32>
      %gather3A_1789 = tpu.vector_load_idx %arg11[%iota3A, %and3A_1071, %and3A_1788] : memref<16x8x64xf32, #tpu.memory_space<vmem>>[vector<16xi32>, vector<16xi32>, vector<16xi32>], vector<16xf32>,
      %gather3A_1790 = tpu.vector_load_idx %arg13[%iota3A, %and3A_1078, %and3A_1788] : memref<16x8x64xf32, #tpu.memory_space<vmem>>[vector<16xi32>, vector<16xi32>, vector<16xi32>], vector<16xf32>,
      %mul3A_1791 = arith.mulf %gather3A_1789, %gather3A_1790 : vector<16xf32>
      %add3A_1792 = arith.addf %add3A_1778, %mul3A_1791 : vector<16xf32>
      %mul3A_1793 = arith.mulf %gather3A_1789, %gather3A_1789 : vector<16xf32>
      %add3A_1794 = arith.addf %add3A_1780, %mul3A_1793 : vector<16xf32>
      %mul3A_1795 = arith.mulf %gather3A_1790, %gather3A_1790 : vector<16xf32>
      %add3A_1796 = arith.addf %add3A_1782, %mul3A_1795 : vector<16xf32>
      %add3A_1797 = arith.constant 51 : i32
      %add3A_1798 = vector.broadcast %add3A_1797 : i32 to vector<16xi32>
      %add3A_1799 = arith.addi %iota3A, %add3A_1798 : vector<16xi32>
      %and3A_1800 = arith.constant 63 : i32
      %and3A_1801 = vector.broadcast %and3A_1800 : i32 to vector<16xi32>
      %and3A_1802 = arith.andi %add3A_1799, %and3A_1801 : vector<16xi32>
      %gather3A_1803 = tpu.vector_load_idx %arg11[%iota3A, %and3A_1071, %and3A_1802] : memref<16x8x64xf32, #tpu.memory_space<vmem>>[vector<16xi32>, vector<16xi32>, vector<16xi32>], vector<16xf32>,
      %gather3A_1804 = tpu.vector_load_idx %arg13[%iota3A, %and3A_1078, %and3A_1802] : memref<16x8x64xf32, #tpu.memory_space<vmem>>[vector<16xi32>, vector<16xi32>, vector<16xi32>], vector<16xf32>,
      %mul3A_1805 = arith.mulf %gather3A_1803, %gather3A_1804 : vector<16xf32>
      %add3A_1806 = arith.addf %add3A_1792, %mul3A_1805 : vector<16xf32>
      %mul3A_1807 = arith.mulf %gather3A_1803, %gather3A_1803 : vector<16xf32>
      %add3A_1808 = arith.addf %add3A_1794, %mul3A_1807 : vector<16xf32>
      %mul3A_1809 = arith.mulf %gather3A_1804, %gather3A_1804 : vector<16xf32>
      %add3A_1810 = arith.addf %add3A_1796, %mul3A_1809 : vector<16xf32>
      %add3A_1811 = arith.constant 52 : i32
      %add3A_1812 = vector.broadcast %add3A_1811 : i32 to vector<16xi32>
      %add3A_1813 = arith.addi %iota3A, %add3A_1812 : vector<16xi32>
      %and3A_1814 = arith.constant 63 : i32
      %and3A_1815 = vector.broadcast %and3A_1814 : i32 to vector<16xi32>
      %and3A_1816 = arith.andi %add3A_1813, %and3A_1815 : vector<16xi32>
      %gather3A_1817 = tpu.vector_load_idx %arg11[%iota3A, %and3A_1071, %and3A_1816] : memref<16x8x64xf32, #tpu.memory_space<vmem>>[vector<16xi32>, vector<16xi32>, vector<16xi32>], vector<16xf32>,
      %gather3A_1818 = tpu.vector_load_idx %arg13[%iota3A, %and3A_1078, %and3A_1816] : memref<16x8x64xf32, #tpu.memory_space<vmem>>[vector<16xi32>, vector<16xi32>, vector<16xi32>], vector<16xf32>,
      %mul3A_1819 = arith.mulf %gather3A_1817, %gather3A_1818 : vector<16xf32>
      %add3A_1820 = arith.addf %add3A_1806, %mul3A_1819 : vector<16xf32>
      %mul3A_1821 = arith.mulf %gather3A_1817, %gather3A_1817 : vector<16xf32>
      %add3A_1822 = arith.addf %add3A_1808, %mul3A_1821 : vector<16xf32>
      %mul3A_1823 = arith.mulf %gather3A_1818, %gather3A_1818 : vector<16xf32>
      %add3A_1824 = arith.addf %add3A_1810, %mul3A_1823 : vector<16xf32>
      %add3A_1825 = arith.constant 53 : i32
      %add3A_1826 = vector.broadcast %add3A_1825 : i32 to vector<16xi32>
      %add3A_1827 = arith.addi %iota3A, %add3A_1826 : vector<16xi32>
      %and3A_1828 = arith.constant 63 : i32
      %and3A_1829 = vector.broadcast %and3A_1828 : i32 to vector<16xi32>
      %and3A_1830 = arith.andi %add3A_1827, %and3A_1829 : vector<16xi32>
      %gather3A_1831 = tpu.vector_load_idx %arg11[%iota3A, %and3A_1071, %and3A_1830] : memref<16x8x64xf32, #tpu.memory_space<vmem>>[vector<16xi32>, vector<16xi32>, vector<16xi32>], vector<16xf32>,
      %gather3A_1832 = tpu.vector_load_idx %arg13[%iota3A, %and3A_1078, %and3A_1830] : memref<16x8x64xf32, #tpu.memory_space<vmem>>[vector<16xi32>, vector<16xi32>, vector<16xi32>], vector<16xf32>,
      %mul3A_1833 = arith.mulf %gather3A_1831, %gather3A_1832 : vector<16xf32>
      %add3A_1834 = arith.addf %add3A_1820, %mul3A_1833 : vector<16xf32>
      %mul3A_1835 = arith.mulf %gather3A_1831, %gather3A_1831 : vector<16xf32>
      %add3A_1836 = arith.addf %add3A_1822, %mul3A_1835 : vector<16xf32>
      %mul3A_1837 = arith.mulf %gather3A_1832, %gather3A_1832 : vector<16xf32>
      %add3A_1838 = arith.addf %add3A_1824, %mul3A_1837 : vector<16xf32>
      %add3A_1839 = arith.constant 54 : i32
      %add3A_1840 = vector.broadcast %add3A_1839 : i32 to vector<16xi32>
      %add3A_1841 = arith.addi %iota3A, %add3A_1840 : vector<16xi32>
      %and3A_1842 = arith.constant 63 : i32
      %and3A_1843 = vector.broadcast %and3A_1842 : i32 to vector<16xi32>
      %and3A_1844 = arith.andi %add3A_1841, %and3A_1843 : vector<16xi32>
      %gather3A_1845 = tpu.vector_load_idx %arg11[%iota3A, %and3A_1071, %and3A_1844] : memref<16x8x64xf32, #tpu.memory_space<vmem>>[vector<16xi32>, vector<16xi32>, vector<16xi32>], vector<16xf32>,
      %gather3A_1846 = tpu.vector_load_idx %arg13[%iota3A, %and3A_1078, %and3A_1844] : memref<16x8x64xf32, #tpu.memory_space<vmem>>[vector<16xi32>, vector<16xi32>, vector<16xi32>], vector<16xf32>,
      %mul3A_1847 = arith.mulf %gather3A_1845, %gather3A_1846 : vector<16xf32>
      %add3A_1848 = arith.addf %add3A_1834, %mul3A_1847 : vector<16xf32>
      %mul3A_1849 = arith.mulf %gather3A_1845, %gather3A_1845 : vector<16xf32>
      %add3A_1850 = arith.addf %add3A_1836, %mul3A_1849 : vector<16xf32>
      %mul3A_1851 = arith.mulf %gather3A_1846, %gather3A_1846 : vector<16xf32>
      %add3A_1852 = arith.addf %add3A_1838, %mul3A_1851 : vector<16xf32>
      %add3A_1853 = arith.constant 55 : i32
      %add3A_1854 = vector.broadcast %add3A_1853 : i32 to vector<16xi32>
      %add3A_1855 = arith.addi %iota3A, %add3A_1854 : vector<16xi32>
      %and3A_1856 = arith.constant 63 : i32
      %and3A_1857 = vector.broadcast %and3A_1856 : i32 to vector<16xi32>
      %and3A_1858 = arith.andi %add3A_1855, %and3A_1857 : vector<16xi32>
      %gather3A_1859 = tpu.vector_load_idx %arg11[%iota3A, %and3A_1071, %and3A_1858] : memref<16x8x64xf32, #tpu.memory_space<vmem>>[vector<16xi32>, vector<16xi32>, vector<16xi32>], vector<16xf32>,
      %gather3A_1860 = tpu.vector_load_idx %arg13[%iota3A, %and3A_1078, %and3A_1858] : memref<16x8x64xf32, #tpu.memory_space<vmem>>[vector<16xi32>, vector<16xi32>, vector<16xi32>], vector<16xf32>,
      %mul3A_1861 = arith.mulf %gather3A_1859, %gather3A_1860 : vector<16xf32>
      %add3A_1862 = arith.addf %add3A_1848, %mul3A_1861 : vector<16xf32>
      %mul3A_1863 = arith.mulf %gather3A_1859, %gather3A_1859 : vector<16xf32>
      %add3A_1864 = arith.addf %add3A_1850, %mul3A_1863 : vector<16xf32>
      %mul3A_1865 = arith.mulf %gather3A_1860, %gather3A_1860 : vector<16xf32>
      %add3A_1866 = arith.addf %add3A_1852, %mul3A_1865 : vector<16xf32>
      %add3A_1867 = arith.constant 56 : i32
      %add3A_1868 = vector.broadcast %add3A_1867 : i32 to vector<16xi32>
      %add3A_1869 = arith.addi %iota3A, %add3A_1868 : vector<16xi32>
      %and3A_1870 = arith.constant 63 : i32
      %and3A_1871 = vector.broadcast %and3A_1870 : i32 to vector<16xi32>
      %and3A_1872 = arith.andi %add3A_1869, %and3A_1871 : vector<16xi32>
      %gather3A_1873 = tpu.vector_load_idx %arg11[%iota3A, %and3A_1071, %and3A_1872] : memref<16x8x64xf32, #tpu.memory_space<vmem>>[vector<16xi32>, vector<16xi32>, vector<16xi32>], vector<16xf32>,
      %gather3A_1874 = tpu.vector_load_idx %arg13[%iota3A, %and3A_1078, %and3A_1872] : memref<16x8x64xf32, #tpu.memory_space<vmem>>[vector<16xi32>, vector<16xi32>, vector<16xi32>], vector<16xf32>,
      %mul3A_1875 = arith.mulf %gather3A_1873, %gather3A_1874 : vector<16xf32>
      %add3A_1876 = arith.addf %add3A_1862, %mul3A_1875 : vector<16xf32>
      %mul3A_1877 = arith.mulf %gather3A_1873, %gather3A_1873 : vector<16xf32>
      %add3A_1878 = arith.addf %add3A_1864, %mul3A_1877 : vector<16xf32>
      %mul3A_1879 = arith.mulf %gather3A_1874, %gather3A_1874 : vector<16xf32>
      %add3A_1880 = arith.addf %add3A_1866, %mul3A_1879 : vector<16xf32>
      %add3A_1881 = arith.constant 57 : i32
      %add3A_1882 = vector.broadcast %add3A_1881 : i32 to vector<16xi32>
      %add3A_1883 = arith.addi %iota3A, %add3A_1882 : vector<16xi32>
      %and3A_1884 = arith.constant 63 : i32
      %and3A_1885 = vector.broadcast %and3A_1884 : i32 to vector<16xi32>
      %and3A_1886 = arith.andi %add3A_1883, %and3A_1885 : vector<16xi32>
      %gather3A_1887 = tpu.vector_load_idx %arg11[%iota3A, %and3A_1071, %and3A_1886] : memref<16x8x64xf32, #tpu.memory_space<vmem>>[vector<16xi32>, vector<16xi32>, vector<16xi32>], vector<16xf32>,
      %gather3A_1888 = tpu.vector_load_idx %arg13[%iota3A, %and3A_1078, %and3A_1886] : memref<16x8x64xf32, #tpu.memory_space<vmem>>[vector<16xi32>, vector<16xi32>, vector<16xi32>], vector<16xf32>,
      %mul3A_1889 = arith.mulf %gather3A_1887, %gather3A_1888 : vector<16xf32>
      %add3A_1890 = arith.addf %add3A_1876, %mul3A_1889 : vector<16xf32>
      %mul3A_1891 = arith.mulf %gather3A_1887, %gather3A_1887 : vector<16xf32>
      %add3A_1892 = arith.addf %add3A_1878, %mul3A_1891 : vector<16xf32>
      %mul3A_1893 = arith.mulf %gather3A_1888, %gather3A_1888 : vector<16xf32>
      %add3A_1894 = arith.addf %add3A_1880, %mul3A_1893 : vector<16xf32>
      %add3A_1895 = arith.constant 58 : i32
      %add3A_1896 = vector.broadcast %add3A_1895 : i32 to vector<16xi32>
      %add3A_1897 = arith.addi %iota3A, %add3A_1896 : vector<16xi32>
      %and3A_1898 = arith.constant 63 : i32
      %and3A_1899 = vector.broadcast %and3A_1898 : i32 to vector<16xi32>
      %and3A_1900 = arith.andi %add3A_1897, %and3A_1899 : vector<16xi32>
      %gather3A_1901 = tpu.vector_load_idx %arg11[%iota3A, %and3A_1071, %and3A_1900] : memref<16x8x64xf32, #tpu.memory_space<vmem>>[vector<16xi32>, vector<16xi32>, vector<16xi32>], vector<16xf32>,
      %gather3A_1902 = tpu.vector_load_idx %arg13[%iota3A, %and3A_1078, %and3A_1900] : memref<16x8x64xf32, #tpu.memory_space<vmem>>[vector<16xi32>, vector<16xi32>, vector<16xi32>], vector<16xf32>,
      %mul3A_1903 = arith.mulf %gather3A_1901, %gather3A_1902 : vector<16xf32>
      %add3A_1904 = arith.addf %add3A_1890, %mul3A_1903 : vector<16xf32>
      %mul3A_1905 = arith.mulf %gather3A_1901, %gather3A_1901 : vector<16xf32>
      %add3A_1906 = arith.addf %add3A_1892, %mul3A_1905 : vector<16xf32>
      %mul3A_1907 = arith.mulf %gather3A_1902, %gather3A_1902 : vector<16xf32>
      %add3A_1908 = arith.addf %add3A_1894, %mul3A_1907 : vector<16xf32>
      %add3A_1909 = arith.constant 59 : i32
      %add3A_1910 = vector.broadcast %add3A_1909 : i32 to vector<16xi32>
      %add3A_1911 = arith.addi %iota3A, %add3A_1910 : vector<16xi32>
      %and3A_1912 = arith.constant 63 : i32
      %and3A_1913 = vector.broadcast %and3A_1912 : i32 to vector<16xi32>
      %and3A_1914 = arith.andi %add3A_1911, %and3A_1913 : vector<16xi32>
      %gather3A_1915 = tpu.vector_load_idx %arg11[%iota3A, %and3A_1071, %and3A_1914] : memref<16x8x64xf32, #tpu.memory_space<vmem>>[vector<16xi32>, vector<16xi32>, vector<16xi32>], vector<16xf32>,
      %gather3A_1916 = tpu.vector_load_idx %arg13[%iota3A, %and3A_1078, %and3A_1914] : memref<16x8x64xf32, #tpu.memory_space<vmem>>[vector<16xi32>, vector<16xi32>, vector<16xi32>], vector<16xf32>,
      %mul3A_1917 = arith.mulf %gather3A_1915, %gather3A_1916 : vector<16xf32>
      %add3A_1918 = arith.addf %add3A_1904, %mul3A_1917 : vector<16xf32>
      %mul3A_1919 = arith.mulf %gather3A_1915, %gather3A_1915 : vector<16xf32>
      %add3A_1920 = arith.addf %add3A_1906, %mul3A_1919 : vector<16xf32>
      %mul3A_1921 = arith.mulf %gather3A_1916, %gather3A_1916 : vector<16xf32>
      %add3A_1922 = arith.addf %add3A_1908, %mul3A_1921 : vector<16xf32>
      %add3A_1923 = arith.constant 60 : i32
      %add3A_1924 = vector.broadcast %add3A_1923 : i32 to vector<16xi32>
      %add3A_1925 = arith.addi %iota3A, %add3A_1924 : vector<16xi32>
      %and3A_1926 = arith.constant 63 : i32
      %and3A_1927 = vector.broadcast %and3A_1926 : i32 to vector<16xi32>
      %and3A_1928 = arith.andi %add3A_1925, %and3A_1927 : vector<16xi32>
      %gather3A_1929 = tpu.vector_load_idx %arg11[%iota3A, %and3A_1071, %and3A_1928] : memref<16x8x64xf32, #tpu.memory_space<vmem>>[vector<16xi32>, vector<16xi32>, vector<16xi32>], vector<16xf32>,
      %gather3A_1930 = tpu.vector_load_idx %arg13[%iota3A, %and3A_1078, %and3A_1928] : memref<16x8x64xf32, #tpu.memory_space<vmem>>[vector<16xi32>, vector<16xi32>, vector<16xi32>], vector<16xf32>,
      %mul3A_1931 = arith.mulf %gather3A_1929, %gather3A_1930 : vector<16xf32>
      %add3A_1932 = arith.addf %add3A_1918, %mul3A_1931 : vector<16xf32>
      %mul3A_1933 = arith.mulf %gather3A_1929, %gather3A_1929 : vector<16xf32>
      %add3A_1934 = arith.addf %add3A_1920, %mul3A_1933 : vector<16xf32>
      %mul3A_1935 = arith.mulf %gather3A_1930, %gather3A_1930 : vector<16xf32>
      %add3A_1936 = arith.addf %add3A_1922, %mul3A_1935 : vector<16xf32>
      %add3A_1937 = arith.constant 61 : i32
      %add3A_1938 = vector.broadcast %add3A_1937 : i32 to vector<16xi32>
      %add3A_1939 = arith.addi %iota3A, %add3A_1938 : vector<16xi32>
      %and3A_1940 = arith.constant 63 : i32
      %and3A_1941 = vector.broadcast %and3A_1940 : i32 to vector<16xi32>
      %and3A_1942 = arith.andi %add3A_1939, %and3A_1941 : vector<16xi32>
      %gather3A_1943 = tpu.vector_load_idx %arg11[%iota3A, %and3A_1071, %and3A_1942] : memref<16x8x64xf32, #tpu.memory_space<vmem>>[vector<16xi32>, vector<16xi32>, vector<16xi32>], vector<16xf32>,
      %gather3A_1944 = tpu.vector_load_idx %arg13[%iota3A, %and3A_1078, %and3A_1942] : memref<16x8x64xf32, #tpu.memory_space<vmem>>[vector<16xi32>, vector<16xi32>, vector<16xi32>], vector<16xf32>,
      %mul3A_1945 = arith.mulf %gather3A_1943, %gather3A_1944 : vector<16xf32>
      %add3A_1946 = arith.addf %add3A_1932, %mul3A_1945 : vector<16xf32>
      %mul3A_1947 = arith.mulf %gather3A_1943, %gather3A_1943 : vector<16xf32>
      %add3A_1948 = arith.addf %add3A_1934, %mul3A_1947 : vector<16xf32>
      %mul3A_1949 = arith.mulf %gather3A_1944, %gather3A_1944 : vector<16xf32>
      %add3A_1950 = arith.addf %add3A_1936, %mul3A_1949 : vector<16xf32>
      %add3A_1951 = arith.constant 62 : i32
      %add3A_1952 = vector.broadcast %add3A_1951 : i32 to vector<16xi32>
      %add3A_1953 = arith.addi %iota3A, %add3A_1952 : vector<16xi32>
      %and3A_1954 = arith.constant 63 : i32
      %and3A_1955 = vector.broadcast %and3A_1954 : i32 to vector<16xi32>
      %and3A_1956 = arith.andi %add3A_1953, %and3A_1955 : vector<16xi32>
      %gather3A_1957 = tpu.vector_load_idx %arg11[%iota3A, %and3A_1071, %and3A_1956] : memref<16x8x64xf32, #tpu.memory_space<vmem>>[vector<16xi32>, vector<16xi32>, vector<16xi32>], vector<16xf32>,
      %gather3A_1958 = tpu.vector_load_idx %arg13[%iota3A, %and3A_1078, %and3A_1956] : memref<16x8x64xf32, #tpu.memory_space<vmem>>[vector<16xi32>, vector<16xi32>, vector<16xi32>], vector<16xf32>,
      %mul3A_1959 = arith.mulf %gather3A_1957, %gather3A_1958 : vector<16xf32>
      %add3A_1960 = arith.addf %add3A_1946, %mul3A_1959 : vector<16xf32>
      %mul3A_1961 = arith.mulf %gather3A_1957, %gather3A_1957 : vector<16xf32>
      %add3A_1962 = arith.addf %add3A_1948, %mul3A_1961 : vector<16xf32>
      %mul3A_1963 = arith.mulf %gather3A_1958, %gather3A_1958 : vector<16xf32>
      %add3A_1964 = arith.addf %add3A_1950, %mul3A_1963 : vector<16xf32>
      %add3A_1965 = arith.constant 63 : i32
      %add3A_1966 = vector.broadcast %add3A_1965 : i32 to vector<16xi32>
      %add3A_1967 = arith.addi %iota3A, %add3A_1966 : vector<16xi32>
      %and3A_1968 = arith.constant 63 : i32
      %and3A_1969 = vector.broadcast %and3A_1968 : i32 to vector<16xi32>
      %and3A_1970 = arith.andi %add3A_1967, %and3A_1969 : vector<16xi32>
      %gather3A_1971 = tpu.vector_load_idx %arg11[%iota3A, %and3A_1071, %and3A_1970] : memref<16x8x64xf32, #tpu.memory_space<vmem>>[vector<16xi32>, vector<16xi32>, vector<16xi32>], vector<16xf32>,
      %gather3A_1972 = tpu.vector_load_idx %arg13[%iota3A, %and3A_1078, %and3A_1970] : memref<16x8x64xf32, #tpu.memory_space<vmem>>[vector<16xi32>, vector<16xi32>, vector<16xi32>], vector<16xf32>,
      %mul3A_1973 = arith.mulf %gather3A_1971, %gather3A_1972 : vector<16xf32>
      %add3A_1974 = arith.addf %add3A_1960, %mul3A_1973 : vector<16xf32>
      %mul3A_1975 = arith.mulf %gather3A_1971, %gather3A_1971 : vector<16xf32>
      %add3A_1976 = arith.addf %add3A_1962, %mul3A_1975 : vector<16xf32>
      %mul3A_1977 = arith.mulf %gather3A_1972, %gather3A_1972 : vector<16xf32>
      %add3A_1978 = arith.addf %add3A_1964, %mul3A_1977 : vector<16xf32>
      %max3A = arith.constant 1.000000e-16 : f32
      %max3A_1979 = vector.broadcast %max3A : f32 to vector<16xf32>
      %max3A_1980 = arith.maximumf %add3A_1976, %max3A_1979 : vector<16xf32>
      %max3A_1981 = arith.constant 1.000000e-16 : f32
      %max3A_1982 = vector.broadcast %max3A_1981 : f32 to vector<16xf32>
      %max3A_1983 = arith.maximumf %add3A_1978, %max3A_1982 : vector<16xf32>
      %mul3A_1984 = arith.mulf %max3A_1980, %max3A_1983 : vector<16xf32>
      %bitcast3A = vector.bitcast %mul3A_1984 : vector<16xf32> to vector<16xi32>
      %shift_right_arithmetic3A = arith.constant 1 : i32
      %shift_right_arithmetic3A_1985 = vector.broadcast %shift_right_arithmetic3A : i32 to vector<16xi32>
      %shift_right_arithmetic3A_1986 = arith.shrsi %bitcast3A, %shift_right_arithmetic3A_1985 : vector<16xi32>
      %sub3A = arith.constant 1597463007 : i32
      %sub3A_1987 = vector.broadcast %sub3A : i32 to vector<16xi32>
      %sub3A_1988 = arith.subi %sub3A_1987, %shift_right_arithmetic3A_1986 : vector<16xi32>
      %bitcast3A_1989 = vector.bitcast %sub3A_1988 : vector<16xi32> to vector<16xf32>
      %mul3A_1990 = arith.constant 5.000000e-01 : f32
      %mul3A_1991 = vector.broadcast %mul3A_1990 : f32 to vector<16xf32>
      %mul3A_1992 = arith.mulf %mul3A_1991, %mul3A_1984 : vector<16xf32>
      %mul3A_1993 = arith.mulf %mul3A_1992, %bitcast3A_1989 : vector<16xf32>
      %mul3A_1994 = arith.mulf %mul3A_1993, %bitcast3A_1989 : vector<16xf32>
      %sub3A_1995 = arith.constant 1.500000e+00 : f32
      %sub3A_1996 = vector.broadcast %sub3A_1995 : f32 to vector<16xf32>
      %sub3A_1997 = arith.subf %sub3A_1996, %mul3A_1994 : vector<16xf32>
      %mul3A_1998 = arith.mulf %bitcast3A_1989, %sub3A_1997 : vector<16xf32>
      %mul3A_1999 = arith.constant 5.000000e-01 : f32
      %mul3A_2000 = vector.broadcast %mul3A_1999 : f32 to vector<16xf32>
      %mul3A_2001 = arith.mulf %mul3A_2000, %mul3A_1984 : vector<16xf32>
      %mul3A_2002 = arith.mulf %mul3A_2001, %mul3A_1998 : vector<16xf32>
      %mul3A_2003 = arith.mulf %mul3A_2002, %mul3A_1998 : vector<16xf32>
      %sub3A_2004 = arith.constant 1.500000e+00 : f32
      %sub3A_2005 = vector.broadcast %sub3A_2004 : f32 to vector<16xf32>
      %sub3A_2006 = arith.subf %sub3A_2005, %mul3A_2003 : vector<16xf32>
      %mul3A_2007 = arith.mulf %mul3A_1998, %sub3A_2006 : vector<16xf32>
      %mul3A_2008 = arith.constant 5.000000e-01 : f32
      %mul3A_2009 = vector.broadcast %mul3A_2008 : f32 to vector<16xf32>
      %mul3A_2010 = arith.mulf %mul3A_2009, %mul3A_1984 : vector<16xf32>
      %mul3A_2011 = arith.mulf %mul3A_2010, %mul3A_2007 : vector<16xf32>
      %mul3A_2012 = arith.mulf %mul3A_2011, %mul3A_2007 : vector<16xf32>
      %sub3A_2013 = arith.constant 1.500000e+00 : f32
      %sub3A_2014 = vector.broadcast %sub3A_2013 : f32 to vector<16xf32>
      %sub3A_2015 = arith.subf %sub3A_2014, %mul3A_2012 : vector<16xf32>
      %mul3A_2016 = arith.mulf %mul3A_2007, %sub3A_2015 : vector<16xf32>
      %mul3A_2017 = arith.mulf %add3A_1974, %mul3A_2016 : vector<16xf32>
      %mul3A_2018 = arith.constant 2.250000e+00 : f32
      %mul3A_2019 = vector.broadcast %mul3A_2018 : f32 to vector<16xf32>
      %mul3A_2020 = arith.mulf %mul3A_2017, %mul3A_2019 : vector<16xf32>
      %add3A_2021 = arith.constant 2.750000e+00 : f32
      %add3A_2022 = vector.broadcast %add3A_2021 : f32 to vector<16xf32>
      %add3A_2023 = arith.addf %mul3A_2020, %add3A_2022 : vector<16xf32>
      %mul3A_2024 = arith.constant 16 : i32
      %mul3A_2025 = arith.muli %mul3A_528, %mul3A_2024 : i32
      %swap3A = arith.index_cast %mul3A_2025 : i32 to index
      %swap3A_2026 = tpu.vector_load %arg15[%swap3A] {strides = array<i32>} : memref<512xf32, #tpu.memory_space<vmem>>, vector<16xf32>,
      tpu.vector_store %arg15[%swap3A], %add3A_2023 {strides = array<i32>} : memref<512xf32, #tpu.memory_space<vmem>>, vector<16xf32>,
      %add3A_2027 = arith.constant 2 : i32
      %add3A_2028 = arith.addi %mul3A_528, %add3A_2027 : i32
      %lt3A = arith.constant 32 : i32
      %lt3A_2029 = arith.cmpi slt, %add3A_2028, %lt3A : i32
      %convert_element_type3A = arith.extui %lt3A_2029 : i1 to i32
      %cond3A = arith.constant 0 : i32
      %cond3A_2030 = arith.cmpi ne, %convert_element_type3A, %cond3A : i32
      scf.if %cond3A_2030 {
        %add3A_3016 = arith.constant 2 : i32
        %add3A_3017 = arith.addi %mul3A_528, %add3A_3016 : i32
        %mul3A_3018 = arith.constant 16 : i32
        %mul3A_3019 = arith.muli %add3A_3017, %mul3A_3018 : i32
        %get3A_3020 = arith.index_cast %mul3A_3019 : i32 to index
        %get3A_3021 = tpu.vector_load %arg9[%get3A_3020] {strides = array<i32>} : memref<512xi32, #tpu.memory_space<vmem>>, vector<16xi32>,
        %mul3A_3022 = arith.constant 16 : i32
        %mul3A_3023 = arith.muli %add3A_3017, %mul3A_3022 : i32
        %get3A_3024 = arith.index_cast %mul3A_3023 : i32 to index
        %get3A_3025 = tpu.vector_load %arg10[%get3A_3024] {strides = array<i32>} : memref<512xi32, #tpu.memory_space<vmem>>, vector<16xi32>,
        %slice3A_3026 = vector.extract_strided_slice %get3A_3021 {offsets = [0], sizes = [1], strides = [1]} : vector<16xi32> to vector<1xi32>
        %squeeze3A_3027 = vector.extract %slice3A_3026[0] : i32 from vector<1xi32>
        %dma_start3A_3028 = arith.constant 0 : i32
        %dma_start3A_3029 = arith.constant 0 : i32
        %dma_start3A_3030 = arith.constant 0 : i32
        %dma_start3A_3031 = tpu.memref_slice %arg11[%dma_start3A_3028, %dma_start3A_3029, %dma_start3A_3030] : memref<16x8x64xf32, #tpu.memory_space<vmem>> -> memref<1x8x64xf32, #tpu.memory_space<vmem>>
        %dma_start3A_3032 = arith.constant 0 : i32
        %dma_start3A_3033 = arith.constant 0 : i32
        %dma_start3A_3034 = tpu.memref_slice %arg4[%squeeze3A_3027, %dma_start3A_3032, %dma_start3A_3033] : memref<125000x8x64xf32, #tpu.memory_space<hbm>> -> memref<1x8x64xf32, #tpu.memory_space<hbm>>
        %dma_start3A_3035 = arith.constant 0 : i32
        %dma_start3A_3036 = arith.constant 0 : i32
        %dma_start3A_3037 = arith.constant 0 : i32
        %dma_start3A_3038 = tpu.memref_slice %arg11[%dma_start3A_3035, %dma_start3A_3036, %dma_start3A_3037] : memref<16x8x64xf32, #tpu.memory_space<vmem>> -> memref<1x8x64xf32, #tpu.memory_space<vmem>>
        %dma_start3A_3039 = arith.constant 0 : i32
        %dma_start3A_3040 = arith.constant 0 : i32
        %dma_start3A_3041 = tpu.memref_slice %arg4[%squeeze3A_3027, %dma_start3A_3039, %dma_start3A_3040] : memref<125000x8x64xf32, #tpu.memory_space<hbm>> -> memref<1x8x64xf32, #tpu.memory_space<hbm>>
        tpu.enqueue_dma source(%dma_start3A_3041 : memref<1x8x64xf32, #tpu.memory_space<hbm>>) target(%dma_start3A_3038 : memref<1x8x64xf32, #tpu.memory_space<vmem>>) target_semaphore(%arg16 : memref<!tpu.dma_semaphore, #tpu.memory_space<semaphore_mem>>)
        %slice3A_3042 = vector.extract_strided_slice %get3A_3025 {offsets = [0], sizes = [1], strides = [1]} : vector<16xi32> to vector<1xi32>
        %squeeze3A_3043 = vector.extract %slice3A_3042[0] : i32 from vector<1xi32>
        %dma_start3A_3044 = arith.constant 0 : i32
        %dma_start3A_3045 = arith.constant 0 : i32
        %dma_start3A_3046 = arith.constant 0 : i32
        %dma_start3A_3047 = tpu.memref_slice %arg13[%dma_start3A_3044, %dma_start3A_3045, %dma_start3A_3046] : memref<16x8x64xf32, #tpu.memory_space<vmem>> -> memref<1x8x64xf32, #tpu.memory_space<vmem>>
        %dma_start3A_3048 = arith.constant 0 : i32
        %dma_start3A_3049 = arith.constant 0 : i32
        %dma_start3A_3050 = tpu.memref_slice %arg5[%squeeze3A_3043, %dma_start3A_3048, %dma_start3A_3049] : memref<12500x8x64xf32, #tpu.memory_space<hbm>> -> memref<1x8x64xf32, #tpu.memory_space<hbm>>
        %dma_start3A_3051 = arith.constant 0 : i32
        %dma_start3A_3052 = arith.constant 0 : i32
        %dma_start3A_3053 = arith.constant 0 : i32
        %dma_start3A_3054 = tpu.memref_slice %arg13[%dma_start3A_3051, %dma_start3A_3052, %dma_start3A_3053] : memref<16x8x64xf32, #tpu.memory_space<vmem>> -> memref<1x8x64xf32, #tpu.memory_space<vmem>>
        %dma_start3A_3055 = arith.constant 0 : i32
        %dma_start3A_3056 = arith.constant 0 : i32
        %dma_start3A_3057 = tpu.memref_slice %arg5[%squeeze3A_3043, %dma_start3A_3055, %dma_start3A_3056] : memref<12500x8x64xf32, #tpu.memory_space<hbm>> -> memref<1x8x64xf32, #tpu.memory_space<hbm>>
        tpu.enqueue_dma source(%dma_start3A_3057 : memref<1x8x64xf32, #tpu.memory_space<hbm>>) target(%dma_start3A_3054 : memref<1x8x64xf32, #tpu.memory_space<vmem>>) target_semaphore(%arg18 : memref<!tpu.dma_semaphore, #tpu.memory_space<semaphore_mem>>)
        %slice3A_3058 = vector.extract_strided_slice %get3A_3021 {offsets = [1], sizes = [1], strides = [1]} : vector<16xi32> to vector<1xi32>
        %squeeze3A_3059 = vector.extract %slice3A_3058[0] : i32 from vector<1xi32>
        %dma_start3A_3060 = arith.constant 1 : i32
        %dma_start3A_3061 = arith.constant 0 : i32
        %dma_start3A_3062 = arith.constant 0 : i32
        %dma_start3A_3063 = tpu.memref_slice %arg11[%dma_start3A_3060, %dma_start3A_3061, %dma_start3A_3062] : memref<16x8x64xf32, #tpu.memory_space<vmem>> -> memref<1x8x64xf32, #tpu.memory_space<vmem>>
        %dma_start3A_3064 = arith.constant 0 : i32
        %dma_start3A_3065 = arith.constant 0 : i32
        %dma_start3A_3066 = tpu.memref_slice %arg4[%squeeze3A_3059, %dma_start3A_3064, %dma_start3A_3065] : memref<125000x8x64xf32, #tpu.memory_space<hbm>> -> memref<1x8x64xf32, #tpu.memory_space<hbm>>
        %dma_start3A_3067 = arith.constant 1 : i32
        %dma_start3A_3068 = arith.constant 0 : i32
        %dma_start3A_3069 = arith.constant 0 : i32
        %dma_start3A_3070 = tpu.memref_slice %arg11[%dma_start3A_3067, %dma_start3A_3068, %dma_start3A_3069] : memref<16x8x64xf32, #tpu.memory_space<vmem>> -> memref<1x8x64xf32, #tpu.memory_space<vmem>>
        %dma_start3A_3071 = arith.constant 0 : i32
        %dma_start3A_3072 = arith.constant 0 : i32
        %dma_start3A_3073 = tpu.memref_slice %arg4[%squeeze3A_3059, %dma_start3A_3071, %dma_start3A_3072] : memref<125000x8x64xf32, #tpu.memory_space<hbm>> -> memref<1x8x64xf32, #tpu.memory_space<hbm>>
        tpu.enqueue_dma source(%dma_start3A_3073 : memref<1x8x64xf32, #tpu.memory_space<hbm>>) target(%dma_start3A_3070 : memref<1x8x64xf32, #tpu.memory_space<vmem>>) target_semaphore(%arg16 : memref<!tpu.dma_semaphore, #tpu.memory_space<semaphore_mem>>)
        %slice3A_3074 = vector.extract_strided_slice %get3A_3025 {offsets = [1], sizes = [1], strides = [1]} : vector<16xi32> to vector<1xi32>
        %squeeze3A_3075 = vector.extract %slice3A_3074[0] : i32 from vector<1xi32>
        %dma_start3A_3076 = arith.constant 1 : i32
        %dma_start3A_3077 = arith.constant 0 : i32
        %dma_start3A_3078 = arith.constant 0 : i32
        %dma_start3A_3079 = tpu.memref_slice %arg13[%dma_start3A_3076, %dma_start3A_3077, %dma_start3A_3078] : memref<16x8x64xf32, #tpu.memory_space<vmem>> -> memref<1x8x64xf32, #tpu.memory_space<vmem>>
        %dma_start3A_3080 = arith.constant 0 : i32
        %dma_start3A_3081 = arith.constant 0 : i32
        %dma_start3A_3082 = tpu.memref_slice %arg5[%squeeze3A_3075, %dma_start3A_3080, %dma_start3A_3081] : memref<12500x8x64xf32, #tpu.memory_space<hbm>> -> memref<1x8x64xf32, #tpu.memory_space<hbm>>
        %dma_start3A_3083 = arith.constant 1 : i32
        %dma_start3A_3084 = arith.constant 0 : i32
        %dma_start3A_3085 = arith.constant 0 : i32
        %dma_start3A_3086 = tpu.memref_slice %arg13[%dma_start3A_3083, %dma_start3A_3084, %dma_start3A_3085] : memref<16x8x64xf32, #tpu.memory_space<vmem>> -> memref<1x8x64xf32, #tpu.memory_space<vmem>>
        %dma_start3A_3087 = arith.constant 0 : i32
        %dma_start3A_3088 = arith.constant 0 : i32
        %dma_start3A_3089 = tpu.memref_slice %arg5[%squeeze3A_3075, %dma_start3A_3087, %dma_start3A_3088] : memref<12500x8x64xf32, #tpu.memory_space<hbm>> -> memref<1x8x64xf32, #tpu.memory_space<hbm>>
        tpu.enqueue_dma source(%dma_start3A_3089 : memref<1x8x64xf32, #tpu.memory_space<hbm>>) target(%dma_start3A_3086 : memref<1x8x64xf32, #tpu.memory_space<vmem>>) target_semaphore(%arg18 : memref<!tpu.dma_semaphore, #tpu.memory_space<semaphore_mem>>)
        %slice3A_3090 = vector.extract_strided_slice %get3A_3021 {offsets = [2], sizes = [1], strides = [1]} : vector<16xi32> to vector<1xi32>
        %squeeze3A_3091 = vector.extract %slice3A_3090[0] : i32 from vector<1xi32>
        %dma_start3A_3092 = arith.constant 2 : i32
        %dma_start3A_3093 = arith.constant 0 : i32
        %dma_start3A_3094 = arith.constant 0 : i32
        %dma_start3A_3095 = tpu.memref_slice %arg11[%dma_start3A_3092, %dma_start3A_3093, %dma_start3A_3094] : memref<16x8x64xf32, #tpu.memory_space<vmem>> -> memref<1x8x64xf32, #tpu.memory_space<vmem>>
        %dma_start3A_3096 = arith.constant 0 : i32
        %dma_start3A_3097 = arith.constant 0 : i32
        %dma_start3A_3098 = tpu.memref_slice %arg4[%squeeze3A_3091, %dma_start3A_3096, %dma_start3A_3097] : memref<125000x8x64xf32, #tpu.memory_space<hbm>> -> memref<1x8x64xf32, #tpu.memory_space<hbm>>
        %dma_start3A_3099 = arith.constant 2 : i32
        %dma_start3A_3100 = arith.constant 0 : i32
        %dma_start3A_3101 = arith.constant 0 : i32
        %dma_start3A_3102 = tpu.memref_slice %arg11[%dma_start3A_3099, %dma_start3A_3100, %dma_start3A_3101] : memref<16x8x64xf32, #tpu.memory_space<vmem>> -> memref<1x8x64xf32, #tpu.memory_space<vmem>>
        %dma_start3A_3103 = arith.constant 0 : i32
        %dma_start3A_3104 = arith.constant 0 : i32
        %dma_start3A_3105 = tpu.memref_slice %arg4[%squeeze3A_3091, %dma_start3A_3103, %dma_start3A_3104] : memref<125000x8x64xf32, #tpu.memory_space<hbm>> -> memref<1x8x64xf32, #tpu.memory_space<hbm>>
        tpu.enqueue_dma source(%dma_start3A_3105 : memref<1x8x64xf32, #tpu.memory_space<hbm>>) target(%dma_start3A_3102 : memref<1x8x64xf32, #tpu.memory_space<vmem>>) target_semaphore(%arg16 : memref<!tpu.dma_semaphore, #tpu.memory_space<semaphore_mem>>)
        %slice3A_3106 = vector.extract_strided_slice %get3A_3025 {offsets = [2], sizes = [1], strides = [1]} : vector<16xi32> to vector<1xi32>
        %squeeze3A_3107 = vector.extract %slice3A_3106[0] : i32 from vector<1xi32>
        %dma_start3A_3108 = arith.constant 2 : i32
        %dma_start3A_3109 = arith.constant 0 : i32
        %dma_start3A_3110 = arith.constant 0 : i32
        %dma_start3A_3111 = tpu.memref_slice %arg13[%dma_start3A_3108, %dma_start3A_3109, %dma_start3A_3110] : memref<16x8x64xf32, #tpu.memory_space<vmem>> -> memref<1x8x64xf32, #tpu.memory_space<vmem>>
        %dma_start3A_3112 = arith.constant 0 : i32
        %dma_start3A_3113 = arith.constant 0 : i32
        %dma_start3A_3114 = tpu.memref_slice %arg5[%squeeze3A_3107, %dma_start3A_3112, %dma_start3A_3113] : memref<12500x8x64xf32, #tpu.memory_space<hbm>> -> memref<1x8x64xf32, #tpu.memory_space<hbm>>
        %dma_start3A_3115 = arith.constant 2 : i32
        %dma_start3A_3116 = arith.constant 0 : i32
        %dma_start3A_3117 = arith.constant 0 : i32
        %dma_start3A_3118 = tpu.memref_slice %arg13[%dma_start3A_3115, %dma_start3A_3116, %dma_start3A_3117] : memref<16x8x64xf32, #tpu.memory_space<vmem>> -> memref<1x8x64xf32, #tpu.memory_space<vmem>>
        %dma_start3A_3119 = arith.constant 0 : i32
        %dma_start3A_3120 = arith.constant 0 : i32
        %dma_start3A_3121 = tpu.memref_slice %arg5[%squeeze3A_3107, %dma_start3A_3119, %dma_start3A_3120] : memref<12500x8x64xf32, #tpu.memory_space<hbm>> -> memref<1x8x64xf32, #tpu.memory_space<hbm>>
        tpu.enqueue_dma source(%dma_start3A_3121 : memref<1x8x64xf32, #tpu.memory_space<hbm>>) target(%dma_start3A_3118 : memref<1x8x64xf32, #tpu.memory_space<vmem>>) target_semaphore(%arg18 : memref<!tpu.dma_semaphore, #tpu.memory_space<semaphore_mem>>)
        %slice3A_3122 = vector.extract_strided_slice %get3A_3021 {offsets = [3], sizes = [1], strides = [1]} : vector<16xi32> to vector<1xi32>
        %squeeze3A_3123 = vector.extract %slice3A_3122[0] : i32 from vector<1xi32>
        %dma_start3A_3124 = arith.constant 3 : i32
        %dma_start3A_3125 = arith.constant 0 : i32
        %dma_start3A_3126 = arith.constant 0 : i32
        %dma_start3A_3127 = tpu.memref_slice %arg11[%dma_start3A_3124, %dma_start3A_3125, %dma_start3A_3126] : memref<16x8x64xf32, #tpu.memory_space<vmem>> -> memref<1x8x64xf32, #tpu.memory_space<vmem>>
        %dma_start3A_3128 = arith.constant 0 : i32
        %dma_start3A_3129 = arith.constant 0 : i32
        %dma_start3A_3130 = tpu.memref_slice %arg4[%squeeze3A_3123, %dma_start3A_3128, %dma_start3A_3129] : memref<125000x8x64xf32, #tpu.memory_space<hbm>> -> memref<1x8x64xf32, #tpu.memory_space<hbm>>
        %dma_start3A_3131 = arith.constant 3 : i32
        %dma_start3A_3132 = arith.constant 0 : i32
        %dma_start3A_3133 = arith.constant 0 : i32
        %dma_start3A_3134 = tpu.memref_slice %arg11[%dma_start3A_3131, %dma_start3A_3132, %dma_start3A_3133] : memref<16x8x64xf32, #tpu.memory_space<vmem>> -> memref<1x8x64xf32, #tpu.memory_space<vmem>>
        %dma_start3A_3135 = arith.constant 0 : i32
        %dma_start3A_3136 = arith.constant 0 : i32
        %dma_start3A_3137 = tpu.memref_slice %arg4[%squeeze3A_3123, %dma_start3A_3135, %dma_start3A_3136] : memref<125000x8x64xf32, #tpu.memory_space<hbm>> -> memref<1x8x64xf32, #tpu.memory_space<hbm>>
        tpu.enqueue_dma source(%dma_start3A_3137 : memref<1x8x64xf32, #tpu.memory_space<hbm>>) target(%dma_start3A_3134 : memref<1x8x64xf32, #tpu.memory_space<vmem>>) target_semaphore(%arg16 : memref<!tpu.dma_semaphore, #tpu.memory_space<semaphore_mem>>)
        %slice3A_3138 = vector.extract_strided_slice %get3A_3025 {offsets = [3], sizes = [1], strides = [1]} : vector<16xi32> to vector<1xi32>
        %squeeze3A_3139 = vector.extract %slice3A_3138[0] : i32 from vector<1xi32>
        %dma_start3A_3140 = arith.constant 3 : i32
        %dma_start3A_3141 = arith.constant 0 : i32
        %dma_start3A_3142 = arith.constant 0 : i32
        %dma_start3A_3143 = tpu.memref_slice %arg13[%dma_start3A_3140, %dma_start3A_3141, %dma_start3A_3142] : memref<16x8x64xf32, #tpu.memory_space<vmem>> -> memref<1x8x64xf32, #tpu.memory_space<vmem>>
        %dma_start3A_3144 = arith.constant 0 : i32
        %dma_start3A_3145 = arith.constant 0 : i32
        %dma_start3A_3146 = tpu.memref_slice %arg5[%squeeze3A_3139, %dma_start3A_3144, %dma_start3A_3145] : memref<12500x8x64xf32, #tpu.memory_space<hbm>> -> memref<1x8x64xf32, #tpu.memory_space<hbm>>
        %dma_start3A_3147 = arith.constant 3 : i32
        %dma_start3A_3148 = arith.constant 0 : i32
        %dma_start3A_3149 = arith.constant 0 : i32
        %dma_start3A_3150 = tpu.memref_slice %arg13[%dma_start3A_3147, %dma_start3A_3148, %dma_start3A_3149] : memref<16x8x64xf32, #tpu.memory_space<vmem>> -> memref<1x8x64xf32, #tpu.memory_space<vmem>>
        %dma_start3A_3151 = arith.constant 0 : i32
        %dma_start3A_3152 = arith.constant 0 : i32
        %dma_start3A_3153 = tpu.memref_slice %arg5[%squeeze3A_3139, %dma_start3A_3151, %dma_start3A_3152] : memref<12500x8x64xf32, #tpu.memory_space<hbm>> -> memref<1x8x64xf32, #tpu.memory_space<hbm>>
        tpu.enqueue_dma source(%dma_start3A_3153 : memref<1x8x64xf32, #tpu.memory_space<hbm>>) target(%dma_start3A_3150 : memref<1x8x64xf32, #tpu.memory_space<vmem>>) target_semaphore(%arg18 : memref<!tpu.dma_semaphore, #tpu.memory_space<semaphore_mem>>)
        %slice3A_3154 = vector.extract_strided_slice %get3A_3021 {offsets = [4], sizes = [1], strides = [1]} : vector<16xi32> to vector<1xi32>
        %squeeze3A_3155 = vector.extract %slice3A_3154[0] : i32 from vector<1xi32>
        %dma_start3A_3156 = arith.constant 4 : i32
        %dma_start3A_3157 = arith.constant 0 : i32
        %dma_start3A_3158 = arith.constant 0 : i32
        %dma_start3A_3159 = tpu.memref_slice %arg11[%dma_start3A_3156, %dma_start3A_3157, %dma_start3A_3158] : memref<16x8x64xf32, #tpu.memory_space<vmem>> -> memref<1x8x64xf32, #tpu.memory_space<vmem>>
        %dma_start3A_3160 = arith.constant 0 : i32
        %dma_start3A_3161 = arith.constant 0 : i32
        %dma_start3A_3162 = tpu.memref_slice %arg4[%squeeze3A_3155, %dma_start3A_3160, %dma_start3A_3161] : memref<125000x8x64xf32, #tpu.memory_space<hbm>> -> memref<1x8x64xf32, #tpu.memory_space<hbm>>
        %dma_start3A_3163 = arith.constant 4 : i32
        %dma_start3A_3164 = arith.constant 0 : i32
        %dma_start3A_3165 = arith.constant 0 : i32
        %dma_start3A_3166 = tpu.memref_slice %arg11[%dma_start3A_3163, %dma_start3A_3164, %dma_start3A_3165] : memref<16x8x64xf32, #tpu.memory_space<vmem>> -> memref<1x8x64xf32, #tpu.memory_space<vmem>>
        %dma_start3A_3167 = arith.constant 0 : i32
        %dma_start3A_3168 = arith.constant 0 : i32
        %dma_start3A_3169 = tpu.memref_slice %arg4[%squeeze3A_3155, %dma_start3A_3167, %dma_start3A_3168] : memref<125000x8x64xf32, #tpu.memory_space<hbm>> -> memref<1x8x64xf32, #tpu.memory_space<hbm>>
        tpu.enqueue_dma source(%dma_start3A_3169 : memref<1x8x64xf32, #tpu.memory_space<hbm>>) target(%dma_start3A_3166 : memref<1x8x64xf32, #tpu.memory_space<vmem>>) target_semaphore(%arg16 : memref<!tpu.dma_semaphore, #tpu.memory_space<semaphore_mem>>)
        %slice3A_3170 = vector.extract_strided_slice %get3A_3025 {offsets = [4], sizes = [1], strides = [1]} : vector<16xi32> to vector<1xi32>
        %squeeze3A_3171 = vector.extract %slice3A_3170[0] : i32 from vector<1xi32>
        %dma_start3A_3172 = arith.constant 4 : i32
        %dma_start3A_3173 = arith.constant 0 : i32
        %dma_start3A_3174 = arith.constant 0 : i32
        %dma_start3A_3175 = tpu.memref_slice %arg13[%dma_start3A_3172, %dma_start3A_3173, %dma_start3A_3174] : memref<16x8x64xf32, #tpu.memory_space<vmem>> -> memref<1x8x64xf32, #tpu.memory_space<vmem>>
        %dma_start3A_3176 = arith.constant 0 : i32
        %dma_start3A_3177 = arith.constant 0 : i32
        %dma_start3A_3178 = tpu.memref_slice %arg5[%squeeze3A_3171, %dma_start3A_3176, %dma_start3A_3177] : memref<12500x8x64xf32, #tpu.memory_space<hbm>> -> memref<1x8x64xf32, #tpu.memory_space<hbm>>
        %dma_start3A_3179 = arith.constant 4 : i32
        %dma_start3A_3180 = arith.constant 0 : i32
        %dma_start3A_3181 = arith.constant 0 : i32
        %dma_start3A_3182 = tpu.memref_slice %arg13[%dma_start3A_3179, %dma_start3A_3180, %dma_start3A_3181] : memref<16x8x64xf32, #tpu.memory_space<vmem>> -> memref<1x8x64xf32, #tpu.memory_space<vmem>>
        %dma_start3A_3183 = arith.constant 0 : i32
        %dma_start3A_3184 = arith.constant 0 : i32
        %dma_start3A_3185 = tpu.memref_slice %arg5[%squeeze3A_3171, %dma_start3A_3183, %dma_start3A_3184] : memref<12500x8x64xf32, #tpu.memory_space<hbm>> -> memref<1x8x64xf32, #tpu.memory_space<hbm>>
        tpu.enqueue_dma source(%dma_start3A_3185 : memref<1x8x64xf32, #tpu.memory_space<hbm>>) target(%dma_start3A_3182 : memref<1x8x64xf32, #tpu.memory_space<vmem>>) target_semaphore(%arg18 : memref<!tpu.dma_semaphore, #tpu.memory_space<semaphore_mem>>)
        %slice3A_3186 = vector.extract_strided_slice %get3A_3021 {offsets = [5], sizes = [1], strides = [1]} : vector<16xi32> to vector<1xi32>
        %squeeze3A_3187 = vector.extract %slice3A_3186[0] : i32 from vector<1xi32>
        %dma_start3A_3188 = arith.constant 5 : i32
        %dma_start3A_3189 = arith.constant 0 : i32
        %dma_start3A_3190 = arith.constant 0 : i32
        %dma_start3A_3191 = tpu.memref_slice %arg11[%dma_start3A_3188, %dma_start3A_3189, %dma_start3A_3190] : memref<16x8x64xf32, #tpu.memory_space<vmem>> -> memref<1x8x64xf32, #tpu.memory_space<vmem>>
        %dma_start3A_3192 = arith.constant 0 : i32
        %dma_start3A_3193 = arith.constant 0 : i32
        %dma_start3A_3194 = tpu.memref_slice %arg4[%squeeze3A_3187, %dma_start3A_3192, %dma_start3A_3193] : memref<125000x8x64xf32, #tpu.memory_space<hbm>> -> memref<1x8x64xf32, #tpu.memory_space<hbm>>
        %dma_start3A_3195 = arith.constant 5 : i32
        %dma_start3A_3196 = arith.constant 0 : i32
        %dma_start3A_3197 = arith.constant 0 : i32
        %dma_start3A_3198 = tpu.memref_slice %arg11[%dma_start3A_3195, %dma_start3A_3196, %dma_start3A_3197] : memref<16x8x64xf32, #tpu.memory_space<vmem>> -> memref<1x8x64xf32, #tpu.memory_space<vmem>>
        %dma_start3A_3199 = arith.constant 0 : i32
        %dma_start3A_3200 = arith.constant 0 : i32
        %dma_start3A_3201 = tpu.memref_slice %arg4[%squeeze3A_3187, %dma_start3A_3199, %dma_start3A_3200] : memref<125000x8x64xf32, #tpu.memory_space<hbm>> -> memref<1x8x64xf32, #tpu.memory_space<hbm>>
        tpu.enqueue_dma source(%dma_start3A_3201 : memref<1x8x64xf32, #tpu.memory_space<hbm>>) target(%dma_start3A_3198 : memref<1x8x64xf32, #tpu.memory_space<vmem>>) target_semaphore(%arg16 : memref<!tpu.dma_semaphore, #tpu.memory_space<semaphore_mem>>)
        %slice3A_3202 = vector.extract_strided_slice %get3A_3025 {offsets = [5], sizes = [1], strides = [1]} : vector<16xi32> to vector<1xi32>
        %squeeze3A_3203 = vector.extract %slice3A_3202[0] : i32 from vector<1xi32>
        %dma_start3A_3204 = arith.constant 5 : i32
        %dma_start3A_3205 = arith.constant 0 : i32
        %dma_start3A_3206 = arith.constant 0 : i32
        %dma_start3A_3207 = tpu.memref_slice %arg13[%dma_start3A_3204, %dma_start3A_3205, %dma_start3A_3206] : memref<16x8x64xf32, #tpu.memory_space<vmem>> -> memref<1x8x64xf32, #tpu.memory_space<vmem>>
        %dma_start3A_3208 = arith.constant 0 : i32
        %dma_start3A_3209 = arith.constant 0 : i32
        %dma_start3A_3210 = tpu.memref_slice %arg5[%squeeze3A_3203, %dma_start3A_3208, %dma_start3A_3209] : memref<12500x8x64xf32, #tpu.memory_space<hbm>> -> memref<1x8x64xf32, #tpu.memory_space<hbm>>
        %dma_start3A_3211 = arith.constant 5 : i32
        %dma_start3A_3212 = arith.constant 0 : i32
        %dma_start3A_3213 = arith.constant 0 : i32
        %dma_start3A_3214 = tpu.memref_slice %arg13[%dma_start3A_3211, %dma_start3A_3212, %dma_start3A_3213] : memref<16x8x64xf32, #tpu.memory_space<vmem>> -> memref<1x8x64xf32, #tpu.memory_space<vmem>>
        %dma_start3A_3215 = arith.constant 0 : i32
        %dma_start3A_3216 = arith.constant 0 : i32
        %dma_start3A_3217 = tpu.memref_slice %arg5[%squeeze3A_3203, %dma_start3A_3215, %dma_start3A_3216] : memref<12500x8x64xf32, #tpu.memory_space<hbm>> -> memref<1x8x64xf32, #tpu.memory_space<hbm>>
        tpu.enqueue_dma source(%dma_start3A_3217 : memref<1x8x64xf32, #tpu.memory_space<hbm>>) target(%dma_start3A_3214 : memref<1x8x64xf32, #tpu.memory_space<vmem>>) target_semaphore(%arg18 : memref<!tpu.dma_semaphore, #tpu.memory_space<semaphore_mem>>)
        %slice3A_3218 = vector.extract_strided_slice %get3A_3021 {offsets = [6], sizes = [1], strides = [1]} : vector<16xi32> to vector<1xi32>
        %squeeze3A_3219 = vector.extract %slice3A_3218[0] : i32 from vector<1xi32>
        %dma_start3A_3220 = arith.constant 6 : i32
        %dma_start3A_3221 = arith.constant 0 : i32
        %dma_start3A_3222 = arith.constant 0 : i32
        %dma_start3A_3223 = tpu.memref_slice %arg11[%dma_start3A_3220, %dma_start3A_3221, %dma_start3A_3222] : memref<16x8x64xf32, #tpu.memory_space<vmem>> -> memref<1x8x64xf32, #tpu.memory_space<vmem>>
        %dma_start3A_3224 = arith.constant 0 : i32
        %dma_start3A_3225 = arith.constant 0 : i32
        %dma_start3A_3226 = tpu.memref_slice %arg4[%squeeze3A_3219, %dma_start3A_3224, %dma_start3A_3225] : memref<125000x8x64xf32, #tpu.memory_space<hbm>> -> memref<1x8x64xf32, #tpu.memory_space<hbm>>
        %dma_start3A_3227 = arith.constant 6 : i32
        %dma_start3A_3228 = arith.constant 0 : i32
        %dma_start3A_3229 = arith.constant 0 : i32
        %dma_start3A_3230 = tpu.memref_slice %arg11[%dma_start3A_3227, %dma_start3A_3228, %dma_start3A_3229] : memref<16x8x64xf32, #tpu.memory_space<vmem>> -> memref<1x8x64xf32, #tpu.memory_space<vmem>>
        %dma_start3A_3231 = arith.constant 0 : i32
        %dma_start3A_3232 = arith.constant 0 : i32
        %dma_start3A_3233 = tpu.memref_slice %arg4[%squeeze3A_3219, %dma_start3A_3231, %dma_start3A_3232] : memref<125000x8x64xf32, #tpu.memory_space<hbm>> -> memref<1x8x64xf32, #tpu.memory_space<hbm>>
        tpu.enqueue_dma source(%dma_start3A_3233 : memref<1x8x64xf32, #tpu.memory_space<hbm>>) target(%dma_start3A_3230 : memref<1x8x64xf32, #tpu.memory_space<vmem>>) target_semaphore(%arg16 : memref<!tpu.dma_semaphore, #tpu.memory_space<semaphore_mem>>)
        %slice3A_3234 = vector.extract_strided_slice %get3A_3025 {offsets = [6], sizes = [1], strides = [1]} : vector<16xi32> to vector<1xi32>
        %squeeze3A_3235 = vector.extract %slice3A_3234[0] : i32 from vector<1xi32>
        %dma_start3A_3236 = arith.constant 6 : i32
        %dma_start3A_3237 = arith.constant 0 : i32
        %dma_start3A_3238 = arith.constant 0 : i32
        %dma_start3A_3239 = tpu.memref_slice %arg13[%dma_start3A_3236, %dma_start3A_3237, %dma_start3A_3238] : memref<16x8x64xf32, #tpu.memory_space<vmem>> -> memref<1x8x64xf32, #tpu.memory_space<vmem>>
        %dma_start3A_3240 = arith.constant 0 : i32
        %dma_start3A_3241 = arith.constant 0 : i32
        %dma_start3A_3242 = tpu.memref_slice %arg5[%squeeze3A_3235, %dma_start3A_3240, %dma_start3A_3241] : memref<12500x8x64xf32, #tpu.memory_space<hbm>> -> memref<1x8x64xf32, #tpu.memory_space<hbm>>
        %dma_start3A_3243 = arith.constant 6 : i32
        %dma_start3A_3244 = arith.constant 0 : i32
        %dma_start3A_3245 = arith.constant 0 : i32
        %dma_start3A_3246 = tpu.memref_slice %arg13[%dma_start3A_3243, %dma_start3A_3244, %dma_start3A_3245] : memref<16x8x64xf32, #tpu.memory_space<vmem>> -> memref<1x8x64xf32, #tpu.memory_space<vmem>>
        %dma_start3A_3247 = arith.constant 0 : i32
        %dma_start3A_3248 = arith.constant 0 : i32
        %dma_start3A_3249 = tpu.memref_slice %arg5[%squeeze3A_3235, %dma_start3A_3247, %dma_start3A_3248] : memref<12500x8x64xf32, #tpu.memory_space<hbm>> -> memref<1x8x64xf32, #tpu.memory_space<hbm>>
        tpu.enqueue_dma source(%dma_start3A_3249 : memref<1x8x64xf32, #tpu.memory_space<hbm>>) target(%dma_start3A_3246 : memref<1x8x64xf32, #tpu.memory_space<vmem>>) target_semaphore(%arg18 : memref<!tpu.dma_semaphore, #tpu.memory_space<semaphore_mem>>)
        %slice3A_3250 = vector.extract_strided_slice %get3A_3021 {offsets = [7], sizes = [1], strides = [1]} : vector<16xi32> to vector<1xi32>
        %squeeze3A_3251 = vector.extract %slice3A_3250[0] : i32 from vector<1xi32>
        %dma_start3A_3252 = arith.constant 7 : i32
        %dma_start3A_3253 = arith.constant 0 : i32
        %dma_start3A_3254 = arith.constant 0 : i32
        %dma_start3A_3255 = tpu.memref_slice %arg11[%dma_start3A_3252, %dma_start3A_3253, %dma_start3A_3254] : memref<16x8x64xf32, #tpu.memory_space<vmem>> -> memref<1x8x64xf32, #tpu.memory_space<vmem>>
        %dma_start3A_3256 = arith.constant 0 : i32
        %dma_start3A_3257 = arith.constant 0 : i32
        %dma_start3A_3258 = tpu.memref_slice %arg4[%squeeze3A_3251, %dma_start3A_3256, %dma_start3A_3257] : memref<125000x8x64xf32, #tpu.memory_space<hbm>> -> memref<1x8x64xf32, #tpu.memory_space<hbm>>
        %dma_start3A_3259 = arith.constant 7 : i32
        %dma_start3A_3260 = arith.constant 0 : i32
        %dma_start3A_3261 = arith.constant 0 : i32
        %dma_start3A_3262 = tpu.memref_slice %arg11[%dma_start3A_3259, %dma_start3A_3260, %dma_start3A_3261] : memref<16x8x64xf32, #tpu.memory_space<vmem>> -> memref<1x8x64xf32, #tpu.memory_space<vmem>>
        %dma_start3A_3263 = arith.constant 0 : i32
        %dma_start3A_3264 = arith.constant 0 : i32
        %dma_start3A_3265 = tpu.memref_slice %arg4[%squeeze3A_3251, %dma_start3A_3263, %dma_start3A_3264] : memref<125000x8x64xf32, #tpu.memory_space<hbm>> -> memref<1x8x64xf32, #tpu.memory_space<hbm>>
        tpu.enqueue_dma source(%dma_start3A_3265 : memref<1x8x64xf32, #tpu.memory_space<hbm>>) target(%dma_start3A_3262 : memref<1x8x64xf32, #tpu.memory_space<vmem>>) target_semaphore(%arg16 : memref<!tpu.dma_semaphore, #tpu.memory_space<semaphore_mem>>)
        %slice3A_3266 = vector.extract_strided_slice %get3A_3025 {offsets = [7], sizes = [1], strides = [1]} : vector<16xi32> to vector<1xi32>
        %squeeze3A_3267 = vector.extract %slice3A_3266[0] : i32 from vector<1xi32>
        %dma_start3A_3268 = arith.constant 7 : i32
        %dma_start3A_3269 = arith.constant 0 : i32
        %dma_start3A_3270 = arith.constant 0 : i32
        %dma_start3A_3271 = tpu.memref_slice %arg13[%dma_start3A_3268, %dma_start3A_3269, %dma_start3A_3270] : memref<16x8x64xf32, #tpu.memory_space<vmem>> -> memref<1x8x64xf32, #tpu.memory_space<vmem>>
        %dma_start3A_3272 = arith.constant 0 : i32
        %dma_start3A_3273 = arith.constant 0 : i32
        %dma_start3A_3274 = tpu.memref_slice %arg5[%squeeze3A_3267, %dma_start3A_3272, %dma_start3A_3273] : memref<12500x8x64xf32, #tpu.memory_space<hbm>> -> memref<1x8x64xf32, #tpu.memory_space<hbm>>
        %dma_start3A_3275 = arith.constant 7 : i32
        %dma_start3A_3276 = arith.constant 0 : i32
        %dma_start3A_3277 = arith.constant 0 : i32
        %dma_start3A_3278 = tpu.memref_slice %arg13[%dma_start3A_3275, %dma_start3A_3276, %dma_start3A_3277] : memref<16x8x64xf32, #tpu.memory_space<vmem>> -> memref<1x8x64xf32, #tpu.memory_space<vmem>>
        %dma_start3A_3279 = arith.constant 0 : i32
        %dma_start3A_3280 = arith.constant 0 : i32
        %dma_start3A_3281 = tpu.memref_slice %arg5[%squeeze3A_3267, %dma_start3A_3279, %dma_start3A_3280] : memref<12500x8x64xf32, #tpu.memory_space<hbm>> -> memref<1x8x64xf32, #tpu.memory_space<hbm>>
        tpu.enqueue_dma source(%dma_start3A_3281 : memref<1x8x64xf32, #tpu.memory_space<hbm>>) target(%dma_start3A_3278 : memref<1x8x64xf32, #tpu.memory_space<vmem>>) target_semaphore(%arg18 : memref<!tpu.dma_semaphore, #tpu.memory_space<semaphore_mem>>)
        %slice3A_3282 = vector.extract_strided_slice %get3A_3021 {offsets = [8], sizes = [1], strides = [1]} : vector<16xi32> to vector<1xi32>
        %squeeze3A_3283 = vector.extract %slice3A_3282[0] : i32 from vector<1xi32>
        %dma_start3A_3284 = arith.constant 8 : i32
        %dma_start3A_3285 = arith.constant 0 : i32
        %dma_start3A_3286 = arith.constant 0 : i32
        %dma_start3A_3287 = tpu.memref_slice %arg11[%dma_start3A_3284, %dma_start3A_3285, %dma_start3A_3286] : memref<16x8x64xf32, #tpu.memory_space<vmem>> -> memref<1x8x64xf32, #tpu.memory_space<vmem>>
        %dma_start3A_3288 = arith.constant 0 : i32
        %dma_start3A_3289 = arith.constant 0 : i32
        %dma_start3A_3290 = tpu.memref_slice %arg4[%squeeze3A_3283, %dma_start3A_3288, %dma_start3A_3289] : memref<125000x8x64xf32, #tpu.memory_space<hbm>> -> memref<1x8x64xf32, #tpu.memory_space<hbm>>
        %dma_start3A_3291 = arith.constant 8 : i32
        %dma_start3A_3292 = arith.constant 0 : i32
        %dma_start3A_3293 = arith.constant 0 : i32
        %dma_start3A_3294 = tpu.memref_slice %arg11[%dma_start3A_3291, %dma_start3A_3292, %dma_start3A_3293] : memref<16x8x64xf32, #tpu.memory_space<vmem>> -> memref<1x8x64xf32, #tpu.memory_space<vmem>>
        %dma_start3A_3295 = arith.constant 0 : i32
        %dma_start3A_3296 = arith.constant 0 : i32
        %dma_start3A_3297 = tpu.memref_slice %arg4[%squeeze3A_3283, %dma_start3A_3295, %dma_start3A_3296] : memref<125000x8x64xf32, #tpu.memory_space<hbm>> -> memref<1x8x64xf32, #tpu.memory_space<hbm>>
        tpu.enqueue_dma source(%dma_start3A_3297 : memref<1x8x64xf32, #tpu.memory_space<hbm>>) target(%dma_start3A_3294 : memref<1x8x64xf32, #tpu.memory_space<vmem>>) target_semaphore(%arg16 : memref<!tpu.dma_semaphore, #tpu.memory_space<semaphore_mem>>)
        %slice3A_3298 = vector.extract_strided_slice %get3A_3025 {offsets = [8], sizes = [1], strides = [1]} : vector<16xi32> to vector<1xi32>
        %squeeze3A_3299 = vector.extract %slice3A_3298[0] : i32 from vector<1xi32>
        %dma_start3A_3300 = arith.constant 8 : i32
        %dma_start3A_3301 = arith.constant 0 : i32
        %dma_start3A_3302 = arith.constant 0 : i32
        %dma_start3A_3303 = tpu.memref_slice %arg13[%dma_start3A_3300, %dma_start3A_3301, %dma_start3A_3302] : memref<16x8x64xf32, #tpu.memory_space<vmem>> -> memref<1x8x64xf32, #tpu.memory_space<vmem>>
        %dma_start3A_3304 = arith.constant 0 : i32
        %dma_start3A_3305 = arith.constant 0 : i32
        %dma_start3A_3306 = tpu.memref_slice %arg5[%squeeze3A_3299, %dma_start3A_3304, %dma_start3A_3305] : memref<12500x8x64xf32, #tpu.memory_space<hbm>> -> memref<1x8x64xf32, #tpu.memory_space<hbm>>
        %dma_start3A_3307 = arith.constant 8 : i32
        %dma_start3A_3308 = arith.constant 0 : i32
        %dma_start3A_3309 = arith.constant 0 : i32
        %dma_start3A_3310 = tpu.memref_slice %arg13[%dma_start3A_3307, %dma_start3A_3308, %dma_start3A_3309] : memref<16x8x64xf32, #tpu.memory_space<vmem>> -> memref<1x8x64xf32, #tpu.memory_space<vmem>>
        %dma_start3A_3311 = arith.constant 0 : i32
        %dma_start3A_3312 = arith.constant 0 : i32
        %dma_start3A_3313 = tpu.memref_slice %arg5[%squeeze3A_3299, %dma_start3A_3311, %dma_start3A_3312] : memref<12500x8x64xf32, #tpu.memory_space<hbm>> -> memref<1x8x64xf32, #tpu.memory_space<hbm>>
        tpu.enqueue_dma source(%dma_start3A_3313 : memref<1x8x64xf32, #tpu.memory_space<hbm>>) target(%dma_start3A_3310 : memref<1x8x64xf32, #tpu.memory_space<vmem>>) target_semaphore(%arg18 : memref<!tpu.dma_semaphore, #tpu.memory_space<semaphore_mem>>)
        %slice3A_3314 = vector.extract_strided_slice %get3A_3021 {offsets = [9], sizes = [1], strides = [1]} : vector<16xi32> to vector<1xi32>
        %squeeze3A_3315 = vector.extract %slice3A_3314[0] : i32 from vector<1xi32>
        %dma_start3A_3316 = arith.constant 9 : i32
        %dma_start3A_3317 = arith.constant 0 : i32
        %dma_start3A_3318 = arith.constant 0 : i32
        %dma_start3A_3319 = tpu.memref_slice %arg11[%dma_start3A_3316, %dma_start3A_3317, %dma_start3A_3318] : memref<16x8x64xf32, #tpu.memory_space<vmem>> -> memref<1x8x64xf32, #tpu.memory_space<vmem>>
        %dma_start3A_3320 = arith.constant 0 : i32
        %dma_start3A_3321 = arith.constant 0 : i32
        %dma_start3A_3322 = tpu.memref_slice %arg4[%squeeze3A_3315, %dma_start3A_3320, %dma_start3A_3321] : memref<125000x8x64xf32, #tpu.memory_space<hbm>> -> memref<1x8x64xf32, #tpu.memory_space<hbm>>
        %dma_start3A_3323 = arith.constant 9 : i32
        %dma_start3A_3324 = arith.constant 0 : i32
        %dma_start3A_3325 = arith.constant 0 : i32
        %dma_start3A_3326 = tpu.memref_slice %arg11[%dma_start3A_3323, %dma_start3A_3324, %dma_start3A_3325] : memref<16x8x64xf32, #tpu.memory_space<vmem>> -> memref<1x8x64xf32, #tpu.memory_space<vmem>>
        %dma_start3A_3327 = arith.constant 0 : i32
        %dma_start3A_3328 = arith.constant 0 : i32
        %dma_start3A_3329 = tpu.memref_slice %arg4[%squeeze3A_3315, %dma_start3A_3327, %dma_start3A_3328] : memref<125000x8x64xf32, #tpu.memory_space<hbm>> -> memref<1x8x64xf32, #tpu.memory_space<hbm>>
        tpu.enqueue_dma source(%dma_start3A_3329 : memref<1x8x64xf32, #tpu.memory_space<hbm>>) target(%dma_start3A_3326 : memref<1x8x64xf32, #tpu.memory_space<vmem>>) target_semaphore(%arg16 : memref<!tpu.dma_semaphore, #tpu.memory_space<semaphore_mem>>)
        %slice3A_3330 = vector.extract_strided_slice %get3A_3025 {offsets = [9], sizes = [1], strides = [1]} : vector<16xi32> to vector<1xi32>
        %squeeze3A_3331 = vector.extract %slice3A_3330[0] : i32 from vector<1xi32>
        %dma_start3A_3332 = arith.constant 9 : i32
        %dma_start3A_3333 = arith.constant 0 : i32
        %dma_start3A_3334 = arith.constant 0 : i32
        %dma_start3A_3335 = tpu.memref_slice %arg13[%dma_start3A_3332, %dma_start3A_3333, %dma_start3A_3334] : memref<16x8x64xf32, #tpu.memory_space<vmem>> -> memref<1x8x64xf32, #tpu.memory_space<vmem>>
        %dma_start3A_3336 = arith.constant 0 : i32
        %dma_start3A_3337 = arith.constant 0 : i32
        %dma_start3A_3338 = tpu.memref_slice %arg5[%squeeze3A_3331, %dma_start3A_3336, %dma_start3A_3337] : memref<12500x8x64xf32, #tpu.memory_space<hbm>> -> memref<1x8x64xf32, #tpu.memory_space<hbm>>
        %dma_start3A_3339 = arith.constant 9 : i32
        %dma_start3A_3340 = arith.constant 0 : i32
        %dma_start3A_3341 = arith.constant 0 : i32
        %dma_start3A_3342 = tpu.memref_slice %arg13[%dma_start3A_3339, %dma_start3A_3340, %dma_start3A_3341] : memref<16x8x64xf32, #tpu.memory_space<vmem>> -> memref<1x8x64xf32, #tpu.memory_space<vmem>>
        %dma_start3A_3343 = arith.constant 0 : i32
        %dma_start3A_3344 = arith.constant 0 : i32
        %dma_start3A_3345 = tpu.memref_slice %arg5[%squeeze3A_3331, %dma_start3A_3343, %dma_start3A_3344] : memref<12500x8x64xf32, #tpu.memory_space<hbm>> -> memref<1x8x64xf32, #tpu.memory_space<hbm>>
        tpu.enqueue_dma source(%dma_start3A_3345 : memref<1x8x64xf32, #tpu.memory_space<hbm>>) target(%dma_start3A_3342 : memref<1x8x64xf32, #tpu.memory_space<vmem>>) target_semaphore(%arg18 : memref<!tpu.dma_semaphore, #tpu.memory_space<semaphore_mem>>)
        %slice3A_3346 = vector.extract_strided_slice %get3A_3021 {offsets = [10], sizes = [1], strides = [1]} : vector<16xi32> to vector<1xi32>
        %squeeze3A_3347 = vector.extract %slice3A_3346[0] : i32 from vector<1xi32>
        %dma_start3A_3348 = arith.constant 10 : i32
        %dma_start3A_3349 = arith.constant 0 : i32
        %dma_start3A_3350 = arith.constant 0 : i32
        %dma_start3A_3351 = tpu.memref_slice %arg11[%dma_start3A_3348, %dma_start3A_3349, %dma_start3A_3350] : memref<16x8x64xf32, #tpu.memory_space<vmem>> -> memref<1x8x64xf32, #tpu.memory_space<vmem>>
        %dma_start3A_3352 = arith.constant 0 : i32
        %dma_start3A_3353 = arith.constant 0 : i32
        %dma_start3A_3354 = tpu.memref_slice %arg4[%squeeze3A_3347, %dma_start3A_3352, %dma_start3A_3353] : memref<125000x8x64xf32, #tpu.memory_space<hbm>> -> memref<1x8x64xf32, #tpu.memory_space<hbm>>
        %dma_start3A_3355 = arith.constant 10 : i32
        %dma_start3A_3356 = arith.constant 0 : i32
        %dma_start3A_3357 = arith.constant 0 : i32
        %dma_start3A_3358 = tpu.memref_slice %arg11[%dma_start3A_3355, %dma_start3A_3356, %dma_start3A_3357] : memref<16x8x64xf32, #tpu.memory_space<vmem>> -> memref<1x8x64xf32, #tpu.memory_space<vmem>>
        %dma_start3A_3359 = arith.constant 0 : i32
        %dma_start3A_3360 = arith.constant 0 : i32
        %dma_start3A_3361 = tpu.memref_slice %arg4[%squeeze3A_3347, %dma_start3A_3359, %dma_start3A_3360] : memref<125000x8x64xf32, #tpu.memory_space<hbm>> -> memref<1x8x64xf32, #tpu.memory_space<hbm>>
        tpu.enqueue_dma source(%dma_start3A_3361 : memref<1x8x64xf32, #tpu.memory_space<hbm>>) target(%dma_start3A_3358 : memref<1x8x64xf32, #tpu.memory_space<vmem>>) target_semaphore(%arg16 : memref<!tpu.dma_semaphore, #tpu.memory_space<semaphore_mem>>)
        %slice3A_3362 = vector.extract_strided_slice %get3A_3025 {offsets = [10], sizes = [1], strides = [1]} : vector<16xi32> to vector<1xi32>
        %squeeze3A_3363 = vector.extract %slice3A_3362[0] : i32 from vector<1xi32>
        %dma_start3A_3364 = arith.constant 10 : i32
        %dma_start3A_3365 = arith.constant 0 : i32
        %dma_start3A_3366 = arith.constant 0 : i32
        %dma_start3A_3367 = tpu.memref_slice %arg13[%dma_start3A_3364, %dma_start3A_3365, %dma_start3A_3366] : memref<16x8x64xf32, #tpu.memory_space<vmem>> -> memref<1x8x64xf32, #tpu.memory_space<vmem>>
        %dma_start3A_3368 = arith.constant 0 : i32
        %dma_start3A_3369 = arith.constant 0 : i32
        %dma_start3A_3370 = tpu.memref_slice %arg5[%squeeze3A_3363, %dma_start3A_3368, %dma_start3A_3369] : memref<12500x8x64xf32, #tpu.memory_space<hbm>> -> memref<1x8x64xf32, #tpu.memory_space<hbm>>
        %dma_start3A_3371 = arith.constant 10 : i32
        %dma_start3A_3372 = arith.constant 0 : i32
        %dma_start3A_3373 = arith.constant 0 : i32
        %dma_start3A_3374 = tpu.memref_slice %arg13[%dma_start3A_3371, %dma_start3A_3372, %dma_start3A_3373] : memref<16x8x64xf32, #tpu.memory_space<vmem>> -> memref<1x8x64xf32, #tpu.memory_space<vmem>>
        %dma_start3A_3375 = arith.constant 0 : i32
        %dma_start3A_3376 = arith.constant 0 : i32
        %dma_start3A_3377 = tpu.memref_slice %arg5[%squeeze3A_3363, %dma_start3A_3375, %dma_start3A_3376] : memref<12500x8x64xf32, #tpu.memory_space<hbm>> -> memref<1x8x64xf32, #tpu.memory_space<hbm>>
        tpu.enqueue_dma source(%dma_start3A_3377 : memref<1x8x64xf32, #tpu.memory_space<hbm>>) target(%dma_start3A_3374 : memref<1x8x64xf32, #tpu.memory_space<vmem>>) target_semaphore(%arg18 : memref<!tpu.dma_semaphore, #tpu.memory_space<semaphore_mem>>)
        %slice3A_3378 = vector.extract_strided_slice %get3A_3021 {offsets = [11], sizes = [1], strides = [1]} : vector<16xi32> to vector<1xi32>
        %squeeze3A_3379 = vector.extract %slice3A_3378[0] : i32 from vector<1xi32>
        %dma_start3A_3380 = arith.constant 11 : i32
        %dma_start3A_3381 = arith.constant 0 : i32
        %dma_start3A_3382 = arith.constant 0 : i32
        %dma_start3A_3383 = tpu.memref_slice %arg11[%dma_start3A_3380, %dma_start3A_3381, %dma_start3A_3382] : memref<16x8x64xf32, #tpu.memory_space<vmem>> -> memref<1x8x64xf32, #tpu.memory_space<vmem>>
        %dma_start3A_3384 = arith.constant 0 : i32
        %dma_start3A_3385 = arith.constant 0 : i32
        %dma_start3A_3386 = tpu.memref_slice %arg4[%squeeze3A_3379, %dma_start3A_3384, %dma_start3A_3385] : memref<125000x8x64xf32, #tpu.memory_space<hbm>> -> memref<1x8x64xf32, #tpu.memory_space<hbm>>
        %dma_start3A_3387 = arith.constant 11 : i32
        %dma_start3A_3388 = arith.constant 0 : i32
        %dma_start3A_3389 = arith.constant 0 : i32
        %dma_start3A_3390 = tpu.memref_slice %arg11[%dma_start3A_3387, %dma_start3A_3388, %dma_start3A_3389] : memref<16x8x64xf32, #tpu.memory_space<vmem>> -> memref<1x8x64xf32, #tpu.memory_space<vmem>>
        %dma_start3A_3391 = arith.constant 0 : i32
        %dma_start3A_3392 = arith.constant 0 : i32
        %dma_start3A_3393 = tpu.memref_slice %arg4[%squeeze3A_3379, %dma_start3A_3391, %dma_start3A_3392] : memref<125000x8x64xf32, #tpu.memory_space<hbm>> -> memref<1x8x64xf32, #tpu.memory_space<hbm>>
        tpu.enqueue_dma source(%dma_start3A_3393 : memref<1x8x64xf32, #tpu.memory_space<hbm>>) target(%dma_start3A_3390 : memref<1x8x64xf32, #tpu.memory_space<vmem>>) target_semaphore(%arg16 : memref<!tpu.dma_semaphore, #tpu.memory_space<semaphore_mem>>)
        %slice3A_3394 = vector.extract_strided_slice %get3A_3025 {offsets = [11], sizes = [1], strides = [1]} : vector<16xi32> to vector<1xi32>
        %squeeze3A_3395 = vector.extract %slice3A_3394[0] : i32 from vector<1xi32>
        %dma_start3A_3396 = arith.constant 11 : i32
        %dma_start3A_3397 = arith.constant 0 : i32
        %dma_start3A_3398 = arith.constant 0 : i32
        %dma_start3A_3399 = tpu.memref_slice %arg13[%dma_start3A_3396, %dma_start3A_3397, %dma_start3A_3398] : memref<16x8x64xf32, #tpu.memory_space<vmem>> -> memref<1x8x64xf32, #tpu.memory_space<vmem>>
        %dma_start3A_3400 = arith.constant 0 : i32
        %dma_start3A_3401 = arith.constant 0 : i32
        %dma_start3A_3402 = tpu.memref_slice %arg5[%squeeze3A_3395, %dma_start3A_3400, %dma_start3A_3401] : memref<12500x8x64xf32, #tpu.memory_space<hbm>> -> memref<1x8x64xf32, #tpu.memory_space<hbm>>
        %dma_start3A_3403 = arith.constant 11 : i32
        %dma_start3A_3404 = arith.constant 0 : i32
        %dma_start3A_3405 = arith.constant 0 : i32
        %dma_start3A_3406 = tpu.memref_slice %arg13[%dma_start3A_3403, %dma_start3A_3404, %dma_start3A_3405] : memref<16x8x64xf32, #tpu.memory_space<vmem>> -> memref<1x8x64xf32, #tpu.memory_space<vmem>>
        %dma_start3A_3407 = arith.constant 0 : i32
        %dma_start3A_3408 = arith.constant 0 : i32
        %dma_start3A_3409 = tpu.memref_slice %arg5[%squeeze3A_3395, %dma_start3A_3407, %dma_start3A_3408] : memref<12500x8x64xf32, #tpu.memory_space<hbm>> -> memref<1x8x64xf32, #tpu.memory_space<hbm>>
        tpu.enqueue_dma source(%dma_start3A_3409 : memref<1x8x64xf32, #tpu.memory_space<hbm>>) target(%dma_start3A_3406 : memref<1x8x64xf32, #tpu.memory_space<vmem>>) target_semaphore(%arg18 : memref<!tpu.dma_semaphore, #tpu.memory_space<semaphore_mem>>)
        %slice3A_3410 = vector.extract_strided_slice %get3A_3021 {offsets = [12], sizes = [1], strides = [1]} : vector<16xi32> to vector<1xi32>
        %squeeze3A_3411 = vector.extract %slice3A_3410[0] : i32 from vector<1xi32>
        %dma_start3A_3412 = arith.constant 12 : i32
        %dma_start3A_3413 = arith.constant 0 : i32
        %dma_start3A_3414 = arith.constant 0 : i32
        %dma_start3A_3415 = tpu.memref_slice %arg11[%dma_start3A_3412, %dma_start3A_3413, %dma_start3A_3414] : memref<16x8x64xf32, #tpu.memory_space<vmem>> -> memref<1x8x64xf32, #tpu.memory_space<vmem>>
        %dma_start3A_3416 = arith.constant 0 : i32
        %dma_start3A_3417 = arith.constant 0 : i32
        %dma_start3A_3418 = tpu.memref_slice %arg4[%squeeze3A_3411, %dma_start3A_3416, %dma_start3A_3417] : memref<125000x8x64xf32, #tpu.memory_space<hbm>> -> memref<1x8x64xf32, #tpu.memory_space<hbm>>
        %dma_start3A_3419 = arith.constant 12 : i32
        %dma_start3A_3420 = arith.constant 0 : i32
        %dma_start3A_3421 = arith.constant 0 : i32
        %dma_start3A_3422 = tpu.memref_slice %arg11[%dma_start3A_3419, %dma_start3A_3420, %dma_start3A_3421] : memref<16x8x64xf32, #tpu.memory_space<vmem>> -> memref<1x8x64xf32, #tpu.memory_space<vmem>>
        %dma_start3A_3423 = arith.constant 0 : i32
        %dma_start3A_3424 = arith.constant 0 : i32
        %dma_start3A_3425 = tpu.memref_slice %arg4[%squeeze3A_3411, %dma_start3A_3423, %dma_start3A_3424] : memref<125000x8x64xf32, #tpu.memory_space<hbm>> -> memref<1x8x64xf32, #tpu.memory_space<hbm>>
        tpu.enqueue_dma source(%dma_start3A_3425 : memref<1x8x64xf32, #tpu.memory_space<hbm>>) target(%dma_start3A_3422 : memref<1x8x64xf32, #tpu.memory_space<vmem>>) target_semaphore(%arg16 : memref<!tpu.dma_semaphore, #tpu.memory_space<semaphore_mem>>)
        %slice3A_3426 = vector.extract_strided_slice %get3A_3025 {offsets = [12], sizes = [1], strides = [1]} : vector<16xi32> to vector<1xi32>
        %squeeze3A_3427 = vector.extract %slice3A_3426[0] : i32 from vector<1xi32>
        %dma_start3A_3428 = arith.constant 12 : i32
        %dma_start3A_3429 = arith.constant 0 : i32
        %dma_start3A_3430 = arith.constant 0 : i32
        %dma_start3A_3431 = tpu.memref_slice %arg13[%dma_start3A_3428, %dma_start3A_3429, %dma_start3A_3430] : memref<16x8x64xf32, #tpu.memory_space<vmem>> -> memref<1x8x64xf32, #tpu.memory_space<vmem>>
        %dma_start3A_3432 = arith.constant 0 : i32
        %dma_start3A_3433 = arith.constant 0 : i32
        %dma_start3A_3434 = tpu.memref_slice %arg5[%squeeze3A_3427, %dma_start3A_3432, %dma_start3A_3433] : memref<12500x8x64xf32, #tpu.memory_space<hbm>> -> memref<1x8x64xf32, #tpu.memory_space<hbm>>
        %dma_start3A_3435 = arith.constant 12 : i32
        %dma_start3A_3436 = arith.constant 0 : i32
        %dma_start3A_3437 = arith.constant 0 : i32
        %dma_start3A_3438 = tpu.memref_slice %arg13[%dma_start3A_3435, %dma_start3A_3436, %dma_start3A_3437] : memref<16x8x64xf32, #tpu.memory_space<vmem>> -> memref<1x8x64xf32, #tpu.memory_space<vmem>>
        %dma_start3A_3439 = arith.constant 0 : i32
        %dma_start3A_3440 = arith.constant 0 : i32
        %dma_start3A_3441 = tpu.memref_slice %arg5[%squeeze3A_3427, %dma_start3A_3439, %dma_start3A_3440] : memref<12500x8x64xf32, #tpu.memory_space<hbm>> -> memref<1x8x64xf32, #tpu.memory_space<hbm>>
        tpu.enqueue_dma source(%dma_start3A_3441 : memref<1x8x64xf32, #tpu.memory_space<hbm>>) target(%dma_start3A_3438 : memref<1x8x64xf32, #tpu.memory_space<vmem>>) target_semaphore(%arg18 : memref<!tpu.dma_semaphore, #tpu.memory_space<semaphore_mem>>)
        %slice3A_3442 = vector.extract_strided_slice %get3A_3021 {offsets = [13], sizes = [1], strides = [1]} : vector<16xi32> to vector<1xi32>
        %squeeze3A_3443 = vector.extract %slice3A_3442[0] : i32 from vector<1xi32>
        %dma_start3A_3444 = arith.constant 13 : i32
        %dma_start3A_3445 = arith.constant 0 : i32
        %dma_start3A_3446 = arith.constant 0 : i32
        %dma_start3A_3447 = tpu.memref_slice %arg11[%dma_start3A_3444, %dma_start3A_3445, %dma_start3A_3446] : memref<16x8x64xf32, #tpu.memory_space<vmem>> -> memref<1x8x64xf32, #tpu.memory_space<vmem>>
        %dma_start3A_3448 = arith.constant 0 : i32
        %dma_start3A_3449 = arith.constant 0 : i32
        %dma_start3A_3450 = tpu.memref_slice %arg4[%squeeze3A_3443, %dma_start3A_3448, %dma_start3A_3449] : memref<125000x8x64xf32, #tpu.memory_space<hbm>> -> memref<1x8x64xf32, #tpu.memory_space<hbm>>
        %dma_start3A_3451 = arith.constant 13 : i32
        %dma_start3A_3452 = arith.constant 0 : i32
        %dma_start3A_3453 = arith.constant 0 : i32
        %dma_start3A_3454 = tpu.memref_slice %arg11[%dma_start3A_3451, %dma_start3A_3452, %dma_start3A_3453] : memref<16x8x64xf32, #tpu.memory_space<vmem>> -> memref<1x8x64xf32, #tpu.memory_space<vmem>>
        %dma_start3A_3455 = arith.constant 0 : i32
        %dma_start3A_3456 = arith.constant 0 : i32
        %dma_start3A_3457 = tpu.memref_slice %arg4[%squeeze3A_3443, %dma_start3A_3455, %dma_start3A_3456] : memref<125000x8x64xf32, #tpu.memory_space<hbm>> -> memref<1x8x64xf32, #tpu.memory_space<hbm>>
        tpu.enqueue_dma source(%dma_start3A_3457 : memref<1x8x64xf32, #tpu.memory_space<hbm>>) target(%dma_start3A_3454 : memref<1x8x64xf32, #tpu.memory_space<vmem>>) target_semaphore(%arg16 : memref<!tpu.dma_semaphore, #tpu.memory_space<semaphore_mem>>)
        %slice3A_3458 = vector.extract_strided_slice %get3A_3025 {offsets = [13], sizes = [1], strides = [1]} : vector<16xi32> to vector<1xi32>
        %squeeze3A_3459 = vector.extract %slice3A_3458[0] : i32 from vector<1xi32>
        %dma_start3A_3460 = arith.constant 13 : i32
        %dma_start3A_3461 = arith.constant 0 : i32
        %dma_start3A_3462 = arith.constant 0 : i32
        %dma_start3A_3463 = tpu.memref_slice %arg13[%dma_start3A_3460, %dma_start3A_3461, %dma_start3A_3462] : memref<16x8x64xf32, #tpu.memory_space<vmem>> -> memref<1x8x64xf32, #tpu.memory_space<vmem>>
        %dma_start3A_3464 = arith.constant 0 : i32
        %dma_start3A_3465 = arith.constant 0 : i32
        %dma_start3A_3466 = tpu.memref_slice %arg5[%squeeze3A_3459, %dma_start3A_3464, %dma_start3A_3465] : memref<12500x8x64xf32, #tpu.memory_space<hbm>> -> memref<1x8x64xf32, #tpu.memory_space<hbm>>
        %dma_start3A_3467 = arith.constant 13 : i32
        %dma_start3A_3468 = arith.constant 0 : i32
        %dma_start3A_3469 = arith.constant 0 : i32
        %dma_start3A_3470 = tpu.memref_slice %arg13[%dma_start3A_3467, %dma_start3A_3468, %dma_start3A_3469] : memref<16x8x64xf32, #tpu.memory_space<vmem>> -> memref<1x8x64xf32, #tpu.memory_space<vmem>>
        %dma_start3A_3471 = arith.constant 0 : i32
        %dma_start3A_3472 = arith.constant 0 : i32
        %dma_start3A_3473 = tpu.memref_slice %arg5[%squeeze3A_3459, %dma_start3A_3471, %dma_start3A_3472] : memref<12500x8x64xf32, #tpu.memory_space<hbm>> -> memref<1x8x64xf32, #tpu.memory_space<hbm>>
        tpu.enqueue_dma source(%dma_start3A_3473 : memref<1x8x64xf32, #tpu.memory_space<hbm>>) target(%dma_start3A_3470 : memref<1x8x64xf32, #tpu.memory_space<vmem>>) target_semaphore(%arg18 : memref<!tpu.dma_semaphore, #tpu.memory_space<semaphore_mem>>)
        %slice3A_3474 = vector.extract_strided_slice %get3A_3021 {offsets = [14], sizes = [1], strides = [1]} : vector<16xi32> to vector<1xi32>
        %squeeze3A_3475 = vector.extract %slice3A_3474[0] : i32 from vector<1xi32>
        %dma_start3A_3476 = arith.constant 14 : i32
        %dma_start3A_3477 = arith.constant 0 : i32
        %dma_start3A_3478 = arith.constant 0 : i32
        %dma_start3A_3479 = tpu.memref_slice %arg11[%dma_start3A_3476, %dma_start3A_3477, %dma_start3A_3478] : memref<16x8x64xf32, #tpu.memory_space<vmem>> -> memref<1x8x64xf32, #tpu.memory_space<vmem>>
        %dma_start3A_3480 = arith.constant 0 : i32
        %dma_start3A_3481 = arith.constant 0 : i32
        %dma_start3A_3482 = tpu.memref_slice %arg4[%squeeze3A_3475, %dma_start3A_3480, %dma_start3A_3481] : memref<125000x8x64xf32, #tpu.memory_space<hbm>> -> memref<1x8x64xf32, #tpu.memory_space<hbm>>
        %dma_start3A_3483 = arith.constant 14 : i32
        %dma_start3A_3484 = arith.constant 0 : i32
        %dma_start3A_3485 = arith.constant 0 : i32
        %dma_start3A_3486 = tpu.memref_slice %arg11[%dma_start3A_3483, %dma_start3A_3484, %dma_start3A_3485] : memref<16x8x64xf32, #tpu.memory_space<vmem>> -> memref<1x8x64xf32, #tpu.memory_space<vmem>>
        %dma_start3A_3487 = arith.constant 0 : i32
        %dma_start3A_3488 = arith.constant 0 : i32
        %dma_start3A_3489 = tpu.memref_slice %arg4[%squeeze3A_3475, %dma_start3A_3487, %dma_start3A_3488] : memref<125000x8x64xf32, #tpu.memory_space<hbm>> -> memref<1x8x64xf32, #tpu.memory_space<hbm>>
        tpu.enqueue_dma source(%dma_start3A_3489 : memref<1x8x64xf32, #tpu.memory_space<hbm>>) target(%dma_start3A_3486 : memref<1x8x64xf32, #tpu.memory_space<vmem>>) target_semaphore(%arg16 : memref<!tpu.dma_semaphore, #tpu.memory_space<semaphore_mem>>)
        %slice3A_3490 = vector.extract_strided_slice %get3A_3025 {offsets = [14], sizes = [1], strides = [1]} : vector<16xi32> to vector<1xi32>
        %squeeze3A_3491 = vector.extract %slice3A_3490[0] : i32 from vector<1xi32>
        %dma_start3A_3492 = arith.constant 14 : i32
        %dma_start3A_3493 = arith.constant 0 : i32
        %dma_start3A_3494 = arith.constant 0 : i32
        %dma_start3A_3495 = tpu.memref_slice %arg13[%dma_start3A_3492, %dma_start3A_3493, %dma_start3A_3494] : memref<16x8x64xf32, #tpu.memory_space<vmem>> -> memref<1x8x64xf32, #tpu.memory_space<vmem>>
        %dma_start3A_3496 = arith.constant 0 : i32
        %dma_start3A_3497 = arith.constant 0 : i32
        %dma_start3A_3498 = tpu.memref_slice %arg5[%squeeze3A_3491, %dma_start3A_3496, %dma_start3A_3497] : memref<12500x8x64xf32, #tpu.memory_space<hbm>> -> memref<1x8x64xf32, #tpu.memory_space<hbm>>
        %dma_start3A_3499 = arith.constant 14 : i32
        %dma_start3A_3500 = arith.constant 0 : i32
        %dma_start3A_3501 = arith.constant 0 : i32
        %dma_start3A_3502 = tpu.memref_slice %arg13[%dma_start3A_3499, %dma_start3A_3500, %dma_start3A_3501] : memref<16x8x64xf32, #tpu.memory_space<vmem>> -> memref<1x8x64xf32, #tpu.memory_space<vmem>>
        %dma_start3A_3503 = arith.constant 0 : i32
        %dma_start3A_3504 = arith.constant 0 : i32
        %dma_start3A_3505 = tpu.memref_slice %arg5[%squeeze3A_3491, %dma_start3A_3503, %dma_start3A_3504] : memref<12500x8x64xf32, #tpu.memory_space<hbm>> -> memref<1x8x64xf32, #tpu.memory_space<hbm>>
        tpu.enqueue_dma source(%dma_start3A_3505 : memref<1x8x64xf32, #tpu.memory_space<hbm>>) target(%dma_start3A_3502 : memref<1x8x64xf32, #tpu.memory_space<vmem>>) target_semaphore(%arg18 : memref<!tpu.dma_semaphore, #tpu.memory_space<semaphore_mem>>)
        %slice3A_3506 = vector.extract_strided_slice %get3A_3021 {offsets = [15], sizes = [1], strides = [1]} : vector<16xi32> to vector<1xi32>
        %squeeze3A_3507 = vector.extract %slice3A_3506[0] : i32 from vector<1xi32>
        %dma_start3A_3508 = arith.constant 15 : i32
        %dma_start3A_3509 = arith.constant 0 : i32
        %dma_start3A_3510 = arith.constant 0 : i32
        %dma_start3A_3511 = tpu.memref_slice %arg11[%dma_start3A_3508, %dma_start3A_3509, %dma_start3A_3510] : memref<16x8x64xf32, #tpu.memory_space<vmem>> -> memref<1x8x64xf32, #tpu.memory_space<vmem>>
        %dma_start3A_3512 = arith.constant 0 : i32
        %dma_start3A_3513 = arith.constant 0 : i32
        %dma_start3A_3514 = tpu.memref_slice %arg4[%squeeze3A_3507, %dma_start3A_3512, %dma_start3A_3513] : memref<125000x8x64xf32, #tpu.memory_space<hbm>> -> memref<1x8x64xf32, #tpu.memory_space<hbm>>
        %dma_start3A_3515 = arith.constant 15 : i32
        %dma_start3A_3516 = arith.constant 0 : i32
        %dma_start3A_3517 = arith.constant 0 : i32
        %dma_start3A_3518 = tpu.memref_slice %arg11[%dma_start3A_3515, %dma_start3A_3516, %dma_start3A_3517] : memref<16x8x64xf32, #tpu.memory_space<vmem>> -> memref<1x8x64xf32, #tpu.memory_space<vmem>>
        %dma_start3A_3519 = arith.constant 0 : i32
        %dma_start3A_3520 = arith.constant 0 : i32
        %dma_start3A_3521 = tpu.memref_slice %arg4[%squeeze3A_3507, %dma_start3A_3519, %dma_start3A_3520] : memref<125000x8x64xf32, #tpu.memory_space<hbm>> -> memref<1x8x64xf32, #tpu.memory_space<hbm>>
        tpu.enqueue_dma source(%dma_start3A_3521 : memref<1x8x64xf32, #tpu.memory_space<hbm>>) target(%dma_start3A_3518 : memref<1x8x64xf32, #tpu.memory_space<vmem>>) target_semaphore(%arg16 : memref<!tpu.dma_semaphore, #tpu.memory_space<semaphore_mem>>)
        %slice3A_3522 = vector.extract_strided_slice %get3A_3025 {offsets = [15], sizes = [1], strides = [1]} : vector<16xi32> to vector<1xi32>
        %squeeze3A_3523 = vector.extract %slice3A_3522[0] : i32 from vector<1xi32>
        %dma_start3A_3524 = arith.constant 15 : i32
        %dma_start3A_3525 = arith.constant 0 : i32
        %dma_start3A_3526 = arith.constant 0 : i32
        %dma_start3A_3527 = tpu.memref_slice %arg13[%dma_start3A_3524, %dma_start3A_3525, %dma_start3A_3526] : memref<16x8x64xf32, #tpu.memory_space<vmem>> -> memref<1x8x64xf32, #tpu.memory_space<vmem>>
        %dma_start3A_3528 = arith.constant 0 : i32
        %dma_start3A_3529 = arith.constant 0 : i32
        %dma_start3A_3530 = tpu.memref_slice %arg5[%squeeze3A_3523, %dma_start3A_3528, %dma_start3A_3529] : memref<12500x8x64xf32, #tpu.memory_space<hbm>> -> memref<1x8x64xf32, #tpu.memory_space<hbm>>
        %dma_start3A_3531 = arith.constant 15 : i32
        %dma_start3A_3532 = arith.constant 0 : i32
        %dma_start3A_3533 = arith.constant 0 : i32
        %dma_start3A_3534 = tpu.memref_slice %arg13[%dma_start3A_3531, %dma_start3A_3532, %dma_start3A_3533] : memref<16x8x64xf32, #tpu.memory_space<vmem>> -> memref<1x8x64xf32, #tpu.memory_space<vmem>>
        %dma_start3A_3535 = arith.constant 0 : i32
        %dma_start3A_3536 = arith.constant 0 : i32
        %dma_start3A_3537 = tpu.memref_slice %arg5[%squeeze3A_3523, %dma_start3A_3535, %dma_start3A_3536] : memref<12500x8x64xf32, #tpu.memory_space<hbm>> -> memref<1x8x64xf32, #tpu.memory_space<hbm>>
        tpu.enqueue_dma source(%dma_start3A_3537 : memref<1x8x64xf32, #tpu.memory_space<hbm>>) target(%dma_start3A_3534 : memref<1x8x64xf32, #tpu.memory_space<vmem>>) target_semaphore(%arg18 : memref<!tpu.dma_semaphore, #tpu.memory_space<semaphore_mem>>)
      } else {
      }
      %dma_wait3A_2031 = arith.constant 0 : i32
      %dma_wait3A_2032 = arith.constant 0 : i32
      %dma_wait3A_2033 = arith.constant 0 : i32
      %dma_wait3A_2034 = tpu.memref_slice %arg4[%dma_wait3A_2031, %dma_wait3A_2032, %dma_wait3A_2033] : memref<125000x8x64xf32, #tpu.memory_space<hbm>> -> memref<16x8x64xf32, #tpu.memory_space<hbm>>
      %dma_wait3A_2035 = arith.constant 0 : i32
      %dma_wait3A_2036 = arith.constant 0 : i32
      %dma_wait3A_2037 = arith.constant 0 : i32
      %dma_wait3A_2038 = tpu.memref_slice %arg4[%dma_wait3A_2035, %dma_wait3A_2036, %dma_wait3A_2037] : memref<125000x8x64xf32, #tpu.memory_space<hbm>> -> memref<16x8x64xf32, #tpu.memory_space<hbm>>
      tpu.wait_dma2 semaphore(%arg17 : memref<!tpu.dma_semaphore, #tpu.memory_space<semaphore_mem>>) src(%dma_wait3A_2038 : memref<16x8x64xf32, #tpu.memory_space<hbm>>) dst(%arg12 : memref<16x8x64xf32, #tpu.memory_space<vmem>>)
      %dma_wait3A_2039 = arith.constant 0 : i32
      %dma_wait3A_2040 = arith.constant 0 : i32
      %dma_wait3A_2041 = arith.constant 0 : i32
      %dma_wait3A_2042 = tpu.memref_slice %arg5[%dma_wait3A_2039, %dma_wait3A_2040, %dma_wait3A_2041] : memref<12500x8x64xf32, #tpu.memory_space<hbm>> -> memref<16x8x64xf32, #tpu.memory_space<hbm>>
      %dma_wait3A_2043 = arith.constant 0 : i32
      %dma_wait3A_2044 = arith.constant 0 : i32
      %dma_wait3A_2045 = arith.constant 0 : i32
      %dma_wait3A_2046 = tpu.memref_slice %arg5[%dma_wait3A_2043, %dma_wait3A_2044, %dma_wait3A_2045] : memref<12500x8x64xf32, #tpu.memory_space<hbm>> -> memref<16x8x64xf32, #tpu.memory_space<hbm>>
      tpu.wait_dma2 semaphore(%arg19 : memref<!tpu.dma_semaphore, #tpu.memory_space<semaphore_mem>>) src(%dma_wait3A_2046 : memref<16x8x64xf32, #tpu.memory_space<hbm>>) dst(%arg14 : memref<16x8x64xf32, #tpu.memory_space<vmem>>)
      %mul3A_2047 = arith.constant 16 : i32
      %mul3A_2048 = arith.muli %add3A_530, %mul3A_2047 : i32
      %get3A_2049 = arith.index_cast %mul3A_2048 : i32 to index
      %get3A_2050 = tpu.vector_load %arg7[%get3A_2049] {strides = array<i32>} : memref<512xi32, #tpu.memory_space<vmem>>, vector<16xi32>,
      %and3A_2051 = arith.constant 7 : i32
      %and3A_2052 = vector.broadcast %and3A_2051 : i32 to vector<16xi32>
      %and3A_2053 = arith.andi %get3A_2050, %and3A_2052 : vector<16xi32>
      %mul3A_2054 = arith.constant 16 : i32
      %mul3A_2055 = arith.muli %add3A_530, %mul3A_2054 : i32
      %get3A_2056 = arith.index_cast %mul3A_2055 : i32 to index
      %get3A_2057 = tpu.vector_load %arg8[%get3A_2056] {strides = array<i32>} : memref<512xi32, #tpu.memory_space<vmem>>, vector<16xi32>,
      %and3A_2058 = arith.constant 7 : i32
      %and3A_2059 = vector.broadcast %and3A_2058 : i32 to vector<16xi32>
      %and3A_2060 = arith.andi %get3A_2057, %and3A_2059 : vector<16xi32>
      %broadcast_in_dim3A_2061 = arith.constant 0.000000e+00 : f32
      %broadcast_in_dim3A_2062 = vector.broadcast %broadcast_in_dim3A_2061 : f32 to vector<16xf32>
      %broadcast_in_dim3A_2063 = arith.constant 0.000000e+00 : f32
      %broadcast_in_dim3A_2064 = vector.broadcast %broadcast_in_dim3A_2063 : f32 to vector<16xf32>
      %broadcast_in_dim3A_2065 = arith.constant 0.000000e+00 : f32
      %broadcast_in_dim3A_2066 = vector.broadcast %broadcast_in_dim3A_2065 : f32 to vector<16xf32>
      %add3A_2067 = arith.constant 0 : i32
      %add3A_2068 = vector.broadcast %add3A_2067 : i32 to vector<16xi32>
      %add3A_2069 = arith.addi %iota3A, %add3A_2068 : vector<16xi32>
      %and3A_2070 = arith.constant 63 : i32
      %and3A_2071 = vector.broadcast %and3A_2070 : i32 to vector<16xi32>
      %and3A_2072 = arith.andi %add3A_2069, %and3A_2071 : vector<16xi32>
      %gather3A_2073 = tpu.vector_load_idx %arg12[%iota3A, %and3A_2053, %and3A_2072] : memref<16x8x64xf32, #tpu.memory_space<vmem>>[vector<16xi32>, vector<16xi32>, vector<16xi32>], vector<16xf32>,
      %gather3A_2074 = tpu.vector_load_idx %arg14[%iota3A, %and3A_2060, %and3A_2072] : memref<16x8x64xf32, #tpu.memory_space<vmem>>[vector<16xi32>, vector<16xi32>, vector<16xi32>], vector<16xf32>,
      %mul3A_2075 = arith.mulf %gather3A_2073, %gather3A_2074 : vector<16xf32>
      %add3A_2076 = arith.addf %broadcast_in_dim3A_2062, %mul3A_2075 : vector<16xf32>
      %mul3A_2077 = arith.mulf %gather3A_2073, %gather3A_2073 : vector<16xf32>
      %add3A_2078 = arith.addf %broadcast_in_dim3A_2064, %mul3A_2077 : vector<16xf32>
      %mul3A_2079 = arith.mulf %gather3A_2074, %gather3A_2074 : vector<16xf32>
      %add3A_2080 = arith.addf %broadcast_in_dim3A_2066, %mul3A_2079 : vector<16xf32>
      %add3A_2081 = arith.constant 1 : i32
      %add3A_2082 = vector.broadcast %add3A_2081 : i32 to vector<16xi32>
      %add3A_2083 = arith.addi %iota3A, %add3A_2082 : vector<16xi32>
      %and3A_2084 = arith.constant 63 : i32
      %and3A_2085 = vector.broadcast %and3A_2084 : i32 to vector<16xi32>
      %and3A_2086 = arith.andi %add3A_2083, %and3A_2085 : vector<16xi32>
      %gather3A_2087 = tpu.vector_load_idx %arg12[%iota3A, %and3A_2053, %and3A_2086] : memref<16x8x64xf32, #tpu.memory_space<vmem>>[vector<16xi32>, vector<16xi32>, vector<16xi32>], vector<16xf32>,
      %gather3A_2088 = tpu.vector_load_idx %arg14[%iota3A, %and3A_2060, %and3A_2086] : memref<16x8x64xf32, #tpu.memory_space<vmem>>[vector<16xi32>, vector<16xi32>, vector<16xi32>], vector<16xf32>,
      %mul3A_2089 = arith.mulf %gather3A_2087, %gather3A_2088 : vector<16xf32>
      %add3A_2090 = arith.addf %add3A_2076, %mul3A_2089 : vector<16xf32>
      %mul3A_2091 = arith.mulf %gather3A_2087, %gather3A_2087 : vector<16xf32>
      %add3A_2092 = arith.addf %add3A_2078, %mul3A_2091 : vector<16xf32>
      %mul3A_2093 = arith.mulf %gather3A_2088, %gather3A_2088 : vector<16xf32>
      %add3A_2094 = arith.addf %add3A_2080, %mul3A_2093 : vector<16xf32>
      %add3A_2095 = arith.constant 2 : i32
      %add3A_2096 = vector.broadcast %add3A_2095 : i32 to vector<16xi32>
      %add3A_2097 = arith.addi %iota3A, %add3A_2096 : vector<16xi32>
      %and3A_2098 = arith.constant 63 : i32
      %and3A_2099 = vector.broadcast %and3A_2098 : i32 to vector<16xi32>
      %and3A_2100 = arith.andi %add3A_2097, %and3A_2099 : vector<16xi32>
      %gather3A_2101 = tpu.vector_load_idx %arg12[%iota3A, %and3A_2053, %and3A_2100] : memref<16x8x64xf32, #tpu.memory_space<vmem>>[vector<16xi32>, vector<16xi32>, vector<16xi32>], vector<16xf32>,
      %gather3A_2102 = tpu.vector_load_idx %arg14[%iota3A, %and3A_2060, %and3A_2100] : memref<16x8x64xf32, #tpu.memory_space<vmem>>[vector<16xi32>, vector<16xi32>, vector<16xi32>], vector<16xf32>,
      %mul3A_2103 = arith.mulf %gather3A_2101, %gather3A_2102 : vector<16xf32>
      %add3A_2104 = arith.addf %add3A_2090, %mul3A_2103 : vector<16xf32>
      %mul3A_2105 = arith.mulf %gather3A_2101, %gather3A_2101 : vector<16xf32>
      %add3A_2106 = arith.addf %add3A_2092, %mul3A_2105 : vector<16xf32>
      %mul3A_2107 = arith.mulf %gather3A_2102, %gather3A_2102 : vector<16xf32>
      %add3A_2108 = arith.addf %add3A_2094, %mul3A_2107 : vector<16xf32>
      %add3A_2109 = arith.constant 3 : i32
      %add3A_2110 = vector.broadcast %add3A_2109 : i32 to vector<16xi32>
      %add3A_2111 = arith.addi %iota3A, %add3A_2110 : vector<16xi32>
      %and3A_2112 = arith.constant 63 : i32
      %and3A_2113 = vector.broadcast %and3A_2112 : i32 to vector<16xi32>
      %and3A_2114 = arith.andi %add3A_2111, %and3A_2113 : vector<16xi32>
      %gather3A_2115 = tpu.vector_load_idx %arg12[%iota3A, %and3A_2053, %and3A_2114] : memref<16x8x64xf32, #tpu.memory_space<vmem>>[vector<16xi32>, vector<16xi32>, vector<16xi32>], vector<16xf32>,
      %gather3A_2116 = tpu.vector_load_idx %arg14[%iota3A, %and3A_2060, %and3A_2114] : memref<16x8x64xf32, #tpu.memory_space<vmem>>[vector<16xi32>, vector<16xi32>, vector<16xi32>], vector<16xf32>,
      %mul3A_2117 = arith.mulf %gather3A_2115, %gather3A_2116 : vector<16xf32>
      %add3A_2118 = arith.addf %add3A_2104, %mul3A_2117 : vector<16xf32>
      %mul3A_2119 = arith.mulf %gather3A_2115, %gather3A_2115 : vector<16xf32>
      %add3A_2120 = arith.addf %add3A_2106, %mul3A_2119 : vector<16xf32>
      %mul3A_2121 = arith.mulf %gather3A_2116, %gather3A_2116 : vector<16xf32>
      %add3A_2122 = arith.addf %add3A_2108, %mul3A_2121 : vector<16xf32>
      %add3A_2123 = arith.constant 4 : i32
      %add3A_2124 = vector.broadcast %add3A_2123 : i32 to vector<16xi32>
      %add3A_2125 = arith.addi %iota3A, %add3A_2124 : vector<16xi32>
      %and3A_2126 = arith.constant 63 : i32
      %and3A_2127 = vector.broadcast %and3A_2126 : i32 to vector<16xi32>
      %and3A_2128 = arith.andi %add3A_2125, %and3A_2127 : vector<16xi32>
      %gather3A_2129 = tpu.vector_load_idx %arg12[%iota3A, %and3A_2053, %and3A_2128] : memref<16x8x64xf32, #tpu.memory_space<vmem>>[vector<16xi32>, vector<16xi32>, vector<16xi32>], vector<16xf32>,
      %gather3A_2130 = tpu.vector_load_idx %arg14[%iota3A, %and3A_2060, %and3A_2128] : memref<16x8x64xf32, #tpu.memory_space<vmem>>[vector<16xi32>, vector<16xi32>, vector<16xi32>], vector<16xf32>,
      %mul3A_2131 = arith.mulf %gather3A_2129, %gather3A_2130 : vector<16xf32>
      %add3A_2132 = arith.addf %add3A_2118, %mul3A_2131 : vector<16xf32>
      %mul3A_2133 = arith.mulf %gather3A_2129, %gather3A_2129 : vector<16xf32>
      %add3A_2134 = arith.addf %add3A_2120, %mul3A_2133 : vector<16xf32>
      %mul3A_2135 = arith.mulf %gather3A_2130, %gather3A_2130 : vector<16xf32>
      %add3A_2136 = arith.addf %add3A_2122, %mul3A_2135 : vector<16xf32>
      %add3A_2137 = arith.constant 5 : i32
      %add3A_2138 = vector.broadcast %add3A_2137 : i32 to vector<16xi32>
      %add3A_2139 = arith.addi %iota3A, %add3A_2138 : vector<16xi32>
      %and3A_2140 = arith.constant 63 : i32
      %and3A_2141 = vector.broadcast %and3A_2140 : i32 to vector<16xi32>
      %and3A_2142 = arith.andi %add3A_2139, %and3A_2141 : vector<16xi32>
      %gather3A_2143 = tpu.vector_load_idx %arg12[%iota3A, %and3A_2053, %and3A_2142] : memref<16x8x64xf32, #tpu.memory_space<vmem>>[vector<16xi32>, vector<16xi32>, vector<16xi32>], vector<16xf32>,
      %gather3A_2144 = tpu.vector_load_idx %arg14[%iota3A, %and3A_2060, %and3A_2142] : memref<16x8x64xf32, #tpu.memory_space<vmem>>[vector<16xi32>, vector<16xi32>, vector<16xi32>], vector<16xf32>,
      %mul3A_2145 = arith.mulf %gather3A_2143, %gather3A_2144 : vector<16xf32>
      %add3A_2146 = arith.addf %add3A_2132, %mul3A_2145 : vector<16xf32>
      %mul3A_2147 = arith.mulf %gather3A_2143, %gather3A_2143 : vector<16xf32>
      %add3A_2148 = arith.addf %add3A_2134, %mul3A_2147 : vector<16xf32>
      %mul3A_2149 = arith.mulf %gather3A_2144, %gather3A_2144 : vector<16xf32>
      %add3A_2150 = arith.addf %add3A_2136, %mul3A_2149 : vector<16xf32>
      %add3A_2151 = arith.constant 6 : i32
      %add3A_2152 = vector.broadcast %add3A_2151 : i32 to vector<16xi32>
      %add3A_2153 = arith.addi %iota3A, %add3A_2152 : vector<16xi32>
      %and3A_2154 = arith.constant 63 : i32
      %and3A_2155 = vector.broadcast %and3A_2154 : i32 to vector<16xi32>
      %and3A_2156 = arith.andi %add3A_2153, %and3A_2155 : vector<16xi32>
      %gather3A_2157 = tpu.vector_load_idx %arg12[%iota3A, %and3A_2053, %and3A_2156] : memref<16x8x64xf32, #tpu.memory_space<vmem>>[vector<16xi32>, vector<16xi32>, vector<16xi32>], vector<16xf32>,
      %gather3A_2158 = tpu.vector_load_idx %arg14[%iota3A, %and3A_2060, %and3A_2156] : memref<16x8x64xf32, #tpu.memory_space<vmem>>[vector<16xi32>, vector<16xi32>, vector<16xi32>], vector<16xf32>,
      %mul3A_2159 = arith.mulf %gather3A_2157, %gather3A_2158 : vector<16xf32>
      %add3A_2160 = arith.addf %add3A_2146, %mul3A_2159 : vector<16xf32>
      %mul3A_2161 = arith.mulf %gather3A_2157, %gather3A_2157 : vector<16xf32>
      %add3A_2162 = arith.addf %add3A_2148, %mul3A_2161 : vector<16xf32>
      %mul3A_2163 = arith.mulf %gather3A_2158, %gather3A_2158 : vector<16xf32>
      %add3A_2164 = arith.addf %add3A_2150, %mul3A_2163 : vector<16xf32>
      %add3A_2165 = arith.constant 7 : i32
      %add3A_2166 = vector.broadcast %add3A_2165 : i32 to vector<16xi32>
      %add3A_2167 = arith.addi %iota3A, %add3A_2166 : vector<16xi32>
      %and3A_2168 = arith.constant 63 : i32
      %and3A_2169 = vector.broadcast %and3A_2168 : i32 to vector<16xi32>
      %and3A_2170 = arith.andi %add3A_2167, %and3A_2169 : vector<16xi32>
      %gather3A_2171 = tpu.vector_load_idx %arg12[%iota3A, %and3A_2053, %and3A_2170] : memref<16x8x64xf32, #tpu.memory_space<vmem>>[vector<16xi32>, vector<16xi32>, vector<16xi32>], vector<16xf32>,
      %gather3A_2172 = tpu.vector_load_idx %arg14[%iota3A, %and3A_2060, %and3A_2170] : memref<16x8x64xf32, #tpu.memory_space<vmem>>[vector<16xi32>, vector<16xi32>, vector<16xi32>], vector<16xf32>,
      %mul3A_2173 = arith.mulf %gather3A_2171, %gather3A_2172 : vector<16xf32>
      %add3A_2174 = arith.addf %add3A_2160, %mul3A_2173 : vector<16xf32>
      %mul3A_2175 = arith.mulf %gather3A_2171, %gather3A_2171 : vector<16xf32>
      %add3A_2176 = arith.addf %add3A_2162, %mul3A_2175 : vector<16xf32>
      %mul3A_2177 = arith.mulf %gather3A_2172, %gather3A_2172 : vector<16xf32>
      %add3A_2178 = arith.addf %add3A_2164, %mul3A_2177 : vector<16xf32>
      %add3A_2179 = arith.constant 8 : i32
      %add3A_2180 = vector.broadcast %add3A_2179 : i32 to vector<16xi32>
      %add3A_2181 = arith.addi %iota3A, %add3A_2180 : vector<16xi32>
      %and3A_2182 = arith.constant 63 : i32
      %and3A_2183 = vector.broadcast %and3A_2182 : i32 to vector<16xi32>
      %and3A_2184 = arith.andi %add3A_2181, %and3A_2183 : vector<16xi32>
      %gather3A_2185 = tpu.vector_load_idx %arg12[%iota3A, %and3A_2053, %and3A_2184] : memref<16x8x64xf32, #tpu.memory_space<vmem>>[vector<16xi32>, vector<16xi32>, vector<16xi32>], vector<16xf32>,
      %gather3A_2186 = tpu.vector_load_idx %arg14[%iota3A, %and3A_2060, %and3A_2184] : memref<16x8x64xf32, #tpu.memory_space<vmem>>[vector<16xi32>, vector<16xi32>, vector<16xi32>], vector<16xf32>,
      %mul3A_2187 = arith.mulf %gather3A_2185, %gather3A_2186 : vector<16xf32>
      %add3A_2188 = arith.addf %add3A_2174, %mul3A_2187 : vector<16xf32>
      %mul3A_2189 = arith.mulf %gather3A_2185, %gather3A_2185 : vector<16xf32>
      %add3A_2190 = arith.addf %add3A_2176, %mul3A_2189 : vector<16xf32>
      %mul3A_2191 = arith.mulf %gather3A_2186, %gather3A_2186 : vector<16xf32>
      %add3A_2192 = arith.addf %add3A_2178, %mul3A_2191 : vector<16xf32>
      %add3A_2193 = arith.constant 9 : i32
      %add3A_2194 = vector.broadcast %add3A_2193 : i32 to vector<16xi32>
      %add3A_2195 = arith.addi %iota3A, %add3A_2194 : vector<16xi32>
      %and3A_2196 = arith.constant 63 : i32
      %and3A_2197 = vector.broadcast %and3A_2196 : i32 to vector<16xi32>
      %and3A_2198 = arith.andi %add3A_2195, %and3A_2197 : vector<16xi32>
      %gather3A_2199 = tpu.vector_load_idx %arg12[%iota3A, %and3A_2053, %and3A_2198] : memref<16x8x64xf32, #tpu.memory_space<vmem>>[vector<16xi32>, vector<16xi32>, vector<16xi32>], vector<16xf32>,
      %gather3A_2200 = tpu.vector_load_idx %arg14[%iota3A, %and3A_2060, %and3A_2198] : memref<16x8x64xf32, #tpu.memory_space<vmem>>[vector<16xi32>, vector<16xi32>, vector<16xi32>], vector<16xf32>,
      %mul3A_2201 = arith.mulf %gather3A_2199, %gather3A_2200 : vector<16xf32>
      %add3A_2202 = arith.addf %add3A_2188, %mul3A_2201 : vector<16xf32>
      %mul3A_2203 = arith.mulf %gather3A_2199, %gather3A_2199 : vector<16xf32>
      %add3A_2204 = arith.addf %add3A_2190, %mul3A_2203 : vector<16xf32>
      %mul3A_2205 = arith.mulf %gather3A_2200, %gather3A_2200 : vector<16xf32>
      %add3A_2206 = arith.addf %add3A_2192, %mul3A_2205 : vector<16xf32>
      %add3A_2207 = arith.constant 10 : i32
      %add3A_2208 = vector.broadcast %add3A_2207 : i32 to vector<16xi32>
      %add3A_2209 = arith.addi %iota3A, %add3A_2208 : vector<16xi32>
      %and3A_2210 = arith.constant 63 : i32
      %and3A_2211 = vector.broadcast %and3A_2210 : i32 to vector<16xi32>
      %and3A_2212 = arith.andi %add3A_2209, %and3A_2211 : vector<16xi32>
      %gather3A_2213 = tpu.vector_load_idx %arg12[%iota3A, %and3A_2053, %and3A_2212] : memref<16x8x64xf32, #tpu.memory_space<vmem>>[vector<16xi32>, vector<16xi32>, vector<16xi32>], vector<16xf32>,
      %gather3A_2214 = tpu.vector_load_idx %arg14[%iota3A, %and3A_2060, %and3A_2212] : memref<16x8x64xf32, #tpu.memory_space<vmem>>[vector<16xi32>, vector<16xi32>, vector<16xi32>], vector<16xf32>,
      %mul3A_2215 = arith.mulf %gather3A_2213, %gather3A_2214 : vector<16xf32>
      %add3A_2216 = arith.addf %add3A_2202, %mul3A_2215 : vector<16xf32>
      %mul3A_2217 = arith.mulf %gather3A_2213, %gather3A_2213 : vector<16xf32>
      %add3A_2218 = arith.addf %add3A_2204, %mul3A_2217 : vector<16xf32>
      %mul3A_2219 = arith.mulf %gather3A_2214, %gather3A_2214 : vector<16xf32>
      %add3A_2220 = arith.addf %add3A_2206, %mul3A_2219 : vector<16xf32>
      %add3A_2221 = arith.constant 11 : i32
      %add3A_2222 = vector.broadcast %add3A_2221 : i32 to vector<16xi32>
      %add3A_2223 = arith.addi %iota3A, %add3A_2222 : vector<16xi32>
      %and3A_2224 = arith.constant 63 : i32
      %and3A_2225 = vector.broadcast %and3A_2224 : i32 to vector<16xi32>
      %and3A_2226 = arith.andi %add3A_2223, %and3A_2225 : vector<16xi32>
      %gather3A_2227 = tpu.vector_load_idx %arg12[%iota3A, %and3A_2053, %and3A_2226] : memref<16x8x64xf32, #tpu.memory_space<vmem>>[vector<16xi32>, vector<16xi32>, vector<16xi32>], vector<16xf32>,
      %gather3A_2228 = tpu.vector_load_idx %arg14[%iota3A, %and3A_2060, %and3A_2226] : memref<16x8x64xf32, #tpu.memory_space<vmem>>[vector<16xi32>, vector<16xi32>, vector<16xi32>], vector<16xf32>,
      %mul3A_2229 = arith.mulf %gather3A_2227, %gather3A_2228 : vector<16xf32>
      %add3A_2230 = arith.addf %add3A_2216, %mul3A_2229 : vector<16xf32>
      %mul3A_2231 = arith.mulf %gather3A_2227, %gather3A_2227 : vector<16xf32>
      %add3A_2232 = arith.addf %add3A_2218, %mul3A_2231 : vector<16xf32>
      %mul3A_2233 = arith.mulf %gather3A_2228, %gather3A_2228 : vector<16xf32>
      %add3A_2234 = arith.addf %add3A_2220, %mul3A_2233 : vector<16xf32>
      %add3A_2235 = arith.constant 12 : i32
      %add3A_2236 = vector.broadcast %add3A_2235 : i32 to vector<16xi32>
      %add3A_2237 = arith.addi %iota3A, %add3A_2236 : vector<16xi32>
      %and3A_2238 = arith.constant 63 : i32
      %and3A_2239 = vector.broadcast %and3A_2238 : i32 to vector<16xi32>
      %and3A_2240 = arith.andi %add3A_2237, %and3A_2239 : vector<16xi32>
      %gather3A_2241 = tpu.vector_load_idx %arg12[%iota3A, %and3A_2053, %and3A_2240] : memref<16x8x64xf32, #tpu.memory_space<vmem>>[vector<16xi32>, vector<16xi32>, vector<16xi32>], vector<16xf32>,
      %gather3A_2242 = tpu.vector_load_idx %arg14[%iota3A, %and3A_2060, %and3A_2240] : memref<16x8x64xf32, #tpu.memory_space<vmem>>[vector<16xi32>, vector<16xi32>, vector<16xi32>], vector<16xf32>,
      %mul3A_2243 = arith.mulf %gather3A_2241, %gather3A_2242 : vector<16xf32>
      %add3A_2244 = arith.addf %add3A_2230, %mul3A_2243 : vector<16xf32>
      %mul3A_2245 = arith.mulf %gather3A_2241, %gather3A_2241 : vector<16xf32>
      %add3A_2246 = arith.addf %add3A_2232, %mul3A_2245 : vector<16xf32>
      %mul3A_2247 = arith.mulf %gather3A_2242, %gather3A_2242 : vector<16xf32>
      %add3A_2248 = arith.addf %add3A_2234, %mul3A_2247 : vector<16xf32>
      %add3A_2249 = arith.constant 13 : i32
      %add3A_2250 = vector.broadcast %add3A_2249 : i32 to vector<16xi32>
      %add3A_2251 = arith.addi %iota3A, %add3A_2250 : vector<16xi32>
      %and3A_2252 = arith.constant 63 : i32
      %and3A_2253 = vector.broadcast %and3A_2252 : i32 to vector<16xi32>
      %and3A_2254 = arith.andi %add3A_2251, %and3A_2253 : vector<16xi32>
      %gather3A_2255 = tpu.vector_load_idx %arg12[%iota3A, %and3A_2053, %and3A_2254] : memref<16x8x64xf32, #tpu.memory_space<vmem>>[vector<16xi32>, vector<16xi32>, vector<16xi32>], vector<16xf32>,
      %gather3A_2256 = tpu.vector_load_idx %arg14[%iota3A, %and3A_2060, %and3A_2254] : memref<16x8x64xf32, #tpu.memory_space<vmem>>[vector<16xi32>, vector<16xi32>, vector<16xi32>], vector<16xf32>,
      %mul3A_2257 = arith.mulf %gather3A_2255, %gather3A_2256 : vector<16xf32>
      %add3A_2258 = arith.addf %add3A_2244, %mul3A_2257 : vector<16xf32>
      %mul3A_2259 = arith.mulf %gather3A_2255, %gather3A_2255 : vector<16xf32>
      %add3A_2260 = arith.addf %add3A_2246, %mul3A_2259 : vector<16xf32>
      %mul3A_2261 = arith.mulf %gather3A_2256, %gather3A_2256 : vector<16xf32>
      %add3A_2262 = arith.addf %add3A_2248, %mul3A_2261 : vector<16xf32>
      %add3A_2263 = arith.constant 14 : i32
      %add3A_2264 = vector.broadcast %add3A_2263 : i32 to vector<16xi32>
      %add3A_2265 = arith.addi %iota3A, %add3A_2264 : vector<16xi32>
      %and3A_2266 = arith.constant 63 : i32
      %and3A_2267 = vector.broadcast %and3A_2266 : i32 to vector<16xi32>
      %and3A_2268 = arith.andi %add3A_2265, %and3A_2267 : vector<16xi32>
      %gather3A_2269 = tpu.vector_load_idx %arg12[%iota3A, %and3A_2053, %and3A_2268] : memref<16x8x64xf32, #tpu.memory_space<vmem>>[vector<16xi32>, vector<16xi32>, vector<16xi32>], vector<16xf32>,
      %gather3A_2270 = tpu.vector_load_idx %arg14[%iota3A, %and3A_2060, %and3A_2268] : memref<16x8x64xf32, #tpu.memory_space<vmem>>[vector<16xi32>, vector<16xi32>, vector<16xi32>], vector<16xf32>,
      %mul3A_2271 = arith.mulf %gather3A_2269, %gather3A_2270 : vector<16xf32>
      %add3A_2272 = arith.addf %add3A_2258, %mul3A_2271 : vector<16xf32>
      %mul3A_2273 = arith.mulf %gather3A_2269, %gather3A_2269 : vector<16xf32>
      %add3A_2274 = arith.addf %add3A_2260, %mul3A_2273 : vector<16xf32>
      %mul3A_2275 = arith.mulf %gather3A_2270, %gather3A_2270 : vector<16xf32>
      %add3A_2276 = arith.addf %add3A_2262, %mul3A_2275 : vector<16xf32>
      %add3A_2277 = arith.constant 15 : i32
      %add3A_2278 = vector.broadcast %add3A_2277 : i32 to vector<16xi32>
      %add3A_2279 = arith.addi %iota3A, %add3A_2278 : vector<16xi32>
      %and3A_2280 = arith.constant 63 : i32
      %and3A_2281 = vector.broadcast %and3A_2280 : i32 to vector<16xi32>
      %and3A_2282 = arith.andi %add3A_2279, %and3A_2281 : vector<16xi32>
      %gather3A_2283 = tpu.vector_load_idx %arg12[%iota3A, %and3A_2053, %and3A_2282] : memref<16x8x64xf32, #tpu.memory_space<vmem>>[vector<16xi32>, vector<16xi32>, vector<16xi32>], vector<16xf32>,
      %gather3A_2284 = tpu.vector_load_idx %arg14[%iota3A, %and3A_2060, %and3A_2282] : memref<16x8x64xf32, #tpu.memory_space<vmem>>[vector<16xi32>, vector<16xi32>, vector<16xi32>], vector<16xf32>,
      %mul3A_2285 = arith.mulf %gather3A_2283, %gather3A_2284 : vector<16xf32>
      %add3A_2286 = arith.addf %add3A_2272, %mul3A_2285 : vector<16xf32>
      %mul3A_2287 = arith.mulf %gather3A_2283, %gather3A_2283 : vector<16xf32>
      %add3A_2288 = arith.addf %add3A_2274, %mul3A_2287 : vector<16xf32>
      %mul3A_2289 = arith.mulf %gather3A_2284, %gather3A_2284 : vector<16xf32>
      %add3A_2290 = arith.addf %add3A_2276, %mul3A_2289 : vector<16xf32>
      %add3A_2291 = arith.constant 16 : i32
      %add3A_2292 = vector.broadcast %add3A_2291 : i32 to vector<16xi32>
      %add3A_2293 = arith.addi %iota3A, %add3A_2292 : vector<16xi32>
      %and3A_2294 = arith.constant 63 : i32
      %and3A_2295 = vector.broadcast %and3A_2294 : i32 to vector<16xi32>
      %and3A_2296 = arith.andi %add3A_2293, %and3A_2295 : vector<16xi32>
      %gather3A_2297 = tpu.vector_load_idx %arg12[%iota3A, %and3A_2053, %and3A_2296] : memref<16x8x64xf32, #tpu.memory_space<vmem>>[vector<16xi32>, vector<16xi32>, vector<16xi32>], vector<16xf32>,
      %gather3A_2298 = tpu.vector_load_idx %arg14[%iota3A, %and3A_2060, %and3A_2296] : memref<16x8x64xf32, #tpu.memory_space<vmem>>[vector<16xi32>, vector<16xi32>, vector<16xi32>], vector<16xf32>,
      %mul3A_2299 = arith.mulf %gather3A_2297, %gather3A_2298 : vector<16xf32>
      %add3A_2300 = arith.addf %add3A_2286, %mul3A_2299 : vector<16xf32>
      %mul3A_2301 = arith.mulf %gather3A_2297, %gather3A_2297 : vector<16xf32>
      %add3A_2302 = arith.addf %add3A_2288, %mul3A_2301 : vector<16xf32>
      %mul3A_2303 = arith.mulf %gather3A_2298, %gather3A_2298 : vector<16xf32>
      %add3A_2304 = arith.addf %add3A_2290, %mul3A_2303 : vector<16xf32>
      %add3A_2305 = arith.constant 17 : i32
      %add3A_2306 = vector.broadcast %add3A_2305 : i32 to vector<16xi32>
      %add3A_2307 = arith.addi %iota3A, %add3A_2306 : vector<16xi32>
      %and3A_2308 = arith.constant 63 : i32
      %and3A_2309 = vector.broadcast %and3A_2308 : i32 to vector<16xi32>
      %and3A_2310 = arith.andi %add3A_2307, %and3A_2309 : vector<16xi32>
      %gather3A_2311 = tpu.vector_load_idx %arg12[%iota3A, %and3A_2053, %and3A_2310] : memref<16x8x64xf32, #tpu.memory_space<vmem>>[vector<16xi32>, vector<16xi32>, vector<16xi32>], vector<16xf32>,
      %gather3A_2312 = tpu.vector_load_idx %arg14[%iota3A, %and3A_2060, %and3A_2310] : memref<16x8x64xf32, #tpu.memory_space<vmem>>[vector<16xi32>, vector<16xi32>, vector<16xi32>], vector<16xf32>,
      %mul3A_2313 = arith.mulf %gather3A_2311, %gather3A_2312 : vector<16xf32>
      %add3A_2314 = arith.addf %add3A_2300, %mul3A_2313 : vector<16xf32>
      %mul3A_2315 = arith.mulf %gather3A_2311, %gather3A_2311 : vector<16xf32>
      %add3A_2316 = arith.addf %add3A_2302, %mul3A_2315 : vector<16xf32>
      %mul3A_2317 = arith.mulf %gather3A_2312, %gather3A_2312 : vector<16xf32>
      %add3A_2318 = arith.addf %add3A_2304, %mul3A_2317 : vector<16xf32>
      %add3A_2319 = arith.constant 18 : i32
      %add3A_2320 = vector.broadcast %add3A_2319 : i32 to vector<16xi32>
      %add3A_2321 = arith.addi %iota3A, %add3A_2320 : vector<16xi32>
      %and3A_2322 = arith.constant 63 : i32
      %and3A_2323 = vector.broadcast %and3A_2322 : i32 to vector<16xi32>
      %and3A_2324 = arith.andi %add3A_2321, %and3A_2323 : vector<16xi32>
      %gather3A_2325 = tpu.vector_load_idx %arg12[%iota3A, %and3A_2053, %and3A_2324] : memref<16x8x64xf32, #tpu.memory_space<vmem>>[vector<16xi32>, vector<16xi32>, vector<16xi32>], vector<16xf32>,
      %gather3A_2326 = tpu.vector_load_idx %arg14[%iota3A, %and3A_2060, %and3A_2324] : memref<16x8x64xf32, #tpu.memory_space<vmem>>[vector<16xi32>, vector<16xi32>, vector<16xi32>], vector<16xf32>,
      %mul3A_2327 = arith.mulf %gather3A_2325, %gather3A_2326 : vector<16xf32>
      %add3A_2328 = arith.addf %add3A_2314, %mul3A_2327 : vector<16xf32>
      %mul3A_2329 = arith.mulf %gather3A_2325, %gather3A_2325 : vector<16xf32>
      %add3A_2330 = arith.addf %add3A_2316, %mul3A_2329 : vector<16xf32>
      %mul3A_2331 = arith.mulf %gather3A_2326, %gather3A_2326 : vector<16xf32>
      %add3A_2332 = arith.addf %add3A_2318, %mul3A_2331 : vector<16xf32>
      %add3A_2333 = arith.constant 19 : i32
      %add3A_2334 = vector.broadcast %add3A_2333 : i32 to vector<16xi32>
      %add3A_2335 = arith.addi %iota3A, %add3A_2334 : vector<16xi32>
      %and3A_2336 = arith.constant 63 : i32
      %and3A_2337 = vector.broadcast %and3A_2336 : i32 to vector<16xi32>
      %and3A_2338 = arith.andi %add3A_2335, %and3A_2337 : vector<16xi32>
      %gather3A_2339 = tpu.vector_load_idx %arg12[%iota3A, %and3A_2053, %and3A_2338] : memref<16x8x64xf32, #tpu.memory_space<vmem>>[vector<16xi32>, vector<16xi32>, vector<16xi32>], vector<16xf32>,
      %gather3A_2340 = tpu.vector_load_idx %arg14[%iota3A, %and3A_2060, %and3A_2338] : memref<16x8x64xf32, #tpu.memory_space<vmem>>[vector<16xi32>, vector<16xi32>, vector<16xi32>], vector<16xf32>,
      %mul3A_2341 = arith.mulf %gather3A_2339, %gather3A_2340 : vector<16xf32>
      %add3A_2342 = arith.addf %add3A_2328, %mul3A_2341 : vector<16xf32>
      %mul3A_2343 = arith.mulf %gather3A_2339, %gather3A_2339 : vector<16xf32>
      %add3A_2344 = arith.addf %add3A_2330, %mul3A_2343 : vector<16xf32>
      %mul3A_2345 = arith.mulf %gather3A_2340, %gather3A_2340 : vector<16xf32>
      %add3A_2346 = arith.addf %add3A_2332, %mul3A_2345 : vector<16xf32>
      %add3A_2347 = arith.constant 20 : i32
      %add3A_2348 = vector.broadcast %add3A_2347 : i32 to vector<16xi32>
      %add3A_2349 = arith.addi %iota3A, %add3A_2348 : vector<16xi32>
      %and3A_2350 = arith.constant 63 : i32
      %and3A_2351 = vector.broadcast %and3A_2350 : i32 to vector<16xi32>
      %and3A_2352 = arith.andi %add3A_2349, %and3A_2351 : vector<16xi32>
      %gather3A_2353 = tpu.vector_load_idx %arg12[%iota3A, %and3A_2053, %and3A_2352] : memref<16x8x64xf32, #tpu.memory_space<vmem>>[vector<16xi32>, vector<16xi32>, vector<16xi32>], vector<16xf32>,
      %gather3A_2354 = tpu.vector_load_idx %arg14[%iota3A, %and3A_2060, %and3A_2352] : memref<16x8x64xf32, #tpu.memory_space<vmem>>[vector<16xi32>, vector<16xi32>, vector<16xi32>], vector<16xf32>,
      %mul3A_2355 = arith.mulf %gather3A_2353, %gather3A_2354 : vector<16xf32>
      %add3A_2356 = arith.addf %add3A_2342, %mul3A_2355 : vector<16xf32>
      %mul3A_2357 = arith.mulf %gather3A_2353, %gather3A_2353 : vector<16xf32>
      %add3A_2358 = arith.addf %add3A_2344, %mul3A_2357 : vector<16xf32>
      %mul3A_2359 = arith.mulf %gather3A_2354, %gather3A_2354 : vector<16xf32>
      %add3A_2360 = arith.addf %add3A_2346, %mul3A_2359 : vector<16xf32>
      %add3A_2361 = arith.constant 21 : i32
      %add3A_2362 = vector.broadcast %add3A_2361 : i32 to vector<16xi32>
      %add3A_2363 = arith.addi %iota3A, %add3A_2362 : vector<16xi32>
      %and3A_2364 = arith.constant 63 : i32
      %and3A_2365 = vector.broadcast %and3A_2364 : i32 to vector<16xi32>
      %and3A_2366 = arith.andi %add3A_2363, %and3A_2365 : vector<16xi32>
      %gather3A_2367 = tpu.vector_load_idx %arg12[%iota3A, %and3A_2053, %and3A_2366] : memref<16x8x64xf32, #tpu.memory_space<vmem>>[vector<16xi32>, vector<16xi32>, vector<16xi32>], vector<16xf32>,
      %gather3A_2368 = tpu.vector_load_idx %arg14[%iota3A, %and3A_2060, %and3A_2366] : memref<16x8x64xf32, #tpu.memory_space<vmem>>[vector<16xi32>, vector<16xi32>, vector<16xi32>], vector<16xf32>,
      %mul3A_2369 = arith.mulf %gather3A_2367, %gather3A_2368 : vector<16xf32>
      %add3A_2370 = arith.addf %add3A_2356, %mul3A_2369 : vector<16xf32>
      %mul3A_2371 = arith.mulf %gather3A_2367, %gather3A_2367 : vector<16xf32>
      %add3A_2372 = arith.addf %add3A_2358, %mul3A_2371 : vector<16xf32>
      %mul3A_2373 = arith.mulf %gather3A_2368, %gather3A_2368 : vector<16xf32>
      %add3A_2374 = arith.addf %add3A_2360, %mul3A_2373 : vector<16xf32>
      %add3A_2375 = arith.constant 22 : i32
      %add3A_2376 = vector.broadcast %add3A_2375 : i32 to vector<16xi32>
      %add3A_2377 = arith.addi %iota3A, %add3A_2376 : vector<16xi32>
      %and3A_2378 = arith.constant 63 : i32
      %and3A_2379 = vector.broadcast %and3A_2378 : i32 to vector<16xi32>
      %and3A_2380 = arith.andi %add3A_2377, %and3A_2379 : vector<16xi32>
      %gather3A_2381 = tpu.vector_load_idx %arg12[%iota3A, %and3A_2053, %and3A_2380] : memref<16x8x64xf32, #tpu.memory_space<vmem>>[vector<16xi32>, vector<16xi32>, vector<16xi32>], vector<16xf32>,
      %gather3A_2382 = tpu.vector_load_idx %arg14[%iota3A, %and3A_2060, %and3A_2380] : memref<16x8x64xf32, #tpu.memory_space<vmem>>[vector<16xi32>, vector<16xi32>, vector<16xi32>], vector<16xf32>,
      %mul3A_2383 = arith.mulf %gather3A_2381, %gather3A_2382 : vector<16xf32>
      %add3A_2384 = arith.addf %add3A_2370, %mul3A_2383 : vector<16xf32>
      %mul3A_2385 = arith.mulf %gather3A_2381, %gather3A_2381 : vector<16xf32>
      %add3A_2386 = arith.addf %add3A_2372, %mul3A_2385 : vector<16xf32>
      %mul3A_2387 = arith.mulf %gather3A_2382, %gather3A_2382 : vector<16xf32>
      %add3A_2388 = arith.addf %add3A_2374, %mul3A_2387 : vector<16xf32>
      %add3A_2389 = arith.constant 23 : i32
      %add3A_2390 = vector.broadcast %add3A_2389 : i32 to vector<16xi32>
      %add3A_2391 = arith.addi %iota3A, %add3A_2390 : vector<16xi32>
      %and3A_2392 = arith.constant 63 : i32
      %and3A_2393 = vector.broadcast %and3A_2392 : i32 to vector<16xi32>
      %and3A_2394 = arith.andi %add3A_2391, %and3A_2393 : vector<16xi32>
      %gather3A_2395 = tpu.vector_load_idx %arg12[%iota3A, %and3A_2053, %and3A_2394] : memref<16x8x64xf32, #tpu.memory_space<vmem>>[vector<16xi32>, vector<16xi32>, vector<16xi32>], vector<16xf32>,
      %gather3A_2396 = tpu.vector_load_idx %arg14[%iota3A, %and3A_2060, %and3A_2394] : memref<16x8x64xf32, #tpu.memory_space<vmem>>[vector<16xi32>, vector<16xi32>, vector<16xi32>], vector<16xf32>,
      %mul3A_2397 = arith.mulf %gather3A_2395, %gather3A_2396 : vector<16xf32>
      %add3A_2398 = arith.addf %add3A_2384, %mul3A_2397 : vector<16xf32>
      %mul3A_2399 = arith.mulf %gather3A_2395, %gather3A_2395 : vector<16xf32>
      %add3A_2400 = arith.addf %add3A_2386, %mul3A_2399 : vector<16xf32>
      %mul3A_2401 = arith.mulf %gather3A_2396, %gather3A_2396 : vector<16xf32>
      %add3A_2402 = arith.addf %add3A_2388, %mul3A_2401 : vector<16xf32>
      %add3A_2403 = arith.constant 24 : i32
      %add3A_2404 = vector.broadcast %add3A_2403 : i32 to vector<16xi32>
      %add3A_2405 = arith.addi %iota3A, %add3A_2404 : vector<16xi32>
      %and3A_2406 = arith.constant 63 : i32
      %and3A_2407 = vector.broadcast %and3A_2406 : i32 to vector<16xi32>
      %and3A_2408 = arith.andi %add3A_2405, %and3A_2407 : vector<16xi32>
      %gather3A_2409 = tpu.vector_load_idx %arg12[%iota3A, %and3A_2053, %and3A_2408] : memref<16x8x64xf32, #tpu.memory_space<vmem>>[vector<16xi32>, vector<16xi32>, vector<16xi32>], vector<16xf32>,
      %gather3A_2410 = tpu.vector_load_idx %arg14[%iota3A, %and3A_2060, %and3A_2408] : memref<16x8x64xf32, #tpu.memory_space<vmem>>[vector<16xi32>, vector<16xi32>, vector<16xi32>], vector<16xf32>,
      %mul3A_2411 = arith.mulf %gather3A_2409, %gather3A_2410 : vector<16xf32>
      %add3A_2412 = arith.addf %add3A_2398, %mul3A_2411 : vector<16xf32>
      %mul3A_2413 = arith.mulf %gather3A_2409, %gather3A_2409 : vector<16xf32>
      %add3A_2414 = arith.addf %add3A_2400, %mul3A_2413 : vector<16xf32>
      %mul3A_2415 = arith.mulf %gather3A_2410, %gather3A_2410 : vector<16xf32>
      %add3A_2416 = arith.addf %add3A_2402, %mul3A_2415 : vector<16xf32>
      %add3A_2417 = arith.constant 25 : i32
      %add3A_2418 = vector.broadcast %add3A_2417 : i32 to vector<16xi32>
      %add3A_2419 = arith.addi %iota3A, %add3A_2418 : vector<16xi32>
      %and3A_2420 = arith.constant 63 : i32
      %and3A_2421 = vector.broadcast %and3A_2420 : i32 to vector<16xi32>
      %and3A_2422 = arith.andi %add3A_2419, %and3A_2421 : vector<16xi32>
      %gather3A_2423 = tpu.vector_load_idx %arg12[%iota3A, %and3A_2053, %and3A_2422] : memref<16x8x64xf32, #tpu.memory_space<vmem>>[vector<16xi32>, vector<16xi32>, vector<16xi32>], vector<16xf32>,
      %gather3A_2424 = tpu.vector_load_idx %arg14[%iota3A, %and3A_2060, %and3A_2422] : memref<16x8x64xf32, #tpu.memory_space<vmem>>[vector<16xi32>, vector<16xi32>, vector<16xi32>], vector<16xf32>,
      %mul3A_2425 = arith.mulf %gather3A_2423, %gather3A_2424 : vector<16xf32>
      %add3A_2426 = arith.addf %add3A_2412, %mul3A_2425 : vector<16xf32>
      %mul3A_2427 = arith.mulf %gather3A_2423, %gather3A_2423 : vector<16xf32>
      %add3A_2428 = arith.addf %add3A_2414, %mul3A_2427 : vector<16xf32>
      %mul3A_2429 = arith.mulf %gather3A_2424, %gather3A_2424 : vector<16xf32>
      %add3A_2430 = arith.addf %add3A_2416, %mul3A_2429 : vector<16xf32>
      %add3A_2431 = arith.constant 26 : i32
      %add3A_2432 = vector.broadcast %add3A_2431 : i32 to vector<16xi32>
      %add3A_2433 = arith.addi %iota3A, %add3A_2432 : vector<16xi32>
      %and3A_2434 = arith.constant 63 : i32
      %and3A_2435 = vector.broadcast %and3A_2434 : i32 to vector<16xi32>
      %and3A_2436 = arith.andi %add3A_2433, %and3A_2435 : vector<16xi32>
      %gather3A_2437 = tpu.vector_load_idx %arg12[%iota3A, %and3A_2053, %and3A_2436] : memref<16x8x64xf32, #tpu.memory_space<vmem>>[vector<16xi32>, vector<16xi32>, vector<16xi32>], vector<16xf32>,
      %gather3A_2438 = tpu.vector_load_idx %arg14[%iota3A, %and3A_2060, %and3A_2436] : memref<16x8x64xf32, #tpu.memory_space<vmem>>[vector<16xi32>, vector<16xi32>, vector<16xi32>], vector<16xf32>,
      %mul3A_2439 = arith.mulf %gather3A_2437, %gather3A_2438 : vector<16xf32>
      %add3A_2440 = arith.addf %add3A_2426, %mul3A_2439 : vector<16xf32>
      %mul3A_2441 = arith.mulf %gather3A_2437, %gather3A_2437 : vector<16xf32>
      %add3A_2442 = arith.addf %add3A_2428, %mul3A_2441 : vector<16xf32>
      %mul3A_2443 = arith.mulf %gather3A_2438, %gather3A_2438 : vector<16xf32>
      %add3A_2444 = arith.addf %add3A_2430, %mul3A_2443 : vector<16xf32>
      %add3A_2445 = arith.constant 27 : i32
      %add3A_2446 = vector.broadcast %add3A_2445 : i32 to vector<16xi32>
      %add3A_2447 = arith.addi %iota3A, %add3A_2446 : vector<16xi32>
      %and3A_2448 = arith.constant 63 : i32
      %and3A_2449 = vector.broadcast %and3A_2448 : i32 to vector<16xi32>
      %and3A_2450 = arith.andi %add3A_2447, %and3A_2449 : vector<16xi32>
      %gather3A_2451 = tpu.vector_load_idx %arg12[%iota3A, %and3A_2053, %and3A_2450] : memref<16x8x64xf32, #tpu.memory_space<vmem>>[vector<16xi32>, vector<16xi32>, vector<16xi32>], vector<16xf32>,
      %gather3A_2452 = tpu.vector_load_idx %arg14[%iota3A, %and3A_2060, %and3A_2450] : memref<16x8x64xf32, #tpu.memory_space<vmem>>[vector<16xi32>, vector<16xi32>, vector<16xi32>], vector<16xf32>,
      %mul3A_2453 = arith.mulf %gather3A_2451, %gather3A_2452 : vector<16xf32>
      %add3A_2454 = arith.addf %add3A_2440, %mul3A_2453 : vector<16xf32>
      %mul3A_2455 = arith.mulf %gather3A_2451, %gather3A_2451 : vector<16xf32>
      %add3A_2456 = arith.addf %add3A_2442, %mul3A_2455 : vector<16xf32>
      %mul3A_2457 = arith.mulf %gather3A_2452, %gather3A_2452 : vector<16xf32>
      %add3A_2458 = arith.addf %add3A_2444, %mul3A_2457 : vector<16xf32>
      %add3A_2459 = arith.constant 28 : i32
      %add3A_2460 = vector.broadcast %add3A_2459 : i32 to vector<16xi32>
      %add3A_2461 = arith.addi %iota3A, %add3A_2460 : vector<16xi32>
      %and3A_2462 = arith.constant 63 : i32
      %and3A_2463 = vector.broadcast %and3A_2462 : i32 to vector<16xi32>
      %and3A_2464 = arith.andi %add3A_2461, %and3A_2463 : vector<16xi32>
      %gather3A_2465 = tpu.vector_load_idx %arg12[%iota3A, %and3A_2053, %and3A_2464] : memref<16x8x64xf32, #tpu.memory_space<vmem>>[vector<16xi32>, vector<16xi32>, vector<16xi32>], vector<16xf32>,
      %gather3A_2466 = tpu.vector_load_idx %arg14[%iota3A, %and3A_2060, %and3A_2464] : memref<16x8x64xf32, #tpu.memory_space<vmem>>[vector<16xi32>, vector<16xi32>, vector<16xi32>], vector<16xf32>,
      %mul3A_2467 = arith.mulf %gather3A_2465, %gather3A_2466 : vector<16xf32>
      %add3A_2468 = arith.addf %add3A_2454, %mul3A_2467 : vector<16xf32>
      %mul3A_2469 = arith.mulf %gather3A_2465, %gather3A_2465 : vector<16xf32>
      %add3A_2470 = arith.addf %add3A_2456, %mul3A_2469 : vector<16xf32>
      %mul3A_2471 = arith.mulf %gather3A_2466, %gather3A_2466 : vector<16xf32>
      %add3A_2472 = arith.addf %add3A_2458, %mul3A_2471 : vector<16xf32>
      %add3A_2473 = arith.constant 29 : i32
      %add3A_2474 = vector.broadcast %add3A_2473 : i32 to vector<16xi32>
      %add3A_2475 = arith.addi %iota3A, %add3A_2474 : vector<16xi32>
      %and3A_2476 = arith.constant 63 : i32
      %and3A_2477 = vector.broadcast %and3A_2476 : i32 to vector<16xi32>
      %and3A_2478 = arith.andi %add3A_2475, %and3A_2477 : vector<16xi32>
      %gather3A_2479 = tpu.vector_load_idx %arg12[%iota3A, %and3A_2053, %and3A_2478] : memref<16x8x64xf32, #tpu.memory_space<vmem>>[vector<16xi32>, vector<16xi32>, vector<16xi32>], vector<16xf32>,
      %gather3A_2480 = tpu.vector_load_idx %arg14[%iota3A, %and3A_2060, %and3A_2478] : memref<16x8x64xf32, #tpu.memory_space<vmem>>[vector<16xi32>, vector<16xi32>, vector<16xi32>], vector<16xf32>,
      %mul3A_2481 = arith.mulf %gather3A_2479, %gather3A_2480 : vector<16xf32>
      %add3A_2482 = arith.addf %add3A_2468, %mul3A_2481 : vector<16xf32>
      %mul3A_2483 = arith.mulf %gather3A_2479, %gather3A_2479 : vector<16xf32>
      %add3A_2484 = arith.addf %add3A_2470, %mul3A_2483 : vector<16xf32>
      %mul3A_2485 = arith.mulf %gather3A_2480, %gather3A_2480 : vector<16xf32>
      %add3A_2486 = arith.addf %add3A_2472, %mul3A_2485 : vector<16xf32>
      %add3A_2487 = arith.constant 30 : i32
      %add3A_2488 = vector.broadcast %add3A_2487 : i32 to vector<16xi32>
      %add3A_2489 = arith.addi %iota3A, %add3A_2488 : vector<16xi32>
      %and3A_2490 = arith.constant 63 : i32
      %and3A_2491 = vector.broadcast %and3A_2490 : i32 to vector<16xi32>
      %and3A_2492 = arith.andi %add3A_2489, %and3A_2491 : vector<16xi32>
      %gather3A_2493 = tpu.vector_load_idx %arg12[%iota3A, %and3A_2053, %and3A_2492] : memref<16x8x64xf32, #tpu.memory_space<vmem>>[vector<16xi32>, vector<16xi32>, vector<16xi32>], vector<16xf32>,
      %gather3A_2494 = tpu.vector_load_idx %arg14[%iota3A, %and3A_2060, %and3A_2492] : memref<16x8x64xf32, #tpu.memory_space<vmem>>[vector<16xi32>, vector<16xi32>, vector<16xi32>], vector<16xf32>,
      %mul3A_2495 = arith.mulf %gather3A_2493, %gather3A_2494 : vector<16xf32>
      %add3A_2496 = arith.addf %add3A_2482, %mul3A_2495 : vector<16xf32>
      %mul3A_2497 = arith.mulf %gather3A_2493, %gather3A_2493 : vector<16xf32>
      %add3A_2498 = arith.addf %add3A_2484, %mul3A_2497 : vector<16xf32>
      %mul3A_2499 = arith.mulf %gather3A_2494, %gather3A_2494 : vector<16xf32>
      %add3A_2500 = arith.addf %add3A_2486, %mul3A_2499 : vector<16xf32>
      %add3A_2501 = arith.constant 31 : i32
      %add3A_2502 = vector.broadcast %add3A_2501 : i32 to vector<16xi32>
      %add3A_2503 = arith.addi %iota3A, %add3A_2502 : vector<16xi32>
      %and3A_2504 = arith.constant 63 : i32
      %and3A_2505 = vector.broadcast %and3A_2504 : i32 to vector<16xi32>
      %and3A_2506 = arith.andi %add3A_2503, %and3A_2505 : vector<16xi32>
      %gather3A_2507 = tpu.vector_load_idx %arg12[%iota3A, %and3A_2053, %and3A_2506] : memref<16x8x64xf32, #tpu.memory_space<vmem>>[vector<16xi32>, vector<16xi32>, vector<16xi32>], vector<16xf32>,
      %gather3A_2508 = tpu.vector_load_idx %arg14[%iota3A, %and3A_2060, %and3A_2506] : memref<16x8x64xf32, #tpu.memory_space<vmem>>[vector<16xi32>, vector<16xi32>, vector<16xi32>], vector<16xf32>,
      %mul3A_2509 = arith.mulf %gather3A_2507, %gather3A_2508 : vector<16xf32>
      %add3A_2510 = arith.addf %add3A_2496, %mul3A_2509 : vector<16xf32>
      %mul3A_2511 = arith.mulf %gather3A_2507, %gather3A_2507 : vector<16xf32>
      %add3A_2512 = arith.addf %add3A_2498, %mul3A_2511 : vector<16xf32>
      %mul3A_2513 = arith.mulf %gather3A_2508, %gather3A_2508 : vector<16xf32>
      %add3A_2514 = arith.addf %add3A_2500, %mul3A_2513 : vector<16xf32>
      %add3A_2515 = arith.constant 32 : i32
      %add3A_2516 = vector.broadcast %add3A_2515 : i32 to vector<16xi32>
      %add3A_2517 = arith.addi %iota3A, %add3A_2516 : vector<16xi32>
      %and3A_2518 = arith.constant 63 : i32
      %and3A_2519 = vector.broadcast %and3A_2518 : i32 to vector<16xi32>
      %and3A_2520 = arith.andi %add3A_2517, %and3A_2519 : vector<16xi32>
      %gather3A_2521 = tpu.vector_load_idx %arg12[%iota3A, %and3A_2053, %and3A_2520] : memref<16x8x64xf32, #tpu.memory_space<vmem>>[vector<16xi32>, vector<16xi32>, vector<16xi32>], vector<16xf32>,
      %gather3A_2522 = tpu.vector_load_idx %arg14[%iota3A, %and3A_2060, %and3A_2520] : memref<16x8x64xf32, #tpu.memory_space<vmem>>[vector<16xi32>, vector<16xi32>, vector<16xi32>], vector<16xf32>,
      %mul3A_2523 = arith.mulf %gather3A_2521, %gather3A_2522 : vector<16xf32>
      %add3A_2524 = arith.addf %add3A_2510, %mul3A_2523 : vector<16xf32>
      %mul3A_2525 = arith.mulf %gather3A_2521, %gather3A_2521 : vector<16xf32>
      %add3A_2526 = arith.addf %add3A_2512, %mul3A_2525 : vector<16xf32>
      %mul3A_2527 = arith.mulf %gather3A_2522, %gather3A_2522 : vector<16xf32>
      %add3A_2528 = arith.addf %add3A_2514, %mul3A_2527 : vector<16xf32>
      %add3A_2529 = arith.constant 33 : i32
      %add3A_2530 = vector.broadcast %add3A_2529 : i32 to vector<16xi32>
      %add3A_2531 = arith.addi %iota3A, %add3A_2530 : vector<16xi32>
      %and3A_2532 = arith.constant 63 : i32
      %and3A_2533 = vector.broadcast %and3A_2532 : i32 to vector<16xi32>
      %and3A_2534 = arith.andi %add3A_2531, %and3A_2533 : vector<16xi32>
      %gather3A_2535 = tpu.vector_load_idx %arg12[%iota3A, %and3A_2053, %and3A_2534] : memref<16x8x64xf32, #tpu.memory_space<vmem>>[vector<16xi32>, vector<16xi32>, vector<16xi32>], vector<16xf32>,
      %gather3A_2536 = tpu.vector_load_idx %arg14[%iota3A, %and3A_2060, %and3A_2534] : memref<16x8x64xf32, #tpu.memory_space<vmem>>[vector<16xi32>, vector<16xi32>, vector<16xi32>], vector<16xf32>,
      %mul3A_2537 = arith.mulf %gather3A_2535, %gather3A_2536 : vector<16xf32>
      %add3A_2538 = arith.addf %add3A_2524, %mul3A_2537 : vector<16xf32>
      %mul3A_2539 = arith.mulf %gather3A_2535, %gather3A_2535 : vector<16xf32>
      %add3A_2540 = arith.addf %add3A_2526, %mul3A_2539 : vector<16xf32>
      %mul3A_2541 = arith.mulf %gather3A_2536, %gather3A_2536 : vector<16xf32>
      %add3A_2542 = arith.addf %add3A_2528, %mul3A_2541 : vector<16xf32>
      %add3A_2543 = arith.constant 34 : i32
      %add3A_2544 = vector.broadcast %add3A_2543 : i32 to vector<16xi32>
      %add3A_2545 = arith.addi %iota3A, %add3A_2544 : vector<16xi32>
      %and3A_2546 = arith.constant 63 : i32
      %and3A_2547 = vector.broadcast %and3A_2546 : i32 to vector<16xi32>
      %and3A_2548 = arith.andi %add3A_2545, %and3A_2547 : vector<16xi32>
      %gather3A_2549 = tpu.vector_load_idx %arg12[%iota3A, %and3A_2053, %and3A_2548] : memref<16x8x64xf32, #tpu.memory_space<vmem>>[vector<16xi32>, vector<16xi32>, vector<16xi32>], vector<16xf32>,
      %gather3A_2550 = tpu.vector_load_idx %arg14[%iota3A, %and3A_2060, %and3A_2548] : memref<16x8x64xf32, #tpu.memory_space<vmem>>[vector<16xi32>, vector<16xi32>, vector<16xi32>], vector<16xf32>,
      %mul3A_2551 = arith.mulf %gather3A_2549, %gather3A_2550 : vector<16xf32>
      %add3A_2552 = arith.addf %add3A_2538, %mul3A_2551 : vector<16xf32>
      %mul3A_2553 = arith.mulf %gather3A_2549, %gather3A_2549 : vector<16xf32>
      %add3A_2554 = arith.addf %add3A_2540, %mul3A_2553 : vector<16xf32>
      %mul3A_2555 = arith.mulf %gather3A_2550, %gather3A_2550 : vector<16xf32>
      %add3A_2556 = arith.addf %add3A_2542, %mul3A_2555 : vector<16xf32>
      %add3A_2557 = arith.constant 35 : i32
      %add3A_2558 = vector.broadcast %add3A_2557 : i32 to vector<16xi32>
      %add3A_2559 = arith.addi %iota3A, %add3A_2558 : vector<16xi32>
      %and3A_2560 = arith.constant 63 : i32
      %and3A_2561 = vector.broadcast %and3A_2560 : i32 to vector<16xi32>
      %and3A_2562 = arith.andi %add3A_2559, %and3A_2561 : vector<16xi32>
      %gather3A_2563 = tpu.vector_load_idx %arg12[%iota3A, %and3A_2053, %and3A_2562] : memref<16x8x64xf32, #tpu.memory_space<vmem>>[vector<16xi32>, vector<16xi32>, vector<16xi32>], vector<16xf32>,
      %gather3A_2564 = tpu.vector_load_idx %arg14[%iota3A, %and3A_2060, %and3A_2562] : memref<16x8x64xf32, #tpu.memory_space<vmem>>[vector<16xi32>, vector<16xi32>, vector<16xi32>], vector<16xf32>,
      %mul3A_2565 = arith.mulf %gather3A_2563, %gather3A_2564 : vector<16xf32>
      %add3A_2566 = arith.addf %add3A_2552, %mul3A_2565 : vector<16xf32>
      %mul3A_2567 = arith.mulf %gather3A_2563, %gather3A_2563 : vector<16xf32>
      %add3A_2568 = arith.addf %add3A_2554, %mul3A_2567 : vector<16xf32>
      %mul3A_2569 = arith.mulf %gather3A_2564, %gather3A_2564 : vector<16xf32>
      %add3A_2570 = arith.addf %add3A_2556, %mul3A_2569 : vector<16xf32>
      %add3A_2571 = arith.constant 36 : i32
      %add3A_2572 = vector.broadcast %add3A_2571 : i32 to vector<16xi32>
      %add3A_2573 = arith.addi %iota3A, %add3A_2572 : vector<16xi32>
      %and3A_2574 = arith.constant 63 : i32
      %and3A_2575 = vector.broadcast %and3A_2574 : i32 to vector<16xi32>
      %and3A_2576 = arith.andi %add3A_2573, %and3A_2575 : vector<16xi32>
      %gather3A_2577 = tpu.vector_load_idx %arg12[%iota3A, %and3A_2053, %and3A_2576] : memref<16x8x64xf32, #tpu.memory_space<vmem>>[vector<16xi32>, vector<16xi32>, vector<16xi32>], vector<16xf32>,
      %gather3A_2578 = tpu.vector_load_idx %arg14[%iota3A, %and3A_2060, %and3A_2576] : memref<16x8x64xf32, #tpu.memory_space<vmem>>[vector<16xi32>, vector<16xi32>, vector<16xi32>], vector<16xf32>,
      %mul3A_2579 = arith.mulf %gather3A_2577, %gather3A_2578 : vector<16xf32>
      %add3A_2580 = arith.addf %add3A_2566, %mul3A_2579 : vector<16xf32>
      %mul3A_2581 = arith.mulf %gather3A_2577, %gather3A_2577 : vector<16xf32>
      %add3A_2582 = arith.addf %add3A_2568, %mul3A_2581 : vector<16xf32>
      %mul3A_2583 = arith.mulf %gather3A_2578, %gather3A_2578 : vector<16xf32>
      %add3A_2584 = arith.addf %add3A_2570, %mul3A_2583 : vector<16xf32>
      %add3A_2585 = arith.constant 37 : i32
      %add3A_2586 = vector.broadcast %add3A_2585 : i32 to vector<16xi32>
      %add3A_2587 = arith.addi %iota3A, %add3A_2586 : vector<16xi32>
      %and3A_2588 = arith.constant 63 : i32
      %and3A_2589 = vector.broadcast %and3A_2588 : i32 to vector<16xi32>
      %and3A_2590 = arith.andi %add3A_2587, %and3A_2589 : vector<16xi32>
      %gather3A_2591 = tpu.vector_load_idx %arg12[%iota3A, %and3A_2053, %and3A_2590] : memref<16x8x64xf32, #tpu.memory_space<vmem>>[vector<16xi32>, vector<16xi32>, vector<16xi32>], vector<16xf32>,
      %gather3A_2592 = tpu.vector_load_idx %arg14[%iota3A, %and3A_2060, %and3A_2590] : memref<16x8x64xf32, #tpu.memory_space<vmem>>[vector<16xi32>, vector<16xi32>, vector<16xi32>], vector<16xf32>,
      %mul3A_2593 = arith.mulf %gather3A_2591, %gather3A_2592 : vector<16xf32>
      %add3A_2594 = arith.addf %add3A_2580, %mul3A_2593 : vector<16xf32>
      %mul3A_2595 = arith.mulf %gather3A_2591, %gather3A_2591 : vector<16xf32>
      %add3A_2596 = arith.addf %add3A_2582, %mul3A_2595 : vector<16xf32>
      %mul3A_2597 = arith.mulf %gather3A_2592, %gather3A_2592 : vector<16xf32>
      %add3A_2598 = arith.addf %add3A_2584, %mul3A_2597 : vector<16xf32>
      %add3A_2599 = arith.constant 38 : i32
      %add3A_2600 = vector.broadcast %add3A_2599 : i32 to vector<16xi32>
      %add3A_2601 = arith.addi %iota3A, %add3A_2600 : vector<16xi32>
      %and3A_2602 = arith.constant 63 : i32
      %and3A_2603 = vector.broadcast %and3A_2602 : i32 to vector<16xi32>
      %and3A_2604 = arith.andi %add3A_2601, %and3A_2603 : vector<16xi32>
      %gather3A_2605 = tpu.vector_load_idx %arg12[%iota3A, %and3A_2053, %and3A_2604] : memref<16x8x64xf32, #tpu.memory_space<vmem>>[vector<16xi32>, vector<16xi32>, vector<16xi32>], vector<16xf32>,
      %gather3A_2606 = tpu.vector_load_idx %arg14[%iota3A, %and3A_2060, %and3A_2604] : memref<16x8x64xf32, #tpu.memory_space<vmem>>[vector<16xi32>, vector<16xi32>, vector<16xi32>], vector<16xf32>,
      %mul3A_2607 = arith.mulf %gather3A_2605, %gather3A_2606 : vector<16xf32>
      %add3A_2608 = arith.addf %add3A_2594, %mul3A_2607 : vector<16xf32>
      %mul3A_2609 = arith.mulf %gather3A_2605, %gather3A_2605 : vector<16xf32>
      %add3A_2610 = arith.addf %add3A_2596, %mul3A_2609 : vector<16xf32>
      %mul3A_2611 = arith.mulf %gather3A_2606, %gather3A_2606 : vector<16xf32>
      %add3A_2612 = arith.addf %add3A_2598, %mul3A_2611 : vector<16xf32>
      %add3A_2613 = arith.constant 39 : i32
      %add3A_2614 = vector.broadcast %add3A_2613 : i32 to vector<16xi32>
      %add3A_2615 = arith.addi %iota3A, %add3A_2614 : vector<16xi32>
      %and3A_2616 = arith.constant 63 : i32
      %and3A_2617 = vector.broadcast %and3A_2616 : i32 to vector<16xi32>
      %and3A_2618 = arith.andi %add3A_2615, %and3A_2617 : vector<16xi32>
      %gather3A_2619 = tpu.vector_load_idx %arg12[%iota3A, %and3A_2053, %and3A_2618] : memref<16x8x64xf32, #tpu.memory_space<vmem>>[vector<16xi32>, vector<16xi32>, vector<16xi32>], vector<16xf32>,
      %gather3A_2620 = tpu.vector_load_idx %arg14[%iota3A, %and3A_2060, %and3A_2618] : memref<16x8x64xf32, #tpu.memory_space<vmem>>[vector<16xi32>, vector<16xi32>, vector<16xi32>], vector<16xf32>,
      %mul3A_2621 = arith.mulf %gather3A_2619, %gather3A_2620 : vector<16xf32>
      %add3A_2622 = arith.addf %add3A_2608, %mul3A_2621 : vector<16xf32>
      %mul3A_2623 = arith.mulf %gather3A_2619, %gather3A_2619 : vector<16xf32>
      %add3A_2624 = arith.addf %add3A_2610, %mul3A_2623 : vector<16xf32>
      %mul3A_2625 = arith.mulf %gather3A_2620, %gather3A_2620 : vector<16xf32>
      %add3A_2626 = arith.addf %add3A_2612, %mul3A_2625 : vector<16xf32>
      %add3A_2627 = arith.constant 40 : i32
      %add3A_2628 = vector.broadcast %add3A_2627 : i32 to vector<16xi32>
      %add3A_2629 = arith.addi %iota3A, %add3A_2628 : vector<16xi32>
      %and3A_2630 = arith.constant 63 : i32
      %and3A_2631 = vector.broadcast %and3A_2630 : i32 to vector<16xi32>
      %and3A_2632 = arith.andi %add3A_2629, %and3A_2631 : vector<16xi32>
      %gather3A_2633 = tpu.vector_load_idx %arg12[%iota3A, %and3A_2053, %and3A_2632] : memref<16x8x64xf32, #tpu.memory_space<vmem>>[vector<16xi32>, vector<16xi32>, vector<16xi32>], vector<16xf32>,
      %gather3A_2634 = tpu.vector_load_idx %arg14[%iota3A, %and3A_2060, %and3A_2632] : memref<16x8x64xf32, #tpu.memory_space<vmem>>[vector<16xi32>, vector<16xi32>, vector<16xi32>], vector<16xf32>,
      %mul3A_2635 = arith.mulf %gather3A_2633, %gather3A_2634 : vector<16xf32>
      %add3A_2636 = arith.addf %add3A_2622, %mul3A_2635 : vector<16xf32>
      %mul3A_2637 = arith.mulf %gather3A_2633, %gather3A_2633 : vector<16xf32>
      %add3A_2638 = arith.addf %add3A_2624, %mul3A_2637 : vector<16xf32>
      %mul3A_2639 = arith.mulf %gather3A_2634, %gather3A_2634 : vector<16xf32>
      %add3A_2640 = arith.addf %add3A_2626, %mul3A_2639 : vector<16xf32>
      %add3A_2641 = arith.constant 41 : i32
      %add3A_2642 = vector.broadcast %add3A_2641 : i32 to vector<16xi32>
      %add3A_2643 = arith.addi %iota3A, %add3A_2642 : vector<16xi32>
      %and3A_2644 = arith.constant 63 : i32
      %and3A_2645 = vector.broadcast %and3A_2644 : i32 to vector<16xi32>
      %and3A_2646 = arith.andi %add3A_2643, %and3A_2645 : vector<16xi32>
      %gather3A_2647 = tpu.vector_load_idx %arg12[%iota3A, %and3A_2053, %and3A_2646] : memref<16x8x64xf32, #tpu.memory_space<vmem>>[vector<16xi32>, vector<16xi32>, vector<16xi32>], vector<16xf32>,
      %gather3A_2648 = tpu.vector_load_idx %arg14[%iota3A, %and3A_2060, %and3A_2646] : memref<16x8x64xf32, #tpu.memory_space<vmem>>[vector<16xi32>, vector<16xi32>, vector<16xi32>], vector<16xf32>,
      %mul3A_2649 = arith.mulf %gather3A_2647, %gather3A_2648 : vector<16xf32>
      %add3A_2650 = arith.addf %add3A_2636, %mul3A_2649 : vector<16xf32>
      %mul3A_2651 = arith.mulf %gather3A_2647, %gather3A_2647 : vector<16xf32>
      %add3A_2652 = arith.addf %add3A_2638, %mul3A_2651 : vector<16xf32>
      %mul3A_2653 = arith.mulf %gather3A_2648, %gather3A_2648 : vector<16xf32>
      %add3A_2654 = arith.addf %add3A_2640, %mul3A_2653 : vector<16xf32>
      %add3A_2655 = arith.constant 42 : i32
      %add3A_2656 = vector.broadcast %add3A_2655 : i32 to vector<16xi32>
      %add3A_2657 = arith.addi %iota3A, %add3A_2656 : vector<16xi32>
      %and3A_2658 = arith.constant 63 : i32
      %and3A_2659 = vector.broadcast %and3A_2658 : i32 to vector<16xi32>
      %and3A_2660 = arith.andi %add3A_2657, %and3A_2659 : vector<16xi32>
      %gather3A_2661 = tpu.vector_load_idx %arg12[%iota3A, %and3A_2053, %and3A_2660] : memref<16x8x64xf32, #tpu.memory_space<vmem>>[vector<16xi32>, vector<16xi32>, vector<16xi32>], vector<16xf32>,
      %gather3A_2662 = tpu.vector_load_idx %arg14[%iota3A, %and3A_2060, %and3A_2660] : memref<16x8x64xf32, #tpu.memory_space<vmem>>[vector<16xi32>, vector<16xi32>, vector<16xi32>], vector<16xf32>,
      %mul3A_2663 = arith.mulf %gather3A_2661, %gather3A_2662 : vector<16xf32>
      %add3A_2664 = arith.addf %add3A_2650, %mul3A_2663 : vector<16xf32>
      %mul3A_2665 = arith.mulf %gather3A_2661, %gather3A_2661 : vector<16xf32>
      %add3A_2666 = arith.addf %add3A_2652, %mul3A_2665 : vector<16xf32>
      %mul3A_2667 = arith.mulf %gather3A_2662, %gather3A_2662 : vector<16xf32>
      %add3A_2668 = arith.addf %add3A_2654, %mul3A_2667 : vector<16xf32>
      %add3A_2669 = arith.constant 43 : i32
      %add3A_2670 = vector.broadcast %add3A_2669 : i32 to vector<16xi32>
      %add3A_2671 = arith.addi %iota3A, %add3A_2670 : vector<16xi32>
      %and3A_2672 = arith.constant 63 : i32
      %and3A_2673 = vector.broadcast %and3A_2672 : i32 to vector<16xi32>
      %and3A_2674 = arith.andi %add3A_2671, %and3A_2673 : vector<16xi32>
      %gather3A_2675 = tpu.vector_load_idx %arg12[%iota3A, %and3A_2053, %and3A_2674] : memref<16x8x64xf32, #tpu.memory_space<vmem>>[vector<16xi32>, vector<16xi32>, vector<16xi32>], vector<16xf32>,
      %gather3A_2676 = tpu.vector_load_idx %arg14[%iota3A, %and3A_2060, %and3A_2674] : memref<16x8x64xf32, #tpu.memory_space<vmem>>[vector<16xi32>, vector<16xi32>, vector<16xi32>], vector<16xf32>,
      %mul3A_2677 = arith.mulf %gather3A_2675, %gather3A_2676 : vector<16xf32>
      %add3A_2678 = arith.addf %add3A_2664, %mul3A_2677 : vector<16xf32>
      %mul3A_2679 = arith.mulf %gather3A_2675, %gather3A_2675 : vector<16xf32>
      %add3A_2680 = arith.addf %add3A_2666, %mul3A_2679 : vector<16xf32>
      %mul3A_2681 = arith.mulf %gather3A_2676, %gather3A_2676 : vector<16xf32>
      %add3A_2682 = arith.addf %add3A_2668, %mul3A_2681 : vector<16xf32>
      %add3A_2683 = arith.constant 44 : i32
      %add3A_2684 = vector.broadcast %add3A_2683 : i32 to vector<16xi32>
      %add3A_2685 = arith.addi %iota3A, %add3A_2684 : vector<16xi32>
      %and3A_2686 = arith.constant 63 : i32
      %and3A_2687 = vector.broadcast %and3A_2686 : i32 to vector<16xi32>
      %and3A_2688 = arith.andi %add3A_2685, %and3A_2687 : vector<16xi32>
      %gather3A_2689 = tpu.vector_load_idx %arg12[%iota3A, %and3A_2053, %and3A_2688] : memref<16x8x64xf32, #tpu.memory_space<vmem>>[vector<16xi32>, vector<16xi32>, vector<16xi32>], vector<16xf32>,
      %gather3A_2690 = tpu.vector_load_idx %arg14[%iota3A, %and3A_2060, %and3A_2688] : memref<16x8x64xf32, #tpu.memory_space<vmem>>[vector<16xi32>, vector<16xi32>, vector<16xi32>], vector<16xf32>,
      %mul3A_2691 = arith.mulf %gather3A_2689, %gather3A_2690 : vector<16xf32>
      %add3A_2692 = arith.addf %add3A_2678, %mul3A_2691 : vector<16xf32>
      %mul3A_2693 = arith.mulf %gather3A_2689, %gather3A_2689 : vector<16xf32>
      %add3A_2694 = arith.addf %add3A_2680, %mul3A_2693 : vector<16xf32>
      %mul3A_2695 = arith.mulf %gather3A_2690, %gather3A_2690 : vector<16xf32>
      %add3A_2696 = arith.addf %add3A_2682, %mul3A_2695 : vector<16xf32>
      %add3A_2697 = arith.constant 45 : i32
      %add3A_2698 = vector.broadcast %add3A_2697 : i32 to vector<16xi32>
      %add3A_2699 = arith.addi %iota3A, %add3A_2698 : vector<16xi32>
      %and3A_2700 = arith.constant 63 : i32
      %and3A_2701 = vector.broadcast %and3A_2700 : i32 to vector<16xi32>
      %and3A_2702 = arith.andi %add3A_2699, %and3A_2701 : vector<16xi32>
      %gather3A_2703 = tpu.vector_load_idx %arg12[%iota3A, %and3A_2053, %and3A_2702] : memref<16x8x64xf32, #tpu.memory_space<vmem>>[vector<16xi32>, vector<16xi32>, vector<16xi32>], vector<16xf32>,
      %gather3A_2704 = tpu.vector_load_idx %arg14[%iota3A, %and3A_2060, %and3A_2702] : memref<16x8x64xf32, #tpu.memory_space<vmem>>[vector<16xi32>, vector<16xi32>, vector<16xi32>], vector<16xf32>,
      %mul3A_2705 = arith.mulf %gather3A_2703, %gather3A_2704 : vector<16xf32>
      %add3A_2706 = arith.addf %add3A_2692, %mul3A_2705 : vector<16xf32>
      %mul3A_2707 = arith.mulf %gather3A_2703, %gather3A_2703 : vector<16xf32>
      %add3A_2708 = arith.addf %add3A_2694, %mul3A_2707 : vector<16xf32>
      %mul3A_2709 = arith.mulf %gather3A_2704, %gather3A_2704 : vector<16xf32>
      %add3A_2710 = arith.addf %add3A_2696, %mul3A_2709 : vector<16xf32>
      %add3A_2711 = arith.constant 46 : i32
      %add3A_2712 = vector.broadcast %add3A_2711 : i32 to vector<16xi32>
      %add3A_2713 = arith.addi %iota3A, %add3A_2712 : vector<16xi32>
      %and3A_2714 = arith.constant 63 : i32
      %and3A_2715 = vector.broadcast %and3A_2714 : i32 to vector<16xi32>
      %and3A_2716 = arith.andi %add3A_2713, %and3A_2715 : vector<16xi32>
      %gather3A_2717 = tpu.vector_load_idx %arg12[%iota3A, %and3A_2053, %and3A_2716] : memref<16x8x64xf32, #tpu.memory_space<vmem>>[vector<16xi32>, vector<16xi32>, vector<16xi32>], vector<16xf32>,
      %gather3A_2718 = tpu.vector_load_idx %arg14[%iota3A, %and3A_2060, %and3A_2716] : memref<16x8x64xf32, #tpu.memory_space<vmem>>[vector<16xi32>, vector<16xi32>, vector<16xi32>], vector<16xf32>,
      %mul3A_2719 = arith.mulf %gather3A_2717, %gather3A_2718 : vector<16xf32>
      %add3A_2720 = arith.addf %add3A_2706, %mul3A_2719 : vector<16xf32>
      %mul3A_2721 = arith.mulf %gather3A_2717, %gather3A_2717 : vector<16xf32>
      %add3A_2722 = arith.addf %add3A_2708, %mul3A_2721 : vector<16xf32>
      %mul3A_2723 = arith.mulf %gather3A_2718, %gather3A_2718 : vector<16xf32>
      %add3A_2724 = arith.addf %add3A_2710, %mul3A_2723 : vector<16xf32>
      %add3A_2725 = arith.constant 47 : i32
      %add3A_2726 = vector.broadcast %add3A_2725 : i32 to vector<16xi32>
      %add3A_2727 = arith.addi %iota3A, %add3A_2726 : vector<16xi32>
      %and3A_2728 = arith.constant 63 : i32
      %and3A_2729 = vector.broadcast %and3A_2728 : i32 to vector<16xi32>
      %and3A_2730 = arith.andi %add3A_2727, %and3A_2729 : vector<16xi32>
      %gather3A_2731 = tpu.vector_load_idx %arg12[%iota3A, %and3A_2053, %and3A_2730] : memref<16x8x64xf32, #tpu.memory_space<vmem>>[vector<16xi32>, vector<16xi32>, vector<16xi32>], vector<16xf32>,
      %gather3A_2732 = tpu.vector_load_idx %arg14[%iota3A, %and3A_2060, %and3A_2730] : memref<16x8x64xf32, #tpu.memory_space<vmem>>[vector<16xi32>, vector<16xi32>, vector<16xi32>], vector<16xf32>,
      %mul3A_2733 = arith.mulf %gather3A_2731, %gather3A_2732 : vector<16xf32>
      %add3A_2734 = arith.addf %add3A_2720, %mul3A_2733 : vector<16xf32>
      %mul3A_2735 = arith.mulf %gather3A_2731, %gather3A_2731 : vector<16xf32>
      %add3A_2736 = arith.addf %add3A_2722, %mul3A_2735 : vector<16xf32>
      %mul3A_2737 = arith.mulf %gather3A_2732, %gather3A_2732 : vector<16xf32>
      %add3A_2738 = arith.addf %add3A_2724, %mul3A_2737 : vector<16xf32>
      %add3A_2739 = arith.constant 48 : i32
      %add3A_2740 = vector.broadcast %add3A_2739 : i32 to vector<16xi32>
      %add3A_2741 = arith.addi %iota3A, %add3A_2740 : vector<16xi32>
      %and3A_2742 = arith.constant 63 : i32
      %and3A_2743 = vector.broadcast %and3A_2742 : i32 to vector<16xi32>
      %and3A_2744 = arith.andi %add3A_2741, %and3A_2743 : vector<16xi32>
      %gather3A_2745 = tpu.vector_load_idx %arg12[%iota3A, %and3A_2053, %and3A_2744] : memref<16x8x64xf32, #tpu.memory_space<vmem>>[vector<16xi32>, vector<16xi32>, vector<16xi32>], vector<16xf32>,
      %gather3A_2746 = tpu.vector_load_idx %arg14[%iota3A, %and3A_2060, %and3A_2744] : memref<16x8x64xf32, #tpu.memory_space<vmem>>[vector<16xi32>, vector<16xi32>, vector<16xi32>], vector<16xf32>,
      %mul3A_2747 = arith.mulf %gather3A_2745, %gather3A_2746 : vector<16xf32>
      %add3A_2748 = arith.addf %add3A_2734, %mul3A_2747 : vector<16xf32>
      %mul3A_2749 = arith.mulf %gather3A_2745, %gather3A_2745 : vector<16xf32>
      %add3A_2750 = arith.addf %add3A_2736, %mul3A_2749 : vector<16xf32>
      %mul3A_2751 = arith.mulf %gather3A_2746, %gather3A_2746 : vector<16xf32>
      %add3A_2752 = arith.addf %add3A_2738, %mul3A_2751 : vector<16xf32>
      %add3A_2753 = arith.constant 49 : i32
      %add3A_2754 = vector.broadcast %add3A_2753 : i32 to vector<16xi32>
      %add3A_2755 = arith.addi %iota3A, %add3A_2754 : vector<16xi32>
      %and3A_2756 = arith.constant 63 : i32
      %and3A_2757 = vector.broadcast %and3A_2756 : i32 to vector<16xi32>
      %and3A_2758 = arith.andi %add3A_2755, %and3A_2757 : vector<16xi32>
      %gather3A_2759 = tpu.vector_load_idx %arg12[%iota3A, %and3A_2053, %and3A_2758] : memref<16x8x64xf32, #tpu.memory_space<vmem>>[vector<16xi32>, vector<16xi32>, vector<16xi32>], vector<16xf32>,
      %gather3A_2760 = tpu.vector_load_idx %arg14[%iota3A, %and3A_2060, %and3A_2758] : memref<16x8x64xf32, #tpu.memory_space<vmem>>[vector<16xi32>, vector<16xi32>, vector<16xi32>], vector<16xf32>,
      %mul3A_2761 = arith.mulf %gather3A_2759, %gather3A_2760 : vector<16xf32>
      %add3A_2762 = arith.addf %add3A_2748, %mul3A_2761 : vector<16xf32>
      %mul3A_2763 = arith.mulf %gather3A_2759, %gather3A_2759 : vector<16xf32>
      %add3A_2764 = arith.addf %add3A_2750, %mul3A_2763 : vector<16xf32>
      %mul3A_2765 = arith.mulf %gather3A_2760, %gather3A_2760 : vector<16xf32>
      %add3A_2766 = arith.addf %add3A_2752, %mul3A_2765 : vector<16xf32>
      %add3A_2767 = arith.constant 50 : i32
      %add3A_2768 = vector.broadcast %add3A_2767 : i32 to vector<16xi32>
      %add3A_2769 = arith.addi %iota3A, %add3A_2768 : vector<16xi32>
      %and3A_2770 = arith.constant 63 : i32
      %and3A_2771 = vector.broadcast %and3A_2770 : i32 to vector<16xi32>
      %and3A_2772 = arith.andi %add3A_2769, %and3A_2771 : vector<16xi32>
      %gather3A_2773 = tpu.vector_load_idx %arg12[%iota3A, %and3A_2053, %and3A_2772] : memref<16x8x64xf32, #tpu.memory_space<vmem>>[vector<16xi32>, vector<16xi32>, vector<16xi32>], vector<16xf32>,
      %gather3A_2774 = tpu.vector_load_idx %arg14[%iota3A, %and3A_2060, %and3A_2772] : memref<16x8x64xf32, #tpu.memory_space<vmem>>[vector<16xi32>, vector<16xi32>, vector<16xi32>], vector<16xf32>,
      %mul3A_2775 = arith.mulf %gather3A_2773, %gather3A_2774 : vector<16xf32>
      %add3A_2776 = arith.addf %add3A_2762, %mul3A_2775 : vector<16xf32>
      %mul3A_2777 = arith.mulf %gather3A_2773, %gather3A_2773 : vector<16xf32>
      %add3A_2778 = arith.addf %add3A_2764, %mul3A_2777 : vector<16xf32>
      %mul3A_2779 = arith.mulf %gather3A_2774, %gather3A_2774 : vector<16xf32>
      %add3A_2780 = arith.addf %add3A_2766, %mul3A_2779 : vector<16xf32>
      %add3A_2781 = arith.constant 51 : i32
      %add3A_2782 = vector.broadcast %add3A_2781 : i32 to vector<16xi32>
      %add3A_2783 = arith.addi %iota3A, %add3A_2782 : vector<16xi32>
      %and3A_2784 = arith.constant 63 : i32
      %and3A_2785 = vector.broadcast %and3A_2784 : i32 to vector<16xi32>
      %and3A_2786 = arith.andi %add3A_2783, %and3A_2785 : vector<16xi32>
      %gather3A_2787 = tpu.vector_load_idx %arg12[%iota3A, %and3A_2053, %and3A_2786] : memref<16x8x64xf32, #tpu.memory_space<vmem>>[vector<16xi32>, vector<16xi32>, vector<16xi32>], vector<16xf32>,
      %gather3A_2788 = tpu.vector_load_idx %arg14[%iota3A, %and3A_2060, %and3A_2786] : memref<16x8x64xf32, #tpu.memory_space<vmem>>[vector<16xi32>, vector<16xi32>, vector<16xi32>], vector<16xf32>,
      %mul3A_2789 = arith.mulf %gather3A_2787, %gather3A_2788 : vector<16xf32>
      %add3A_2790 = arith.addf %add3A_2776, %mul3A_2789 : vector<16xf32>
      %mul3A_2791 = arith.mulf %gather3A_2787, %gather3A_2787 : vector<16xf32>
      %add3A_2792 = arith.addf %add3A_2778, %mul3A_2791 : vector<16xf32>
      %mul3A_2793 = arith.mulf %gather3A_2788, %gather3A_2788 : vector<16xf32>
      %add3A_2794 = arith.addf %add3A_2780, %mul3A_2793 : vector<16xf32>
      %add3A_2795 = arith.constant 52 : i32
      %add3A_2796 = vector.broadcast %add3A_2795 : i32 to vector<16xi32>
      %add3A_2797 = arith.addi %iota3A, %add3A_2796 : vector<16xi32>
      %and3A_2798 = arith.constant 63 : i32
      %and3A_2799 = vector.broadcast %and3A_2798 : i32 to vector<16xi32>
      %and3A_2800 = arith.andi %add3A_2797, %and3A_2799 : vector<16xi32>
      %gather3A_2801 = tpu.vector_load_idx %arg12[%iota3A, %and3A_2053, %and3A_2800] : memref<16x8x64xf32, #tpu.memory_space<vmem>>[vector<16xi32>, vector<16xi32>, vector<16xi32>], vector<16xf32>,
      %gather3A_2802 = tpu.vector_load_idx %arg14[%iota3A, %and3A_2060, %and3A_2800] : memref<16x8x64xf32, #tpu.memory_space<vmem>>[vector<16xi32>, vector<16xi32>, vector<16xi32>], vector<16xf32>,
      %mul3A_2803 = arith.mulf %gather3A_2801, %gather3A_2802 : vector<16xf32>
      %add3A_2804 = arith.addf %add3A_2790, %mul3A_2803 : vector<16xf32>
      %mul3A_2805 = arith.mulf %gather3A_2801, %gather3A_2801 : vector<16xf32>
      %add3A_2806 = arith.addf %add3A_2792, %mul3A_2805 : vector<16xf32>
      %mul3A_2807 = arith.mulf %gather3A_2802, %gather3A_2802 : vector<16xf32>
      %add3A_2808 = arith.addf %add3A_2794, %mul3A_2807 : vector<16xf32>
      %add3A_2809 = arith.constant 53 : i32
      %add3A_2810 = vector.broadcast %add3A_2809 : i32 to vector<16xi32>
      %add3A_2811 = arith.addi %iota3A, %add3A_2810 : vector<16xi32>
      %and3A_2812 = arith.constant 63 : i32
      %and3A_2813 = vector.broadcast %and3A_2812 : i32 to vector<16xi32>
      %and3A_2814 = arith.andi %add3A_2811, %and3A_2813 : vector<16xi32>
      %gather3A_2815 = tpu.vector_load_idx %arg12[%iota3A, %and3A_2053, %and3A_2814] : memref<16x8x64xf32, #tpu.memory_space<vmem>>[vector<16xi32>, vector<16xi32>, vector<16xi32>], vector<16xf32>,
      %gather3A_2816 = tpu.vector_load_idx %arg14[%iota3A, %and3A_2060, %and3A_2814] : memref<16x8x64xf32, #tpu.memory_space<vmem>>[vector<16xi32>, vector<16xi32>, vector<16xi32>], vector<16xf32>,
      %mul3A_2817 = arith.mulf %gather3A_2815, %gather3A_2816 : vector<16xf32>
      %add3A_2818 = arith.addf %add3A_2804, %mul3A_2817 : vector<16xf32>
      %mul3A_2819 = arith.mulf %gather3A_2815, %gather3A_2815 : vector<16xf32>
      %add3A_2820 = arith.addf %add3A_2806, %mul3A_2819 : vector<16xf32>
      %mul3A_2821 = arith.mulf %gather3A_2816, %gather3A_2816 : vector<16xf32>
      %add3A_2822 = arith.addf %add3A_2808, %mul3A_2821 : vector<16xf32>
      %add3A_2823 = arith.constant 54 : i32
      %add3A_2824 = vector.broadcast %add3A_2823 : i32 to vector<16xi32>
      %add3A_2825 = arith.addi %iota3A, %add3A_2824 : vector<16xi32>
      %and3A_2826 = arith.constant 63 : i32
      %and3A_2827 = vector.broadcast %and3A_2826 : i32 to vector<16xi32>
      %and3A_2828 = arith.andi %add3A_2825, %and3A_2827 : vector<16xi32>
      %gather3A_2829 = tpu.vector_load_idx %arg12[%iota3A, %and3A_2053, %and3A_2828] : memref<16x8x64xf32, #tpu.memory_space<vmem>>[vector<16xi32>, vector<16xi32>, vector<16xi32>], vector<16xf32>,
      %gather3A_2830 = tpu.vector_load_idx %arg14[%iota3A, %and3A_2060, %and3A_2828] : memref<16x8x64xf32, #tpu.memory_space<vmem>>[vector<16xi32>, vector<16xi32>, vector<16xi32>], vector<16xf32>,
      %mul3A_2831 = arith.mulf %gather3A_2829, %gather3A_2830 : vector<16xf32>
      %add3A_2832 = arith.addf %add3A_2818, %mul3A_2831 : vector<16xf32>
      %mul3A_2833 = arith.mulf %gather3A_2829, %gather3A_2829 : vector<16xf32>
      %add3A_2834 = arith.addf %add3A_2820, %mul3A_2833 : vector<16xf32>
      %mul3A_2835 = arith.mulf %gather3A_2830, %gather3A_2830 : vector<16xf32>
      %add3A_2836 = arith.addf %add3A_2822, %mul3A_2835 : vector<16xf32>
      %add3A_2837 = arith.constant 55 : i32
      %add3A_2838 = vector.broadcast %add3A_2837 : i32 to vector<16xi32>
      %add3A_2839 = arith.addi %iota3A, %add3A_2838 : vector<16xi32>
      %and3A_2840 = arith.constant 63 : i32
      %and3A_2841 = vector.broadcast %and3A_2840 : i32 to vector<16xi32>
      %and3A_2842 = arith.andi %add3A_2839, %and3A_2841 : vector<16xi32>
      %gather3A_2843 = tpu.vector_load_idx %arg12[%iota3A, %and3A_2053, %and3A_2842] : memref<16x8x64xf32, #tpu.memory_space<vmem>>[vector<16xi32>, vector<16xi32>, vector<16xi32>], vector<16xf32>,
      %gather3A_2844 = tpu.vector_load_idx %arg14[%iota3A, %and3A_2060, %and3A_2842] : memref<16x8x64xf32, #tpu.memory_space<vmem>>[vector<16xi32>, vector<16xi32>, vector<16xi32>], vector<16xf32>,
      %mul3A_2845 = arith.mulf %gather3A_2843, %gather3A_2844 : vector<16xf32>
      %add3A_2846 = arith.addf %add3A_2832, %mul3A_2845 : vector<16xf32>
      %mul3A_2847 = arith.mulf %gather3A_2843, %gather3A_2843 : vector<16xf32>
      %add3A_2848 = arith.addf %add3A_2834, %mul3A_2847 : vector<16xf32>
      %mul3A_2849 = arith.mulf %gather3A_2844, %gather3A_2844 : vector<16xf32>
      %add3A_2850 = arith.addf %add3A_2836, %mul3A_2849 : vector<16xf32>
      %add3A_2851 = arith.constant 56 : i32
      %add3A_2852 = vector.broadcast %add3A_2851 : i32 to vector<16xi32>
      %add3A_2853 = arith.addi %iota3A, %add3A_2852 : vector<16xi32>
      %and3A_2854 = arith.constant 63 : i32
      %and3A_2855 = vector.broadcast %and3A_2854 : i32 to vector<16xi32>
      %and3A_2856 = arith.andi %add3A_2853, %and3A_2855 : vector<16xi32>
      %gather3A_2857 = tpu.vector_load_idx %arg12[%iota3A, %and3A_2053, %and3A_2856] : memref<16x8x64xf32, #tpu.memory_space<vmem>>[vector<16xi32>, vector<16xi32>, vector<16xi32>], vector<16xf32>,
      %gather3A_2858 = tpu.vector_load_idx %arg14[%iota3A, %and3A_2060, %and3A_2856] : memref<16x8x64xf32, #tpu.memory_space<vmem>>[vector<16xi32>, vector<16xi32>, vector<16xi32>], vector<16xf32>,
      %mul3A_2859 = arith.mulf %gather3A_2857, %gather3A_2858 : vector<16xf32>
      %add3A_2860 = arith.addf %add3A_2846, %mul3A_2859 : vector<16xf32>
      %mul3A_2861 = arith.mulf %gather3A_2857, %gather3A_2857 : vector<16xf32>
      %add3A_2862 = arith.addf %add3A_2848, %mul3A_2861 : vector<16xf32>
      %mul3A_2863 = arith.mulf %gather3A_2858, %gather3A_2858 : vector<16xf32>
      %add3A_2864 = arith.addf %add3A_2850, %mul3A_2863 : vector<16xf32>
      %add3A_2865 = arith.constant 57 : i32
      %add3A_2866 = vector.broadcast %add3A_2865 : i32 to vector<16xi32>
      %add3A_2867 = arith.addi %iota3A, %add3A_2866 : vector<16xi32>
      %and3A_2868 = arith.constant 63 : i32
      %and3A_2869 = vector.broadcast %and3A_2868 : i32 to vector<16xi32>
      %and3A_2870 = arith.andi %add3A_2867, %and3A_2869 : vector<16xi32>
      %gather3A_2871 = tpu.vector_load_idx %arg12[%iota3A, %and3A_2053, %and3A_2870] : memref<16x8x64xf32, #tpu.memory_space<vmem>>[vector<16xi32>, vector<16xi32>, vector<16xi32>], vector<16xf32>,
      %gather3A_2872 = tpu.vector_load_idx %arg14[%iota3A, %and3A_2060, %and3A_2870] : memref<16x8x64xf32, #tpu.memory_space<vmem>>[vector<16xi32>, vector<16xi32>, vector<16xi32>], vector<16xf32>,
      %mul3A_2873 = arith.mulf %gather3A_2871, %gather3A_2872 : vector<16xf32>
      %add3A_2874 = arith.addf %add3A_2860, %mul3A_2873 : vector<16xf32>
      %mul3A_2875 = arith.mulf %gather3A_2871, %gather3A_2871 : vector<16xf32>
      %add3A_2876 = arith.addf %add3A_2862, %mul3A_2875 : vector<16xf32>
      %mul3A_2877 = arith.mulf %gather3A_2872, %gather3A_2872 : vector<16xf32>
      %add3A_2878 = arith.addf %add3A_2864, %mul3A_2877 : vector<16xf32>
      %add3A_2879 = arith.constant 58 : i32
      %add3A_2880 = vector.broadcast %add3A_2879 : i32 to vector<16xi32>
      %add3A_2881 = arith.addi %iota3A, %add3A_2880 : vector<16xi32>
      %and3A_2882 = arith.constant 63 : i32
      %and3A_2883 = vector.broadcast %and3A_2882 : i32 to vector<16xi32>
      %and3A_2884 = arith.andi %add3A_2881, %and3A_2883 : vector<16xi32>
      %gather3A_2885 = tpu.vector_load_idx %arg12[%iota3A, %and3A_2053, %and3A_2884] : memref<16x8x64xf32, #tpu.memory_space<vmem>>[vector<16xi32>, vector<16xi32>, vector<16xi32>], vector<16xf32>,
      %gather3A_2886 = tpu.vector_load_idx %arg14[%iota3A, %and3A_2060, %and3A_2884] : memref<16x8x64xf32, #tpu.memory_space<vmem>>[vector<16xi32>, vector<16xi32>, vector<16xi32>], vector<16xf32>,
      %mul3A_2887 = arith.mulf %gather3A_2885, %gather3A_2886 : vector<16xf32>
      %add3A_2888 = arith.addf %add3A_2874, %mul3A_2887 : vector<16xf32>
      %mul3A_2889 = arith.mulf %gather3A_2885, %gather3A_2885 : vector<16xf32>
      %add3A_2890 = arith.addf %add3A_2876, %mul3A_2889 : vector<16xf32>
      %mul3A_2891 = arith.mulf %gather3A_2886, %gather3A_2886 : vector<16xf32>
      %add3A_2892 = arith.addf %add3A_2878, %mul3A_2891 : vector<16xf32>
      %add3A_2893 = arith.constant 59 : i32
      %add3A_2894 = vector.broadcast %add3A_2893 : i32 to vector<16xi32>
      %add3A_2895 = arith.addi %iota3A, %add3A_2894 : vector<16xi32>
      %and3A_2896 = arith.constant 63 : i32
      %and3A_2897 = vector.broadcast %and3A_2896 : i32 to vector<16xi32>
      %and3A_2898 = arith.andi %add3A_2895, %and3A_2897 : vector<16xi32>
      %gather3A_2899 = tpu.vector_load_idx %arg12[%iota3A, %and3A_2053, %and3A_2898] : memref<16x8x64xf32, #tpu.memory_space<vmem>>[vector<16xi32>, vector<16xi32>, vector<16xi32>], vector<16xf32>,
      %gather3A_2900 = tpu.vector_load_idx %arg14[%iota3A, %and3A_2060, %and3A_2898] : memref<16x8x64xf32, #tpu.memory_space<vmem>>[vector<16xi32>, vector<16xi32>, vector<16xi32>], vector<16xf32>,
      %mul3A_2901 = arith.mulf %gather3A_2899, %gather3A_2900 : vector<16xf32>
      %add3A_2902 = arith.addf %add3A_2888, %mul3A_2901 : vector<16xf32>
      %mul3A_2903 = arith.mulf %gather3A_2899, %gather3A_2899 : vector<16xf32>
      %add3A_2904 = arith.addf %add3A_2890, %mul3A_2903 : vector<16xf32>
      %mul3A_2905 = arith.mulf %gather3A_2900, %gather3A_2900 : vector<16xf32>
      %add3A_2906 = arith.addf %add3A_2892, %mul3A_2905 : vector<16xf32>
      %add3A_2907 = arith.constant 60 : i32
      %add3A_2908 = vector.broadcast %add3A_2907 : i32 to vector<16xi32>
      %add3A_2909 = arith.addi %iota3A, %add3A_2908 : vector<16xi32>
      %and3A_2910 = arith.constant 63 : i32
      %and3A_2911 = vector.broadcast %and3A_2910 : i32 to vector<16xi32>
      %and3A_2912 = arith.andi %add3A_2909, %and3A_2911 : vector<16xi32>
      %gather3A_2913 = tpu.vector_load_idx %arg12[%iota3A, %and3A_2053, %and3A_2912] : memref<16x8x64xf32, #tpu.memory_space<vmem>>[vector<16xi32>, vector<16xi32>, vector<16xi32>], vector<16xf32>,
      %gather3A_2914 = tpu.vector_load_idx %arg14[%iota3A, %and3A_2060, %and3A_2912] : memref<16x8x64xf32, #tpu.memory_space<vmem>>[vector<16xi32>, vector<16xi32>, vector<16xi32>], vector<16xf32>,
      %mul3A_2915 = arith.mulf %gather3A_2913, %gather3A_2914 : vector<16xf32>
      %add3A_2916 = arith.addf %add3A_2902, %mul3A_2915 : vector<16xf32>
      %mul3A_2917 = arith.mulf %gather3A_2913, %gather3A_2913 : vector<16xf32>
      %add3A_2918 = arith.addf %add3A_2904, %mul3A_2917 : vector<16xf32>
      %mul3A_2919 = arith.mulf %gather3A_2914, %gather3A_2914 : vector<16xf32>
      %add3A_2920 = arith.addf %add3A_2906, %mul3A_2919 : vector<16xf32>
      %add3A_2921 = arith.constant 61 : i32
      %add3A_2922 = vector.broadcast %add3A_2921 : i32 to vector<16xi32>
      %add3A_2923 = arith.addi %iota3A, %add3A_2922 : vector<16xi32>
      %and3A_2924 = arith.constant 63 : i32
      %and3A_2925 = vector.broadcast %and3A_2924 : i32 to vector<16xi32>
      %and3A_2926 = arith.andi %add3A_2923, %and3A_2925 : vector<16xi32>
      %gather3A_2927 = tpu.vector_load_idx %arg12[%iota3A, %and3A_2053, %and3A_2926] : memref<16x8x64xf32, #tpu.memory_space<vmem>>[vector<16xi32>, vector<16xi32>, vector<16xi32>], vector<16xf32>,
      %gather3A_2928 = tpu.vector_load_idx %arg14[%iota3A, %and3A_2060, %and3A_2926] : memref<16x8x64xf32, #tpu.memory_space<vmem>>[vector<16xi32>, vector<16xi32>, vector<16xi32>], vector<16xf32>,
      %mul3A_2929 = arith.mulf %gather3A_2927, %gather3A_2928 : vector<16xf32>
      %add3A_2930 = arith.addf %add3A_2916, %mul3A_2929 : vector<16xf32>
      %mul3A_2931 = arith.mulf %gather3A_2927, %gather3A_2927 : vector<16xf32>
      %add3A_2932 = arith.addf %add3A_2918, %mul3A_2931 : vector<16xf32>
      %mul3A_2933 = arith.mulf %gather3A_2928, %gather3A_2928 : vector<16xf32>
      %add3A_2934 = arith.addf %add3A_2920, %mul3A_2933 : vector<16xf32>
      %add3A_2935 = arith.constant 62 : i32
      %add3A_2936 = vector.broadcast %add3A_2935 : i32 to vector<16xi32>
      %add3A_2937 = arith.addi %iota3A, %add3A_2936 : vector<16xi32>
      %and3A_2938 = arith.constant 63 : i32
      %and3A_2939 = vector.broadcast %and3A_2938 : i32 to vector<16xi32>
      %and3A_2940 = arith.andi %add3A_2937, %and3A_2939 : vector<16xi32>
      %gather3A_2941 = tpu.vector_load_idx %arg12[%iota3A, %and3A_2053, %and3A_2940] : memref<16x8x64xf32, #tpu.memory_space<vmem>>[vector<16xi32>, vector<16xi32>, vector<16xi32>], vector<16xf32>,
      %gather3A_2942 = tpu.vector_load_idx %arg14[%iota3A, %and3A_2060, %and3A_2940] : memref<16x8x64xf32, #tpu.memory_space<vmem>>[vector<16xi32>, vector<16xi32>, vector<16xi32>], vector<16xf32>,
      %mul3A_2943 = arith.mulf %gather3A_2941, %gather3A_2942 : vector<16xf32>
      %add3A_2944 = arith.addf %add3A_2930, %mul3A_2943 : vector<16xf32>
      %mul3A_2945 = arith.mulf %gather3A_2941, %gather3A_2941 : vector<16xf32>
      %add3A_2946 = arith.addf %add3A_2932, %mul3A_2945 : vector<16xf32>
      %mul3A_2947 = arith.mulf %gather3A_2942, %gather3A_2942 : vector<16xf32>
      %add3A_2948 = arith.addf %add3A_2934, %mul3A_2947 : vector<16xf32>
      %add3A_2949 = arith.constant 63 : i32
      %add3A_2950 = vector.broadcast %add3A_2949 : i32 to vector<16xi32>
      %add3A_2951 = arith.addi %iota3A, %add3A_2950 : vector<16xi32>
      %and3A_2952 = arith.constant 63 : i32
      %and3A_2953 = vector.broadcast %and3A_2952 : i32 to vector<16xi32>
      %and3A_2954 = arith.andi %add3A_2951, %and3A_2953 : vector<16xi32>
      %gather3A_2955 = tpu.vector_load_idx %arg12[%iota3A, %and3A_2053, %and3A_2954] : memref<16x8x64xf32, #tpu.memory_space<vmem>>[vector<16xi32>, vector<16xi32>, vector<16xi32>], vector<16xf32>,
      %gather3A_2956 = tpu.vector_load_idx %arg14[%iota3A, %and3A_2060, %and3A_2954] : memref<16x8x64xf32, #tpu.memory_space<vmem>>[vector<16xi32>, vector<16xi32>, vector<16xi32>], vector<16xf32>,
      %mul3A_2957 = arith.mulf %gather3A_2955, %gather3A_2956 : vector<16xf32>
      %add3A_2958 = arith.addf %add3A_2944, %mul3A_2957 : vector<16xf32>
      %mul3A_2959 = arith.mulf %gather3A_2955, %gather3A_2955 : vector<16xf32>
      %add3A_2960 = arith.addf %add3A_2946, %mul3A_2959 : vector<16xf32>
      %mul3A_2961 = arith.mulf %gather3A_2956, %gather3A_2956 : vector<16xf32>
      %add3A_2962 = arith.addf %add3A_2948, %mul3A_2961 : vector<16xf32>
      %max3A_2963 = arith.constant 1.000000e-16 : f32
      %max3A_2964 = vector.broadcast %max3A_2963 : f32 to vector<16xf32>
      %max3A_2965 = arith.maximumf %add3A_2960, %max3A_2964 : vector<16xf32>
      %max3A_2966 = arith.constant 1.000000e-16 : f32
      %max3A_2967 = vector.broadcast %max3A_2966 : f32 to vector<16xf32>
      %max3A_2968 = arith.maximumf %add3A_2962, %max3A_2967 : vector<16xf32>
      %mul3A_2969 = arith.mulf %max3A_2965, %max3A_2968 : vector<16xf32>
      %bitcast3A_2970 = vector.bitcast %mul3A_2969 : vector<16xf32> to vector<16xi32>
      %shift_right_arithmetic3A_2971 = arith.constant 1 : i32
      %shift_right_arithmetic3A_2972 = vector.broadcast %shift_right_arithmetic3A_2971 : i32 to vector<16xi32>
      %shift_right_arithmetic3A_2973 = arith.shrsi %bitcast3A_2970, %shift_right_arithmetic3A_2972 : vector<16xi32>
      %sub3A_2974 = arith.constant 1597463007 : i32
      %sub3A_2975 = vector.broadcast %sub3A_2974 : i32 to vector<16xi32>
      %sub3A_2976 = arith.subi %sub3A_2975, %shift_right_arithmetic3A_2973 : vector<16xi32>
      %bitcast3A_2977 = vector.bitcast %sub3A_2976 : vector<16xi32> to vector<16xf32>
      %mul3A_2978 = arith.constant 5.000000e-01 : f32
      %mul3A_2979 = vector.broadcast %mul3A_2978 : f32 to vector<16xf32>
      %mul3A_2980 = arith.mulf %mul3A_2979, %mul3A_2969 : vector<16xf32>
      %mul3A_2981 = arith.mulf %mul3A_2980, %bitcast3A_2977 : vector<16xf32>
      %mul3A_2982 = arith.mulf %mul3A_2981, %bitcast3A_2977 : vector<16xf32>
      %sub3A_2983 = arith.constant 1.500000e+00 : f32
      %sub3A_2984 = vector.broadcast %sub3A_2983 : f32 to vector<16xf32>
      %sub3A_2985 = arith.subf %sub3A_2984, %mul3A_2982 : vector<16xf32>
      %mul3A_2986 = arith.mulf %bitcast3A_2977, %sub3A_2985 : vector<16xf32>
      %mul3A_2987 = arith.constant 5.000000e-01 : f32
      %mul3A_2988 = vector.broadcast %mul3A_2987 : f32 to vector<16xf32>
      %mul3A_2989 = arith.mulf %mul3A_2988, %mul3A_2969 : vector<16xf32>
      %mul3A_2990 = arith.mulf %mul3A_2989, %mul3A_2986 : vector<16xf32>
      %mul3A_2991 = arith.mulf %mul3A_2990, %mul3A_2986 : vector<16xf32>
      %sub3A_2992 = arith.constant 1.500000e+00 : f32
      %sub3A_2993 = vector.broadcast %sub3A_2992 : f32 to vector<16xf32>
      %sub3A_2994 = arith.subf %sub3A_2993, %mul3A_2991 : vector<16xf32>
      %mul3A_2995 = arith.mulf %mul3A_2986, %sub3A_2994 : vector<16xf32>
      %mul3A_2996 = arith.constant 5.000000e-01 : f32
      %mul3A_2997 = vector.broadcast %mul3A_2996 : f32 to vector<16xf32>
      %mul3A_2998 = arith.mulf %mul3A_2997, %mul3A_2969 : vector<16xf32>
      %mul3A_2999 = arith.mulf %mul3A_2998, %mul3A_2995 : vector<16xf32>
      %mul3A_3000 = arith.mulf %mul3A_2999, %mul3A_2995 : vector<16xf32>
      %sub3A_3001 = arith.constant 1.500000e+00 : f32
      %sub3A_3002 = vector.broadcast %sub3A_3001 : f32 to vector<16xf32>
      %sub3A_3003 = arith.subf %sub3A_3002, %mul3A_3000 : vector<16xf32>
      %mul3A_3004 = arith.mulf %mul3A_2995, %sub3A_3003 : vector<16xf32>
      %mul3A_3005 = arith.mulf %add3A_2958, %mul3A_3004 : vector<16xf32>
      %mul3A_3006 = arith.constant 2.250000e+00 : f32
      %mul3A_3007 = vector.broadcast %mul3A_3006 : f32 to vector<16xf32>
      %mul3A_3008 = arith.mulf %mul3A_3005, %mul3A_3007 : vector<16xf32>
      %add3A_3009 = arith.constant 2.750000e+00 : f32
      %add3A_3010 = vector.broadcast %add3A_3009 : f32 to vector<16xf32>
      %add3A_3011 = arith.addf %mul3A_3008, %add3A_3010 : vector<16xf32>
      %mul3A_3012 = arith.constant 16 : i32
      %mul3A_3013 = arith.muli %add3A_530, %mul3A_3012 : i32
      %swap3A_3014 = arith.index_cast %mul3A_3013 : i32 to index
      %swap3A_3015 = tpu.vector_load %arg15[%swap3A_3014] {strides = array<i32>} : memref<512xf32, #tpu.memory_space<vmem>>, vector<16xf32>,
      tpu.vector_store %arg15[%swap3A_3014], %add3A_3011 {strides = array<i32>} : memref<512xf32, #tpu.memory_space<vmem>>, vector<16xf32>,
    }
    %scan3A_525 = arith.constant 16 : i32
    "tpu.region"() ({
      %run_scoped3A = tpu.sem_alloc : memref<!tpu.dma_semaphore, #tpu.memory_space<semaphore_mem>>
      %dma_start3A_526 = tpu.memref_slice %arg6[%mul3A_2] : memref<16384xf32, #tpu.memory_space<hbm>> -> memref<512xf32, #tpu.memory_space<hbm>>
      %dma_start3A_527 = tpu.memref_slice %arg6[%mul3A_2] : memref<16384xf32, #tpu.memory_space<hbm>> -> memref<512xf32, #tpu.memory_space<hbm>>
      tpu.enqueue_dma source(%arg15 : memref<512xf32, #tpu.memory_space<vmem>>) target(%dma_start3A_527 : memref<512xf32, #tpu.memory_space<hbm>>) target_semaphore(%run_scoped3A : memref<!tpu.dma_semaphore, #tpu.memory_space<semaphore_mem>>)
      %dma_wait3A = tpu.memref_slice %arg6[%mul3A_2] : memref<16384xf32, #tpu.memory_space<hbm>> -> memref<512xf32, #tpu.memory_space<hbm>>
      %dma_wait3A_528 = tpu.memref_slice %arg6[%mul3A_2] : memref<16384xf32, #tpu.memory_space<hbm>> -> memref<512xf32, #tpu.memory_space<hbm>>
      tpu.wait_dma2 semaphore(%run_scoped3A : memref<!tpu.dma_semaphore, #tpu.memory_space<semaphore_mem>>) src(%arg15 : memref<512xf32, #tpu.memory_space<vmem>>) dst(%dma_wait3A_528 : memref<512xf32, #tpu.memory_space<hbm>>)
      tpu.yield
    }) : () -> ()
    return
  }
}

</mosaic_0001>

<sc_bundles>
// kernel: kernel.3.cloned.1.call-start
scs
__scs_entry_jumppad:
0x0: {  	(pc) =	sbr.rel $0x88, $3  }
0x1: {  	(tag) =	ssettag $0x0;
	lr =	simm.s32 $0x1  }
0x2: {  	[smem:$0x3F9D] =	sst lr;
	_ =	strace $0xD0000000  }
0x3: {  	_ = 	snop  }
0x4: {  	_ = 	snop  }
0x5: {  	_ = 	snop  }
0x6: {  	_ = 	snop  }
0x7: {  	_ = 	snop  }
__scs_overlays_trampoline_lowered:
0x8: {  	[smem:$0x3FAC] =	sst s0  }
0x9: {  	[smem:$0x3FAD] =	sst s1  }
0xa: {  	[smem:$0x3FAE] =	sst s2  }
0xb: {  	[smem:$0x3FAF] =	sst s3  }
0xc: {  	[smem:$0x3FB0] =	sst s4  }
0xd: {  	[smem:$0x3FB1] =	sst s5  }
0xe: {  	[smem:$0x3FB2] =	sst s6  }
0xf: {  	[smem:$0x3FB3] =	sst s7  }
0x10: {  	[smem:$0x3FB4] =	sst s8  }
0x11: {  	[smem:$0x3FB5] =	sst s9;
	s0 =	simm.s32 @!p0 $0x0  }
0x12: {  	s1 =	sld [smem:$0x3F9B];
	s0 =	simm.s32 @p0 $0x1  }
0x13: {  	[smem:$0x3FB6] =	sst s0;
	s0 =	simm.s32 @!p1 $0x0  }
0x14: {  	s2 =	sld [smem:$0x3F9A];
	s0 =	simm.s32 @p1 $0x1  }
0x15: {  	[smem:$0x3FB7] =	sst s0;
	s0 =	simm.s32 @!p2 $0x0  }
0x16: {  	s3 =	sld [smem:$0x3FDB];
	s0 =	simm.s32 @p2 $0x1  }
0x17: {  	s4 =	simm.s32 $0x1BF5;
	[smem:$0x3FB9] =	sst s0  }
0x18: {  	s0 =	sld [smem:$0x3F9C];
	_ =	swait.ge [sflag:s4], $0x0  }
0x19: {  	s7 =	sld [smem:$0x3F9D]  }
0x1a: {  	s8 =	sadd.s32 $0xFFFFE003, lr  }
0x1b: {  	s9 =	sadd.s32 $0xFFFFFEF7, lr;
	s5 =	simm.s32 $0xFFFFFFFF;
	p2 =	slt.u32 s8, $0xFFFFF086  }
0x1c: {  	p1 =	slt.u32 s9, $0xF7A;
	s5 =	simm.s32 @!p2 $0x0  }
0x1d: {  	s5 =	simm.s32 @p1 $0x1;
	p0 =	seq.s32 s7, s2  }
0x1e: {  	s7 =	smul.u32 @!p0 $0xF7A, s2;
	p2 =	seq.s32 @!p0 s5, $0x0  }
0x1f: {  	s9 =	smul.u32 $0xF7A, s1;
	s8 =	simm.s32 @!p0 $0x1BF5;
	p2 =	por !p2, p0  }
0x20: {  	[sflag:s8] =	ssyncset.s32 @!p0 $0xFFFFF086;
	s6 =	sadd.s32 @!p0 s3, s7;
	s7 =	simm.s32 @!p0 $0x108  }
0x21: {  	s3 =	sadd.s32 s3, s9;
	s6 =	sadd.s32 @!p0 $0x88, s6;
	s7 =	simm.s32 @p2 $0x1082  }
0x22: {  	[simem:s7], [sflag:s8] =	dma.local @!p0 [hbm:s6], $0xF7A  }
0x23: {  	s9 =	sor.u32 $0xD0000000, s2;
	s6 =	simm.s32 $0x108;
	_ =	swait.ge @!p0 [sflag:s8], $0x0  }
0x24: {  	s3 =	sadd.s32 $0x88, s3;
	s6 =	simm.s32 @!p1 $0x1082;
	[sflag:s4] =	ssyncset.s32 $0xFFFFF086  }
0x25: {  	[simem:s6], [sflag:s4] =	dma.local [hbm:s3], $0xF7A  }
0x26: {  	[smem:$0x3F9D] =	sst s1;
	(tag) =	ssettag s2;
	_ =	strace s9  }
0x27: {  	s1 =	sld [smem:$0x3FAD]  }
0x28: {  	s2 =	sld [smem:$0x3FAE]  }
0x29: {  	s4 =	sld [smem:$0x3FB0]  }
0x2a: {  	p0 =	seq.s32 s5, $0x0;
	s5 =	sld [smem:$0x3FB1]  }
0x2b: {  	s6 =	sld [smem:$0x3FB2]  }
0x2c: {  	s7 =	sld [smem:$0x3FB3]  }
0x2d: {  	s3 =	simm.s32 $0x108;
	s8 =	sld [smem:$0x3FB4]  }
0x2e: {  	s3 =	simm.s32 @!p0 $0x1082;
	s9 =	sld [smem:$0x3FB5]  }
0x2f: {  	lr =	sadd.s32 s0, s3;
	s0 =	sld [smem:$0x3FAC]  }
0x30: {  	s3 =	sld [smem:$0x3FAF]  }
0x31: {  	[smem:$0x3FB8] =	sst s10  }
0x32: {  	s10 =	sld [smem:$0x3FB6];
	_ =	sdelay $0x3  }
0x33: {  	p0 =	seq.s32 s10, $0x1;
	s10 =	sld [smem:$0x3FB8];
	_ =	sdelay $0x3  }
0x34: {  	[smem:$0x3FB8] =	sst s10  }
0x35: {  	s10 =	sld [smem:$0x3FB7];
	_ =	sdelay $0x3  }
0x36: {  	p1 =	seq.s32 s10, $0x1;
	s10 =	sld [smem:$0x3FB8];
	_ =	sdelay $0x3  }
0x37: {  	[smem:$0x3FB8] =	sst s10  }
0x38: {  	s10 =	sld [smem:$0x3FB9]  }
0x39: {  	_ = 	snop;
	(pc) =	sbr.ind lr, $3  }
0x3a: {  	_ = 	snop  }
0x3b: {  	_ = 	snop  }
0x3c: {  	p2 =	seq.s32 s10, $0x1;
	s10 =	sld [smem:$0x3FB8]  }
0x3d: {  	_ =	shalt  }
0x3e: {  	_ =	shalt  }
0x3f: {  	_ =	shalt  }
0x40: {  	_ =	shalt  }
0x41: {  	_ =	shalt  }
0x42: {  	_ =	shalt  }
0x43: {  	_ =	shalt  }
0x44: {  	_ =	shalt  }
0x45: {  	_ =	shalt  }
0x46: {  	_ =	shalt  }
0x47: {  	_ =	shalt  }
0x48: {  	_ =	shalt  }
0x49: {  	_ =	shalt  }
0x4a: {  	_ =	shalt  }
0x4b: {  	_ =	shalt  }
0x4c: {  	_ =	shalt  }
0x4d: {  	_ =	shalt  }
0x4e: {  	_ =	shalt  }
0x4f: {  	_ =	shalt  }
0x50: {  	_ =	shalt  }
0x51: {  	_ =	shalt  }
0x52: {  	_ =	shalt  }
0x53: {  	_ =	shalt  }
0x54: {  	_ =	shalt  }
0x55: {  	_ =	shalt  }
0x56: {  	_ =	shalt  }
0x57: {  	_ =	shalt  }
0x58: {  	_ =	shalt  }
0x59: {  	_ =	shalt  }
0x5a: {  	_ =	shalt  }
0x5b: {  	_ =	shalt  }
0x5c: {  	_ =	shalt  }
0x5d: {  	_ =	shalt  }
0x5e: {  	_ =	shalt  }
0x5f: {  	_ =	shalt  }
0x60: {  	_ =	shalt  }
0x61: {  	_ =	shalt  }
0x62: {  	_ =	shalt  }
0x63: {  	_ =	shalt  }
0x64: {  	_ =	shalt  }
0x65: {  	_ =	shalt  }
0x66: {  	_ =	shalt  }
0x67: {  	_ =	shalt  }
0x68: {  	_ =	shalt  }
0x69: {  	_ =	shalt  }
0x6a: {  	_ =	shalt  }
0x6b: {  	_ =	shalt  }
0x6c: {  	_ =	shalt  }
0x6d: {  	_ =	shalt  }
0x6e: {  	_ =	shalt  }
0x6f: {  	_ =	shalt  }
0x70: {  	_ =	shalt  }
0x71: {  	_ =	shalt  }
0x72: {  	_ =	shalt  }
0x73: {  	_ =	shalt  }
0x74: {  	_ =	shalt  }
0x75: {  	_ =	shalt  }
0x76: {  	_ =	shalt  }
0x77: {  	_ =	shalt  }
0x78: {  	_ =	shalt  }
0x79: {  	_ =	shalt  }
0x7a: {  	_ =	shalt  }
0x7b: {  	_ =	shalt  }
0x7c: {  	_ =	shalt  }
0x7d: {  	_ =	shalt  }
0x7e: {  	_ =	shalt  }
0x7f: {  	_ =	shalt  }
0x80: {  	_ =	shalt  }
0x81: {  	_ =	shalt  }
0x82: {  	_ =	shalt  }
0x83: {  	_ =	shalt  }
0x84: {  	_ =	shalt  }
0x85: {  	_ =	shalt  }
0x86: {  	_ =	shalt  }
0x87: {  	_ =	shalt  }
.Lfunc_end0:
.L_simem_size_0:
called_computation_lowered:
.L_overlay_start_0:
0x88: {  	s2 =	sld [smem:$0x3FD9]  }
0x89: {  	s3 =	sld [smem:$0x3FFE];
	_ =	sdelay $0x1  }
0x8a: {  	s1 =	srdreg.scid  }
0x8b: {  	s0 =	sand.u32 $0x1, s1  }
0x8c: {  	s17 =	sshll.u32 s0, $0xA;
	s2 =	sadd.s32 s3, s2  }
0x8d: {  	s2 =	sadd.s32 s2, s17  }
0x8e: {  	[smem:$0x3FC4] =	sst s2  }
0x8f: {  	_ = 	snop  }
0x90: {  	s2 =	sld [smem:$0x3FC9]  }
0x91: {  	s18 =	sld [smem:$0x3FC8]  }
0x92: {  	s4 =	sld [smem:$0x3FD0];
	(tm) =	ssettm $0x1  }
0x93: {  	s5 =	sld [smem:$0x3FFB];
	_ =	sdelay $0x3  }
0x94: {  	_ =	strace s5  }
0x95: {  	s5 =	sld [smem:$0x3FFC];
	_ =	sdelay $0x3  }
0x96: {  	_ =	strace s5  }
0x97: {  	s5 =	sld [smem:$0x3FFD];
	_ =	sdelay $0x3  }
0x98: {  	_ =	strace s5  }
0x99: {  	_ =	strace $0x8FFFFFFF  }
0x9a: {  	s19 =	sld [smem:$0x3FDB];
	_ =	sdelay $0x1  }
0x9b: {  	s6 =	simm.s32 $_scs_section_size  }
0x9c: {  	s7 =	simm.s32 $_size__tile_overlayer_lowered;
	s8 =	simm.s32 $_tile_overlayer_lowered  }
0x9d: {  	s22 =	simm.s32 $0x1BFF;
	s21 =	sshll.u32 s8, $0x1;
	s5 =	sadd.s32 s6, s19  }
0x9e: {  	s9 =	simm.s32 $0x0;
	s20 =	sshll.u32 s7, $0x1;
	s7 =	sadd.s32 s21, s5  }
0x9f: {  	[timem:s9], [sflag:s22] =	dma.local [hbm:s7], s20  }
0xa0: {  	_ =	swait.ge [sflag:s22], s20  }
0xa1: {  	s6 =	ssub.s32 $0x0, s20;
	[sflag:s22] =	ssyncset.done $0x0  }
0xa2: {  	[sflag:s22] =	ssyncadd.s32 s6;
	_ =	sdelay $0x1  }
0xa3: {  	s23 =	simm.s32 $0x1B8B  }
0xa4: {  	_ =	swait.ge [sflag:s23], $0x1  }
0xa5: {  	[sflag:s23] =	ssyncset.done $0x0  }
0xa6: {  	s25 =	simm.s32 $0x1B8E;
	s24 =	sld [smem:$0x3FFE];
	[sflag:s23] =	ssyncadd.s32 $0xFFFFFFFF  }
0xa7: {  	s26 =	simm.s32 $execute0_lowered;
	[smem:$0x3FD2] =	sst s25  }
0xa8: {  	s7 =	sshll.u32 s26, $0x1;
	_ =	strace $0x80000046;
	[dreg:$0x1] =	wrdreg $0xFFFFFFFF  }
0xa9: {  	s28 =	simm.s32 $_size_execute0_lowered;
	s5 =	sadd.s32 s5, s7;
	[dreg:$0x0] =	wrdreg $0x0  }
0xaa: {  	s7 =	sshll.u32 s28, $0x1;
	[dreg:$0x2] =	wrdreg s5  }
0xab: {  	[dreg:$0x3] =	wrdreg s7  }
0xac: {  	[dreg:$0x4] =	wrdreg $0xC0  }
0xad: {  	_ =	task [dreg:s9], $0x5FFFF  }
0xae: {  	[dreg:$0x1] =	wrdreg $0xFFFFFFFF  }
0xaf: {  	[dreg:$0x0] =	wrdreg $0x60  }
0xb0: {  	[dreg:$0x2] =	wrdreg s2  }
0xb1: {  	[dreg:$0x3] =	wrdreg s18  }
0xb2: {  	[dreg:$0x4] =	wrdreg s24  }
0xb3: {  	[dreg:$0x5] =	wrdreg s4  }
0xb4: {  	[dreg:$0x6] =	wrdreg $0x9  }
0xb5: {  	_ =	task.clear_ibuf [dreg:s9], $0x7FFFF;
	_ =	strace $0x90000046  }
0xb6: {  	s29 =	simm.s32 $0x9;
	_ =	strace $0x80000048  }
0xb7: {  	_ =	swait.ge [sflag:s29], $0x1  }
0xb8: {  	[sflag:s29] =	ssyncadd.s32 $0xFFFFFFFF  }
0xb9: {  	_ =	strace $0x90000048  }
0xba: {  	_ =	sfence  }
0xbb: {  	s30 =	sld [smem:$0x0];
	_ =	sdelay $0x2  }
0xbc: {  	s31 =	sshll.u32 s1, $0xD;
	s1 =	sshrl.u32 s1, $0x2  }
0xbd: {  	s3 =	sand.u32 $0x4000, s31;
	s1 =	sadd.s32 s1, s30  }
0xbe: {  	s0 =	sor.u32 s3, s0;
	s1 =	sshll.u32 s1, $0x11  }
0xbf: {  	s0 =	sor.u32 s1, s0  }
0xc0: {  	s0 =	sadd.s32 $0x8F2B, s0  }
0xc1: {  	[sflag:s0] =	ssyncadd.remote.s32 $0x1  }
0xc2: {  	_ =	sfence.sel $0xFFFF  }
0xc3: {  	[dreg:$0x0] =	wrdreg $0xFFFFFFFF;
	(pc) =	sbr.abs _section_cstart, $3  }
0xc4: {  	[dreg:$0x1] =	wrdreg $0xFFFFFFFF  }
0xc5: {  	_ =	task.clear_ibuf [dreg:s9], $0x2FFFF;
	_ =	strace $0x9FFFFFFF  }
0xc6: {  	(tm) =	ssettm $0x7FFFFFFF  }
0xc7: {  	_ =	shalt  }
tec
execute0_lowered:
.L_overlay_start_1:
0x0: {  	(tag) =	ssettag $0x1  }
0x1: {  	v0 =	vlaneseq.u32  }
0x2: {  	v0 =	vmul.u32 $0x401, v0;
	_ =	sdelay $0x1  }
0x3: {  	v1 =	vadd.s32 $0x1E, v0  }
0x4: {  	v2 =	vadd.s32 $0x29, v0;
	[tilespmem:$0x1FC30] =	vst v1  }
0x5: {  	v1 =	vadd.s32 $0x1F, v0;
	[tilespmem:$0x1FCE0] =	vst v2  }
0x6: {  	v2 =	vadd.s32 $0x2A, v0;
	[tilespmem:$0x1FC40] =	vst v1  }
0x7: {  	v1 =	vadd.s32 $0x20, v0;
	[tilespmem:$0x1FCF0] =	vst v2  }
0x8: {  	v2 =	vadd.s32 $0x2B, v0;
	[tilespmem:$0x1FC50] =	vst v1  }
0x9: {  	v1 =	vadd.s32 $0x21, v0;
	[tilespmem:$0x1FD00] =	vst v2  }
0xa: {  	v2 =	vadd.s32 $0x2C, v0;
	[tilespmem:$0x1FC60] =	vst v1  }
0xb: {  	v1 =	vadd.s32 $0x22, v0;
	[tilespmem:$0x1FD10] =	vst v2  }
0xc: {  	v2 =	vadd.s32 $0x2D, v0;
	[tilespmem:$0x1FC70] =	vst v1  }
0xd: {  	vm14 =	vcmask $0x300;
	v1 =	vadd.s32 $0x23, v0;
	[tilespmem:$0x1FD20] =	vst v2  }
0xe: {  	vm13 =	vcmask $0x704;
	vm12 =	vcmask $0xB08;
	v2 =	vadd.s32 $0x2E, v0;
	[tilespmem:$0x1FC80] =	vst v1  }
0xf: {  	vm11 =	vcmask $0xF0C;
	vm10 =	vcmask $0x1310;
	v1 =	vadd.s32 $0x24, v0;
	[tilespmem:$0x1FD30] =	vst v2  }
0x10: {  	vm9 =	vcmask $0x1714;
	vm8 =	vcmask $0x1B18;
	v2 =	vadd.s32 $0x2F, v0;
	[tilespmem:$0x1FC90] =	vst v1  }
0x11: {  	vm0 =	vcmask $0x1F1C;
	v49 =	vimm.s32 $0x3C02;
	v1 =	vadd.s32 $0x25, v0;
	[tilespmem:$0x1FD40] =	vst v2  }
0x12: {  	vm1 =	vcmask $0x2320;
	vm2 =	vcmask $0x2724;
	[tilespmem:$0x1FCA0] =	vst v1;
	v1 =	vadd.s32 $0x26, v0  }
0x13: {  	vm3 =	vcmask $0x2B28;
	vm4 =	vcmask $0x2F2C;
	[tilespmem:$0x1FCB0] =	vst v1;
	v1 =	vadd.s32 $0x27, v0  }
0x14: {  	vm5 =	vcmask $0x3330;
	vm6 =	vcmask $0x3734;
	[tilespmem:$0x1FCC0] =	vst v1;
	v1 =	vadd.s32 $0x28, v0  }
0x15: {  	vm7 =	vcmask $0x3B38;
	v2 =	vadd.s32 $0x30, v0;
	[tilespmem:$0x1FCD0] =	vst v1;
	v1 =	vimm.s32 $0x3C00  }
0x16: {  	v52 =	vimm.s32 $0x3C05;
	[tilespmem:$0x1FD50] =	vst v2;
	v2 =	vimm.s32 $0x3C01;
	v1 =	vsel vm14, $0x31, v1  }
0x17: {  	v55 =	vimm.s32 $0x3C08;
	v2 =	vsel vm14, $0x32, v2;
	v1 =	vsel vm13, $0x432, v1  }
0x18: {  	v49 =	vsel vm14, $0x33, v49;
	v2 =	vsel vm13, $0x433, v2;
	v1 =	vsel vm12, $0x833, v1  }
0x19: {  	v49 =	vsel vm13, $0x434, v49;
	v2 =	vsel vm12, $0x834, v2;
	v1 =	vsel vm11, $0xC34, v1  }
0x1a: {  	v49 =	vsel vm12, $0x835, v49;
	v2 =	vsel vm11, $0xC35, v2;
	v1 =	vsel vm10, $0x1035, v1  }
0x1b: {  	v49 =	vsel vm11, $0xC36, v49;
	v2 =	vsel vm10, $0x1036, v2;
	v1 =	vsel vm9, $0x1436, v1  }
0x1c: {  	v49 =	vsel vm10, $0x1037, v49;
	v2 =	vsel vm9, $0x1437, v2;
	v1 =	vsel vm8, $0x1837, v1  }
0x1d: {  	v49 =	vsel vm9, $0x1438, v49;
	v2 =	vsel vm8, $0x1838, v2;
	v1 =	vsel vm0, $0x1C38, v1  }
0x1e: {  	v49 =	vsel vm8, $0x1839, v49;
	v2 =	vsel vm0, $0x1C39, v2;
	v1 =	vsel vm1, $0x2039, v1  }
0x1f: {  	v49 =	vsel vm0, $0x1C3A, v49;
	v2 =	vsel vm1, $0x203A, v2;
	v1 =	vsel vm2, $0x243A, v1  }
0x20: {  	v49 =	vsel vm1, $0x203B, v49;
	v2 =	vsel vm2, $0x243B, v2;
	v1 =	vsel vm3, $0x283B, v1  }
0x21: {  	v49 =	vsel vm2, $0x243C, v49;
	v2 =	vsel vm3, $0x283C, v2;
	v1 =	vsel vm4, $0x2C3C, v1  }
0x22: {  	v49 =	vsel vm3, $0x283D, v49;
	v2 =	vsel vm4, $0x2C3D, v2;
	v1 =	vsel vm5, $0x303D, v1  }
0x23: {  	v49 =	vsel vm4, $0x2C3E, v49;
	v2 =	vsel vm5, $0x303E, v2;
	v1 =	vsel vm6, $0x343E, v1  }
0x24: {  	v49 =	vsel vm5, $0x303F, v49;
	v2 =	vsel vm6, $0x343F, v2;
	v1 =	vsel vm7, $0x383F, v1  }
0x25: {  	v58 =	vimm.s32 $0x3C0B;
	v51 =	vsel vm6, $0x3400, v49;
	[tilespmem:$0x1FD60] =	vst v1;
	v1 =	vsel vm7, $0x3800, v2  }
0x26: {  	v61 =	vimm.s32 $0x3C0E;
	v52 =	vsel vm14, $0x36, v52;
	[tilespmem:$0x1FD70] =	vst v1;
	v1 =	vsel vm7, $0x3801, v51  }
0x27: {  	v55 =	vsel vm14, $0x39, v55;
	v58 =	vsel vm14, $0x3C, v58;
	[tilespmem:$0x1FD80] =	vst v1;
	v1 =	vimm.s32 $0x3C03  }
0x28: {  	v61 =	vsel vm14, $0x3F, v61;
	v2 =	vimm.s32 $0x3C04;
	v1 =	vsel vm14, $0x34, v1  }
0x29: {  	v52 =	vsel vm13, $0x437, v52;
	v2 =	vsel vm14, $0x35, v2;
	v1 =	vsel vm13, $0x435, v1  }
0x2a: {  	v55 =	vsel vm13, $0x43A, v55;
	v2 =	vsel vm13, $0x436, v2;
	v1 =	vsel vm12, $0x836, v1  }
0x2b: {  	v58 =	vsel vm13, $0x43D, v58;
	v2 =	vsel vm12, $0x837, v2;
	v1 =	vsel vm11, $0xC37, v1  }
0x2c: {  	v52 =	vsel vm12, $0x838, v52;
	v2 =	vsel vm11, $0xC38, v2;
	v1 =	vsel vm10, $0x1038, v1  }
0x2d: {  	v52 =	vsel vm11, $0xC39, v52;
	v2 =	vsel vm10, $0x1039, v2;
	v1 =	vsel vm9, $0x1439, v1  }
0x2e: {  	v52 =	vsel vm10, $0x103A, v52;
	v2 =	vsel vm9, $0x143A, v2;
	v1 =	vsel vm8, $0x183A, v1  }
0x2f: {  	v52 =	vsel vm9, $0x143B, v52;
	v2 =	vsel vm8, $0x183B, v2;
	v1 =	vsel vm0, $0x1C3B, v1  }
0x30: {  	v52 =	vsel vm8, $0x183C, v52;
	v2 =	vsel vm0, $0x1C3C, v2;
	v1 =	vsel vm1, $0x203C, v1  }
0x31: {  	v52 =	vsel vm0, $0x1C3D, v52;
	v2 =	vsel vm1, $0x203D, v2;
	v1 =	vsel vm2, $0x243D, v1  }
0x32: {  	v52 =	vsel vm1, $0x203E, v52;
	v2 =	vsel vm2, $0x243E, v2;
	v1 =	vsel vm3, $0x283E, v1  }
0x33: {  	v52 =	vsel vm2, $0x243F, v52;
	v2 =	vsel vm3, $0x283F, v2;
	v1 =	vsel vm4, $0x2C3F, v1  }
0x34: {  	v52 =	vsel vm3, $0x2800, v52;
	v2 =	vsel vm4, $0x2C00, v2;
	v1 =	vsel vm5, $0x3000, v1  }
0x35: {  	v52 =	vsel vm4, $0x2C01, v52;
	v2 =	vsel vm5, $0x3001, v2;
	v1 =	vsel vm6, $0x3401, v1  }
0x36: {  	v52 =	vsel vm5, $0x3002, v52;
	v2 =	vsel vm6, $0x3402, v2;
	v1 =	vsel vm7, $0x3802, v1  }
0x37: {  	v61 =	vsel vm13, $0x400, v61;
	v54 =	vsel vm6, $0x3403, v52;
	[tilespmem:$0x1FD90] =	vst v1;
	v1 =	vsel vm7, $0x3803, v2  }
0x38: {  	v6 =	vadd.s32 $0x1, v0;
	v8 =	vadd.s32 $0x2, v0;
	[tilespmem:$0x1FDA0] =	vst v1;
	v1 =	vsel vm7, $0x3804, v54  }
0x39: {  	v10 =	vadd.s32 $0x3, v0;
	v14 =	vadd.s32 $0x4, v0;
	[tilespmem:$0x1FDB0] =	vst v1;
	v1 =	vimm.s32 $0x3C06  }
0x3a: {  	v15 =	vadd.s32 $0x5, v0;
	v2 =	vimm.s32 $0x3C07;
	v1 =	vsel vm14, $0x37, v1  }
0x3b: {  	v17 =	vadd.s32 $0x6, v0;
	v2 =	vsel vm14, $0x38, v2;
	v1 =	vsel vm13, $0x438, v1  }
0x3c: {  	v18 =	vadd.s32 $0x7, v0;
	v2 =	vsel vm13, $0x439, v2;
	v1 =	vsel vm12, $0x839, v1  }
0x3d: {  	v19 =	vadd.s32 $0x8, v0;
	v2 =	vsel vm12, $0x83A, v2;
	v1 =	vsel vm11, $0xC3A, v1  }
0x3e: {  	v55 =	vsel vm12, $0x83B, v55;
	v2 =	vsel vm11, $0xC3B, v2;
	v1 =	vsel vm10, $0x103B, v1  }
0x3f: {  	v55 =	vsel vm11, $0xC3C, v55;
	v2 =	vsel vm10, $0x103C, v2;
	v1 =	vsel vm9, $0x143C, v1  }
0x40: {  	v55 =	vsel vm10, $0x103D, v55;
	v2 =	vsel vm9, $0x143D, v2;
	v1 =	vsel vm8, $0x183D, v1  }
0x41: {  	v55 =	vsel vm9, $0x143E, v55;
	v2 =	vsel vm8, $0x183E, v2;
	v1 =	vsel vm0, $0x1C3E, v1  }
0x42: {  	v55 =	vsel vm8, $0x183F, v55;
	v2 =	vsel vm0, $0x1C3F, v2;
	v1 =	vsel vm1, $0x203F, v1  }
0x43: {  	v55 =	vsel vm0, $0x1C00, v55;
	v2 =	vsel vm1, $0x2000, v2;
	v1 =	vsel vm2, $0x2400, v1  }
0x44: {  	v55 =	vsel vm1, $0x2001, v55;
	v2 =	vsel vm2, $0x2401, v2;
	v1 =	vsel vm3, $0x2801, v1  }
0x45: {  	v55 =	vsel vm2, $0x2402, v55;
	v2 =	vsel vm3, $0x2802, v2;
	v1 =	vsel vm4, $0x2C02, v1  }
0x46: {  	v55 =	vsel vm3, $0x2803, v55;
	v2 =	vsel vm4, $0x2C03, v2;
	v1 =	vsel vm5, $0x3003, v1  }
0x47: {  	v55 =	vsel vm4, $0x2C04, v55;
	v2 =	vsel vm5, $0x3004, v2;
	v1 =	vsel vm6, $0x3404, v1  }
0x48: {  	v55 =	vsel vm5, $0x3005, v55;
	v2 =	vsel vm6, $0x3405, v2;
	v1 =	vsel vm7, $0x3805, v1  }
0x49: {  	v20 =	vadd.s32 $0x9, v0;
	v57 =	vsel vm6, $0x3406, v55;
	[tilespmem:$0x1FDC0] =	vst v1;
	v1 =	vsel vm7, $0x3806, v2  }
0x4a: {  	v22 =	vadd.s32 $0xB, v0;
	v34 =	vadd.s32 $0x17, v0;
	[tilespmem:$0x1FDD0] =	vst v1;
	v1 =	vsel vm7, $0x3807, v57  }
0x4b: {  	s0 =	rddreg [dreg:$0x0];
	v35 =	vadd.s32 $0x18, v0;
	v36 =	vadd.s32 $0x19, v0;
	[tilespmem:$0x1FDE0] =	vst v1;
	v1 =	vimm.s32 $0x3C09  }
0x4c: {  	s2 =	rddreg [dreg:$0x1];
	v37 =	vadd.s32 $0x1A, v0;
	v2 =	vimm.s32 $0x3C0A;
	v1 =	vsel vm14, $0x3A, v1  }
0x4d: {  	s4 =	rddreg [dreg:$0x2];
	s1 =	simm.s32 $0x0;
	v38 =	vadd.s32 $0x1B, v0;
	v2 =	vsel vm14, $0x3B, v2;
	v1 =	vsel vm13, $0x43B, v1  }
0x4e: {  	[smem:$0x7FF] =	sst s1;
	v39 =	vadd.s32 $0x1C, v0;
	v2 =	vsel vm13, $0x43C, v2;
	v1 =	vsel vm12, $0x83C, v1  }
0x4f: {  	s5 =	rddreg [dreg:$0x3];
	v40 =	vadd.s32 $0x1D, v0;
	_ =	strace $0x80000047;
	v2 =	vsel vm12, $0x83D, v2;
	[tilespmem:$0x1FE50] =	vst v34;
	v1 =	vsel vm11, $0xC3D, v1  }
0x50: {  	v58 =	vsel vm12, $0x83E, v58;
	[tilespmem:$0x1FE60] =	vst v35;
	v2 =	vsel vm11, $0xC3E, v2;
	v1 =	vsel vm10, $0x103E, v1  }
0x51: {  	v58 =	vsel vm11, $0xC3F, v58;
	[tilespmem:$0x1FE70] =	vst v36;
	v2 =	vsel vm10, $0x103F, v2;
	v1 =	vsel vm9, $0x143F, v1  }
0x52: {  	v58 =	vsel vm10, $0x1000, v58;
	[tilespmem:$0x1FE80] =	vst v37;
	v2 =	vsel vm9, $0x1400, v2;
	v1 =	vsel vm8, $0x1800, v1  }
0x53: {  	v58 =	vsel vm9, $0x1401, v58;
	[tilespmem:$0x1FE90] =	vst v38;
	v2 =	vsel vm8, $0x1801, v2;
	v1 =	vsel vm0, $0x1C01, v1  }
0x54: {  	v58 =	vsel vm8, $0x1802, v58;
	[tilespmem:$0x1FEA0] =	vst v39;
	v2 =	vsel vm0, $0x1C02, v2;
	v1 =	vsel vm1, $0x2002, v1  }
0x55: {  	v58 =	vsel vm0, $0x1C03, v58;
	[tilespmem:$0x1FEB0] =	vst v40;
	v2 =	vsel vm1, $0x2003, v2;
	v1 =	vsel vm2, $0x2403, v1  }
0x56: {  	v58 =	vsel vm1, $0x2004, v58;
	[tilespmem:$0x1FEC0] =	vst v6;
	v2 =	vsel vm2, $0x2404, v2;
	v1 =	vsel vm3, $0x2804, v1  }
0x57: {  	v58 =	vsel vm2, $0x2405, v58;
	[tilespmem:$0x1FED0] =	vst v10;
	v2 =	vsel vm3, $0x2805, v2;
	v1 =	vsel vm4, $0x2C05, v1  }
0x58: {  	v58 =	vsel vm3, $0x2806, v58;
	[tilespmem:$0x1FEE0] =	vst v0;
	v2 =	vsel vm4, $0x2C06, v2;
	v1 =	vsel vm5, $0x3006, v1  }
0x59: {  	v58 =	vsel vm4, $0x2C07, v58;
	[tilespmem:$0x1FEF0] =	vst v8;
	v2 =	vsel vm5, $0x3007, v2;
	v1 =	vsel vm6, $0x3407, v1  }
0x5a: {  	v58 =	vsel vm5, $0x3008, v58;
	[tilespmem:$0x1FF00] =	vst v22;
	v2 =	vsel vm6, $0x3408, v2;
	v1 =	vsel vm7, $0x3808, v1  }
0x5b: {  	v21 =	vadd.s32 $0xA, v0;
	v60 =	vsel vm6, $0x3409, v58;
	[tilespmem:$0x1FDF0] =	vst v1;
	v1 =	vsel vm7, $0x3809, v2  }
0x5c: {  	v23 =	vadd.s32 $0xC, v0;
	v24 =	vadd.s32 $0xD, v0;
	[tilespmem:$0x1FE00] =	vst v1;
	v1 =	vsel vm7, $0x380A, v60  }
0x5d: {  	v25 =	vadd.s32 $0xE, v0;
	v26 =	vadd.s32 $0xF, v0;
	[tilespmem:$0x1FE10] =	vst v1;
	v1 =	vimm.s32 $0x3C0C  }
0x5e: {  	v27 =	vadd.s32 $0x10, v0;
	[tilespmem:$0x1FF10] =	vst v20;
	v2 =	vimm.s32 $0x3C0D;
	v1 =	vsel vm14, $0x3D, v1  }
0x5f: {  	s11 =	simm.s32 $0x800;
	v28 =	vadd.s32 $0x11, v0;
	[tilespmem:$0x1FF20] =	vst v14;
	v2 =	vsel vm14, $0x3E, v2;
	v1 =	vsel vm13, $0x43E, v1  }
0x60: {  	s12 =	simm.s32 $0x8800;
	s17 =	simm.s32 $0x4800;
	v29 =	vadd.s32 $0x12, v0;
	[tilespmem:$0x1FF30] =	vst v25;
	v2 =	vsel vm13, $0x43F, v2;
	v1 =	vsel vm12, $0x83F, v1  }
0x61: {  	s18 =	simm.s32 $0xC800;
	s10 =	simm.s32 $0x6800;
	v30 =	vadd.s32 $0x13, v0;
	[tilespmem:$0x1FF40] =	vst v26;
	v2 =	vsel vm12, $0x800, v2;
	v1 =	vsel vm11, $0xC00, v1  }
0x62: {  	s13 =	simm.s32 $0x7400;
	s14 =	simm.s32 $0xF400;
	v61 =	vsel vm12, $0x801, v61;
	[tilespmem:$0x1FF50] =	vst v27;
	v2 =	vsel vm11, $0xC01, v2;
	v1 =	vsel vm10, $0x1001, v1  }
0x63: {  	s3 =	srdreg.scid;
	s15 =	simm.s32 $0x7800;
	s16 =	simm.s32 $0xF800;
	v61 =	vsel vm11, $0xC02, v61;
	[tilespmem:$0x1FF60] =	vst v28;
	v2 =	vsel vm10, $0x1002, v2;
	v1 =	vsel vm9, $0x1402, v1  }
0x64: {  	s7 =	stileid.u32;
	s19 =	simm.s32 $0x7C00;
	s20 =	simm.s32 $0xFC00;
	v61 =	vsel vm10, $0x1003, v61;
	[tilespmem:$0x1FF70] =	vst v21;
	v2 =	vsel vm9, $0x1403, v2;
	v1 =	vsel vm8, $0x1803, v1  }
0x65: {  	s30 =	simm.s32 $0x5;
	s21 =	simm.s32 $0x8000;
	s22 =	simm.s32 $0x10000;
	v61 =	vsel vm9, $0x1404, v61;
	[tilespmem:$0x1FF80] =	vst v15;
	v2 =	vsel vm8, $0x1804, v2;
	v1 =	vsel vm0, $0x1C04, v1  }
0x66: {  	s23 =	simm.s32 $0x8400;
	s24 =	simm.s32 $0x10400;
	s28 =	simm.s32 $0x2;
	v61 =	vsel vm8, $0x1805, v61;
	[tilespmem:$0x1FF90] =	vst v17;
	v2 =	vsel vm0, $0x1C05, v2;
	v1 =	vsel vm1, $0x2005, v1  }
0x67: {  	s29 =	simm.s32 $0x4;
	s3 =	sand.u32 $0x1, s3;
	s7 =	sshll.u32 s7, $0x7;
	v61 =	vsel vm0, $0x1C06, v61;
	[tilespmem:$0x1FFA0] =	vst v18;
	v2 =	vsel vm1, $0x2006, v2;
	v1 =	vsel vm2, $0x2406, v1  }
0x68: {  	s6 =	ssub.s32 $0x2, s3;
	s8 =	sshll.u32 s3, $0x6;
	s3 =	sadd.s32 $0x186E00, s4;
	v61 =	vsel vm1, $0x2007, v61;
	[tilespmem:$0x1FFB0] =	vst v19;
	v2 =	vsel vm2, $0x2407, v2;
	v1 =	vsel vm3, $0x2807, v1  }
0x69: {  	s4 =	sadd.s32 $0x400, s4;
	s9 =	sshrl.u32 s6, $0x1;
	s7 =	sor.u32 s8, s7;
	v61 =	vsel vm2, $0x2408, v61;
	[tilespmem:$0x1FFC0] =	vst v23;
	v2 =	vsel vm3, $0x2808, v2;
	v1 =	vsel vm4, $0x2C08, v1  }
0x6a: {  	s8 =	simm.s32 $0x7000;
	s6 =	ssub.s32 s6, s9;
	s0 =	sadd.s32 s0, s7;
	v61 =	vsel vm3, $0x2809, v61;
	[tilespmem:$0x1FFD0] =	vst v24;
	v2 =	vsel vm4, $0x2C09, v2;
	v1 =	vsel vm5, $0x3009, v1  }
.Ltmp0:
0x6b: {  	s25 =	sadd.s32 s2, s7;
	s26 =	sadd.s32 s5, s7;
	v61 =	vsel vm4, $0x2C0A, v61;
	[tilespmem:$0x1FFE0] =	vst v29;
	v2 =	vsel vm5, $0x300A, v2;
	v1 =	vsel vm6, $0x340A, v1;
	(pc) =	sbr.rel .LBB2_1-.Ltmp0, $4  }
0x6c: {  	s5 =	simm.s32 $0xE800;
	s7 =	simm.s32 $0xEC00;
	v61 =	vsel vm5, $0x300B, v61;
	[dreg:$0x5] =	wrdreg s0;
	[tilespmem:$0x1FFF0] =	vst v30;
	v2 =	vsel vm6, $0x340B, v2;
	v1 =	vsel vm7, $0x380B, v1  }
0x6d: {  	s9 =	simm.s32 $0xF000;
	s2 =	simm.s32 $0x0;
	v63 =	vsel vm6, $0x340C, v61;
	[dreg:$0x6] =	wrdreg s25;
	[tilespmem:$0x1FE20] =	vst v1;
	v1 =	vsel vm7, $0x380C, v2  }
0x6e: {  	s31 =	smax.u32 s6, $0x1;
	s6 =	simm.s32 $0x6C00;
	[dreg:$0x7] =	wrdreg s26;
	[tilespmem:$0x1FE30] =	vst v1;
	v1 =	vsel vm7, $0x380D, v63  }
0x6f: {  	v31 =	vadd.s32 $0x14, v0;
	v32 =	vadd.s32 $0x15, v0;
	v33 =	vadd.s32 $0x16, v0;
	[dreg:$0x8] =	wrdreg s31;
	s25 =	simm.s32 $0x1;
	s26 =	simm.s32 $0x3;
	[tilespmem:$0x1FE40] =	vst v1  }
.LBB2_7:
0x70: {  	s0 =	rddreg [dreg:$0x7];
	s2 =	simm.s32 $0x10800;
	s30 =	simm.s32 $0x5  }
0x71: {  	[hbm4b:s0+s1] =	stream.linear.scatter [tilespmem:s2], [sflag:$0x5], $0x200, $0x38;
	[tilespmem:$0x10A00] =	vst v63  }
0x72: {  	_ =	swait.ge [sflag:s30], $0x200  }
0x73: {  	s0 =	rddreg [dreg:$0x9]  }
0x74: {  	s31 =	rddreg [dreg:$0x8];
	s2 =	sadd.s32 $0x1, s0  }
0x75: {  	p0 =	sne.s32 s2, s31  }
.Ltmp1:
0x76: {  	_ = 	snop;
	(pc) =	sbr.rel @!p0 .LBB2_8-.Ltmp1, $3  }
0x77: {  	_ =	sdelay $0x1  }
0x78: {  	[sflag:s30] =	ssyncset.done $0x0  }
0x79: {  	[sflag:s30] =	ssyncadd.s32 $0xFFFFFE00  }
.LBB2_1:
0x7a: {  	[dreg:$0x9] =	wrdreg s2  }
0x7b: {  	s0 =	rddreg [dreg:$0x5]  }
0x7c: {  	[tilespmem:s1], [sflag:$0x5] =	stream.linear.gather [hbm4b:s0+s1], $0x200, $0x38;
	[tilespmem:$0x10A00] =	vst v63  }
0x7d: {  	_ =	swait.ge [sflag:s30], $0x200  }
0x7e: {  	[sflag:s30] =	ssyncset.done $0x0  }
0x7f: {  	s31 =	simm.s32 $0x200;
	s2 =	rddreg [dreg:$0x6];
	[sflag:s30] =	ssyncadd.s32 $0xFFFFFE00  }
0x80: {  	[tilespmem:s31], [sflag:$0x5] =	stream.linear.gather [hbm4b:s2+s1], $0x200, $0x38;
	[tilespmem:$0x10A00] =	vst v63  }
0x81: {  	_ =	swait.ge [sflag:s30], $0x200  }
0x82: {  	[sflag:s30] =	ssyncset.done $0x0  }
0x83: {  	[sflag:s30] =	ssyncadd.s32 $0xFFFFFE00;
	s30 =	simm.s32 $0x0  }
0x84: {  	v1 =	vld [tilespmem:s30+$0x200]  }
0x85: {  	s31 =	simm.s32 $0x40;
	v2 =	vld [tilespmem:s30+$0x0]  }
.LBB2_2:
0x86: {  	p0 =	sne.s32 s31, $0x7C0  }
.Ltmp2:
0x87: {  	_ = 	snop;
	(pc) =	sbr.rel @p0 .LBB2_2-.Ltmp2, $4  }
0x88: {  	_ = 	snop  }
0x89: {  	s0 =	sshra.s32 s31, $0x2;
	s31 =	sadd.s32 $0x40, s31;
	v3 =	vshra.s32 v1, $0x3  }
0x8a: {  	v1 =	vld [tilespmem:s0+$0x200];
	v4 =	vshra.s32 v2, $0x3;
	[tilespmem:s30+$0x600] =	vst v3  }
0x8b: {  	v2 =	vld [tilespmem:s0+$0x0];
	[tilespmem:s30+$0x400] =	vst v4;
	s30 =	smov.u32 s0  }
0x8c: {  	_ =	sdelay $0x2  }
0x8d: {  	v1 =	vshra.s32 v1, $0x3  }
0x8e: {  	v2 =	vshra.s32 v2, $0x3;
	[tilespmem:s30+$0x600] =	vst v1  }
0x8f: {  	[tilespmem:s30+$0x400] =	vst v2  }
0x90: {  	v1 =	vld [tilespmem:$0x400];
	_ =	sdelay $0x1  }
0x91: {  	v3 =	vld [tilespmem:$0x600];
	_ =	sdelay $0x2  }
0x92: {  	v2 =	vshll.u32 v1, $0x7  }
0x93: {  	(v2sf) =	vpush v2, $0x0  }
0x94: {  	v1 =	vshll.u32 v3, $0x7  }
0x95: {  	(v2sf) =	vpush v1, $0x0;
	_ =	sdelay $0x2  }
0x96: {  	(v2sf) =	vpush v2, $0x1;
	_ =	sdelay $0x5  }
0x97: {  	(v2sf) =	vpush v1, $0x1;
	_ =	sdelay $0x3  }
0x98: {  	s0 =	spop (v2sf);
	(v2sf) =	vpush v2, $0x2;
	_ =	sdelay $0x1  }
0x99: {  	s0 =	sand.u32 $0x1FFFFF80, s0;
	s31 =	spop (v2sf);
	(v2sf) =	vpush v1, $0x2  }
0x9a: {  	s30 =	simm.s32 $0x0;
	s0 =	sadd.s32 s3, s0  }
0x9b: {  	[tilespmem:s11], [sflag:$0x1] =	stream.linear.gather [hbm4b:s0+s30], $0x400, $0x38;
	[tilespmem:$0x10A00] =	vst v63  }
0x9c: {  	s2 =	spop (v2sf);
	(v2sf) =	vpush v2, $0x3;
	s0 =	sand.u32 $0x1FFFFF80, s31  }
0x9d: {  	s0 =	sadd.s32 s4, s0  }
0x9e: {  	[tilespmem:s12], [sflag:$0x3] =	stream.linear.gather [hbm4b:s0+s30], $0x400, $0x38;
	[tilespmem:$0x10A00] =	vst v63  }
0x9f: {  	s0 =	sand.u32 $0x1FFFFF80, s2  }
0xa0: {  	s31 =	simm.s32 $0xC00;
	s0 =	sadd.s32 s3, s0  }
0xa1: {  	[tilespmem:s31], [sflag:$0x1] =	stream.linear.gather [hbm4b:s0+s30], $0x400, $0x38;
	[tilespmem:$0x10A00] =	vst v63  }
0xa2: {  	s31 =	spop (v2sf);
	(v2sf) =	vpush v1, $0x3  }
0xa3: {  	s0 =	sand.u32 $0x1FFFFF80, s31  }
0xa4: {  	s2 =	simm.s32 $0x8C00;
	s0 =	sadd.s32 s4, s0  }
0xa5: {  	[tilespmem:s2], [sflag:$0x3] =	stream.linear.gather [hbm4b:s0+s30], $0x400, $0x38;
	[tilespmem:$0x10A00] =	vst v63  }
0xa6: {  	s2 =	spop (v2sf);
	(v2sf) =	vpush v2, $0x4;
	_ =	sdelay $0x1  }
0xa7: {  	s0 =	sand.u32 $0x1FFFFF80, s2;
	s2 =	spop (v2sf);
	(v2sf) =	vpush v1, $0x4  }
0xa8: {  	s31 =	simm.s32 $0x1000;
	s0 =	sadd.s32 s3, s0  }
0xa9: {  	[tilespmem:s31], [sflag:$0x1] =	stream.linear.gather [hbm4b:s0+s30], $0x400, $0x38;
	[tilespmem:$0x10A00] =	vst v63  }
0xaa: {  	s0 =	sand.u32 $0x1FFFFF80, s2;
	s2 =	spop (v2sf);
	(v2sf) =	vpush v2, $0x5;
	_ =	sdelay $0x3  }
0xab: {  	s31 =	simm.s32 $0x9000;
	s0 =	sadd.s32 s4, s0  }
0xac: {  	[tilespmem:s31], [sflag:$0x3] =	stream.linear.gather [hbm4b:s0+s30], $0x400, $0x38;
	[tilespmem:$0x10A00] =	vst v63  }
0xad: {  	s0 =	sand.u32 $0x1FFFFF80, s2;
	s2 =	spop (v2sf);
	(v2sf) =	vpush v1, $0x5  }
0xae: {  	s31 =	simm.s32 $0x1400;
	s0 =	sadd.s32 s3, s0  }
0xaf: {  	[tilespmem:s31], [sflag:$0x1] =	stream.linear.gather [hbm4b:s0+s30], $0x400, $0x38;
	[tilespmem:$0x10A00] =	vst v63  }
0xb0: {  	s0 =	sand.u32 $0x1FFFFF80, s2  }
0xb1: {  	s31 =	simm.s32 $0x9400;
	s0 =	sadd.s32 s4, s0;
	s2 =	spop (v2sf);
	(v2sf) =	vpush v2, $0x6  }
0xb2: {  	[tilespmem:s31], [sflag:$0x3] =	stream.linear.gather [hbm4b:s0+s30], $0x400, $0x38;
	[tilespmem:$0x10A00] =	vst v63  }
0xb3: {  	s0 =	sand.u32 $0x1FFFFF80, s2;
	s2 =	spop (v2sf);
	(v2sf) =	vpush v1, $0x6  }
0xb4: {  	s31 =	simm.s32 $0x1800;
	s0 =	sadd.s32 s3, s0  }
0xb5: {  	[tilespmem:s31], [sflag:$0x1] =	stream.linear.gather [hbm4b:s0+s30], $0x400, $0x38;
	[tilespmem:$0x10A00] =	vst v63  }
0xb6: {  	s0 =	sand.u32 $0x1FFFFF80, s2;
	s2 =	spop (v2sf);
	(v2sf) =	vpush v2, $0x7;
	_ =	sdelay $0x3  }
0xb7: {  	s31 =	simm.s32 $0x9800;
	s0 =	sadd.s32 s4, s0  }
0xb8: {  	[tilespmem:s31], [sflag:$0x3] =	stream.linear.gather [hbm4b:s0+s30], $0x400, $0x38;
	[tilespmem:$0x10A00] =	vst v63  }
0xb9: {  	s0 =	sand.u32 $0x1FFFFF80, s2;
	s2 =	spop (v2sf);
	(v2sf) =	vpush v1, $0x7  }
0xba: {  	s31 =	simm.s32 $0x1C00;
	s0 =	sadd.s32 s3, s0  }
0xbb: {  	[tilespmem:s31], [sflag:$0x1] =	stream.linear.gather [hbm4b:s0+s30], $0x400, $0x38;
	[tilespmem:$0x10A00] =	vst v63  }
0xbc: {  	s0 =	sand.u32 $0x1FFFFF80, s2  }
0xbd: {  	s31 =	simm.s32 $0x9C00;
	s0 =	sadd.s32 s4, s0;
	s2 =	spop (v2sf);
	(v2sf) =	vpush v2, $0x8  }
0xbe: {  	[tilespmem:s31], [sflag:$0x3] =	stream.linear.gather [hbm4b:s0+s30], $0x400, $0x38;
	[tilespmem:$0x10A00] =	vst v63  }
0xbf: {  	s0 =	sand.u32 $0x1FFFFF80, s2;
	s2 =	spop (v2sf);
	(v2sf) =	vpush v1, $0x8  }
0xc0: {  	s31 =	simm.s32 $0x2000;
	s0 =	sadd.s32 s3, s0  }
0xc1: {  	[tilespmem:s31], [sflag:$0x1] =	stream.linear.gather [hbm4b:s0+s30], $0x400, $0x38;
	[tilespmem:$0x10A00] =	vst v63  }
0xc2: {  	s0 =	sand.u32 $0x1FFFFF80, s2;
	s2 =	spop (v2sf);
	(v2sf) =	vpush v2, $0x9;
	_ =	sdelay $0x3  }
0xc3: {  	s31 =	simm.s32 $0xA000;
	s0 =	sadd.s32 s4, s0  }
0xc4: {  	[tilespmem:s31], [sflag:$0x3] =	stream.linear.gather [hbm4b:s0+s30], $0x400, $0x38;
	[tilespmem:$0x10A00] =	vst v63  }
0xc5: {  	s0 =	sand.u32 $0x1FFFFF80, s2;
	s2 =	spop (v2sf);
	(v2sf) =	vpush v1, $0x9  }
0xc6: {  	s31 =	simm.s32 $0x2400;
	s0 =	sadd.s32 s3, s0  }
0xc7: {  	[tilespmem:s31], [sflag:$0x1] =	stream.linear.gather [hbm4b:s0+s30], $0x400, $0x38;
	[tilespmem:$0x10A00] =	vst v63  }
0xc8: {  	s0 =	sand.u32 $0x1FFFFF80, s2  }
0xc9: {  	s31 =	simm.s32 $0xA400;
	s0 =	sadd.s32 s4, s0;
	s2 =	spop (v2sf);
	(v2sf) =	vpush v2, $0xA  }
0xca: {  	[tilespmem:s31], [sflag:$0x3] =	stream.linear.gather [hbm4b:s0+s30], $0x400, $0x38;
	[tilespmem:$0x10A00] =	vst v63  }
0xcb: {  	s0 =	sand.u32 $0x1FFFFF80, s2;
	s2 =	spop (v2sf);
	(v2sf) =	vpush v1, $0xA  }
0xcc: {  	s31 =	simm.s32 $0x2800;
	s0 =	sadd.s32 s3, s0  }
0xcd: {  	[tilespmem:s31], [sflag:$0x1] =	stream.linear.gather [hbm4b:s0+s30], $0x400, $0x38;
	[tilespmem:$0x10A00] =	vst v63  }
0xce: {  	s0 =	sand.u32 $0x1FFFFF80, s2;
	s2 =	spop (v2sf);
	(v2sf) =	vpush v2, $0xB;
	_ =	sdelay $0x3  }
0xcf: {  	s31 =	simm.s32 $0xA800;
	s0 =	sadd.s32 s4, s0  }
0xd0: {  	[tilespmem:s31], [sflag:$0x3] =	stream.linear.gather [hbm4b:s0+s30], $0x400, $0x38;
	[tilespmem:$0x10A00] =	vst v63  }
0xd1: {  	s0 =	sand.u32 $0x1FFFFF80, s2;
	s2 =	spop (v2sf);
	(v2sf) =	vpush v1, $0xB  }
0xd2: {  	s31 =	simm.s32 $0x2C00;
	s0 =	sadd.s32 s3, s0  }
0xd3: {  	[tilespmem:s31], [sflag:$0x1] =	stream.linear.gather [hbm4b:s0+s30], $0x400, $0x38;
	[tilespmem:$0x10A00] =	vst v63  }
0xd4: {  	s0 =	sand.u32 $0x1FFFFF80, s2  }
0xd5: {  	s31 =	simm.s32 $0xAC00;
	s0 =	sadd.s32 s4, s0;
	s2 =	spop (v2sf);
	(v2sf) =	vpush v2, $0xC  }
0xd6: {  	[tilespmem:s31], [sflag:$0x3] =	stream.linear.gather [hbm4b:s0+s30], $0x400, $0x38;
	[tilespmem:$0x10A00] =	vst v63  }
0xd7: {  	s0 =	sand.u32 $0x1FFFFF80, s2;
	s2 =	spop (v2sf);
	(v2sf) =	vpush v1, $0xC  }
0xd8: {  	s31 =	simm.s32 $0x3000;
	s0 =	sadd.s32 s3, s0  }
0xd9: {  	[tilespmem:s31], [sflag:$0x1] =	stream.linear.gather [hbm4b:s0+s30], $0x400, $0x38;
	[tilespmem:$0x10A00] =	vst v63  }
0xda: {  	s0 =	sand.u32 $0x1FFFFF80, s2;
	s2 =	spop (v2sf);
	(v2sf) =	vpush v2, $0xD;
	_ =	sdelay $0x3  }
0xdb: {  	s31 =	simm.s32 $0xB000;
	s0 =	sadd.s32 s4, s0  }
0xdc: {  	[tilespmem:s31], [sflag:$0x3] =	stream.linear.gather [hbm4b:s0+s30], $0x400, $0x38;
	[tilespmem:$0x10A00] =	vst v63  }
0xdd: {  	s0 =	sand.u32 $0x1FFFFF80, s2;
	s2 =	spop (v2sf);
	(v2sf) =	vpush v1, $0xD  }
0xde: {  	s31 =	simm.s32 $0x3400;
	s0 =	sadd.s32 s3, s0  }
0xdf: {  	[tilespmem:s31], [sflag:$0x1] =	stream.linear.gather [hbm4b:s0+s30], $0x400, $0x38;
	[tilespmem:$0x10A00] =	vst v63  }
0xe0: {  	s0 =	sand.u32 $0x1FFFFF80, s2  }
0xe1: {  	s31 =	simm.s32 $0xB400;
	s0 =	sadd.s32 s4, s0;
	s2 =	spop (v2sf);
	(v2sf) =	vpush v2, $0xE  }
0xe2: {  	[tilespmem:s31], [sflag:$0x3] =	stream.linear.gather [hbm4b:s0+s30], $0x400, $0x38;
	[tilespmem:$0x10A00] =	vst v63  }
0xe3: {  	s0 =	sand.u32 $0x1FFFFF80, s2;
	s2 =	spop (v2sf);
	(v2sf) =	vpush v1, $0xE  }
0xe4: {  	s31 =	simm.s32 $0x3800;
	s0 =	sadd.s32 s3, s0  }
0xe5: {  	[tilespmem:s31], [sflag:$0x1] =	stream.linear.gather [hbm4b:s0+s30], $0x400, $0x38;
	[tilespmem:$0x10A00] =	vst v63  }
0xe6: {  	s0 =	sand.u32 $0x1FFFFF80, s2;
	s2 =	spop (v2sf);
	(v2sf) =	vpush v2, $0xF  }
0xe7: {  	s31 =	simm.s32 $0xB800;
	s0 =	sadd.s32 s4, s0  }
0xe8: {  	[tilespmem:s31], [sflag:$0x3] =	stream.linear.gather [hbm4b:s0+s30], $0x400, $0x38;
	[tilespmem:$0x10A00] =	vst v63  }
0xe9: {  	s0 =	sand.u32 $0x1FFFFF80, s2  }
0xea: {  	s31 =	simm.s32 $0x3C00;
	s0 =	sadd.s32 s3, s0  }
0xeb: {  	[tilespmem:s31], [sflag:$0x1] =	stream.linear.gather [hbm4b:s0+s30], $0x400, $0x38;
	[tilespmem:$0x10A00] =	vst v63  }
0xec: {  	s2 =	spop (v2sf);
	(v2sf) =	vpush v1, $0xF  }
0xed: {  	s0 =	sand.u32 $0x1FFFFF80, s2  }
0xee: {  	s31 =	simm.s32 $0xBC00;
	s0 =	sadd.s32 s4, s0  }
0xef: {  	[tilespmem:s31], [sflag:$0x3] =	stream.linear.gather [hbm4b:s0+s30], $0x400, $0x38;
	[tilespmem:$0x10A00] =	vst v63  }
0xf0: {  	s2 =	spop (v2sf)  }
0xf1: {  	s0 =	sand.u32 $0x1FFFFF80, s2  }
0xf2: {  	v55 =	vld [tilespmem:$0x1FD80];
	s31 =	simm.s32 $0x4000;
	s2 =	spop (v2sf);
	s0 =	sadd.s32 s3, s0  }
0xf3: {  	v56 =	vld [tilespmem:$0x1FD90];
	[tilespmem:s31], [sflag:$0x1] =	stream.linear.gather [hbm4b:s0+s30], $0x400, $0x38  }
0xf4: {  	v57 =	vld [tilespmem:$0x1FDA0];
	s0 =	sand.u32 $0x1FFFFF80, s2  }
0xf5: {  	v58 =	vld [tilespmem:$0x1FDB0];
	s31 =	simm.s32 $0xC000;
	s2 =	spop (v2sf);
	s0 =	sadd.s32 s4, s0  }
0xf6: {  	v59 =	vld [tilespmem:$0x1FDC0];
	[tilespmem:s31], [sflag:$0x3] =	stream.linear.gather [hbm4b:s0+s30], $0x400, $0x38  }
0xf7: {  	v60 =	vld [tilespmem:$0x1FDD0];
	s0 =	sand.u32 $0x1FFFFF80, s2  }
0xf8: {  	v50 =	vld [tilespmem:$0x1FDE0];
	s31 =	simm.s32 $0x4400;
	s0 =	sadd.s32 s3, s0  }
0xf9: {  	v48 =	vld [tilespmem:$0x1FDF0];
	[tilespmem:s31], [sflag:$0x1] =	stream.linear.gather [hbm4b:s0+s30], $0x400, $0x38  }
.Ltmp3:
0xfa: {  	v49 =	vld [tilespmem:$0x1FE00];
	(pc) =	sbr.rel .LBB2_4-.Ltmp3, $4  }
0xfb: {  	v51 =	vld [tilespmem:$0x1FE10];
	s2 =	spop (v2sf)  }
0xfc: {  	v54 =	vld [tilespmem:$0x1FE20];
	s0 =	sand.u32 $0x1FFFFF80, s2  }
0xfd: {  	v53 =	vld [tilespmem:$0x1FE30];
	s31 =	simm.s32 $0xC400;
	s0 =	sadd.s32 s4, s0  }
0xfe: {  	v52 =	vld [tilespmem:$0x1FE40];
	[tilespmem:s31], [sflag:$0x3] =	stream.linear.gather [hbm4b:s0+s30], $0x400, $0x38  }
.LBB2_6:
0xff: {  	_ =	swait.ge [sflag:s28], $0x4000  }
0x100: {  	[sflag:s28] =	ssyncset.done $0x0  }
0x101: {  	[sflag:s28] =	ssyncadd.s32 $0xFFFFC000  }
0x102: {  	_ =	swait.ge [sflag:s29], $0x4000  }
0x103: {  	[sflag:s29] =	ssyncset.done $0x0  }
0x104: {  	[sflag:s29] =	ssyncadd.s32 $0xFFFFC000  }
0x105: {  	v0 =	vld [tilespmem:s31+$0x10]  }
0x106: {  	v1 =	vld [tilespmem:s31+$0x210]  }
0x107: {  	v4 =	vld [tilespmem:$0x1FEE0];
	_ =	sdelay $0x1  }
0x108: {  	v5 =	vld [tilespmem:$0x1FEC0]  }
0x109: {  	v0 =	vshll.u32 v0, $0x7  }
0x10a: {  	v2 =	vand.u32 $0x380, v0;
	v0 =	vshll.u32 v1, $0x7  }
0x10b: {  	v3 =	vor.u32 v4, v2;
	v1 =	vand.u32 $0x380, v0  }
0x10c: {  	v0 =	vor.u32 v4, v1  }
0x10d: {  	v7 =	vld [tilespmem:$0x1FEF0];
	v4 =	vor.u32 v5, v2  }
0x10e: {  	v5 =	vor.u32 v5, v1  }
0x10f: {  	v9 =	vld [tilespmem:$0x1FED0]  }
0x110: {  	v3 =	vld.idx.msk [tilespmem:v3+s17+$0x0], $0xffff  }
0x111: {  	v0 =	vld.idx.msk [tilespmem:v0+s18+$0x0], $0xffff  }
0x112: {  	v6 =	vor.u32 v7, v2;
	v4 =	vld.idx.msk [tilespmem:v4+s17+$0x0], $0xffff  }
0x113: {  	v7 =	vor.u32 v7, v1;
	v5 =	vld.idx.msk [tilespmem:v5+s18+$0x0], $0xffff  }
0x114: {  	v13 =	vld [tilespmem:$0x1FF20];
	v8 =	vor.u32 v9, v2  }
0x115: {  	v9 =	vor.u32 v9, v1  }
0x116: {  	v14 =	vld [tilespmem:$0x1FF80]  }
0x117: {  	v6 =	vld.idx.msk [tilespmem:v6+s17+$0x0], $0xffff  }
0x118: {  	v7 =	vld.idx.msk [tilespmem:v7+s18+$0x0], $0xffff;
	v10 =	vmul.f32 v0, v3;
	v12 =	vmul.f32 v5, v4  }
0x119: {  	v11 =	vor.u32 v13, v2;
	v8 =	vld.idx.msk [tilespmem:v8+s17+$0x0], $0xffff;
	v3 =	vmul.f32 v3, v3;
	v4 =	vmul.f32 v4, v4  }
0x11a: {  	v13 =	vor.u32 v13, v1;
	v9 =	vld.idx.msk [tilespmem:v9+s18+$0x0], $0xffff;
	v0 =	vmul.f32 v0, v0;
	v10 =	vadd.f32 $0.0e+00, v10  }
0x11b: {  	v3 =	vadd.f32 v4, v3;
	v4 =	vmul.f32 v5, v5;
	v5 =	vor.u32 v14, v1  }
0x11c: {  	v15 =	vor.u32 v44, v2;
	v10 =	vadd.f32 v12, v10;
	v12 =	vor.u32 v14, v2  }
0x11d: {  	v14 =	vmul.f32 v7, v6;
	v0 =	vadd.f32 v4, v0;
	v4 =	vmul.f32 v7, v7  }
0x11e: {  	v11 =	vld.idx.msk [tilespmem:v11+s17+$0x0], $0xffff;
	v6 =	vmul.f32 v6, v6  }
0x11f: {  	v7 =	vld.idx.msk [tilespmem:v13+s18+$0x0], $0xffff;
	v10 =	vadd.f32 v14, v10;
	v0 =	vadd.f32 v4, v0;
	v4 =	vmul.f32 v9, v8  }
0x120: {  	v13 =	vor.u32 v44, v1;
	v5 =	vld.idx.msk [tilespmem:v5+s18+$0x0], $0xffff  }
0x121: {  	v3 =	vadd.f32 v6, v3;
	v4 =	vadd.f32 v4, v10;
	v10 =	vld.idx.msk [tilespmem:v15+s17+$0x0], $0xffff  }
0x122: {  	v8 =	vmul.f32 v8, v8;
	v9 =	vmul.f32 v9, v9;
	v6 =	vld.idx.msk [tilespmem:v12+s17+$0x0], $0xffff;
	v12 =	vor.u32 v45, v2  }
0x123: {  	v14 =	vor.u32 v45, v1;
	v15 =	vld [tilespmem:$0x1FF10]  }
0x124: {  	v3 =	vadd.f32 v8, v3;
	v0 =	vadd.f32 v9, v0;
	v8 =	vmul.f32 v7, v11  }
0x125: {  	v9 =	vld.idx.msk [tilespmem:v13+s18+$0x0], $0xffff;
	v11 =	vmul.f32 v11, v11;
	v7 =	vmul.f32 v7, v7;
	v13 =	vor.u32 v47, v2  }
0x126: {  	v4 =	vadd.f32 v8, v4  }
0x127: {  	v3 =	vadd.f32 v11, v3;
	v0 =	vadd.f32 v7, v0;
	v8 =	vld.idx.msk [tilespmem:v12+s17+$0x0], $0xffff;
	v12 =	vor.u32 v47, v1  }
0x128: {  	v11 =	vld.idx.msk [tilespmem:v14+s18+$0x0], $0xffff;
	v14 =	vor.u32 v15, v2;
	v7 =	vmul.f32 v5, v6;
	v5 =	vmul.f32 v5, v5  }
0x129: {  	v6 =	vmul.f32 v6, v6  }
0x12a: {  	v4 =	vadd.f32 v7, v4;
	v7 =	vmul.f32 v9, v10;
	v0 =	vadd.f32 v5, v0;
	v5 =	vld.idx.msk [tilespmem:v13+s17+$0x0], $0xffff  }
0x12b: {  	v3 =	vadd.f32 v6, v3;
	v6 =	vmul.f32 v10, v10;
	v13 =	vld [tilespmem:$0x1FF70]  }
0x12c: {  	v15 =	vor.u32 v15, v1;
	v4 =	vadd.f32 v7, v4;
	v7 =	vld.idx.msk [tilespmem:v12+s18+$0x0], $0xffff  }
0x12d: {  	v3 =	vadd.f32 v6, v3;
	v12 =	vmul.f32 v11, v8;
	v6 =	vmul.f32 v8, v8;
	v8 =	vld.idx.msk [tilespmem:v14+s17+$0x0], $0xffff  }
0x12e: {  	v14 =	vld [tilespmem:$0x1FF00]  }
0x12f: {  	v9 =	vmul.f32 v9, v9;
	_ =	sdelay $0x1  }
0x130: {  	v0 =	vadd.f32 v9, v0;
	v9 =	vld.idx.msk [tilespmem:v15+s18+$0x0], $0xffff;
	v10 =	vor.u32 v13, v2  }
0x131: {  	v15 =	vor.u32 v41, v2;
	v13 =	vor.u32 v13, v1;
	v4 =	vadd.f32 v12, v4  }
0x132: {  	v3 =	vadd.f32 v6, v3;
	v6 =	vmul.f32 v11, v11;
	v12 =	vor.u32 v14, v2  }
0x133: {  	v11 =	vor.u32 v14, v1;
	v14 =	vmul.f32 v7, v5;
	v5 =	vmul.f32 v5, v5;
	_ =	sdelay $0x1  }
0x134: {  	v10 =	vld.idx.msk [tilespmem:v10+s17+$0x0], $0xffff;
	v4 =	vadd.f32 v14, v4;
	v3 =	vadd.f32 v5, v3;
	v5 =	vmul.f32 v9, v8  }
0x135: {  	v0 =	vadd.f32 v6, v0;
	v6 =	vmul.f32 v7, v7;
	v7 =	vld.idx.msk [tilespmem:v13+s18+$0x0], $0xffff  }
0x136: {  	v13 =	vor.u32 v41, v1;
	v4 =	vadd.f32 v5, v4;
	v5 =	vld.idx.msk [tilespmem:v15+s17+$0x0], $0xffff  }
0x137: {  	v0 =	vadd.f32 v6, v0;
	v6 =	vld.idx.msk [tilespmem:v12+s17+$0x0], $0xffff;
	v12 =	vor.u32 v42, v2  }
0x138: {  	v8 =	vmul.f32 v8, v8;
	v15 =	vld [tilespmem:$0x1FF30]  }
0x139: {  	v9 =	vmul.f32 v9, v9  }
0x13a: {  	v3 =	vadd.f32 v8, v3;
	v11 =	vld.idx.msk [tilespmem:v11+s18+$0x0], $0xffff;
	v8 =	vmul.f32 v7, v10  }
0x13b: {  	v0 =	vadd.f32 v9, v0;
	v9 =	vld.idx.msk [tilespmem:v13+s18+$0x0], $0xffff  }
0x13c: {  	v4 =	vadd.f32 v8, v4;
	v8 =	vld.idx.msk [tilespmem:v12+s17+$0x0], $0xffff  }
0x13d: {  	v14 =	vor.u32 v42, v1;
	v13 =	vor.u32 v15, v2;
	v12 =	vor.u32 v15, v1;
	v15 =	vld [tilespmem:$0x1FF40];
	_ =	sdelay $0x1  }
0x13e: {  	v7 =	vmul.f32 v7, v7  }
0x13f: {  	v10 =	vmul.f32 v10, v10  }
0x140: {  	v0 =	vadd.f32 v7, v0;
	v7 =	vmul.f32 v11, v6  }
0x141: {  	v3 =	vadd.f32 v10, v3;
	v10 =	vld.idx.msk [tilespmem:v14+s18+$0x0], $0xffff;
	v6 =	vmul.f32 v6, v6;
	v14 =	vor.u32 v15, v2  }
0x142: {  	v4 =	vadd.f32 v7, v4  }
0x143: {  	v7 =	vmul.f32 v9, v5;
	v3 =	vadd.f32 v6, v3;
	v5 =	vmul.f32 v5, v5;
	v6 =	vld.idx.msk [tilespmem:v13+s17+$0x0], $0xffff  }
0x144: {  	v13 =	vld [tilespmem:$0x1FF50]  }
0x145: {  	v4 =	vadd.f32 v7, v4;
	v3 =	vadd.f32 v5, v3;
	v7 =	vld.idx.msk [tilespmem:v12+s18+$0x0], $0xffff  }
0x146: {  	v15 =	vor.u32 v15, v1;
	v12 =	vmul.f32 v10, v8;
	v5 =	vmul.f32 v8, v8;
	v8 =	vld.idx.msk [tilespmem:v14+s17+$0x0], $0xffff  }
0x147: {  	v11 =	vmul.f32 v11, v11;
	v14 =	vld [tilespmem:$0x1FF60];
	_ =	sdelay $0x1  }
0x148: {  	v0 =	vadd.f32 v11, v0;
	v9 =	vmul.f32 v9, v9;
	v11 =	vor.u32 v13, v2  }
0x149: {  	v13 =	vor.u32 v13, v1  }
0x14a: {  	v0 =	vadd.f32 v9, v0;
	v4 =	vadd.f32 v12, v4;
	v9 =	vld.idx.msk [tilespmem:v15+s18+$0x0], $0xffff  }
0x14b: {  	v3 =	vadd.f32 v5, v3;
	v5 =	vmul.f32 v10, v10;
	v12 =	vor.u32 v14, v2  }
0x14c: {  	v10 =	vor.u32 v14, v1  }
0x14d: {  	v0 =	vadd.f32 v5, v0;
	v15 =	vor.u32 v43, v2;
	v5 =	vmul.f32 v7, v7;
	v11 =	vld.idx.msk [tilespmem:v11+s17+$0x0], $0xffff  }
0x14e: {  	v14 =	vmul.f32 v7, v6;
	v6 =	vmul.f32 v6, v6;
	v7 =	vld.idx.msk [tilespmem:v13+s18+$0x0], $0xffff;
	v13 =	vor.u32 v43, v1  }
0x14f: {  	v0 =	vadd.f32 v5, v0;
	v5 =	vmul.f32 v9, v8  }
0x150: {  	v4 =	vadd.f32 v14, v4;
	v3 =	vadd.f32 v6, v3;
	v6 =	vld.idx.msk [tilespmem:v12+s17+$0x0], $0xffff;
	v12 =	vor.u32 v46, v2  }
0x151: {  	v8 =	vmul.f32 v8, v8;
	v9 =	vmul.f32 v9, v9;
	v14 =	vor.u32 v46, v1;
	v10 =	vld.idx.msk [tilespmem:v10+s18+$0x0], $0xffff  }
0x152: {  	v4 =	vadd.f32 v5, v4;
	v5 =	vld.idx.msk [tilespmem:v15+s17+$0x0], $0xffff  }
0x153: {  	v0 =	vadd.f32 v9, v0;
	v3 =	vadd.f32 v8, v3;
	v8 =	vmul.f32 v7, v11;
	v9 =	vld.idx.msk [tilespmem:v13+s18+$0x0], $0xffff  }
0x154: {  	v11 =	vmul.f32 v11, v11;
	v7 =	vmul.f32 v7, v7;
	v13 =	vor.u32 v61, v2  }
0x155: {  	v4 =	vadd.f32 v8, v4;
	v8 =	vld.idx.msk [tilespmem:v12+s17+$0x0], $0xffff;
	v12 =	vor.u32 v61, v1  }
0x156: {  	v3 =	vadd.f32 v11, v3;
	v0 =	vadd.f32 v7, v0;
	v11 =	vld.idx.msk [tilespmem:v14+s18+$0x0], $0xffff;
	v7 =	vmul.f32 v10, v6  }
0x157: {  	v47 =	vld [tilespmem:$0x1FE50];
	v15 =	vor.u32 v62, v1;
	v6 =	vmul.f32 v6, v6;
	v10 =	vmul.f32 v10, v10  }
0x158: {  	v46 =	vld [tilespmem:$0x1FE60];
	v14 =	vor.u32 v62, v2;
	v4 =	vadd.f32 v7, v4;
	v7 =	vmul.f32 v9, v5  }
0x159: {  	v3 =	vadd.f32 v6, v3;
	v0 =	vadd.f32 v10, v0;
	v6 =	vld.idx.msk [tilespmem:v13+s17+$0x0], $0xffff;
	v5 =	vmul.f32 v5, v5  }
0x15a: {  	v10 =	vor.u32 v63, v2;
	v9 =	vmul.f32 v9, v9;
	v4 =	vadd.f32 v7, v4;
	v7 =	vld.idx.msk [tilespmem:v12+s18+$0x0], $0xffff  }
0x15b: {  	v45 =	vld [tilespmem:$0x1FE70];
	v13 =	vor.u32 v63, v1;
	v12 =	vmul.f32 v11, v8  }
0x15c: {  	v3 =	vadd.f32 v5, v3;
	v0 =	vadd.f32 v9, v0;
	v9 =	vld.idx.msk [tilespmem:v15+s18+$0x0], $0xffff;
	v5 =	vmul.f32 v8, v8  }
0x15d: {  	v8 =	vld.idx.msk [tilespmem:v14+s17+$0x0], $0xffff;
	v4 =	vadd.f32 v12, v4;
	v12 =	vor.u32 v47, v2  }
0x15e: {  	v3 =	vadd.f32 v5, v3;
	v5 =	vmul.f32 v11, v11;
	v11 =	vor.u32 v47, v1  }
0x15f: {  	v15 =	vor.u32 v46, v2;
	v10 =	vld.idx.msk [tilespmem:v10+s17+$0x0], $0xffff;
	v14 =	vmul.f32 v7, v6;
	v6 =	vmul.f32 v6, v6  }
0x160: {  	v0 =	vadd.f32 v5, v0;
	v5 =	vmul.f32 v7, v7;
	v7 =	vld.idx.msk [tilespmem:v13+s18+$0x0], $0xffff;
	v13 =	vor.u32 v46, v1  }
0x161: {  	v44 =	vld [tilespmem:$0x1FE80];
	v4 =	vadd.f32 v14, v4;
	v3 =	vadd.f32 v6, v3  }
0x162: {  	v0 =	vadd.f32 v5, v0;
	v5 =	vmul.f32 v9, v8;
	v6 =	vld.idx.msk [tilespmem:v12+s17+$0x0], $0xffff;
	v12 =	vor.u32 v45, v2  }
0x163: {  	v8 =	vmul.f32 v8, v8;
	v9 =	vmul.f32 v9, v9;
	v11 =	vld.idx.msk [tilespmem:v11+s18+$0x0], $0xffff  }
0x164: {  	v14 =	vor.u32 v45, v1;
	v4 =	vadd.f32 v5, v4;
	v5 =	vld.idx.msk [tilespmem:v15+s17+$0x0], $0xffff  }
0x165: {  	v3 =	vadd.f32 v8, v3;
	v0 =	vadd.f32 v9, v0;
	v8 =	vmul.f32 v7, v10;
	v9 =	vld.idx.msk [tilespmem:v13+s18+$0x0], $0xffff  }
0x166: {  	v43 =	vld [tilespmem:$0x1FE90];
	v7 =	vmul.f32 v7, v7;
	v13 =	vor.u32 v44, v2  }
0x167: {  	v10 =	vmul.f32 v10, v10;
	v4 =	vadd.f32 v8, v4;
	v8 =	vld.idx.msk [tilespmem:v12+s17+$0x0], $0xffff;
	v12 =	vor.u32 v44, v1  }
0x168: {  	v0 =	vadd.f32 v7, v0;
	v7 =	vmul.f32 v11, v6  }
0x169: {  	v42 =	vld [tilespmem:$0x1FEA0];
	v3 =	vadd.f32 v10, v3;
	v6 =	vmul.f32 v6, v6  }
0x16a: {  	v10 =	vld.idx.msk [tilespmem:v14+s18+$0x0], $0xffff;
	v4 =	vadd.f32 v7, v4;
	v7 =	vmul.f32 v9, v5  }
0x16b: {  	v14 =	vor.u32 v43, v2;
	v3 =	vadd.f32 v6, v3;
	v6 =	vld.idx.msk [tilespmem:v13+s17+$0x0], $0xffff  }
0x16c: {  	v15 =	vor.u32 v43, v1;
	v11 =	vmul.f32 v11, v11;
	v4 =	vadd.f32 v7, v4;
	v7 =	vld.idx.msk [tilespmem:v12+s18+$0x0], $0xffff  }
0x16d: {  	v41 =	vld [tilespmem:$0x1FEB0]  }
0x16e: {  	v16 =	vld [tilespmem:$0x1FC30];
	v0 =	vadd.f32 v11, v0;
	v5 =	vmul.f32 v5, v5  }
0x16f: {  	v11 =	vor.u32 v42, v2;
	v9 =	vmul.f32 v9, v9;
	v12 =	vmul.f32 v10, v8  }
0x170: {  	v13 =	vor.u32 v42, v1;
	v3 =	vadd.f32 v5, v3;
	v5 =	vmul.f32 v8, v8;
	v8 =	vld.idx.msk [tilespmem:v14+s17+$0x0], $0xffff  }
0x171: {  	v0 =	vadd.f32 v9, v0;
	v9 =	vld.idx.msk [tilespmem:v15+s18+$0x0], $0xffff;
	v4 =	vadd.f32 v12, v4;
	v14 =	vmul.f32 v7, v6  }
0x172: {  	v12 =	vor.u32 v41, v2;
	v3 =	vadd.f32 v5, v3;
	v5 =	vmul.f32 v10, v10  }
0x173: {  	v15 =	vor.u32 v16, v2;
	v4 =	vadd.f32 v14, v4;
	v14 =	vld [tilespmem:$0x1FC40]  }
0x174: {  	v0 =	vadd.f32 v5, v0;
	v5 =	vmul.f32 v7, v7  }
0x175: {  	v11 =	vld.idx.msk [tilespmem:v11+s17+$0x0], $0xffff;
	v6 =	vmul.f32 v6, v6  }
0x176: {  	v10 =	vor.u32 v41, v1;
	v7 =	vld.idx.msk [tilespmem:v13+s18+$0x0], $0xffff;
	v0 =	vadd.f32 v5, v0;
	v5 =	vmul.f32 v9, v8  }
0x177: {  	v13 =	vor.u32 v16, v1;
	v3 =	vadd.f32 v6, v3;
	v6 =	vld.idx.msk [tilespmem:v12+s17+$0x0], $0xffff  }
0x178: {  	v4 =	vadd.f32 v5, v4;
	v5 =	vld.idx.msk [tilespmem:v15+s17+$0x0], $0xffff;
	v12 =	vor.u32 v14, v2  }
0x179: {  	v8 =	vmul.f32 v8, v8;
	v15 =	vld [tilespmem:$0x1FC50]  }
0x17a: {  	v9 =	vmul.f32 v9, v9  }
0x17b: {  	v10 =	vld.idx.msk [tilespmem:v10+s18+$0x0], $0xffff;
	v3 =	vadd.f32 v8, v3;
	v8 =	vmul.f32 v7, v11  }
0x17c: {  	v0 =	vadd.f32 v9, v0;
	v9 =	vld.idx.msk [tilespmem:v13+s18+$0x0], $0xffff  }
0x17d: {  	v4 =	vadd.f32 v8, v4;
	v8 =	vld.idx.msk [tilespmem:v12+s17+$0x0], $0xffff  }
0x17e: {  	v14 =	vor.u32 v14, v1;
	v13 =	vor.u32 v15, v2;
	v12 =	vor.u32 v15, v1;
	v15 =	vld [tilespmem:$0x1FC60]  }
0x17f: {  	v11 =	vmul.f32 v11, v11  }
0x180: {  	v7 =	vmul.f32 v7, v7  }
0x181: {  	v3 =	vadd.f32 v11, v3  }
0x182: {  	v0 =	vadd.f32 v7, v0;
	v7 =	vmul.f32 v10, v6;
	v6 =	vmul.f32 v6, v6  }
0x183: {  	v11 =	vld.idx.msk [tilespmem:v14+s18+$0x0], $0xffff;
	v14 =	vor.u32 v15, v2  }
0x184: {  	v3 =	vadd.f32 v6, v3;
	v6 =	vld.idx.msk [tilespmem:v13+s17+$0x0], $0xffff  }
0x185: {  	v4 =	vadd.f32 v7, v4;
	v7 =	vmul.f32 v9, v5;
	v13 =	vld [tilespmem:$0x1FC70]  }
0x186: {  	v16 =	vld [tilespmem:$0x1FC90];
	v5 =	vmul.f32 v5, v5;
	v15 =	vor.u32 v15, v1  }
0x187: {  	v10 =	vmul.f32 v10, v10;
	v4 =	vadd.f32 v7, v4;
	v7 =	vld.idx.msk [tilespmem:v12+s18+$0x0], $0xffff  }
0x188: {  	v3 =	vadd.f32 v5, v3;
	v12 =	vmul.f32 v11, v8;
	v5 =	vmul.f32 v8, v8;
	v8 =	vld.idx.msk [tilespmem:v14+s17+$0x0], $0xffff  }
0x189: {  	v0 =	vadd.f32 v10, v0;
	v9 =	vmul.f32 v9, v9;
	v14 =	vld [tilespmem:$0x1FC80]  }
0x18a: {  	v10 =	vor.u32 v13, v2  }
0x18b: {  	v0 =	vadd.f32 v9, v0;
	v3 =	vadd.f32 v5, v3;
	v5 =	vmul.f32 v11, v11;
	v9 =	vld.idx.msk [tilespmem:v15+s18+$0x0], $0xffff  }
0x18c: {  	v13 =	vor.u32 v13, v1;
	v4 =	vadd.f32 v12, v4  }
0x18d: {  	v0 =	vadd.f32 v5, v0;
	v15 =	vor.u32 v16, v2;
	v5 =	vmul.f32 v7, v7  }
0x18e: {  	v12 =	vor.u32 v14, v2;
	v11 =	vor.u32 v14, v1;
	v14 =	vmul.f32 v7, v6  }
0x18f: {  	v10 =	vld.idx.msk [tilespmem:v10+s17+$0x0], $0xffff  }
0x190: {  	v0 =	vadd.f32 v5, v0;
	v5 =	vmul.f32 v9, v8;
	v4 =	vadd.f32 v14, v4;
	v14 =	vld [tilespmem:$0x1FCA0]  }
0x191: {  	v7 =	vld.idx.msk [tilespmem:v13+s18+$0x0], $0xffff  }
0x192: {  	v4 =	vadd.f32 v5, v4;
	v5 =	vld.idx.msk [tilespmem:v15+s17+$0x0], $0xffff  }
0x193: {  	v6 =	vmul.f32 v6, v6;
	v13 =	vor.u32 v16, v1;
	v15 =	vld [tilespmem:$0x1FCB0]  }
0x194: {  	v8 =	vmul.f32 v8, v8  }
0x195: {  	v9 =	vmul.f32 v9, v9;
	v3 =	vadd.f32 v6, v3;
	v6 =	vld.idx.msk [tilespmem:v12+s17+$0x0], $0xffff;
	v12 =	vor.u32 v14, v2  }
0x196: {  	v11 =	vld.idx.msk [tilespmem:v11+s18+$0x0], $0xffff  }
0x197: {  	v0 =	vadd.f32 v9, v0;
	v3 =	vadd.f32 v8, v3;
	v8 =	vmul.f32 v7, v10  }
0x198: {  	v9 =	vld.idx.msk [tilespmem:v13+s18+$0x0], $0xffff;
	v10 =	vmul.f32 v10, v10;
	v7 =	vmul.f32 v7, v7;
	v13 =	vor.u32 v15, v2  }
0x199: {  	v4 =	vadd.f32 v8, v4  }
0x19a: {  	v14 =	vor.u32 v14, v1;
	v3 =	vadd.f32 v10, v3;
	v0 =	vadd.f32 v7, v0;
	v8 =	vld.idx.msk [tilespmem:v12+s17+$0x0], $0xffff  }
0x19b: {  	v7 =	vmul.f32 v11, v6;
	v6 =	vmul.f32 v6, v6;
	v12 =	vor.u32 v15, v1;
	v15 =	vld [tilespmem:$0x1FCC0];
	_ =	sdelay $0x1  }
0x19c: {  	v3 =	vadd.f32 v6, v3;
	v6 =	vld.idx.msk [tilespmem:v13+s17+$0x0], $0xffff  }
0x19d: {  	v13 =	vld [tilespmem:$0x1FCD0];
	_ =	sdelay $0x1  }
0x19e: {  	v11 =	vmul.f32 v11, v11;
	v10 =	vld.idx.msk [tilespmem:v14+s18+$0x0], $0xffff;
	v14 =	vor.u32 v15, v2  }
0x19f: {  	v4 =	vadd.f32 v7, v4;
	v7 =	vmul.f32 v9, v5  }
0x1a0: {  	v17 =	vld [tilespmem:$0x1FD70];
	v0 =	vadd.f32 v11, v0;
	v5 =	vmul.f32 v5, v5;
	v15 =	vor.u32 v15, v1  }
0x1a1: {  	v16 =	vld [tilespmem:$0x1FCF0];
	v9 =	vmul.f32 v9, v9;
	v11 =	vor.u32 v13, v2;
	v13 =	vor.u32 v13, v1  }
0x1a2: {  	v4 =	vadd.f32 v7, v4;
	v3 =	vadd.f32 v5, v3;
	v7 =	vld.idx.msk [tilespmem:v12+s18+$0x0], $0xffff;
	v5 =	vmul.f32 v8, v8  }
0x1a3: {  	v12 =	vmul.f32 v10, v8;
	v8 =	vld.idx.msk [tilespmem:v14+s17+$0x0], $0xffff  }
0x1a4: {  	v0 =	vadd.f32 v9, v0;
	v3 =	vadd.f32 v5, v3;
	v5 =	vmul.f32 v10, v10;
	v14 =	vld [tilespmem:$0x1FCE0]  }
0x1a5: {  	v9 =	vld.idx.msk [tilespmem:v15+s18+$0x0], $0xffff  }
0x1a6: {  	v0 =	vadd.f32 v5, v0;
	v5 =	vld.idx.msk [tilespmem:v13+s18+$0x0], $0xffff  }
0x1a7: {  	v15 =	vor.u32 v16, v2;
	v13 =	vor.u32 v16, v1;
	v16 =	vld [tilespmem:$0x1FD00]  }
0x1a8: {  	v55 =	vld [tilespmem:$0x1FD80];
	v4 =	vadd.f32 v12, v4  }
0x1a9: {  	v56 =	vld [tilespmem:$0x1FD90];
	v12 =	vor.u32 v14, v2;
	v10 =	vor.u32 v14, v1;
	v14 =	vmul.f32 v7, v6  }
0x1aa: {  	v11 =	vld.idx.msk [tilespmem:v11+s17+$0x0], $0xffff;
	v6 =	vmul.f32 v6, v6  }
0x1ab: {  	v57 =	vld [tilespmem:$0x1FDA0];
	v4 =	vadd.f32 v14, v4  }
0x1ac: {  	v58 =	vld [tilespmem:$0x1FDB0];
	v3 =	vadd.f32 v6, v3;
	v6 =	vmul.f32 v7, v7;
	v14 =	vor.u32 v16, v2  }
0x1ad: {  	v7 =	vmul.f32 v9, v8;
	v13 =	vld.idx.msk [tilespmem:v13+s18+$0x0], $0xffff  }
0x1ae: {  	v0 =	vadd.f32 v6, v0;
	v12 =	vld.idx.msk [tilespmem:v12+s17+$0x0], $0xffff  }
0x1af: {  	v4 =	vadd.f32 v7, v4;
	v7 =	vmul.f32 v9, v9;
	v9 =	vmul.f32 v5, v11;
	v6 =	vld.idx.msk [tilespmem:v10+s18+$0x0], $0xffff  }
0x1b0: {  	v8 =	vmul.f32 v8, v8;
	v10 =	vor.u32 v16, v1;
	v16 =	vld [tilespmem:$0x1FD10]  }
0x1b1: {  	v4 =	vadd.f32 v9, v4;
	v9 =	vld.idx.msk [tilespmem:v14+s17+$0x0], $0xffff  }
0x1b2: {  	v3 =	vadd.f32 v8, v3;
	v14 =	vld [tilespmem:$0x1FD20]  }
0x1b3: {  	v8 =	vld.idx.msk [tilespmem:v15+s17+$0x0], $0xffff;
	v11 =	vmul.f32 v11, v11;
	v5 =	vmul.f32 v5, v5;
	v0 =	vadd.f32 v7, v0  }
0x1b4: {  	v59 =	vld [tilespmem:$0x1FDC0]  }
0x1b5: {  	v60 =	vld [tilespmem:$0x1FDD0];
	v3 =	vadd.f32 v11, v3;
	v0 =	vadd.f32 v5, v0;
	v15 =	vor.u32 v16, v2  }
0x1b6: {  	v50 =	vld [tilespmem:$0x1FDE0];
	v7 =	vor.u32 v16, v1;
	v5 =	vmul.f32 v6, v12;
	v12 =	vmul.f32 v12, v12  }
0x1b7: {  	v10 =	vld.idx.msk [tilespmem:v10+s18+$0x0], $0xffff;
	v6 =	vmul.f32 v6, v6;
	v11 =	vor.u32 v14, v2;
	v14 =	vor.u32 v14, v1  }
0x1b8: {  	v16 =	vld [tilespmem:$0x1FD50];
	v4 =	vadd.f32 v5, v4;
	v5 =	vmul.f32 v13, v8  }
0x1b9: {  	v3 =	vadd.f32 v12, v3;
	v0 =	vadd.f32 v6, v0;
	v6 =	vmul.f32 v8, v8;
	v12 =	vld [tilespmem:$0x1FD30]  }
0x1ba: {  	v4 =	vadd.f32 v5, v4;
	v5 =	vmul.f32 v13, v13;
	v15 =	vld.idx.msk [tilespmem:v15+s17+$0x0], $0xffff  }
0x1bb: {  	v3 =	vadd.f32 v6, v3;
	v7 =	vld.idx.msk [tilespmem:v7+s18+$0x0], $0xffff  }
0x1bc: {  	v6 =	vmul.f32 v10, v9;
	v0 =	vadd.f32 v5, v0;
	v5 =	vmul.f32 v9, v9;
	v9 =	vld.idx.msk [tilespmem:v14+s18+$0x0], $0xffff  }
0x1bd: {  	v14 =	vld [tilespmem:$0x1FD40]  }
0x1be: {  	v48 =	vld [tilespmem:$0x1FDF0];
	v4 =	vadd.f32 v6, v4;
	v6 =	vmul.f32 v10, v10  }
0x1bf: {  	v49 =	vld [tilespmem:$0x1FE00];
	v8 =	vor.u32 v12, v2  }
0x1c0: {  	v51 =	vld [tilespmem:$0x1FE10];
	v12 =	vor.u32 v12, v1;
	v3 =	vadd.f32 v5, v3;
	v0 =	vadd.f32 v6, v0  }
0x1c1: {  	v54 =	vld [tilespmem:$0x1FE20];
	v5 =	vmul.f32 v7, v15;
	v6 =	vmul.f32 v15, v15;
	v15 =	vor.u32 v16, v1  }
0x1c2: {  	v13 =	vor.u32 v14, v2;
	v10 =	vor.u32 v14, v1;
	v14 =	vor.u32 v16, v2;
	v16 =	vld [tilespmem:$0x1FD60]  }
0x1c3: {  	v11 =	vld.idx.msk [tilespmem:v11+s17+$0x0], $0xffff  }
0x1c4: {  	v53 =	vld [tilespmem:$0x1FE30]  }
0x1c5: {  	v52 =	vld [tilespmem:$0x1FE40]  }
0x1c6: {  	v8 =	vld.idx.msk [tilespmem:v8+s17+$0x0], $0xffff  }
0x1c7: {  	v4 =	vadd.f32 v5, v4;
	v5 =	vmul.f32 v7, v7;
	v7 =	vld.idx.msk [tilespmem:v12+s18+$0x0], $0xffff;
	v12 =	vor.u32 v16, v2  }
0x1c8: {  	v3 =	vadd.f32 v6, v3;
	v6 =	vmul.f32 v9, v11;
	v13 =	vld.idx.msk [tilespmem:v13+s17+$0x0], $0xffff;
	v16 =	vor.u32 v16, v1  }
0x1c9: {  	v0 =	vadd.f32 v5, v0;
	v5 =	vmul.f32 v11, v11;
	v11 =	vor.u32 v17, v2;
	v10 =	vld.idx.msk [tilespmem:v10+s18+$0x0], $0xffff  }
0x1ca: {  	v4 =	vadd.f32 v6, v4;
	v6 =	vmul.f32 v9, v9;
	v9 =	vld.idx.msk [tilespmem:v14+s17+$0x0], $0xffff;
	v14 =	vor.u32 v17, v1  }
0x1cb: {  	v15 =	vld.idx.msk [tilespmem:v15+s18+$0x0], $0xffff;
	v3 =	vadd.f32 v5, v3;
	v5 =	vmul.f32 v8, v8;
	v17 =	vor.u32 v55, v2  }
0x1cc: {  	v18 =	vor.u32 v55, v1;
	v0 =	vadd.f32 v6, v0;
	v6 =	vmul.f32 v7, v7;
	v12 =	vld.idx.msk [tilespmem:v12+s17+$0x0], $0xffff  }
0x1cd: {  	v19 =	vor.u32 v56, v2;
	v3 =	vadd.f32 v5, v3;
	v5 =	vmul.f32 v13, v13;
	v16 =	vld.idx.msk [tilespmem:v16+s18+$0x0], $0xffff  }
0x1ce: {  	v20 =	vor.u32 v56, v1;
	v0 =	vadd.f32 v6, v0;
	v11 =	vld.idx.msk [tilespmem:v11+s17+$0x0], $0xffff;
	v6 =	vmul.f32 v10, v10  }
0x1cf: {  	v21 =	vor.u32 v57, v2;
	v14 =	vld.idx.msk [tilespmem:v14+s18+$0x0], $0xffff;
	v3 =	vadd.f32 v5, v3;
	v5 =	vmul.f32 v9, v9  }
0x1d0: {  	v22 =	vor.u32 v57, v1;
	v17 =	vld.idx.msk [tilespmem:v17+s17+$0x0], $0xffff;
	v0 =	vadd.f32 v6, v0;
	v6 =	vmul.f32 v15, v15  }
0x1d1: {  	v23 =	vor.u32 v58, v2;
	v18 =	vld.idx.msk [tilespmem:v18+s18+$0x0], $0xffff;
	v3 =	vadd.f32 v5, v3;
	v5 =	vmul.f32 v12, v12  }
0x1d2: {  	v24 =	vor.u32 v58, v1;
	v19 =	vld.idx.msk [tilespmem:v19+s17+$0x0], $0xffff;
	v0 =	vadd.f32 v6, v0;
	v6 =	vmul.f32 v16, v16  }
0x1d3: {  	v25 =	vor.u32 v59, v2;
	v20 =	vld.idx.msk [tilespmem:v20+s18+$0x0], $0xffff;
	v3 =	vadd.f32 v5, v3;
	v5 =	vmul.f32 v11, v11  }
0x1d4: {  	v26 =	vor.u32 v59, v1;
	v21 =	vld.idx.msk [tilespmem:v21+s17+$0x0], $0xffff;
	v0 =	vadd.f32 v6, v0;
	v6 =	vmul.f32 v14, v14  }
0x1d5: {  	v27 =	vor.u32 v60, v2;
	v22 =	vld.idx.msk [tilespmem:v22+s18+$0x0], $0xffff;
	v3 =	vadd.f32 v5, v3;
	v5 =	vmul.f32 v17, v17  }
0x1d6: {  	v28 =	vor.u32 v60, v1;
	v23 =	vld.idx.msk [tilespmem:v23+s17+$0x0], $0xffff;
	v0 =	vadd.f32 v6, v0;
	v6 =	vmul.f32 v18, v18  }
0x1d7: {  	v29 =	vor.u32 v50, v2;
	v24 =	vld.idx.msk [tilespmem:v24+s18+$0x0], $0xffff;
	v3 =	vadd.f32 v5, v3;
	v5 =	vmul.f32 v19, v19  }
0x1d8: {  	v30 =	vor.u32 v50, v1;
	v25 =	vld.idx.msk [tilespmem:v25+s17+$0x0], $0xffff;
	v0 =	vadd.f32 v6, v0;
	v6 =	vmul.f32 v20, v20  }
0x1d9: {  	v31 =	vor.u32 v48, v2;
	v26 =	vld.idx.msk [tilespmem:v26+s18+$0x0], $0xffff;
	v3 =	vadd.f32 v5, v3;
	v5 =	vmul.f32 v21, v21  }
0x1da: {  	v32 =	vor.u32 v48, v1;
	v27 =	vld.idx.msk [tilespmem:v27+s17+$0x0], $0xffff;
	v0 =	vadd.f32 v6, v0;
	v6 =	vmul.f32 v22, v22  }
0x1db: {  	v33 =	vor.u32 v49, v2;
	v28 =	vld.idx.msk [tilespmem:v28+s18+$0x0], $0xffff;
	v3 =	vadd.f32 v5, v3;
	v5 =	vmul.f32 v23, v23  }
0x1dc: {  	v34 =	vor.u32 v49, v1;
	v29 =	vld.idx.msk [tilespmem:v29+s17+$0x0], $0xffff;
	v0 =	vadd.f32 v6, v0;
	v6 =	vmul.f32 v24, v24  }
0x1dd: {  	v35 =	vor.u32 v51, v2;
	v30 =	vld.idx.msk [tilespmem:v30+s18+$0x0], $0xffff;
	v3 =	vadd.f32 v5, v3;
	v5 =	vmul.f32 v25, v25  }
0x1de: {  	v36 =	vor.u32 v51, v1;
	v31 =	vld.idx.msk [tilespmem:v31+s17+$0x0], $0xffff;
	v0 =	vadd.f32 v6, v0;
	v6 =	vmul.f32 v26, v26  }
0x1df: {  	v37 =	vor.u32 v54, v2;
	v32 =	vld.idx.msk [tilespmem:v32+s18+$0x0], $0xffff;
	v3 =	vadd.f32 v5, v3;
	v5 =	vmul.f32 v27, v27  }
0x1e0: {  	v38 =	vor.u32 v54, v1;
	v33 =	vld.idx.msk [tilespmem:v33+s17+$0x0], $0xffff;
	v0 =	vadd.f32 v6, v0;
	v6 =	vmul.f32 v28, v28  }
0x1e1: {  	v39 =	vor.u32 v53, v2;
	v34 =	vld.idx.msk [tilespmem:v34+s18+$0x0], $0xffff;
	v3 =	vadd.f32 v5, v3;
	v5 =	vmul.f32 v29, v29  }
0x1e2: {  	v40 =	vor.u32 v53, v1;
	v35 =	vld.idx.msk [tilespmem:v35+s17+$0x0], $0xffff;
	v0 =	vadd.f32 v6, v0;
	v6 =	vmul.f32 v30, v30  }
0x1e3: {  	v36 =	vld.idx.msk [tilespmem:v36+s18+$0x0], $0xffff;
	v2 =	vor.u32 v52, v2;
	v3 =	vadd.f32 v5, v3;
	v5 =	vmul.f32 v31, v31  }
0x1e4: {  	v37 =	vld.idx.msk [tilespmem:v37+s17+$0x0], $0xffff;
	v1 =	vor.u32 v52, v1;
	v0 =	vadd.f32 v6, v0;
	v6 =	vmul.f32 v32, v32  }
0x1e5: {  	v7 =	vmul.f32 v7, v8;
	v8 =	vld.idx.msk [tilespmem:v38+s18+$0x0], $0xffff;
	v3 =	vadd.f32 v5, v3;
	v5 =	vmul.f32 v33, v33  }
0x1e6: {  	v38 =	vld.idx.msk [tilespmem:v39+s17+$0x0], $0xffff;
	v0 =	vadd.f32 v6, v0;
	v6 =	vmul.f32 v34, v34  }
0x1e7: {  	v4 =	vadd.f32 v7, v4;
	v7 =	vld.idx.msk [tilespmem:v40+s18+$0x0], $0xffff;
	v3 =	vadd.f32 v5, v3;
	v5 =	vmul.f32 v35, v35  }
0x1e8: {  	v10 =	vmul.f32 v10, v13;
	v2 =	vld.idx.msk [tilespmem:v2+s17+$0x0], $0xffff;
	v0 =	vadd.f32 v6, v0;
	v6 =	vmul.f32 v36, v36  }
0x1e9: {  	v1 =	vld.idx.msk [tilespmem:v1+s18+$0x0], $0xffff;
	v3 =	vadd.f32 v5, v3;
	v5 =	vmul.f32 v37, v37  }
0x1ea: {  	v4 =	vadd.f32 v10, v4;
	v0 =	vadd.f32 v6, v0;
	v6 =	vmul.f32 v8, v8  }
0x1eb: {  	v9 =	vmul.f32 v15, v9;
	v3 =	vadd.f32 v5, v3;
	v5 =	vmul.f32 v38, v38  }
0x1ec: {  	v0 =	vadd.f32 v6, v0;
	v6 =	vmul.f32 v7, v7  }
0x1ed: {  	v4 =	vadd.f32 v9, v4;
	v9 =	vmul.f32 v16, v12;
	v3 =	vadd.f32 v5, v3  }
0x1ee: {  	v0 =	vadd.f32 v6, v0;
	v5 =	vmul.f32 v2, v2;
	v6 =	vmul.f32 v1, v1  }
0x1ef: {  	v4 =	vadd.f32 v9, v4;
	v9 =	vmul.f32 v14, v11  }
0x1f0: {  	v3 =	vadd.f32 v5, v3;
	v0 =	vadd.f32 v6, v0  }
0x1f1: {  	v4 =	vadd.f32 v9, v4  }
0x1f2: {  	v5 =	vmul.f32 v18, v17;
	v3 =	vmax.f32 v3, $1.000000020e-16;
	v0 =	vmax.f32 v0, $1.000000020e-16  }
0x1f3: {  	v0 =	vmul.f32 v0, v3  }
0x1f4: {  	v3 =	vadd.f32 v5, v4  }
0x1f5: {  	v4 =	vmul.f32 v20, v19;
	v5 =	vshra.s32 v0, $0x1;
	v0 =	vmul.f32 $5.000000000e-01, v0  }
0x1f6: {  	v5 =	vsub.s32 $0x5F3759DF, v5  }
0x1f7: {  	v3 =	vadd.f32 v4, v3;
	v4 =	vmul.f32 v22, v21;
	v6 =	vmul.f32 v5, v0;
	_ =	sdelay $0x1  }
0x1f8: {  	v3 =	vadd.f32 v4, v3;
	v4 =	vmul.f32 v24, v23;
	v6 =	vmul.f32 v5, v6;
	_ =	sdelay $0x1  }
0x1f9: {  	v3 =	vadd.f32 v4, v3;
	v4 =	vmul.f32 v26, v25;
	v6 =	vsub.f32 $1.500000000e+00, v6;
	_ =	sdelay $0x1  }
0x1fa: {  	v3 =	vadd.f32 v4, v3;
	v4 =	vmul.f32 v28, v27;
	v5 =	vmul.f32 v5, v6;
	_ =	sdelay $0x1  }
0x1fb: {  	v3 =	vadd.f32 v4, v3;
	v4 =	vmul.f32 v30, v29;
	v6 =	vmul.f32 v5, v0;
	_ =	sdelay $0x1  }
0x1fc: {  	v3 =	vadd.f32 v4, v3;
	v4 =	vmul.f32 v32, v31;
	v6 =	vmul.f32 v6, v5  }
0x1fd: {  	v10 =	vld [tilespmem:$0x1FED0]  }
0x1fe: {  	v15 =	vld [tilespmem:$0x1FF80];
	v3 =	vadd.f32 v4, v3;
	v4 =	vmul.f32 v34, v33;
	v6 =	vsub.f32 $1.500000000e+00, v6  }
0x1ff: {  	v14 =	vld [tilespmem:$0x1FF20]  }
0x200: {  	v18 =	vld [tilespmem:$0x1FFA0];
	v3 =	vadd.f32 v4, v3;
	v4 =	vmul.f32 v36, v35;
	v5 =	vmul.f32 v6, v5  }
0x201: {  	v17 =	vld [tilespmem:$0x1FF90]  }
0x202: {  	v20 =	vld [tilespmem:$0x1FF10];
	v3 =	vadd.f32 v4, v3;
	v4 =	vmul.f32 v8, v37;
	v0 =	vmul.f32 v5, v0  }
0x203: {  	v19 =	vld [tilespmem:$0x1FFB0]  }
0x204: {  	v22 =	vld [tilespmem:$0x1FF00];
	v3 =	vadd.f32 v4, v3;
	v4 =	vmul.f32 v7, v38;
	v0 =	vmul.f32 v0, v5  }
0x205: {  	v21 =	vld [tilespmem:$0x1FF70]  }
0x206: {  	v1 =	vmul.f32 v1, v2;
	v24 =	vld [tilespmem:$0x1FFD0];
	v3 =	vadd.f32 v4, v3;
	v0 =	vsub.f32 $1.500000000e+00, v0  }
0x207: {  	v23 =	vld [tilespmem:$0x1FFC0]  }
0x208: {  	v26 =	vld [tilespmem:$0x1FF40];
	v1 =	vadd.f32 v1, v3;
	v0 =	vmul.f32 v0, v5  }
0x209: {  	v25 =	vld [tilespmem:$0x1FF30]  }
0x20a: {  	s30 =	sadd.s32 $0x80, s30;
	v28 =	vld [tilespmem:$0x1FF60];
	v0 =	vmul.f32 v0, v1  }
0x20b: {  	p0 =	sne.s32 s30, $0x800;
	v27 =	vld [tilespmem:$0x1FF50]  }
.Ltmp4:
0x20c: {  	v30 =	vld [tilespmem:$0x1FFF0];
	v0 =	vmul.f32 $2.250000000e+00, v0;
	(pc) =	sbr.rel @!p0 .LBB2_7-.Ltmp4, $4  }
0x20d: {  	v29 =	vld [tilespmem:$0x1FFE0]  }
0x20e: {  	v6 =	vld [tilespmem:$0x1FEC0];
	v0 =	vadd.f32 $2.750000000e+00, v0  }
0x20f: {  	v39 =	vmovc v42;
	v40 =	vmovc v41;
	v32 =	vmov v62;
	v31 =	vmov v61;
	v34 =	vmov v47;
	v8 =	vld [tilespmem:$0x1FEF0]  }
0x210: {  	v33 =	vmovc v63;
	v36 =	vmovc v45;
	v35 =	vmov v46;
	v37 =	vmov v44;
	v38 =	vmov v43;
	[tilespmem:s31+$0x10810] =	vst v0;
	v0 =	vld [tilespmem:$0x1FEE0]  }
.LBB2_4:
0x211: {  	s31 =	sshra.s32 s30, $0x2  }
0x212: {  	v1 =	vld [tilespmem:s31+$0x410];
	_ =	sdelay $0x2  }
0x213: {  	v3 =	vld [tilespmem:s31+$0x610];
	_ =	sdelay $0x1  }
0x214: {  	v2 =	vshll.u32 v1, $0x7  }
0x215: {  	(v2sf) =	vpush v2, $0x0;
	_ =	sdelay $0x1  }
0x216: {  	v16 =	vshll.u32 v3, $0x7  }
0x217: {  	(v2sf) =	vpush v16, $0x0;
	_ =	sdelay $0x2  }
0x218: {  	(v2sf) =	vpush v2, $0x1;
	_ =	sdelay $0x4  }
0x219: {  	(v2sf) =	vpush v16, $0x1;
	_ =	sdelay $0x3  }
0x21a: {  	s0 =	spop (v2sf);
	(v2sf) =	vpush v2, $0x2;
	_ =	sdelay $0x1  }
0x21b: {  	s0 =	sand.u32 $0x1FFFFF80, s0  }
0x21c: {  	s2 =	spop (v2sf);
	s0 =	sadd.s32 s3, s0  }
0x21d: {  	(v2sf) =	vpush v16, $0x2;
	[tilespmem:s17], [sflag:$0x2] =	stream.linear.gather [hbm4b:s0+s1], $0x400, $0x38;
	[tilespmem:$0x10A00] =	vst v63  }
0x21e: {  	s0 =	sand.u32 $0x1FFFFF80, s2  }
0x21f: {  	s2 =	spop (v2sf);
	s0 =	sadd.s32 s4, s0  }
0x220: {  	[tilespmem:s18], [sflag:$0x4] =	stream.linear.gather [hbm4b:s0+s1], $0x400, $0x38;
	[tilespmem:$0x10A00] =	vst v63  }
0x221: {  	(v2sf) =	vpush v2, $0x3;
	s0 =	sand.u32 $0x1FFFFF80, s2  }
0x222: {  	s2 =	simm.s32 $0x4C00;
	s0 =	sadd.s32 s3, s0  }
0x223: {  	[tilespmem:s2], [sflag:$0x2] =	stream.linear.gather [hbm4b:s0+s1], $0x400, $0x38;
	[tilespmem:$0x10A00] =	vst v63  }
0x224: {  	s2 =	spop (v2sf)  }
0x225: {  	(v2sf) =	vpush v16, $0x3;
	s0 =	sand.u32 $0x1FFFFF80, s2  }
0x226: {  	s2 =	simm.s32 $0xCC00;
	s0 =	sadd.s32 s4, s0  }
0x227: {  	[tilespmem:s2], [sflag:$0x4] =	stream.linear.gather [hbm4b:s0+s1], $0x400, $0x38;
	[tilespmem:$0x10A00] =	vst v63  }
0x228: {  	s2 =	spop (v2sf)  }
0x229: {  	(v2sf) =	vpush v2, $0x4;
	s0 =	sand.u32 $0x1FFFFF80, s2  }
0x22a: {  	s2 =	simm.s32 $0x5000;
	s0 =	sadd.s32 s3, s0  }
0x22b: {  	[tilespmem:s2], [sflag:$0x2] =	stream.linear.gather [hbm4b:s0+s1], $0x400, $0x38;
	[tilespmem:$0x10A00] =	vst v63  }
0x22c: {  	s2 =	spop (v2sf)  }
0x22d: {  	(v2sf) =	vpush v16, $0x4;
	s0 =	sand.u32 $0x1FFFFF80, s2  }
0x22e: {  	s2 =	simm.s32 $0xD000;
	s0 =	sadd.s32 s4, s0  }
0x22f: {  	[tilespmem:s2], [sflag:$0x4] =	stream.linear.gather [hbm4b:s0+s1], $0x400, $0x38;
	[tilespmem:$0x10A00] =	vst v63  }
0x230: {  	s2 =	spop (v2sf)  }
0x231: {  	(v2sf) =	vpush v2, $0x5;
	s0 =	sand.u32 $0x1FFFFF80, s2  }
0x232: {  	s2 =	simm.s32 $0x5400;
	s0 =	sadd.s32 s3, s0  }
0x233: {  	[tilespmem:s2], [sflag:$0x2] =	stream.linear.gather [hbm4b:s0+s1], $0x400, $0x38;
	[tilespmem:$0x10A00] =	vst v63  }
0x234: {  	s2 =	spop (v2sf)  }
0x235: {  	(v2sf) =	vpush v16, $0x5;
	s0 =	sand.u32 $0x1FFFFF80, s2  }
0x236: {  	s2 =	simm.s32 $0xD400;
	s0 =	sadd.s32 s4, s0  }
0x237: {  	[tilespmem:s2], [sflag:$0x4] =	stream.linear.gather [hbm4b:s0+s1], $0x400, $0x38;
	[tilespmem:$0x10A00] =	vst v63  }
0x238: {  	s2 =	spop (v2sf)  }
0x239: {  	(v2sf) =	vpush v2, $0x6;
	s0 =	sand.u32 $0x1FFFFF80, s2  }
0x23a: {  	s2 =	simm.s32 $0x5800;
	s0 =	sadd.s32 s3, s0  }
0x23b: {  	[tilespmem:s2], [sflag:$0x2] =	stream.linear.gather [hbm4b:s0+s1], $0x400, $0x38;
	[tilespmem:$0x10A00] =	vst v63  }
0x23c: {  	s2 =	spop (v2sf)  }
0x23d: {  	(v2sf) =	vpush v16, $0x6;
	s0 =	sand.u32 $0x1FFFFF80, s2  }
0x23e: {  	s2 =	simm.s32 $0xD800;
	s0 =	sadd.s32 s4, s0  }
0x23f: {  	[tilespmem:s2], [sflag:$0x4] =	stream.linear.gather [hbm4b:s0+s1], $0x400, $0x38;
	[tilespmem:$0x10A00] =	vst v63  }
0x240: {  	s2 =	spop (v2sf)  }
0x241: {  	(v2sf) =	vpush v2, $0x7;
	s0 =	sand.u32 $0x1FFFFF80, s2  }
0x242: {  	s2 =	simm.s32 $0x5C00;
	s0 =	sadd.s32 s3, s0  }
0x243: {  	[tilespmem:s2], [sflag:$0x2] =	stream.linear.gather [hbm4b:s0+s1], $0x400, $0x38;
	[tilespmem:$0x10A00] =	vst v63  }
0x244: {  	s2 =	spop (v2sf)  }
0x245: {  	(v2sf) =	vpush v16, $0x7;
	s0 =	sand.u32 $0x1FFFFF80, s2  }
0x246: {  	s2 =	simm.s32 $0xDC00;
	s0 =	sadd.s32 s4, s0  }
0x247: {  	[tilespmem:s2], [sflag:$0x4] =	stream.linear.gather [hbm4b:s0+s1], $0x400, $0x38;
	[tilespmem:$0x10A00] =	vst v63  }
0x248: {  	s2 =	spop (v2sf)  }
0x249: {  	(v2sf) =	vpush v2, $0x8;
	s0 =	sand.u32 $0x1FFFFF80, s2  }
0x24a: {  	s2 =	simm.s32 $0x6000;
	s0 =	sadd.s32 s3, s0  }
0x24b: {  	[tilespmem:s2], [sflag:$0x2] =	stream.linear.gather [hbm4b:s0+s1], $0x400, $0x38;
	[tilespmem:$0x10A00] =	vst v63  }
0x24c: {  	s2 =	spop (v2sf)  }
0x24d: {  	(v2sf) =	vpush v16, $0x8;
	s0 =	sand.u32 $0x1FFFFF80, s2  }
0x24e: {  	s2 =	simm.s32 $0xE000;
	s0 =	sadd.s32 s4, s0  }
0x24f: {  	[tilespmem:s2], [sflag:$0x4] =	stream.linear.gather [hbm4b:s0+s1], $0x400, $0x38;
	[tilespmem:$0x10A00] =	vst v63  }
0x250: {  	s2 =	spop (v2sf)  }
0x251: {  	(v2sf) =	vpush v2, $0x9;
	s0 =	sand.u32 $0x1FFFFF80, s2  }
0x252: {  	s2 =	simm.s32 $0x6400;
	s0 =	sadd.s32 s3, s0  }
0x253: {  	[tilespmem:s2], [sflag:$0x2] =	stream.linear.gather [hbm4b:s0+s1], $0x400, $0x38;
	[tilespmem:$0x10A00] =	vst v63  }
0x254: {  	s2 =	spop (v2sf)  }
0x255: {  	(v2sf) =	vpush v16, $0x9;
	s0 =	sand.u32 $0x1FFFFF80, s2  }
0x256: {  	s2 =	simm.s32 $0xE400;
	s0 =	sadd.s32 s4, s0  }
0x257: {  	[tilespmem:s2], [sflag:$0x4] =	stream.linear.gather [hbm4b:s0+s1], $0x400, $0x38;
	[tilespmem:$0x10A00] =	vst v63  }
0x258: {  	s2 =	spop (v2sf)  }
0x259: {  	(v2sf) =	vpush v2, $0xA;
	s0 =	sand.u32 $0x1FFFFF80, s2  }
0x25a: {  	s0 =	sadd.s32 s3, s0  }
0x25b: {  	[tilespmem:s10], [sflag:$0x2] =	stream.linear.gather [hbm4b:s0+s1], $0x400, $0x38;
	[tilespmem:$0x10A00] =	vst v63  }
0x25c: {  	s2 =	spop (v2sf)  }
0x25d: {  	(v2sf) =	vpush v16, $0xA;
	s0 =	sand.u32 $0x1FFFFF80, s2  }
0x25e: {  	s0 =	sadd.s32 s4, s0  }
0x25f: {  	[tilespmem:s5], [sflag:$0x4] =	stream.linear.gather [hbm4b:s0+s1], $0x400, $0x38;
	[tilespmem:$0x10A00] =	vst v63  }
0x260: {  	s2 =	spop (v2sf)  }
0x261: {  	(v2sf) =	vpush v2, $0xB;
	s0 =	sand.u32 $0x1FFFFF80, s2  }
0x262: {  	s0 =	sadd.s32 s3, s0  }
0x263: {  	[tilespmem:s6], [sflag:$0x2] =	stream.linear.gather [hbm4b:s0+s1], $0x400, $0x38;
	[tilespmem:$0x10A00] =	vst v63  }
0x264: {  	s2 =	spop (v2sf)  }
0x265: {  	(v2sf) =	vpush v16, $0xB;
	s0 =	sand.u32 $0x1FFFFF80, s2  }
0x266: {  	s0 =	sadd.s32 s4, s0  }
0x267: {  	[tilespmem:s7], [sflag:$0x4] =	stream.linear.gather [hbm4b:s0+s1], $0x400, $0x38;
	[tilespmem:$0x10A00] =	vst v63  }
0x268: {  	s2 =	spop (v2sf)  }
0x269: {  	(v2sf) =	vpush v2, $0xC;
	s0 =	sand.u32 $0x1FFFFF80, s2  }
0x26a: {  	s0 =	sadd.s32 s3, s0  }
0x26b: {  	[tilespmem:s8], [sflag:$0x2] =	stream.linear.gather [hbm4b:s0+s1], $0x400, $0x38;
	[tilespmem:$0x10A00] =	vst v63  }
0x26c: {  	s2 =	spop (v2sf)  }
0x26d: {  	(v2sf) =	vpush v16, $0xC;
	s0 =	sand.u32 $0x1FFFFF80, s2  }
0x26e: {  	s0 =	sadd.s32 s4, s0  }
0x26f: {  	[tilespmem:s9], [sflag:$0x4] =	stream.linear.gather [hbm4b:s0+s1], $0x400, $0x38;
	[tilespmem:$0x10A00] =	vst v63  }
0x270: {  	s2 =	spop (v2sf)  }
0x271: {  	(v2sf) =	vpush v2, $0xD;
	s0 =	sand.u32 $0x1FFFFF80, s2  }
0x272: {  	s0 =	sadd.s32 s3, s0  }
0x273: {  	[tilespmem:s13], [sflag:$0x2] =	stream.linear.gather [hbm4b:s0+s1], $0x400, $0x38;
	[tilespmem:$0x10A00] =	vst v63  }
0x274: {  	s2 =	spop (v2sf)  }
0x275: {  	(v2sf) =	vpush v16, $0xD;
	s0 =	sand.u32 $0x1FFFFF80, s2  }
0x276: {  	s0 =	sadd.s32 s4, s0  }
0x277: {  	[tilespmem:s14], [sflag:$0x4] =	stream.linear.gather [hbm4b:s0+s1], $0x400, $0x38;
	[tilespmem:$0x10A00] =	vst v63  }
0x278: {  	s2 =	spop (v2sf)  }
0x279: {  	(v2sf) =	vpush v2, $0xE;
	s0 =	sand.u32 $0x1FFFFF80, s2  }
0x27a: {  	s0 =	sadd.s32 s3, s0  }
0x27b: {  	[tilespmem:s15], [sflag:$0x2] =	stream.linear.gather [hbm4b:s0+s1], $0x400, $0x38;
	[tilespmem:$0x10A00] =	vst v63  }
0x27c: {  	s2 =	spop (v2sf)  }
0x27d: {  	(v2sf) =	vpush v16, $0xE;
	s0 =	sand.u32 $0x1FFFFF80, s2  }
0x27e: {  	s0 =	sadd.s32 s4, s0  }
0x27f: {  	[tilespmem:s16], [sflag:$0x4] =	stream.linear.gather [hbm4b:s0+s1], $0x400, $0x38;
	[tilespmem:$0x10A00] =	vst v63  }
0x280: {  	s2 =	spop (v2sf)  }
0x281: {  	(v2sf) =	vpush v2, $0xF;
	s0 =	sand.u32 $0x1FFFFF80, s2  }
0x282: {  	s0 =	sadd.s32 s3, s0  }
0x283: {  	[tilespmem:s19], [sflag:$0x2] =	stream.linear.gather [hbm4b:s0+s1], $0x400, $0x38;
	[tilespmem:$0x10A00] =	vst v63  }
0x284: {  	s2 =	spop (v2sf)  }
0x285: {  	(v2sf) =	vpush v16, $0xF;
	s0 =	sand.u32 $0x1FFFFF80, s2  }
0x286: {  	s0 =	sadd.s32 s4, s0  }
0x287: {  	[tilespmem:s20], [sflag:$0x4] =	stream.linear.gather [hbm4b:s0+s1], $0x400, $0x38;
	[tilespmem:$0x10A00] =	vst v63  }
0x288: {  	s2 =	spop (v2sf)  }
0x289: {  	s0 =	sand.u32 $0x1FFFFF80, s2  }
0x28a: {  	s0 =	sadd.s32 s3, s0  }
0x28b: {  	[tilespmem:s21], [sflag:$0x2] =	stream.linear.gather [hbm4b:s0+s1], $0x400, $0x38;
	[tilespmem:$0x10A00] =	vst v63  }
0x28c: {  	s2 =	spop (v2sf)  }
0x28d: {  	s0 =	sand.u32 $0x1FFFFF80, s2  }
0x28e: {  	s0 =	sadd.s32 s4, s0  }
0x28f: {  	[tilespmem:s22], [sflag:$0x4] =	stream.linear.gather [hbm4b:s0+s1], $0x400, $0x38;
	[tilespmem:$0x10A00] =	vst v63  }
0x290: {  	s2 =	spop (v2sf)  }
0x291: {  	s0 =	sand.u32 $0x1FFFFF80, s2  }
0x292: {  	s0 =	sadd.s32 s3, s0  }
0x293: {  	[tilespmem:s23], [sflag:$0x2] =	stream.linear.gather [hbm4b:s0+s1], $0x400, $0x38;
	[tilespmem:$0x10A00] =	vst v63  }
0x294: {  	s2 =	spop (v2sf)  }
0x295: {  	s0 =	sand.u32 $0x1FFFFF80, s2  }
0x296: {  	s0 =	sadd.s32 s4, s0  }
0x297: {  	[tilespmem:s24], [sflag:$0x4] =	stream.linear.gather [hbm4b:s0+s1], $0x400, $0x38;
	[tilespmem:$0x10A00] =	vst v63  }
0x298: {  	_ =	swait.ge [sflag:s25], $0x4000  }
0x299: {  	[sflag:s25] =	ssyncset.done $0x0  }
0x29a: {  	[sflag:s25] =	ssyncadd.s32 $0xFFFFC000  }
0x29b: {  	_ =	swait.ge [sflag:s26], $0x4000  }
0x29c: {  	[sflag:s26] =	ssyncset.done $0x0  }
0x29d: {  	[sflag:s26] =	ssyncadd.s32 $0xFFFFC000  }
0x29e: {  	v41 =	vld [tilespmem:s31+$0x0]  }
0x29f: {  	v42 =	vld [tilespmem:s31+$0x200];
	_ =	sdelay $0x3  }
0x2a0: {  	v1 =	vshll.u32 v41, $0x7  }
0x2a1: {  	v43 =	vshll.u32 v42, $0x7;
	v2 =	vand.u32 $0x380, v1  }
0x2a2: {  	v1 =	vand.u32 $0x380, v43;
	v44 =	vor.u32 v0, v2  }
0x2a3: {  	v4 =	vor.u32 v0, v1  }
0x2a4: {  	v5 =	vor.u32 v6, v2  }
0x2a5: {  	v45 =	vor.u32 v6, v1  }
0x2a6: {  	v7 =	vor.u32 v8, v2  }
0x2a7: {  	v46 =	vor.u32 v8, v1;
	v3 =	vld.idx.msk [tilespmem:v44+s11+$0x0], $0xffff  }
0x2a8: {  	v9 =	vor.u32 v10, v2;
	v4 =	vld.idx.msk [tilespmem:v4+s12+$0x0], $0xffff  }
0x2a9: {  	v47 =	vor.u32 v10, v1;
	v5 =	vld.idx.msk [tilespmem:v5+s11+$0x0], $0xffff  }
0x2aa: {  	v6 =	vld.idx.msk [tilespmem:v45+s12+$0x0], $0xffff  }
0x2ab: {  	v7 =	vld.idx.msk [tilespmem:v7+s11+$0x0], $0xffff  }
0x2ac: {  	v12 =	vor.u32 v14, v2;
	v8 =	vld.idx.msk [tilespmem:v46+s12+$0x0], $0xffff  }
0x2ad: {  	v61 =	vor.u32 v14, v1;
	v9 =	vld.idx.msk [tilespmem:v9+s11+$0x0], $0xffff  }
0x2ae: {  	v62 =	vor.u32 v15, v2;
	v10 =	vld.idx.msk [tilespmem:v47+s12+$0x0], $0xffff  }
0x2af: {  	v16 =	vor.u32 v17, v2;
	v11 =	vmul.f32 v4, v3;
	v13 =	vmul.f32 v6, v5  }
0x2b0: {  	v43 =	vor.u32 v17, v1;
	v3 =	vmul.f32 v3, v3;
	v5 =	vmul.f32 v5, v5  }
0x2b1: {  	v12 =	vld.idx.msk [tilespmem:v12+s11+$0x0], $0xffff;
	v46 =	vor.u32 v19, v1;
	v4 =	vmul.f32 v4, v4;
	v63 =	vmul.f32 v6, v6  }
0x2b2: {  	v6 =	vor.u32 v15, v1;
	v0 =	vmul.f32 v8, v7;
	v41 =	vmul.f32 v8, v8;
	v8 =	vld.idx.msk [tilespmem:v61+s12+$0x0], $0xffff  }
0x2b3: {  	v7 =	vmul.f32 v7, v7;
	v61 =	vmul.f32 v10, v9;
	v11 =	vadd.f32 $0.0e+00, v11  }
0x2b4: {  	v62 =	vld.idx.msk [tilespmem:v62+s11+$0x0], $0xffff;
	v3 =	vadd.f32 v5, v3;
	v4 =	vadd.f32 v63, v4;
	v63 =	vor.u32 v18, v2  }
0x2b5: {  	v45 =	vmovc v18;
	v9 =	vmul.f32 v9, v9;
	v18 =	vor.u32 v18, v1;
	v11 =	vadd.f32 v13, v11  }
0x2b6: {  	v10 =	vmul.f32 v10, v10;
	v3 =	vadd.f32 v7, v3;
	v4 =	vadd.f32 v41, v4;
	v41 =	vld.idx.msk [tilespmem:v16+s11+$0x0], $0xffff  }
0x2b7: {  	v6 =	vld.idx.msk [tilespmem:v6+s12+$0x0], $0xffff;
	v42 =	vmul.f32 v8, v12;
	v12 =	vmul.f32 v12, v12;
	v11 =	vadd.f32 v0, v11  }
0x2b8: {  	v3 =	vadd.f32 v9, v3;
	v4 =	vadd.f32 v10, v4;
	v10 =	vld.idx.msk [tilespmem:v43+s12+$0x0], $0xffff;
	v43 =	vor.u32 v19, v2  }
0x2b9: {  	v15 =	vor.u32 v20, v2;
	v8 =	vmul.f32 v8, v8;
	v9 =	vld.idx.msk [tilespmem:v63+s11+$0x0], $0xffff;
	v5 =	vadd.f32 v61, v11  }
0x2ba: {  	v7 =	vmul.f32 v62, v62;
	v63 =	vor.u32 v20, v1;
	v3 =	vadd.f32 v12, v3;
	v12 =	vld.idx.msk [tilespmem:v18+s12+$0x0], $0xffff  }
0x2bb: {  	v47 =	vmovc v19;
	v4 =	vadd.f32 v8, v4;
	v18 =	vor.u32 v24, v2;
	v5 =	vadd.f32 v42, v5  }
0x2bc: {  	v61 =	vmul.f32 v6, v62;
	v6 =	vmul.f32 v6, v6;
	v3 =	vadd.f32 v7, v3;
	v42 =	vld.idx.msk [tilespmem:v46+s12+$0x0], $0xffff  }
0x2bd: {  	v62 =	vmul.f32 v10, v41;
	v19 =	vld.idx.msk [tilespmem:v43+s11+$0x0], $0xffff;
	v41 =	vmul.f32 v41, v41;
	v43 =	vor.u32 v21, v2  }
0x2be: {  	v10 =	vmul.f32 v10, v10;
	v5 =	vadd.f32 v61, v5;
	v61 =	vor.u32 v21, v1  }
0x2bf: {  	v4 =	vadd.f32 v6, v4;
	v46 =	vmul.f32 v12, v9;
	v0 =	vmul.f32 v12, v12  }
0x2c0: {  	v12 =	vor.u32 v22, v1;
	v5 =	vadd.f32 v62, v5;
	v62 =	vmul.f32 v9, v9;
	v9 =	vld.idx.msk [tilespmem:v15+s11+$0x0], $0xffff  }
0x2c1: {  	v21 =	vor.u32 v23, v2;
	v3 =	vadd.f32 v41, v3;
	v4 =	vadd.f32 v10, v4;
	v10 =	vld.idx.msk [tilespmem:v63+s12+$0x0], $0xffff  }
0x2c2: {  	v63 =	vor.u32 v22, v2;
	v22 =	vmul.f32 v42, v42;
	v5 =	vadd.f32 v46, v5;
	v11 =	vld.idx.msk [tilespmem:v43+s11+$0x0], $0xffff  }
0x2c3: {  	v3 =	vadd.f32 v62, v3;
	v20 =	vmul.f32 v42, v19;
	v46 =	vld.idx.msk [tilespmem:v61+s12+$0x0], $0xffff;
	v61 =	vor.u32 v23, v1  }
0x2c4: {  	v41 =	vmovc v23;
	v6 =	vmul.f32 v19, v19;
	v42 =	vmov v24;
	v19 =	vor.u32 v24, v1;
	v24 =	vld.idx.msk [tilespmem:v18+s11+$0x0], $0xffff  }
0x2c5: {  	v4 =	vadd.f32 v0, v4;
	v23 =	vor.u32 v25, v2;
	v5 =	vadd.f32 v20, v5;
	v12 =	vld.idx.msk [tilespmem:v12+s12+$0x0], $0xffff  }
0x2c6: {  	v3 =	vadd.f32 v6, v3;
	v20 =	vld.idx.msk [tilespmem:v21+s11+$0x0], $0xffff;
	v62 =	vmul.f32 v10, v9;
	v9 =	vmul.f32 v9, v9  }
0x2c7: {  	v25 =	vor.u32 v25, v1;
	v4 =	vadd.f32 v22, v4;
	v63 =	vld.idx.msk [tilespmem:v63+s11+$0x0], $0xffff;
	v10 =	vmul.f32 v10, v10  }
0x2c8: {  	v5 =	vadd.f32 v62, v5;
	v3 =	vadd.f32 v9, v3;
	v21 =	vmul.f32 v46, v11;
	v22 =	vld.idx.msk [tilespmem:v61+s12+$0x0], $0xffff  }
0x2c9: {  	v4 =	vadd.f32 v10, v4;
	v11 =	vmul.f32 v11, v11;
	v8 =	vmul.f32 v46, v46;
	v46 =	vld.idx.msk [tilespmem:v19+s12+$0x0], $0xffff  }
0x2ca: {  	v61 =	vor.u32 v26, v2;
	v19 =	vld.idx.msk [tilespmem:v23+s11+$0x0], $0xffff;
	v23 =	vor.u32 v27, v1;
	v5 =	vadd.f32 v21, v5  }
0x2cb: {  	v6 =	vmul.f32 v20, v20;
	v3 =	vadd.f32 v11, v3;
	v4 =	vadd.f32 v8, v4  }
0x2cc: {  	v43 =	vmul.f32 v12, v63;
	v7 =	vmul.f32 v63, v63;
	v63 =	vor.u32 v26, v1  }
0x2cd: {  	v12 =	vmul.f32 v12, v12;
	v21 =	vor.u32 v27, v2;
	v27 =	vor.u32 v28, v2  }
0x2ce: {  	v5 =	vadd.f32 v43, v5;
	v3 =	vadd.f32 v7, v3;
	v62 =	vmul.f32 v22, v20;
	v20 =	vld.idx.msk [tilespmem:v25+s12+$0x0], $0xffff  }
0x2cf: {  	v4 =	vadd.f32 v12, v4;
	v10 =	vmul.f32 v22, v22;
	v22 =	vmul.f32 v46, v24;
	v25 =	vld.idx.msk [tilespmem:v61+s11+$0x0], $0xffff  }
0x2d0: {  	v24 =	vmul.f32 v24, v24;
	v46 =	vmul.f32 v46, v46;
	v61 =	vor.u32 v28, v1;
	v18 =	vld.idx.msk [tilespmem:v23+s12+$0x0], $0xffff  }
0x2d1: {  	v7 =	vmul.f32 v19, v19;
	v3 =	vadd.f32 v6, v3;
	v5 =	vadd.f32 v62, v5;
	v26 =	vld.idx.msk [tilespmem:v63+s12+$0x0], $0xffff  }
0x2d2: {  	v23 =	vor.u32 v30, v1;
	v4 =	vadd.f32 v10, v4;
	v12 =	vld.idx.msk [tilespmem:v21+s11+$0x0], $0xffff;
	v63 =	vor.u32 v29, v2  }
0x2d3: {  	v44 =	vmovc v17;
	v3 =	vadd.f32 v24, v3;
	v5 =	vadd.f32 v22, v5;
	v22 =	vor.u32 v30, v2  }
0x2d4: {  	v21 =	vld.idx.msk [tilespmem:v27+s11+$0x0], $0xffff;
	v27 =	vor.u32 v31, v2;
	v4 =	vadd.f32 v46, v4;
	v62 =	vmul.f32 v20, v19  }
0x2d5: {  	v43 =	vmovc v29;
	v19 =	vor.u32 v29, v1;
	v3 =	vadd.f32 v7, v3;
	v9 =	vmul.f32 v25, v25  }
0x2d6: {  	v17 =	vmul.f32 v20, v20;
	v11 =	vld.idx.msk [tilespmem:v61+s12+$0x0], $0xffff;
	v29 =	vor.u32 v31, v1;
	v20 =	vmul.f32 v26, v25  }
0x2d7: {  	v24 =	vld.idx.msk [tilespmem:v63+s11+$0x0], $0xffff;
	v3 =	vadd.f32 v9, v3;
	v25 =	vmul.f32 v18, v12;
	v12 =	vmul.f32 v12, v12  }
0x2d8: {  	v5 =	vadd.f32 v62, v5;
	v4 =	vadd.f32 v17, v4;
	v10 =	vmul.f32 v26, v26;
	v28 =	vld.idx.msk [tilespmem:v22+s11+$0x0], $0xffff  }
0x2d9: {  	v46 =	vmovc v30;
	v8 =	vmul.f32 v18, v18;
	v61 =	vmov v31;
	v3 =	vadd.f32 v12, v3;
	v12 =	vld.idx.msk [tilespmem:v23+s12+$0x0], $0xffff  }
0x2da: {  	v7 =	vmul.f32 v21, v21;
	v5 =	vadd.f32 v20, v5;
	v4 =	vadd.f32 v10, v4;
	v26 =	vld.idx.msk [tilespmem:v19+s12+$0x0], $0xffff  }
0x2db: {  	v31 =	vor.u32 v32, v2;
	v62 =	vmovc v32;
	v30 =	vmul.f32 v11, v21;
	v11 =	vmul.f32 v11, v11  }
0x2dc: {  	v22 =	vld.idx.msk [tilespmem:v27+s11+$0x0], $0xffff;
	v21 =	vor.u32 v32, v1;
	v5 =	vadd.f32 v25, v5;
	v4 =	vadd.f32 v8, v4  }
0x2dd: {  	v23 =	vld.idx.msk [tilespmem:v29+s12+$0x0], $0xffff;
	v32 =	vor.u32 v34, v1;
	v3 =	vadd.f32 v7, v3;
	v6 =	vmul.f32 v24, v24  }
0x2de: {  	v5 =	vadd.f32 v30, v5;
	v4 =	vadd.f32 v11, v4;
	v30 =	vor.u32 v34, v2  }
0x2df: {  	v63 =	vmovc v33;
	v25 =	vmul.f32 v12, v28;
	v20 =	vmul.f32 v26, v24;
	v24 =	vor.u32 v33, v2  }
0x2e0: {  	v27 =	vmul.f32 v28, v28;
	v28 =	vld.idx.msk [tilespmem:v31+s11+$0x0], $0xffff;
	v10 =	vmul.f32 v26, v26;
	v26 =	vor.u32 v33, v1  }
0x2e1: {  	v34 =	vor.u32 v35, v2;
	v31 =	vmul.f32 v12, v12;
	v29 =	vld.idx.msk [tilespmem:v21+s12+$0x0], $0xffff;
	v5 =	vadd.f32 v20, v5  }
0x2e2: {  	v33 =	vmul.f32 v23, v22;
	v19 =	vmul.f32 v23, v23;
	v21 =	vor.u32 v35, v1;
	v12 =	vld.idx.msk [tilespmem:v32+s12+$0x0], $0xffff  }
0x2e3: {  	v4 =	vadd.f32 v10, v4;
	v23 =	vld.idx.msk [tilespmem:v30+s11+$0x0], $0xffff;
	v5 =	vadd.f32 v25, v5;
	v25 =	vor.u32 v36, v1  }
0x2e4: {  	v3 =	vadd.f32 v6, v3;
	v11 =	vld.idx.msk [tilespmem:v24+s11+$0x0], $0xffff;
	v24 =	vor.u32 v36, v2  }
0x2e5: {  	v7 =	vmul.f32 v22, v22;
	v4 =	vadd.f32 v31, v4;
	v31 =	vor.u32 v37, v1;
	v20 =	vld.idx.msk [tilespmem:v26+s12+$0x0], $0xffff  }
0x2e6: {  	v22 =	vmul.f32 v29, v28;
	v10 =	vmul.f32 v29, v29;
	v26 =	vld.idx.msk [tilespmem:v34+s11+$0x0], $0xffff;
	v29 =	vor.u32 v37, v2  }
0x2e7: {  	v3 =	vadd.f32 v27, v3;
	v9 =	vmul.f32 v28, v28;
	v28 =	vld.idx.msk [tilespmem:v21+s12+$0x0], $0xffff  }
0x2e8: {  	v5 =	vadd.f32 v33, v5;
	v33 =	vld.idx.msk [tilespmem:v25+s12+$0x0], $0xffff  }
0x2e9: {  	v3 =	vadd.f32 v7, v3;
	v30 =	vld.idx.msk [tilespmem:v24+s11+$0x0], $0xffff  }
0x2ea: {  	v34 =	vor.u32 v38, v2;
	v36 =	vor.u32 v38, v1;
	v4 =	vadd.f32 v19, v4;
	v38 =	vld.idx.msk [tilespmem:v31+s12+$0x0], $0xffff  }
0x2eb: {  	v3 =	vadd.f32 v9, v3;
	v5 =	vadd.f32 v22, v5;
	v37 =	vld.idx.msk [tilespmem:v29+s11+$0x0], $0xffff  }
0x2ec: {  	v4 =	vadd.f32 v10, v4;
	v27 =	vmul.f32 v20, v11;
	v11 =	vmul.f32 v11, v11  }
0x2ed: {  	v19 =	vld [tilespmem:$0x1FC80];
	v32 =	vmul.f32 v12, v23;
	v7 =	vmul.f32 v23, v23;
	v22 =	vor.u32 v39, v1  }
0x2ee: {  	v3 =	vadd.f32 v11, v3;
	v21 =	vmul.f32 v33, v30;
	v23 =	vmul.f32 v30, v30;
	v30 =	vld [tilespmem:$0x1FC30]  }
0x2ef: {  	v35 =	vmul.f32 v28, v26;
	v10 =	vmul.f32 v28, v28;
	v24 =	vld.idx.msk [tilespmem:v34+s11+$0x0], $0xffff;
	v28 =	vor.u32 v40, v1  }
0x2f0: {  	v3 =	vadd.f32 v7, v3;
	v29 =	vmul.f32 v38, v37;
	v7 =	vmul.f32 v37, v37;
	v37 =	vld [tilespmem:$0x1FC40]  }
0x2f1: {  	v8 =	vmul.f32 v20, v20;
	v6 =	vmul.f32 v26, v26;
	v20 =	vor.u32 v39, v2;
	v25 =	vld.idx.msk [tilespmem:v36+s12+$0x0], $0xffff  }
0x2f2: {  	v26 =	vor.u32 v40, v2;
	v5 =	vadd.f32 v27, v5;
	v27 =	vmul.f32 v33, v33;
	v33 =	vld.idx.msk [tilespmem:v22+s12+$0x0], $0xffff  }
0x2f3: {  	v12 =	vmul.f32 v12, v12;
	v4 =	vadd.f32 v8, v4;
	v22 =	vld [tilespmem:$0x1FC50];
	v31 =	vor.u32 v30, v2  }
0x2f4: {  	v5 =	vadd.f32 v32, v5;
	v11 =	vld.idx.msk [tilespmem:v28+s12+$0x0], $0xffff;
	v34 =	vor.u32 v30, v1  }
0x2f5: {  	v4 =	vadd.f32 v12, v4;
	v32 =	vmul.f32 v38, v38;
	v28 =	vld [tilespmem:$0x1FC60];
	v38 =	vor.u32 v37, v2  }
0x2f6: {  	v12 =	vld.idx.msk [tilespmem:v20+s11+$0x0], $0xffff;
	v5 =	vadd.f32 v35, v5;
	v3 =	vadd.f32 v6, v3;
	v39 =	vor.u32 v37, v1  }
0x2f7: {  	v36 =	vld.idx.msk [tilespmem:v26+s11+$0x0], $0xffff;
	v4 =	vadd.f32 v10, v4;
	v35 =	vmul.f32 v25, v24  }
0x2f8: {  	v5 =	vadd.f32 v21, v5;
	v3 =	vadd.f32 v23, v3;
	v23 =	vor.u32 v22, v2;
	v40 =	vld.idx.msk [tilespmem:v31+s11+$0x0], $0xffff  }
0x2f9: {  	v10 =	vmul.f32 v25, v25;
	v4 =	vadd.f32 v27, v4;
	v25 =	vor.u32 v22, v1;
	v21 =	vld.idx.msk [tilespmem:v34+s12+$0x0], $0xffff  }
0x2fa: {  	v9 =	vmul.f32 v24, v24;
	v5 =	vadd.f32 v29, v5;
	v29 =	vor.u32 v28, v2;
	v24 =	vld.idx.msk [tilespmem:v38+s11+$0x0], $0xffff  }
0x2fb: {  	v3 =	vadd.f32 v7, v3;
	v4 =	vadd.f32 v32, v4;
	v27 =	vld.idx.msk [tilespmem:v39+s12+$0x0], $0xffff  }
0x2fc: {  	v20 =	vmul.f32 v33, v12;
	v12 =	vmul.f32 v12, v12;
	v31 =	vor.u32 v28, v1;
	v34 =	vld [tilespmem:$0x1FC70]  }
0x2fd: {  	v8 =	vmul.f32 v33, v33;
	v5 =	vadd.f32 v35, v5;
	v3 =	vadd.f32 v9, v3;
	v32 =	vld.idx.msk [tilespmem:v23+s11+$0x0], $0xffff  }
0x2fe: {  	v26 =	vmul.f32 v11, v36;
	v22 =	vor.u32 v19, v1;
	v4 =	vadd.f32 v10, v4;
	v33 =	vld.idx.msk [tilespmem:v25+s12+$0x0], $0xffff  }
0x2ff: {  	v7 =	vmul.f32 v36, v36;
	v5 =	vadd.f32 v20, v5;
	v3 =	vadd.f32 v12, v3;
	v39 =	vld.idx.msk [tilespmem:v29+s11+$0x0], $0xffff  }
0x300: {  	v20 =	vor.u32 v19, v2;
	v36 =	vmul.f32 v27, v24;
	v38 =	vmul.f32 v24, v24;
	v24 =	vld [tilespmem:$0x1FC90]  }
0x301: {  	v30 =	vmul.f32 v21, v40;
	v6 =	vmul.f32 v40, v40;
	v37 =	vor.u32 v34, v1;
	v40 =	vld.idx.msk [tilespmem:v31+s12+$0x0], $0xffff  }
0x302: {  	v11 =	vmul.f32 v11, v11;
	v4 =	vadd.f32 v8, v4;
	v31 =	vld [tilespmem:$0x1FCA0]  }
0x303: {  	v12 =	vld.idx.msk [tilespmem:v22+s12+$0x0], $0xffff;
	v5 =	vadd.f32 v26, v5;
	v3 =	vadd.f32 v7, v3;
	v35 =	vor.u32 v34, v2  }
0x304: {  	v22 =	vld [tilespmem:$0x1FCC0];
	v4 =	vadd.f32 v11, v4;
	v10 =	vmul.f32 v21, v21;
	v21 =	vmul.f32 v27, v27  }
0x305: {  	v23 =	vmul.f32 v33, v32;
	v5 =	vadd.f32 v30, v5;
	v30 =	vld.idx.msk [tilespmem:v20+s11+$0x0], $0xffff;
	v25 =	vor.u32 v24, v2  }
0x306: {  	v7 =	vmul.f32 v32, v32;
	v3 =	vadd.f32 v6, v3;
	v27 =	vld.idx.msk [tilespmem:v37+s12+$0x0], $0xffff;
	v28 =	vor.u32 v24, v1  }
0x307: {  	v26 =	vmul.f32 v33, v33;
	v4 =	vadd.f32 v10, v4;
	v32 =	vor.u32 v31, v2;
	v37 =	vld [tilespmem:$0x1FCB0]  }
0x308: {  	v5 =	vadd.f32 v36, v5;
	v3 =	vadd.f32 v38, v3;
	v11 =	vld.idx.msk [tilespmem:v35+s11+$0x0], $0xffff;
	v33 =	vor.u32 v31, v1  }
0x309: {  	v18 =	vld [tilespmem:$0x1FD30];
	v9 =	vmul.f32 v39, v39;
	v4 =	vadd.f32 v21, v4;
	v29 =	vmul.f32 v40, v39  }
0x30a: {  	v5 =	vadd.f32 v23, v5;
	v3 =	vadd.f32 v7, v3;
	v23 =	vor.u32 v22, v2;
	v34 =	vld.idx.msk [tilespmem:v25+s11+$0x0], $0xffff  }
0x30b: {  	v10 =	vmul.f32 v40, v40;
	v4 =	vadd.f32 v26, v4;
	v20 =	vmul.f32 v12, v30;
	v36 =	vld.idx.msk [tilespmem:v28+s12+$0x0], $0xffff  }
0x30c: {  	v5 =	vadd.f32 v29, v5;
	v3 =	vadd.f32 v9, v3;
	v38 =	vor.u32 v37, v2;
	v39 =	vld.idx.msk [tilespmem:v32+s11+$0x0], $0xffff  }
0x30d: {  	v35 =	vmul.f32 v27, v11;
	v11 =	vmul.f32 v11, v11;
	v40 =	vor.u32 v37, v1;
	v21 =	vld.idx.msk [tilespmem:v33+s12+$0x0], $0xffff  }
0x30e: {  	v4 =	vadd.f32 v10, v4;
	v8 =	vmul.f32 v27, v27;
	v25 =	vor.u32 v22, v1;
	v28 =	vld [tilespmem:$0x1FCD0]  }
0x30f: {  	v7 =	vmul.f32 v30, v30;
	v33 =	vld.idx.msk [tilespmem:v23+s11+$0x0], $0xffff;
	v5 =	vadd.f32 v35, v5;
	v3 =	vadd.f32 v11, v3  }
0x310: {  	v12 =	vmul.f32 v12, v12;
	v4 =	vadd.f32 v8, v4;
	v35 =	vld [tilespmem:$0x1FCE0]  }
0x311: {  	v5 =	vadd.f32 v20, v5;
	v3 =	vadd.f32 v7, v3;
	v26 =	vld.idx.msk [tilespmem:v38+s11+$0x0], $0xffff  }
0x312: {  	v4 =	vadd.f32 v12, v4;
	v24 =	vmul.f32 v36, v34;
	v6 =	vmul.f32 v34, v34;
	v27 =	vld.idx.msk [tilespmem:v40+s12+$0x0], $0xffff  }
0x313: {  	v29 =	vor.u32 v28, v2;
	v10 =	vmul.f32 v36, v36;
	v30 =	vmul.f32 v21, v39;
	v34 =	vld.idx.msk [tilespmem:v25+s12+$0x0], $0xffff  }
0x314: {  	v31 =	vor.u32 v28, v1;
	v32 =	vmul.f32 v39, v39;
	v40 =	vld [tilespmem:$0x1FCF0];
	v3 =	vadd.f32 v6, v3  }
0x315: {  	v37 =	vmul.f32 v21, v21;
	v25 =	vld [tilespmem:$0x1FD00];
	v4 =	vadd.f32 v10, v4;
	v36 =	vor.u32 v35, v2  }
0x316: {  	v5 =	vadd.f32 v24, v5;
	v38 =	vor.u32 v35, v1;
	v3 =	vadd.f32 v32, v3;
	v32 =	vld [tilespmem:$0x1FD10]  }
0x317: {  	v4 =	vadd.f32 v37, v4;
	v37 =	vld [tilespmem:$0x1FD20]  }
0x318: {  	v9 =	vmul.f32 v33, v33;
	v5 =	vadd.f32 v30, v5;
	v39 =	vmul.f32 v27, v26;
	v12 =	vld.idx.msk [tilespmem:v29+s11+$0x0], $0xffff  }
0x319: {  	v7 =	vmul.f32 v26, v26;
	v20 =	vor.u32 v40, v2;
	v21 =	vld.idx.msk [tilespmem:v31+s12+$0x0], $0xffff;
	v23 =	vmul.f32 v27, v27  }
0x31a: {  	v22 =	vor.u32 v40, v1;
	v24 =	vmul.f32 v34, v33;
	v5 =	vadd.f32 v39, v5;
	v13 =	vld.idx.msk [tilespmem:v36+s11+$0x0], $0xffff  }
0x31b: {  	v26 =	vor.u32 v25, v2;
	v29 =	vmul.f32 v34, v34;
	v4 =	vadd.f32 v23, v4;
	v27 =	vld.idx.msk [tilespmem:v38+s12+$0x0], $0xffff  }
0x31c: {  	v28 =	vor.u32 v25, v1;
	v3 =	vadd.f32 v7, v3;
	v5 =	vadd.f32 v24, v5;
	v24 =	vld [tilespmem:$0x1FD40]  }
0x31d: {  	v33 =	vor.u32 v32, v2;
	v4 =	vadd.f32 v29, v4;
	v29 =	vld [tilespmem:$0x1FD50]  }
0x31e: {  	v3 =	vadd.f32 v9, v3;
	v34 =	vor.u32 v32, v1;
	v30 =	vld.idx.msk [tilespmem:v20+s11+$0x0], $0xffff  }
0x31f: {  	v38 =	vor.u32 v37, v2;
	v31 =	vmul.f32 v21, v12;
	v12 =	vmul.f32 v12, v12;
	v14 =	vld.idx.msk [tilespmem:v22+s12+$0x0], $0xffff  }
0x320: {  	v39 =	vor.u32 v37, v1;
	v6 =	vmul.f32 v21, v21;
	v35 =	vld.idx.msk [tilespmem:v26+s11+$0x0], $0xffff  }
0x321: {  	v11 =	vld.idx.msk [tilespmem:v28+s12+$0x0], $0xffff;
	v5 =	vadd.f32 v31, v5;
	v3 =	vadd.f32 v12, v3;
	v36 =	vmul.f32 v27, v13  }
0x322: {  	v4 =	vadd.f32 v6, v4;
	v13 =	vmul.f32 v13, v13;
	v7 =	vmul.f32 v27, v27;
	v16 =	vld.idx.msk [tilespmem:v33+s11+$0x0], $0xffff  }
0x323: {  	v19 =	vor.u32 v18, v2;
	v21 =	vor.u32 v18, v1;
	v5 =	vadd.f32 v36, v5;
	v8 =	vld.idx.msk [tilespmem:v34+s12+$0x0], $0xffff  }
0x324: {  	v3 =	vadd.f32 v13, v3;
	v4 =	vadd.f32 v7, v4;
	v12 =	vld.idx.msk [tilespmem:v38+s11+$0x0], $0xffff;
	v25 =	vor.u32 v24, v2  }
0x325: {  	v27 =	vor.u32 v24, v1;
	v34 =	vld [tilespmem:$0x1FD60];
	v40 =	vmul.f32 v14, v30;
	v13 =	vmul.f32 v30, v30  }
0x326: {  	v23 =	vld.idx.msk [tilespmem:v39+s12+$0x0], $0xffff;
	v32 =	vor.u32 v29, v1;
	v17 =	vmul.f32 v14, v14;
	v20 =	vmul.f32 v11, v35  }
0x327: {  	v39 =	vld [tilespmem:$0x1FD70];
	v22 =	vmul.f32 v35, v35;
	v5 =	vadd.f32 v40, v5;
	v3 =	vadd.f32 v13, v3  }
0x328: {  	v26 =	vmul.f32 v11, v11;
	v30 =	vor.u32 v29, v2;
	v4 =	vadd.f32 v17, v4  }
0x329: {  	v9 =	vld.idx.msk [tilespmem:v19+s11+$0x0], $0xffff;
	v29 =	vor.u32 v55, v1;
	v5 =	vadd.f32 v20, v5;
	v3 =	vadd.f32 v22, v3  }
0x32a: {  	v28 =	vmul.f32 v8, v16;
	v33 =	vmul.f32 v8, v8;
	v8 =	vld.idx.msk [tilespmem:v21+s12+$0x0], $0xffff;
	v35 =	vor.u32 v34, v2  }
0x32b: {  	v4 =	vadd.f32 v26, v4;
	v31 =	vmul.f32 v16, v16;
	v14 =	vld.idx.msk [tilespmem:v25+s11+$0x0], $0xffff;
	v37 =	vor.u32 v34, v1  }
0x32c: {  	v36 =	vmul.f32 v23, v12;
	v38 =	vmul.f32 v12, v12;
	v11 =	vld.idx.msk [tilespmem:v27+s12+$0x0], $0xffff;
	v40 =	vor.u32 v39, v2  }
0x32d: {  	v24 =	vmul.f32 v23, v23;
	v25 =	vor.u32 v39, v1;
	v16 =	vld.idx.msk [tilespmem:v32+s12+$0x0], $0xffff;
	v3 =	vadd.f32 v31, v3  }
0x32e: {  	v26 =	vmul.f32 v9, v9;
	v27 =	vor.u32 v55, v2;
	v10 =	vld.idx.msk [tilespmem:v30+s11+$0x0], $0xffff;
	v4 =	vadd.f32 v33, v4  }
0x32f: {  	v39 =	vor.u32 v58, v2;
	v5 =	vadd.f32 v28, v5;
	v3 =	vadd.f32 v38, v3;
	v13 =	vld.idx.msk [tilespmem:v35+s11+$0x0], $0xffff  }
0x330: {  	v31 =	vor.u32 v56, v2;
	v4 =	vadd.f32 v24, v4;
	v28 =	vmul.f32 v8, v8;
	v17 =	vld.idx.msk [tilespmem:v37+s12+$0x0], $0xffff  }
0x331: {  	v33 =	vor.u32 v56, v1;
	v30 =	vmul.f32 v14, v14;
	v12 =	vld.idx.msk [tilespmem:v40+s11+$0x0], $0xffff;
	v3 =	vadd.f32 v26, v3  }
0x332: {  	v32 =	vmul.f32 v11, v11;
	v15 =	vld.idx.msk [tilespmem:v25+s12+$0x0], $0xffff;
	v35 =	vor.u32 v57, v2;
	v4 =	vadd.f32 v28, v4  }
0x333: {  	v19 =	vld.idx.msk [tilespmem:v29+s12+$0x0], $0xffff;
	v37 =	vor.u32 v57, v1;
	v34 =	vmul.f32 v10, v10;
	v3 =	vadd.f32 v30, v3  }
0x334: {  	v5 =	vadd.f32 v36, v5;
	v36 =	vmul.f32 v16, v16;
	v18 =	vld.idx.msk [tilespmem:v27+s11+$0x0], $0xffff;
	v4 =	vadd.f32 v32, v4  }
0x335: {  	v55 =	vor.u32 v58, v1;
	v57 =	vor.u32 v59, v2;
	v20 =	vld.idx.msk [tilespmem:v31+s11+$0x0], $0xffff;
	v3 =	vadd.f32 v34, v3  }
0x336: {  	v21 =	vld.idx.msk [tilespmem:v33+s12+$0x0], $0xffff;
	v38 =	vmul.f32 v13, v13;
	v40 =	vmul.f32 v17, v17;
	v4 =	vadd.f32 v36, v4  }
0x337: {  	v59 =	vor.u32 v59, v1;
	v56 =	vmul.f32 v12, v12;
	v58 =	vmul.f32 v15, v15;
	v22 =	vld.idx.msk [tilespmem:v35+s11+$0x0], $0xffff  }
0x338: {  	v23 =	vld.idx.msk [tilespmem:v37+s12+$0x0], $0xffff;
	v34 =	vor.u32 v60, v2;
	v3 =	vadd.f32 v38, v3;
	v4 =	vadd.f32 v40, v4  }
0x339: {  	v24 =	vld.idx.msk [tilespmem:v39+s11+$0x0], $0xffff;
	v33 =	vmul.f32 v18, v18;
	v35 =	vmul.f32 v19, v19;
	v36 =	vor.u32 v60, v1  }
0x33a: {  	v25 =	vld.idx.msk [tilespmem:v55+s12+$0x0], $0xffff;
	v38 =	vor.u32 v50, v2;
	v3 =	vadd.f32 v56, v3;
	v4 =	vadd.f32 v58, v4  }
0x33b: {  	v26 =	vld.idx.msk [tilespmem:v57+s11+$0x0], $0xffff;
	v37 =	vmul.f32 v20, v20;
	v50 =	vor.u32 v50, v1  }
0x33c: {  	v0 =	vld.idx.msk [tilespmem:v59+s12+$0x0], $0xffff;
	v40 =	vmul.f32 v21, v21;
	v3 =	vadd.f32 v33, v3;
	v4 =	vadd.f32 v35, v4  }
0x33d: {  	v56 =	vor.u32 v48, v2;
	v55 =	vmul.f32 v22, v22;
	v57 =	vmul.f32 v23, v23;
	v27 =	vld.idx.msk [tilespmem:v34+s11+$0x0], $0xffff  }
0x33e: {  	v58 =	vor.u32 v48, v1;
	v28 =	vld.idx.msk [tilespmem:v36+s12+$0x0], $0xffff;
	v3 =	vadd.f32 v37, v3;
	v4 =	vadd.f32 v40, v4  }
0x33f: {  	v59 =	vmul.f32 v24, v24;
	v39 =	vmul.f32 v25, v25;
	v60 =	vor.u32 v49, v2;
	v29 =	vld.idx.msk [tilespmem:v38+s11+$0x0], $0xffff  }
0x340: {  	v30 =	vld.idx.msk [tilespmem:v50+s12+$0x0], $0xffff;
	v40 =	vor.u32 v49, v1;
	v3 =	vadd.f32 v55, v3;
	v4 =	vadd.f32 v57, v4  }
0x341: {  	v48 =	vmul.f32 v26, v26;
	v50 =	vmul.f32 v0, v0;
	v49 =	vor.u32 v51, v2  }
0x342: {  	v31 =	vld.idx.msk [tilespmem:v56+s11+$0x0], $0xffff;
	v51 =	vor.u32 v51, v1;
	v3 =	vadd.f32 v59, v3;
	v4 =	vadd.f32 v39, v4  }
0x343: {  	v56 =	vor.u32 v54, v2;
	v55 =	vmul.f32 v27, v27;
	v32 =	vld.idx.msk [tilespmem:v58+s12+$0x0], $0xffff;
	v58 =	vor.u32 v54, v1  }
0x344: {  	v33 =	vld.idx.msk [tilespmem:v60+s11+$0x0], $0xffff;
	v57 =	vmul.f32 v28, v28;
	v3 =	vadd.f32 v48, v3;
	v4 =	vadd.f32 v50, v4  }
0x345: {  	v60 =	vor.u32 v53, v2;
	v59 =	vmul.f32 v29, v29;
	v34 =	vld.idx.msk [tilespmem:v40+s12+$0x0], $0xffff;
	v48 =	vmul.f32 v30, v30  }
0x346: {  	v35 =	vld.idx.msk [tilespmem:v49+s11+$0x0], $0xffff;
	v49 =	vor.u32 v53, v1;
	v3 =	vadd.f32 v55, v3;
	v4 =	vadd.f32 v57, v4  }
0x347: {  	v2 =	vor.u32 v52, v2;
	v36 =	vld.idx.msk [tilespmem:v51+s12+$0x0], $0xffff;
	v1 =	vor.u32 v52, v1;
	v50 =	vmul.f32 v31, v31  }
0x348: {  	v37 =	vld.idx.msk [tilespmem:v56+s11+$0x0], $0xffff;
	v51 =	vmul.f32 v32, v32;
	v3 =	vadd.f32 v59, v3;
	v4 =	vadd.f32 v48, v4  }
0x349: {  	v8 =	vmul.f32 v8, v9;
	v53 =	vmul.f32 v33, v33;
	v9 =	vld.idx.msk [tilespmem:v58+s12+$0x0], $0xffff  }
0x34a: {  	v38 =	vld.idx.msk [tilespmem:v60+s11+$0x0], $0xffff;
	v54 =	vmul.f32 v34, v34;
	v3 =	vadd.f32 v50, v3;
	v4 =	vadd.f32 v51, v4  }
0x34b: {  	v5 =	vadd.f32 v8, v5;
	v55 =	vmul.f32 v35, v35;
	v8 =	vld.idx.msk [tilespmem:v49+s12+$0x0], $0xffff  }
0x34c: {  	v2 =	vld.idx.msk [tilespmem:v2+s11+$0x0], $0xffff;
	v56 =	vmul.f32 v36, v36;
	v3 =	vadd.f32 v53, v3;
	v4 =	vadd.f32 v54, v4  }
0x34d: {  	v11 =	vmul.f32 v11, v14;
	v57 =	vmul.f32 v37, v37;
	v1 =	vld.idx.msk [tilespmem:v1+s12+$0x0], $0xffff  }
0x34e: {  	v58 =	vmul.f32 v9, v9;
	v3 =	vadd.f32 v55, v3;
	v4 =	vadd.f32 v56, v4  }
0x34f: {  	v10 =	vmul.f32 v16, v10;
	v5 =	vadd.f32 v11, v5;
	v59 =	vmul.f32 v38, v38  }
0x350: {  	v60 =	vmul.f32 v8, v8;
	v3 =	vadd.f32 v57, v3;
	v4 =	vadd.f32 v58, v4  }
0x351: {  	v13 =	vmul.f32 v17, v13;
	v5 =	vadd.f32 v10, v5;
	v14 =	vmul.f32 v2, v2  }
0x352: {  	v16 =	vmul.f32 v1, v1;
	v3 =	vadd.f32 v59, v3;
	v4 =	vadd.f32 v60, v4  }
0x353: {  	v5 =	vadd.f32 v13, v5  }
0x354: {  	v17 =	vmul.f32 v15, v12;
	v3 =	vadd.f32 v14, v3;
	v4 =	vadd.f32 v16, v4  }
0x355: {  	v18 =	vmul.f32 v19, v18  }
0x356: {  	v5 =	vadd.f32 v17, v5;
	v3 =	vmax.f32 v3, $1.000000020e-16;
	v4 =	vmax.f32 v4, $1.000000020e-16  }
0x357: {  	v3 =	vmul.f32 v4, v3  }
0x358: {  	v19 =	vadd.f32 v18, v5  }
0x359: {  	v39 =	vmul.f32 v21, v20;
	v40 =	vshra.s32 v3, $0x1;
	v3 =	vmul.f32 $5.000000000e-01, v3  }
0x35a: {  	v6 =	vsub.s32 $0x5F3759DF, v40  }
0x35b: {  	v48 =	vmul.f32 v23, v22;
	v4 =	vadd.f32 v39, v19;
	v49 =	vmul.f32 v6, v3;
	_ =	sdelay $0x1  }
0x35c: {  	v50 =	vmul.f32 v25, v24;
	v4 =	vadd.f32 v48, v4;
	v7 =	vmul.f32 v6, v49;
	_ =	sdelay $0x1  }
0x35d: {  	v0 =	vmul.f32 v0, v26;
	v4 =	vadd.f32 v50, v4;
	v51 =	vsub.f32 $1.500000000e+00, v7;
	_ =	sdelay $0x1  }
0x35e: {  	v52 =	vmul.f32 v28, v27;
	v0 =	vadd.f32 v0, v4;
	v5 =	vmul.f32 v6, v51;
	_ =	sdelay $0x1  }
0x35f: {  	v53 =	vmul.f32 v30, v29;
	v0 =	vadd.f32 v52, v0;
	v6 =	vmul.f32 v5, v3;
	_ =	sdelay $0x1  }
0x360: {  	v54 =	vmul.f32 v32, v31;
	v0 =	vadd.f32 v53, v0;
	v6 =	vmul.f32 v6, v5;
	_ =	sdelay $0x1  }
0x361: {  	v55 =	vmul.f32 v34, v33;
	v0 =	vadd.f32 v54, v0;
	v6 =	vsub.f32 $1.500000000e+00, v6;
	_ =	sdelay $0x1  }
0x362: {  	v56 =	vmul.f32 v36, v35;
	v0 =	vadd.f32 v55, v0;
	v5 =	vmul.f32 v6, v5;
	_ =	sdelay $0x1  }
0x363: {  	v57 =	vmul.f32 v9, v37;
	v0 =	vadd.f32 v56, v0;
	v3 =	vmul.f32 v5, v3;
	_ =	sdelay $0x1  }
0x364: {  	v58 =	vmul.f32 v8, v38;
	v0 =	vadd.f32 v57, v0;
	v3 =	vmul.f32 v3, v5;
	_ =	sdelay $0x1  }
0x365: {  	v1 =	vmul.f32 v1, v2;
	v0 =	vadd.f32 v58, v0;
	v59 =	vsub.f32 $1.500000000e+00, v3;
	_ =	sdelay $0x1  }
0x366: {  	v0 =	vadd.f32 v1, v0;
	v60 =	vmul.f32 v59, v5;
	_ =	sdelay $0x1  }
0x367: {  	v0 =	vmul.f32 v60, v0  }
0x368: {  	p0 =	seq.s32 s30, $0x780  }
.Ltmp5:
0x369: {  	v0 =	vmul.f32 $2.250000000e+00, v0;
	(pc) =	sbr.rel @p0 .LBB2_6-.Ltmp5, $3  }
0x36a: {  	_ = 	snop  }
0x36b: {  	v0 =	vadd.f32 $2.750000000e+00, v0;
	_ =	sdelay $0x1  }
0x36c: {  	[tilespmem:s31+$0x10800] =	vst v0  }
0x36d: {  	v0 =	vld [tilespmem:s31+$0x420];
	_ =	sdelay $0x2  }
0x36e: {  	v1 =	vld [tilespmem:s31+$0x620];
	_ =	sdelay $0x1  }
0x36f: {  	v2 =	vshll.u32 v0, $0x7  }
0x370: {  	(v2sf) =	vpush v2, $0x0;
	_ =	sdelay $0x1  }
0x371: {  	v1 =	vshll.u32 v1, $0x7  }
0x372: {  	(v2sf) =	vpush v1, $0x0;
	_ =	sdelay $0x2  }
0x373: {  	(v2sf) =	vpush v2, $0x1;
	_ =	sdelay $0x4  }
0x374: {  	(v2sf) =	vpush v1, $0x1;
	_ =	sdelay $0x3  }
0x375: {  	s0 =	spop (v2sf);
	(v2sf) =	vpush v2, $0x2;
	_ =	sdelay $0x1  }
0x376: {  	s0 =	sand.u32 $0x1FFFFF80, s0  }
0x377: {  	s2 =	spop (v2sf);
	s0 =	sadd.s32 s3, s0  }
0x378: {  	(v2sf) =	vpush v1, $0x2;
	[tilespmem:s11], [sflag:$0x1] =	stream.linear.gather [hbm4b:s0+s1], $0x400, $0x38;
	[tilespmem:$0x10A00] =	vst v63  }
0x379: {  	s0 =	sand.u32 $0x1FFFFF80, s2  }
0x37a: {  	s2 =	spop (v2sf);
	s0 =	sadd.s32 s4, s0  }
0x37b: {  	[tilespmem:s12], [sflag:$0x3] =	stream.linear.gather [hbm4b:s0+s1], $0x400, $0x38;
	[tilespmem:$0x10A00] =	vst v63  }
0x37c: {  	(v2sf) =	vpush v2, $0x3;
	s0 =	sand.u32 $0x1FFFFF80, s2  }
0x37d: {  	s2 =	simm.s32 $0xC00;
	s0 =	sadd.s32 s3, s0  }
0x37e: {  	[tilespmem:s2], [sflag:$0x1] =	stream.linear.gather [hbm4b:s0+s1], $0x400, $0x38;
	[tilespmem:$0x10A00] =	vst v63  }
0x37f: {  	s2 =	spop (v2sf)  }
0x380: {  	(v2sf) =	vpush v1, $0x3;
	s0 =	sand.u32 $0x1FFFFF80, s2  }
0x381: {  	s2 =	simm.s32 $0x8C00;
	s0 =	sadd.s32 s4, s0  }
0x382: {  	[tilespmem:s2], [sflag:$0x3] =	stream.linear.gather [hbm4b:s0+s1], $0x400, $0x38;
	[tilespmem:$0x10A00] =	vst v63  }
0x383: {  	s2 =	spop (v2sf)  }
0x384: {  	(v2sf) =	vpush v2, $0x4;
	s0 =	sand.u32 $0x1FFFFF80, s2  }
0x385: {  	s2 =	simm.s32 $0x1000;
	s0 =	sadd.s32 s3, s0  }
0x386: {  	[tilespmem:s2], [sflag:$0x1] =	stream.linear.gather [hbm4b:s0+s1], $0x400, $0x38;
	[tilespmem:$0x10A00] =	vst v63  }
0x387: {  	s2 =	spop (v2sf)  }
0x388: {  	(v2sf) =	vpush v1, $0x4;
	s0 =	sand.u32 $0x1FFFFF80, s2  }
0x389: {  	s2 =	simm.s32 $0x9000;
	s0 =	sadd.s32 s4, s0  }
0x38a: {  	[tilespmem:s2], [sflag:$0x3] =	stream.linear.gather [hbm4b:s0+s1], $0x400, $0x38;
	[tilespmem:$0x10A00] =	vst v63  }
0x38b: {  	s2 =	spop (v2sf)  }
0x38c: {  	(v2sf) =	vpush v2, $0x5;
	s0 =	sand.u32 $0x1FFFFF80, s2  }
0x38d: {  	s2 =	simm.s32 $0x1400;
	s0 =	sadd.s32 s3, s0  }
0x38e: {  	[tilespmem:s2], [sflag:$0x1] =	stream.linear.gather [hbm4b:s0+s1], $0x400, $0x38;
	[tilespmem:$0x10A00] =	vst v63  }
0x38f: {  	s2 =	spop (v2sf)  }
0x390: {  	(v2sf) =	vpush v1, $0x5;
	s0 =	sand.u32 $0x1FFFFF80, s2  }
0x391: {  	s2 =	simm.s32 $0x9400;
	s0 =	sadd.s32 s4, s0  }
0x392: {  	[tilespmem:s2], [sflag:$0x3] =	stream.linear.gather [hbm4b:s0+s1], $0x400, $0x38;
	[tilespmem:$0x10A00] =	vst v63  }
0x393: {  	s2 =	spop (v2sf)  }
0x394: {  	(v2sf) =	vpush v2, $0x6;
	s0 =	sand.u32 $0x1FFFFF80, s2  }
0x395: {  	s2 =	simm.s32 $0x1800;
	s0 =	sadd.s32 s3, s0  }
0x396: {  	[tilespmem:s2], [sflag:$0x1] =	stream.linear.gather [hbm4b:s0+s1], $0x400, $0x38;
	[tilespmem:$0x10A00] =	vst v63  }
0x397: {  	s2 =	spop (v2sf)  }
0x398: {  	(v2sf) =	vpush v1, $0x6;
	s0 =	sand.u32 $0x1FFFFF80, s2  }
0x399: {  	s2 =	simm.s32 $0x9800;
	s0 =	sadd.s32 s4, s0  }
0x39a: {  	[tilespmem:s2], [sflag:$0x3] =	stream.linear.gather [hbm4b:s0+s1], $0x400, $0x38;
	[tilespmem:$0x10A00] =	vst v63  }
0x39b: {  	s2 =	spop (v2sf)  }
0x39c: {  	(v2sf) =	vpush v2, $0x7;
	s0 =	sand.u32 $0x1FFFFF80, s2  }
0x39d: {  	s2 =	simm.s32 $0x1C00;
	s0 =	sadd.s32 s3, s0  }
0x39e: {  	[tilespmem:s2], [sflag:$0x1] =	stream.linear.gather [hbm4b:s0+s1], $0x400, $0x38;
	[tilespmem:$0x10A00] =	vst v63  }
0x39f: {  	s2 =	spop (v2sf)  }
0x3a0: {  	(v2sf) =	vpush v1, $0x7;
	s0 =	sand.u32 $0x1FFFFF80, s2  }
0x3a1: {  	s2 =	simm.s32 $0x9C00;
	s0 =	sadd.s32 s4, s0  }
0x3a2: {  	[tilespmem:s2], [sflag:$0x3] =	stream.linear.gather [hbm4b:s0+s1], $0x400, $0x38;
	[tilespmem:$0x10A00] =	vst v63  }
0x3a3: {  	s2 =	spop (v2sf)  }
0x3a4: {  	(v2sf) =	vpush v2, $0x8;
	s0 =	sand.u32 $0x1FFFFF80, s2  }
0x3a5: {  	s2 =	simm.s32 $0x2000;
	s0 =	sadd.s32 s3, s0  }
0x3a6: {  	[tilespmem:s2], [sflag:$0x1] =	stream.linear.gather [hbm4b:s0+s1], $0x400, $0x38;
	[tilespmem:$0x10A00] =	vst v63  }
0x3a7: {  	s2 =	spop (v2sf)  }
0x3a8: {  	(v2sf) =	vpush v1, $0x8;
	s0 =	sand.u32 $0x1FFFFF80, s2  }
0x3a9: {  	s2 =	simm.s32 $0xA000;
	s0 =	sadd.s32 s4, s0  }
0x3aa: {  	[tilespmem:s2], [sflag:$0x3] =	stream.linear.gather [hbm4b:s0+s1], $0x400, $0x38;
	[tilespmem:$0x10A00] =	vst v63  }
0x3ab: {  	s2 =	spop (v2sf)  }
0x3ac: {  	(v2sf) =	vpush v2, $0x9;
	s0 =	sand.u32 $0x1FFFFF80, s2  }
0x3ad: {  	s2 =	simm.s32 $0x2400;
	s0 =	sadd.s32 s3, s0  }
0x3ae: {  	[tilespmem:s2], [sflag:$0x1] =	stream.linear.gather [hbm4b:s0+s1], $0x400, $0x38;
	[tilespmem:$0x10A00] =	vst v63  }
0x3af: {  	s2 =	spop (v2sf)  }
0x3b0: {  	(v2sf) =	vpush v1, $0x9;
	s0 =	sand.u32 $0x1FFFFF80, s2  }
0x3b1: {  	s2 =	simm.s32 $0xA400;
	s0 =	sadd.s32 s4, s0  }
0x3b2: {  	[tilespmem:s2], [sflag:$0x3] =	stream.linear.gather [hbm4b:s0+s1], $0x400, $0x38;
	[tilespmem:$0x10A00] =	vst v63  }
0x3b3: {  	s2 =	spop (v2sf)  }
0x3b4: {  	(v2sf) =	vpush v2, $0xA;
	s0 =	sand.u32 $0x1FFFFF80, s2  }
0x3b5: {  	s2 =	simm.s32 $0x2800;
	s0 =	sadd.s32 s3, s0  }
0x3b6: {  	[tilespmem:s2], [sflag:$0x1] =	stream.linear.gather [hbm4b:s0+s1], $0x400, $0x38;
	[tilespmem:$0x10A00] =	vst v63  }
0x3b7: {  	s2 =	spop (v2sf)  }
0x3b8: {  	(v2sf) =	vpush v1, $0xA;
	s0 =	sand.u32 $0x1FFFFF80, s2  }
0x3b9: {  	s2 =	simm.s32 $0xA800;
	s0 =	sadd.s32 s4, s0  }
0x3ba: {  	[tilespmem:s2], [sflag:$0x3] =	stream.linear.gather [hbm4b:s0+s1], $0x400, $0x38;
	[tilespmem:$0x10A00] =	vst v63  }
0x3bb: {  	s2 =	spop (v2sf)  }
0x3bc: {  	(v2sf) =	vpush v2, $0xB;
	s0 =	sand.u32 $0x1FFFFF80, s2  }
0x3bd: {  	s2 =	simm.s32 $0x2C00;
	s0 =	sadd.s32 s3, s0  }
0x3be: {  	[tilespmem:s2], [sflag:$0x1] =	stream.linear.gather [hbm4b:s0+s1], $0x400, $0x38;
	[tilespmem:$0x10A00] =	vst v63  }
0x3bf: {  	s2 =	spop (v2sf)  }
0x3c0: {  	(v2sf) =	vpush v1, $0xB;
	s0 =	sand.u32 $0x1FFFFF80, s2  }
0x3c1: {  	s2 =	simm.s32 $0xAC00;
	s0 =	sadd.s32 s4, s0  }
0x3c2: {  	[tilespmem:s2], [sflag:$0x3] =	stream.linear.gather [hbm4b:s0+s1], $0x400, $0x38;
	[tilespmem:$0x10A00] =	vst v63  }
0x3c3: {  	s2 =	spop (v2sf)  }
0x3c4: {  	(v2sf) =	vpush v2, $0xC;
	s0 =	sand.u32 $0x1FFFFF80, s2  }
0x3c5: {  	s2 =	simm.s32 $0x3000;
	s0 =	sadd.s32 s3, s0  }
0x3c6: {  	[tilespmem:s2], [sflag:$0x1] =	stream.linear.gather [hbm4b:s0+s1], $0x400, $0x38;
	[tilespmem:$0x10A00] =	vst v63  }
0x3c7: {  	s2 =	spop (v2sf)  }
0x3c8: {  	(v2sf) =	vpush v1, $0xC;
	s0 =	sand.u32 $0x1FFFFF80, s2  }
0x3c9: {  	s2 =	simm.s32 $0xB000;
	s0 =	sadd.s32 s4, s0  }
0x3ca: {  	[tilespmem:s2], [sflag:$0x3] =	stream.linear.gather [hbm4b:s0+s1], $0x400, $0x38;
	[tilespmem:$0x10A00] =	vst v63  }
0x3cb: {  	s2 =	spop (v2sf)  }
0x3cc: {  	(v2sf) =	vpush v2, $0xD;
	s0 =	sand.u32 $0x1FFFFF80, s2  }
0x3cd: {  	s2 =	simm.s32 $0x3400;
	s0 =	sadd.s32 s3, s0  }
0x3ce: {  	[tilespmem:s2], [sflag:$0x1] =	stream.linear.gather [hbm4b:s0+s1], $0x400, $0x38;
	[tilespmem:$0x10A00] =	vst v63  }
0x3cf: {  	s2 =	spop (v2sf)  }
0x3d0: {  	(v2sf) =	vpush v1, $0xD;
	s0 =	sand.u32 $0x1FFFFF80, s2  }
0x3d1: {  	s2 =	simm.s32 $0xB400;
	s0 =	sadd.s32 s4, s0  }
0x3d2: {  	[tilespmem:s2], [sflag:$0x3] =	stream.linear.gather [hbm4b:s0+s1], $0x400, $0x38;
	[tilespmem:$0x10A00] =	vst v63  }
0x3d3: {  	s2 =	spop (v2sf)  }
0x3d4: {  	(v2sf) =	vpush v2, $0xE;
	s0 =	sand.u32 $0x1FFFFF80, s2  }
0x3d5: {  	s2 =	simm.s32 $0x3800;
	s0 =	sadd.s32 s3, s0  }
0x3d6: {  	[tilespmem:s2], [sflag:$0x1] =	stream.linear.gather [hbm4b:s0+s1], $0x400, $0x38;
	[tilespmem:$0x10A00] =	vst v63  }
0x3d7: {  	s2 =	spop (v2sf)  }
0x3d8: {  	(v2sf) =	vpush v1, $0xE;
	s0 =	sand.u32 $0x1FFFFF80, s2  }
0x3d9: {  	s2 =	simm.s32 $0xB800;
	s0 =	sadd.s32 s4, s0  }
0x3da: {  	[tilespmem:s2], [sflag:$0x3] =	stream.linear.gather [hbm4b:s0+s1], $0x400, $0x38;
	[tilespmem:$0x10A00] =	vst v63  }
0x3db: {  	s2 =	spop (v2sf)  }
0x3dc: {  	(v2sf) =	vpush v2, $0xF;
	s0 =	sand.u32 $0x1FFFFF80, s2  }
0x3dd: {  	s2 =	simm.s32 $0x3C00;
	s0 =	sadd.s32 s3, s0  }
0x3de: {  	[tilespmem:s2], [sflag:$0x1] =	stream.linear.gather [hbm4b:s0+s1], $0x400, $0x38;
	[tilespmem:$0x10A00] =	vst v63  }
0x3df: {  	s2 =	spop (v2sf)  }
0x3e0: {  	s0 =	sand.u32 $0x1FFFFF80, s2  }
0x3e1: {  	(v2sf) =	vpush v1, $0xF;
	s2 =	simm.s32 $0xBC00;
	s0 =	sadd.s32 s4, s0  }
0x3e2: {  	[tilespmem:s2], [sflag:$0x3] =	stream.linear.gather [hbm4b:s0+s1], $0x400, $0x38;
	[tilespmem:$0x10A00] =	vst v63  }
0x3e3: {  	s2 =	spop (v2sf)  }
0x3e4: {  	s0 =	sand.u32 $0x1FFFFF80, s2  }
0x3e5: {  	s2 =	simm.s32 $0x4000;
	s0 =	sadd.s32 s3, s0  }
0x3e6: {  	[tilespmem:s2], [sflag:$0x1] =	stream.linear.gather [hbm4b:s0+s1], $0x400, $0x38;
	[tilespmem:$0x10A00] =	vst v63  }
0x3e7: {  	s2 =	spop (v2sf)  }
0x3e8: {  	s0 =	sand.u32 $0x1FFFFF80, s2  }
0x3e9: {  	s2 =	simm.s32 $0xC000;
	s0 =	sadd.s32 s4, s0  }
0x3ea: {  	[tilespmem:s2], [sflag:$0x3] =	stream.linear.gather [hbm4b:s0+s1], $0x400, $0x38;
	[tilespmem:$0x10A00] =	vst v63  }
0x3eb: {  	s2 =	spop (v2sf)  }
0x3ec: {  	s0 =	sand.u32 $0x1FFFFF80, s2  }
0x3ed: {  	s2 =	simm.s32 $0x4400;
	s0 =	sadd.s32 s3, s0  }
0x3ee: {  	[tilespmem:s2], [sflag:$0x1] =	stream.linear.gather [hbm4b:s0+s1], $0x400, $0x38;
	[tilespmem:$0x10A00] =	vst v63  }
.Ltmp6:
0x3ef: {  	_ = 	snop;
	(pc) =	sbr.rel .LBB2_6-.Ltmp6, $4  }
0x3f0: {  	s2 =	spop (v2sf)  }
0x3f1: {  	s0 =	sand.u32 $0x1FFFFF80, s2  }
0x3f2: {  	s2 =	simm.s32 $0xC400;
	s0 =	sadd.s32 s4, s0  }
0x3f3: {  	[tilespmem:s2], [sflag:$0x3] =	stream.linear.gather [hbm4b:s0+s1], $0x400, $0x38;
	[tilespmem:$0x10A00] =	vst v63  }
.LBB2_8:
0x3f4: {  	_ =	sfence.sel $0x180000  }
0x3f5: {  	[bflag:$0x0] =	sbarrier.arrive $0xFFFF  }
0x3f6: {  	_ =	strace $0x90000047  }
0x3f7: {  	s0 =	stileid.u32;
	[bflag:$0x2] =	sbarrier.arrive $0xFFFF  }
0x3f8: {  	p0 =	sne.s32 s0, $0x0;
	s0 =	rddreg [dreg:$0x4]  }
0x3f9: {  	s0 =	sadd.s32 @!p0 $0x100000, s0  }
0x3fa: {  	[sflag:s0] =	ssyncadd.tile.s32 @!p0 $0x1;
	_ =	shalt  }
.Lfunc_end2:
_tile_overlayer_lowered:
.L_overlay_start_2:
0x3fb: {  	(tag) =	ssettag $0x2  }
0x3fc: {  	s0 =	rddreg [dreg:$0x0];
	s2 =	stileid.u32  }
0x3fd: {  	s1 =	rddreg [dreg:$0x1];
	p0 =	sne.s32 s2, $0x0  }
0x3fe: {  	s3 =	rddreg [dreg:$0x2];
	[bflag:$0x3] =	sbarrier.arrive $0xFFFF;
	s2 =	simm.s32 @!p0 $0x1C05  }
0x3ff: {  	[timem:s3], [sflag:s2] =	dma.local @!p0 [hbm:s0], s1  }
0x400: {  	s0 =	simm.s32 @!p0 $0x5  }
0x401: {  	_ =	swait.ge @!p0 [sflag:s0], s1  }
0x402: {  	s1 =	ssub.s32 @!p0 $0x0, s1;
	[sflag:s0] =	ssyncset.done @!p0 $0x0  }
0x403: {  	[sflag:s0] =	ssyncadd.s32 @!p0 s1  }
0x404: {  	[bflag:$0x3] =	sbarrier.arrive $0xFFFF  }
0x405: {  	_ =	shalt  }

</sc_bundles>
